<compile_context>
chip_gen: v7x
topology: tpu7x:2x2x1
jax: 0.10.2.dev20260603
libtpu: 0.0.44.dev20260713+nightly
codegen_flags: <defaults>
</compile_context>

<pallas_src>
import functools

import jax
import jax.numpy as jnp
from jax import lax
from jax.experimental import pallas as pl
from jax.experimental.pallas import tpu as pltpu
from jax.experimental.pallas import tpu_sc as plsc

_B, _T_TEXT, _T_AC, _D = 32, 512, 4096, 80
_NBINS = 256
_TBLK = 4096

_N = _B * _T_AC
_NW = 32
_RPW = _N // _NW
_CHUNK = 128
_NCHUNK = _RPW // _CHUNK
_L = 16

_BIN0 = 0.0024999999999995026
_BIN1 = 0.02400000000000002
_STEP = (_BIN1 - _BIN0) / (_NBINS - 1.0)


def _ce_stats_kernel(el_hbm, x_hbm, s_hbm, t_hbm,
                     buf0, buf1, xbuf, s_loc, t_loc, sem0, sem1):
    wid = lax.axis_index("s") * 2 + lax.axis_index("c")
    pltpu.sync_copy(x_hbm.at[wid, :], xbuf)
    pltpu.async_copy(el_hbm.at[wid, pl.ds(0, _CHUNK), :], buf0, sem0)

    bufs = (buf0, buf1)
    sems = (sem0, sem1)

    def chunk_body(c, buf, sem, other_buf, other_sem):
        @pl.when(c + 1 < _NCHUNK)
        def _start_next():
            pltpu.async_copy(
                el_hbm.at[wid, pl.ds((c + 1) * _CHUNK, _CHUNK), :],
                other_buf, other_sem)

        pltpu.make_async_copy(
            el_hbm.at[wid, pl.ds(0, _CHUNK), :], buf, sem).wait()

        def grp(g, carry):
            off = c * _CHUNK + g * _L
            x_v = xbuf[pl.ds(off, _L)]
            tt = (x_v - _BIN0) * (1.0 / _STEP)
            ki = tt.astype(jnp.int32)
            kc = ki + jnp.where(tt > ki.astype(jnp.float32), 1, 0)
            bucket = jnp.clip(kc, 0, _NBINS - 1)
            rows = lax.iota(jnp.int32, _L) + g * _L
            t_loc[pl.ds(off, _L)] = plsc.load_gather(buf, [rows, bucket])

            s_v = jnp.zeros((_L,), jnp.float32)
            lane = lax.iota(jnp.int32, _L)
            for i in range(_L):
                t = g * _L + i
                acc = jnp.exp(buf[t, pl.ds(0, _L)])
                for j in range(1, _NBINS // _L):
                    acc = acc + jnp.exp(buf[t, pl.ds(j * _L, _L)])
                s_v = jnp.where(lane == i, jnp.sum(acc), s_v)
            s_loc[pl.ds(off, _L)] = s_v
            return carry

        lax.fori_loop(0, _CHUNK // _L, grp, 0)

    def outer(p, carry):
        chunk_body(2 * p, bufs[0], sems[0], bufs[1], sems[1])
        chunk_body(2 * p + 1, bufs[1], sems[1], bufs[0], sems[0])
        return carry

    lax.fori_loop(0, _NCHUNK // 2, outer, 0)

    pltpu.sync_copy(s_loc, s_hbm.at[wid, :])
    pltpu.sync_copy(t_loc, t_hbm.at[wid, :])


def _ce_stats(el_logits, el_targets):
    mesh = plsc.VectorSubcoreMesh(core_axis_name="c", subcore_axis_name="s")
    f32 = jnp.float32
    kern = functools.partial(
        pl.kernel, mesh=mesh,
        compiler_params=pltpu.CompilerParams(
            needs_layout_passes=False, use_tc_tiling_on_sc=True),
        out_type=[jax.ShapeDtypeStruct((_B, _T_AC), f32)] * 2,
        scratch_types=[
            pltpu.VMEM((_CHUNK, _NBINS), f32),
            pltpu.VMEM((_CHUNK, _NBINS), f32),
            pltpu.VMEM((_RPW,), f32),
            pltpu.VMEM((_RPW,), f32),
            pltpu.VMEM((_RPW,), f32),
            pltpu.SemaphoreType.DMA,
            pltpu.SemaphoreType.DMA,
        ],
    )(_ce_stats_kernel)
    return kern(el_logits, el_targets)


def _mel_kernel(mel_t_ref, ph_t_ref, mel_p_ref, ph_p_ref, am_ref,
                ldp_ref, ldt_ref, tm_ref,
                abs_mel_ref, sq_mel_ref, abs_ph_ref, sq_ph_ref,
                nac_ref, dabs_ref, dsq_ref, ntext_ref,
                a_mel_abs, a_mel_sq, a_ph_abs, a_ph_sq, a_misc):
    b = pl.program_id(0)
    first = b == 0
    last = b == _B - 1

    @pl.when(first)
    def _init():
        dd = ldp_ref[...] - jnp.log(ldt_ref[...])
        tm = tm_ref[...]
        dabs_ref[0, 0] = jnp.sum(jnp.abs(dd) * tm)
        dsq_ref[0, 0] = jnp.sum(dd * dd * tm)
        ntext_ref[0, 0] = jnp.sum(tm)
        a_mel_abs[...] = jnp.zeros_like(a_mel_abs)
        a_mel_sq[...] = jnp.zeros_like(a_mel_sq)
        a_ph_abs[...] = jnp.zeros_like(a_ph_abs)
        a_ph_sq[...] = jnp.zeros_like(a_ph_sq)
        a_misc[...] = jnp.zeros_like(a_misc)

    am = am_ref[0]

    def rowsum(v):
        return v.reshape(_D // 8, 8, _TBLK).sum(axis=0)

    mel_d = mel_p_ref[0] - mel_t_ref[0]
    ph_d = ph_p_ref[0] - ph_t_ref[0]
    mel_dm = mel_d * am
    ph_dm = ph_d * am
    a_mel_abs[...] += rowsum(jnp.abs(mel_dm))
    a_mel_sq[...] += rowsum(mel_dm * mel_d)
    a_ph_abs[...] += rowsum(jnp.abs(ph_dm))
    a_ph_sq[...] += rowsum(ph_dm * ph_d)
    a_misc[0:1, :] += am

    @pl.when(last)
    def _fin():
        abs_mel_ref[0, 0] = jnp.sum(a_mel_abs[...])
        sq_mel_ref[0, 0] = jnp.sum(a_mel_sq[...])
        abs_ph_ref[0, 0] = jnp.sum(a_ph_abs[...])
        sq_ph_ref[0, 0] = jnp.sum(a_ph_sq[...])
        nac_ref[0, 0] = jnp.sum(a_misc[0:1, :])


def _ce_finish_kernel(s_ref, t_ref, am_ref, ce_ref):
    ce_ref[0, 0] = jnp.sum((jnp.log(s_ref[...]) - t_ref[...]) * am_ref[...])


def kernel(dummy_in0, dummy_in1, dummy_in2, dummy_in3, text_lens, max_text_len, mel_targets, phase_targets, acoustic_lens, max_acoustic_len, epochdur_targets, epochlen_targets, log_epochdur_predictions, mel_predictions, phase_predictions, epochlen_predictions, dummy_pred4, text_masks, acoustic_masks, dummy_pred7, dummy_pred8):
    f32 = jnp.float32
    am2 = 1.0 - acoustic_masks.astype(f32)
    am = am2.reshape(_B, 1, _T_AC)
    tm = 1.0 - text_masks.astype(f32)

    s_mat, t_mat = _ce_stats(epochlen_predictions, epochlen_targets)

    scalar = jax.ShapeDtypeStruct((1, 1), f32)
    const = lambda b: (0, 0)
    outs = pl.pallas_call(
        _mel_kernel,
        grid=(_B,),
        in_specs=[
            pl.BlockSpec((1, _D, _TBLK), lambda b: (b, 0, 0)),
            pl.BlockSpec((1, _D, _TBLK), lambda b: (b, 0, 0)),
            pl.BlockSpec((1, _D, _TBLK), lambda b: (b, 0, 0)),
            pl.BlockSpec((1, _D, _TBLK), lambda b: (b, 0, 0)),
            pl.BlockSpec((1, 1, _TBLK), lambda b: (b, 0, 0)),
            pl.BlockSpec((_B, _T_TEXT), const),
            pl.BlockSpec((_B, _T_TEXT), const),
            pl.BlockSpec((_B, _T_TEXT), const),
        ],
        out_specs=[pl.BlockSpec((1, 1), const, memory_space=pltpu.SMEM)] * 8,
        out_shape=[scalar] * 8,
        scratch_shapes=[pltpu.VMEM((8, _TBLK), f32)] * 4 + [pltpu.VMEM((2, _TBLK), f32)],
    )(mel_targets, phase_targets,
      jnp.transpose(mel_predictions, (0, 2, 1)),
      jnp.transpose(phase_predictions, (0, 2, 1)),
      am, log_epochdur_predictions, epochdur_targets, tm)

    (sa_mel, ss_mel, sa_ph, ss_ph, n_ac, d_abs, d_sq, n_text) = [
        o[0, 0] for o in outs]

    ce_sum = pl.pallas_call(
        _ce_finish_kernel,
        out_specs=pl.BlockSpec(memory_space=pltpu.SMEM),
        out_shape=scalar,
    )(s_mat, t_mat, am2)[0, 0]

    nd = n_ac * _D
    mel_l1 = sa_mel / nd
    mel_l2 = ss_mel / nd
    ph_l1 = sa_ph / nd / 50.0
    ph_l2 = ss_ph / nd / 50.0
    dur_l1 = d_abs / n_text
    dur_l2 = d_sq / n_text
    ce = ce_sum / n_ac
    total = mel_l1 + mel_l2 + ph_l1 + ph_l2 + dur_l1 + dur_l2 + ce
    return (total, mel_l1, mel_l2, ph_l1, ph_l2, dur_l1, dur_l2, ce)

# --- scband reference (transcript-rebuilt; emitter-appended) ---
"""Pipeline reference for scband-fast-speech2-loss-79250736546741 (READ-ONLY COPY).

The authoritative reference and input builder live on the scoring server;
editing this copy changes nothing except your own understanding.
"""

import jax, jax.numpy as jnp
import numpy as np

B, T_TEXT, T_AC, D_MEL = 32, 512, 4096, 80
EPOLEN_BINS = jnp.linspace(0.0024999999999995026, 0.02400000000000002, 256)

def setup_inputs(seed: int = 0):
    key = jax.random.key(seed)
    ks = jax.random.split(key, 10)
    inp = {}
    inp["dummy_in0"] = jnp.zeros((1,), jnp.float32)
    inp["dummy_in1"] = jnp.zeros((1,), jnp.float32)
    inp["dummy_in2"] = jnp.zeros((1,), jnp.float32)
    inp["dummy_in3"] = jnp.zeros((1,), jnp.float32)
    inp["text_lens"] = jax.random.randint(ks[0], (B,), 0, T_TEXT).astype(jnp.int32)
    inp["max_text_len"] = T_TEXT
    inp["mel_targets"] = jax.random.normal(ks[1], (B, D_MEL, T_AC), jnp.float32)
    inp["phase_targets"] = jax.random.normal(ks[2], (B, D_MEL, T_AC), jnp.float32)
    inp["acoustic_lens"] = jax.random.randint(ks[3], (B,), 0, T_AC).astype(jnp.int32)
    inp["max_acoustic_len"] = T_AC
    inp["epochdur_targets"] = jax.random.uniform(ks[4], (B, T_TEXT), jnp.float32, 1e-3, 1.0)
    inp["epochlen_targets"] = jnp.zeros((B, T_AC), jnp.float32)
    inp["log_epochdur_predictions"] = jax.random.normal(ks[5], (B, T_TEXT), jnp.float32)
    inp["mel_predictions"] = jax.random.normal(ks[6], (B, T_AC, D_MEL), jnp.float32)
    inp["phase_predictions"] = jax.random.normal(ks[7], (B, T_AC, D_MEL), jnp.float32)
    inp["epochlen_predictions"] = jax.random.normal(ks[8], (B, T_AC, 256), jnp.float32)
    inp["dummy_pred4"] = jnp.zeros((1,), jnp.float32)
    inp["text_masks"] = jnp.zeros((B, T_TEXT), jnp.bool_)
    inp["acoustic_masks"] = jnp.zeros((B, T_AC), jnp.bool_)
    inp["dummy_pred7"] = jnp.zeros((1,), jnp.float32)
    inp["dummy_pred8"] = jnp.zeros((1,), jnp.float32)
    return inp

def _loss_core(log_epochdur_predictions, mel_predictions, phase_predictions, epochlen_predictions, mel_targets, phase_targets, epochdur_targets, epochlen_targets, text_masks, acoustic_masks):
    # ~mask: True = valid position. masked_select + mean  ==  mask-weighted sum / count
    tm = (~text_masks).astype(jnp.float32)
    am = (~acoustic_masks).astype(jnp.float32)
    mel_t = jnp.transpose(mel_targets, (0, 2, 1))[:, :acoustic_masks.shape[1], :]
    phase_t = jnp.transpose(phase_targets, (0, 2, 1))
    log_dur_t = jnp.log(epochdur_targets)
    d = mel_predictions.shape[-1]
    n_text = jnp.sum(tm)
    n_ac = jnp.sum(am)
    w3 = am[:, :, None]
    mel_diff = mel_predictions - mel_t
    phase_diff = phase_predictions - phase_t
    mel_l1 = jnp.sum(jnp.abs(mel_diff) * w3) / (n_ac * d)
    mel_l2 = jnp.sum(mel_diff * mel_diff * w3) / (n_ac * d)
    phase_l1 = jnp.sum(jnp.abs(phase_diff) * w3) / (n_ac * d) / 50.0
    phase_l2 = jnp.sum(phase_diff * phase_diff * w3) / (n_ac * d) / 50.0
    dur_diff = log_epochdur_predictions - log_dur_t
    dur_l1 = jnp.sum(jnp.abs(dur_diff) * tm) / n_text
    dur_l2 = jnp.sum(dur_diff * dur_diff * tm) / n_text
    # torch.bucketize(x, bins, right=False) == searchsorted side='left'
    bucket = jnp.searchsorted(EPOLEN_BINS, epochlen_targets, side='left')
    logits = epochlen_predictions  # squeeze(-1) is a no-op on [B, T, 256]
    lse = jax.scipy.special.logsumexp(logits, axis=-1)
    tgt = jnp.take_along_axis(logits, bucket[..., None], axis=-1)[..., 0]
    ce = jnp.sum((lse - tgt) * am) / n_ac
    total = mel_l1 + mel_l2 + phase_l1 + phase_l2 + dur_l1 + dur_l2 + ce
    return (total, mel_l1, mel_l2, phase_l1, phase_l2, dur_l1, dur_l2, ce)

def reference(dummy_in0, dummy_in1, dummy_in2, dummy_in3, text_lens, max_text_len, mel_targets, phase_targets, acoustic_lens, max_acoustic_len, epochdur_targets, epochlen_targets, log_epochdur_predictions, mel_predictions, phase_predictions, epochlen_predictions, dummy_pred4, text_masks, acoustic_masks, dummy_pred7, dummy_pred8):
    return _loss_core(log_epochdur_predictions, mel_predictions, phase_predictions, epochlen_predictions, mel_targets, phase_targets, epochdur_targets, epochlen_targets, text_masks, acoustic_masks)

if __name__ == "__main__":
    import jax
    _d = setup_inputs()
    print(jax.jit(kernel)(*tuple(_d.values())))

</pallas_src>

<mosaic_0001>
#map = affine_map<(d0, d1) -> (0, 0, 0)>
#map1 = affine_map<(d0, d1) -> (0, 0)>
module attributes {stable_mosaic.version = 14 : i64} {
  func.func @_ce_stats_kernel(%arg0: i32, %arg1: i32, %arg2: memref<32x4096x256xf32, #tpu.memory_space<hbm>>, %arg3: memref<32x4096xf32, #tpu.memory_space<hbm>>, %arg4: memref<32x4096xf32, #tpu.memory_space<hbm>>, %arg5: memref<32x4096xf32, #tpu.memory_space<hbm>>, %arg6: memref<128x256xf32, #tpu.memory_space<vmem>>, %arg7: memref<128x256xf32, #tpu.memory_space<vmem>>, %arg8: memref<4096xf32, #tpu.memory_space<vmem>>, %arg9: memref<4096xf32, #tpu.memory_space<vmem>>, %arg10: memref<4096xf32, #tpu.memory_space<vmem>>, %arg11: memref<!tpu.dma_semaphore, #tpu.memory_space<semaphore_mem>>, %arg12: memref<!tpu.dma_semaphore, #tpu.memory_space<semaphore_mem>>) attributes {dimension_semantics = [#tpu.dimension_semantics<core_parallel>, #tpu.dimension_semantics<subcore_parallel>], iteration_bounds = array<i64: 2, 16>, scalar_prefetch = 0 : i64, scratch_operands = 7 : i64, tpu.core_type = #tpu.core_type<sc_vector_subcore>, window_params = [{transform_indices = #map}, {transform_indices = #map1}, {transform_indices = #map1}, {transform_indices = #map1}]} {
    %mul3A = arith.constant 2 : i32
    %mul3A_0 = arith.muli %arg1, %mul3A : i32
    %add3A = arith.addi %mul3A_0, %arg0 : i32
    "tpu.region"() ({
      %run_scoped3A = tpu.sem_alloc : memref<!tpu.dma_semaphore, #tpu.memory_space<semaphore_mem>>
      %dma_start3A_13 = arith.constant 0 : i32
      %dma_start3A_14 = tpu.memref_slice %arg3[%add3A, %dma_start3A_13] : memref<32x4096xf32, #tpu.memory_space<hbm>> -> memref<1x4096xf32, #tpu.memory_space<hbm>>
      %dma_start3A_15 = tpu.memref_squeeze %dma_start3A_14 : memref<1x4096xf32, #tpu.memory_space<hbm>> -> memref<4096xf32, #tpu.memory_space<hbm>>
      %dma_start3A_16 = arith.constant 0 : i32
      %dma_start3A_17 = tpu.memref_slice %arg3[%add3A, %dma_start3A_16] : memref<32x4096xf32, #tpu.memory_space<hbm>> -> memref<1x4096xf32, #tpu.memory_space<hbm>>
      %dma_start3A_18 = tpu.memref_squeeze %dma_start3A_17 : memref<1x4096xf32, #tpu.memory_space<hbm>> -> memref<4096xf32, #tpu.memory_space<hbm>>
      tpu.enqueue_dma source(%dma_start3A_18 : memref<4096xf32, #tpu.memory_space<hbm>>) target(%arg8 : memref<4096xf32, #tpu.memory_space<vmem>>) target_semaphore(%run_scoped3A : memref<!tpu.dma_semaphore, #tpu.memory_space<semaphore_mem>>)
      %dma_wait3A = arith.constant 0 : i32
      %dma_wait3A_19 = tpu.memref_slice %arg3[%add3A, %dma_wait3A] : memref<32x4096xf32, #tpu.memory_space<hbm>> -> memref<1x4096xf32, #tpu.memory_space<hbm>>
      %dma_wait3A_20 = tpu.memref_squeeze %dma_wait3A_19 : memref<1x4096xf32, #tpu.memory_space<hbm>> -> memref<4096xf32, #tpu.memory_space<hbm>>
      %dma_wait3A_21 = arith.constant 0 : i32
      %dma_wait3A_22 = tpu.memref_slice %arg3[%add3A, %dma_wait3A_21] : memref<32x4096xf32, #tpu.memory_space<hbm>> -> memref<1x4096xf32, #tpu.memory_space<hbm>>
      %dma_wait3A_23 = tpu.memref_squeeze %dma_wait3A_22 : memref<1x4096xf32, #tpu.memory_space<hbm>> -> memref<4096xf32, #tpu.memory_space<hbm>>
      tpu.wait_dma2 semaphore(%run_scoped3A : memref<!tpu.dma_semaphore, #tpu.memory_space<semaphore_mem>>) src(%dma_wait3A_23 : memref<4096xf32, #tpu.memory_space<hbm>>) dst(%arg8 : memref<4096xf32, #tpu.memory_space<vmem>>)
      tpu.yield
    }) : () -> ()
    %dma_start3A = arith.constant 0 : i32
    %dma_start3A_1 = arith.constant 0 : i32
    %dma_start3A_2 = tpu.memref_slice %arg2[%add3A, %dma_start3A, %dma_start3A_1] : memref<32x4096x256xf32, #tpu.memory_space<hbm>> -> memref<1x128x256xf32, #tpu.memory_space<hbm>>
    %dma_start3A_3 = tpu.memref_squeeze %dma_start3A_2 : memref<1x128x256xf32, #tpu.memory_space<hbm>> -> memref<128x256xf32, #tpu.memory_space<hbm>>
    %dma_start3A_4 = arith.constant 0 : i32
    %dma_start3A_5 = arith.constant 0 : i32
    %dma_start3A_6 = tpu.memref_slice %arg2[%add3A, %dma_start3A_4, %dma_start3A_5] : memref<32x4096x256xf32, #tpu.memory_space<hbm>> -> memref<1x128x256xf32, #tpu.memory_space<hbm>>
    %dma_start3A_7 = tpu.memref_squeeze %dma_start3A_6 : memref<1x128x256xf32, #tpu.memory_space<hbm>> -> memref<128x256xf32, #tpu.memory_space<hbm>>
    tpu.enqueue_dma source(%dma_start3A_7 : memref<128x256xf32, #tpu.memory_space<hbm>>) target(%arg6 : memref<128x256xf32, #tpu.memory_space<vmem>>) target_semaphore(%arg11 : memref<!tpu.dma_semaphore, #tpu.memory_space<semaphore_mem>>)
    %scan3A = arith.constant 0 : i32
    %scan3A_8 = arith.constant 0 : i32
    %scan3A_9 = arith.constant 16 : i32
    %scan3A_10 = arith.addi %scan3A_8, %scan3A_9 : i32
    %scan3A_11 = arith.constant 1 : i32
    scf.for %scan3A_13 = %scan3A_8 to %scan3A_10 step %scan3A_11  : i32 {
      %mul3A_14 = arith.constant 2 : i32
      %mul3A_15 = arith.muli %mul3A_14, %scan3A_13 : i32
      %add3A_16 = arith.constant 1 : i32
      %add3A_17 = arith.addi %mul3A_15, %add3A_16 : i32
      %lt3A = arith.constant 32 : i32
      %lt3A_18 = arith.cmpi slt, %add3A_17, %lt3A : i32
      %convert_element_type3A = arith.extui %lt3A_18 : i1 to i32
      %cond3A = arith.constant 0 : i32
      %cond3A_19 = arith.cmpi ne, %convert_element_type3A, %cond3A : i32
      scf.if %cond3A_19 {
        %add3A_58 = arith.constant 1 : i32
        %add3A_59 = arith.addi %mul3A_15, %add3A_58 : i32
        %mul3A_60 = arith.constant 128 : i32
        %mul3A_61 = arith.muli %add3A_59, %mul3A_60 : i32
        %dma_start3A_62 = arith.constant 0 : i32
        %dma_start3A_63 = tpu.memref_slice %arg2[%add3A, %mul3A_61, %dma_start3A_62] : memref<32x4096x256xf32, #tpu.memory_space<hbm>> -> memref<1x128x256xf32, #tpu.memory_space<hbm>>
        %dma_start3A_64 = tpu.memref_squeeze %dma_start3A_63 : memref<1x128x256xf32, #tpu.memory_space<hbm>> -> memref<128x256xf32, #tpu.memory_space<hbm>>
        %dma_start3A_65 = arith.constant 0 : i32
        %dma_start3A_66 = tpu.memref_slice %arg2[%add3A, %mul3A_61, %dma_start3A_65] : memref<32x4096x256xf32, #tpu.memory_space<hbm>> -> memref<1x128x256xf32, #tpu.memory_space<hbm>>
        %dma_start3A_67 = tpu.memref_squeeze %dma_start3A_66 : memref<1x128x256xf32, #tpu.memory_space<hbm>> -> memref<128x256xf32, #tpu.memory_space<hbm>>
        tpu.enqueue_dma source(%dma_start3A_67 : memref<128x256xf32, #tpu.memory_space<hbm>>) target(%arg7 : memref<128x256xf32, #tpu.memory_space<vmem>>) target_semaphore(%arg12 : memref<!tpu.dma_semaphore, #tpu.memory_space<semaphore_mem>>)
      } else {
      }
      %dma_wait3A = arith.constant 0 : i32
      %dma_wait3A_20 = arith.constant 0 : i32
      %dma_wait3A_21 = tpu.memref_slice %arg2[%add3A, %dma_wait3A, %dma_wait3A_20] : memref<32x4096x256xf32, #tpu.memory_space<hbm>> -> memref<1x128x256xf32, #tpu.memory_space<hbm>>
      %dma_wait3A_22 = tpu.memref_squeeze %dma_wait3A_21 : memref<1x128x256xf32, #tpu.memory_space<hbm>> -> memref<128x256xf32, #tpu.memory_space<hbm>>
      %dma_wait3A_23 = arith.constant 0 : i32
      %dma_wait3A_24 = arith.constant 0 : i32
      %dma_wait3A_25 = tpu.memref_slice %arg2[%add3A, %dma_wait3A_23, %dma_wait3A_24] : memref<32x4096x256xf32, #tpu.memory_space<hbm>> -> memref<1x128x256xf32, #tpu.memory_space<hbm>>
      %dma_wait3A_26 = tpu.memref_squeeze %dma_wait3A_25 : memref<1x128x256xf32, #tpu.memory_space<hbm>> -> memref<128x256xf32, #tpu.memory_space<hbm>>
      tpu.wait_dma2 semaphore(%arg11 : memref<!tpu.dma_semaphore, #tpu.memory_space<semaphore_mem>>) src(%dma_wait3A_26 : memref<128x256xf32, #tpu.memory_space<hbm>>) dst(%arg6 : memref<128x256xf32, #tpu.memory_space<vmem>>)
      %scan3A_27 = arith.constant 0 : i32
      %scan3A_28 = arith.constant 0 : i32
      %scan3A_29 = arith.constant 8 : i32
      %scan3A_30 = arith.addi %scan3A_28, %scan3A_29 : i32
      %scan3A_31 = arith.constant 1 : i32
      scf.for %scan3A_58 = %scan3A_28 to %scan3A_30 step %scan3A_31  : i32 {
        %mul3A_59 = arith.constant 128 : i32
        %mul3A_60 = arith.muli %mul3A_15, %mul3A_59 : i32
        %mul3A_61 = arith.constant 16 : i32
        %mul3A_62 = arith.muli %scan3A_58, %mul3A_61 : i32
        %add3A_63 = arith.addi %mul3A_60, %mul3A_62 : i32
        %get3A = arith.index_cast %add3A_63 : i32 to index
        %get3A_64 = tpu.vector_load %arg8[%get3A] {strides = array<i32>} : memref<4096xf32, #tpu.memory_space<vmem>>, vector<16xf32>,
        %sub3A = arith.constant 2.500000e-03 : f32
        %sub3A_65 = vector.broadcast %sub3A : f32 to vector<16xf32>
        %sub3A_66 = arith.subf %get3A_64, %sub3A_65 : vector<16xf32>
        %mul3A_67 = arith.constant 11860.4648 : f32
        %mul3A_68 = vector.broadcast %mul3A_67 : f32 to vector<16xf32>
        %mul3A_69 = arith.mulf %sub3A_66, %mul3A_68 : vector<16xf32>
        %convert_element_type3A_70 = arith.fptosi %mul3A_69 : vector<16xf32> to vector<16xi32>
        %convert_element_type3A_71 = arith.sitofp %convert_element_type3A_70 : vector<16xi32> to vector<16xf32>
        %gt3A = arith.cmpf ogt, %mul3A_69, %convert_element_type3A_71 : vector<16xf32>
        %jit3A = arith.constant 1 : i32
        %jit3A_72 = arith.constant 0 : i32
        %broadcast_in_dim3A = vector.broadcast %jit3A : i32 to vector<16xi32>
        %broadcast_in_dim3A_73 = vector.broadcast %jit3A_72 : i32 to vector<16xi32>
        %select_n3A = arith.select %gt3A, %broadcast_in_dim3A, %broadcast_in_dim3A_73 : vector<16xi1>, vector<16xi32>
        %add3A_74 = arith.addi %convert_element_type3A_70, %select_n3A : vector<16xi32>
        %jit3A_75 = arith.constant 0 : i32
        %jit3A_76 = arith.constant 255 : i32
        %max3A = vector.broadcast %jit3A_75 : i32 to vector<16xi32>
        %max3A_77 = arith.maxsi %max3A, %add3A_74 : vector<16xi32>
        %min3A = vector.broadcast %jit3A_76 : i32 to vector<16xi32>
        %min3A_78 = arith.minsi %min3A, %max3A_77 : vector<16xi32>
        %iota3A = tpu.iota {dimensions = array<i32: 0>} : vector<16xi32>
        %mul3A_79 = arith.constant 16 : i32
        %mul3A_80 = arith.muli %scan3A_58, %mul3A_79 : i32
        %add3A_81 = vector.broadcast %mul3A_80 : i32 to vector<16xi32>
        %add3A_82 = arith.addi %iota3A, %add3A_81 : vector<16xi32>
        %gather3A = tpu.vector_load_idx %arg6[%add3A_82, %min3A_78] : memref<128x256xf32, #tpu.memory_space<vmem>>[vector<16xi32>, vector<16xi32>], vector<16xf32>,
        %swap3A = arith.index_cast %add3A_63 : i32 to index
        %swap3A_83 = tpu.vector_load %arg10[%swap3A] {strides = array<i32>} : memref<4096xf32, #tpu.memory_space<vmem>>, vector<16xf32>,
        tpu.vector_store %arg10[%swap3A], %gather3A {strides = array<i32>} : memref<4096xf32, #tpu.memory_space<vmem>>, vector<16xf32>,
        %broadcast_in_dim3A_84 = arith.constant 0.000000e+00 : f32
        %broadcast_in_dim3A_85 = vector.broadcast %broadcast_in_dim3A_84 : f32 to vector<16xf32>
        %iota3A_86 = tpu.iota {dimensions = array<i32: 0>} : vector<16xi32>
        %mul3A_87 = arith.constant 16 : i32
        %mul3A_88 = arith.muli %scan3A_58, %mul3A_87 : i32
        %add3A_89 = arith.constant 0 : i32
        %add3A_90 = arith.addi %mul3A_88, %add3A_89 : i32
        %get3A_91 = arith.index_cast %add3A_90 : i32 to index
        %get3A_92 = arith.constant 0 : index
        %get3A_93 = tpu.vector_load %arg6[%get3A_91, %get3A_92] {strides = array<i32>} : memref<128x256xf32, #tpu.memory_space<vmem>>, vector<16xf32>,
        %exp3A = math.exp %get3A_93 : vector<16xf32>
        %get3A_94 = arith.index_cast %add3A_90 : i32 to index
        %get3A_95 = arith.constant 16 : index
        %get3A_96 = tpu.vector_load %arg6[%get3A_94, %get3A_95] {strides = array<i32>} : memref<128x256xf32, #tpu.memory_space<vmem>>, vector<16xf32>,
        %exp3A_97 = math.exp %get3A_96 : vector<16xf32>
        %add3A_98 = arith.addf %exp3A, %exp3A_97 : vector<16xf32>
        %get3A_99 = arith.index_cast %add3A_90 : i32 to index
        %get3A_100 = arith.constant 32 : index
        %get3A_101 = tpu.vector_load %arg6[%get3A_99, %get3A_100] {strides = array<i32>} : memref<128x256xf32, #tpu.memory_space<vmem>>, vector<16xf32>,
        %exp3A_102 = math.exp %get3A_101 : vector<16xf32>
        %add3A_103 = arith.addf %add3A_98, %exp3A_102 : vector<16xf32>
        %get3A_104 = arith.index_cast %add3A_90 : i32 to index
        %get3A_105 = arith.constant 48 : index
        %get3A_106 = tpu.vector_load %arg6[%get3A_104, %get3A_105] {strides = array<i32>} : memref<128x256xf32, #tpu.memory_space<vmem>>, vector<16xf32>,
        %exp3A_107 = math.exp %get3A_106 : vector<16xf32>
        %add3A_108 = arith.addf %add3A_103, %exp3A_107 : vector<16xf32>
        %get3A_109 = arith.index_cast %add3A_90 : i32 to index
        %get3A_110 = arith.constant 64 : index
        %get3A_111 = tpu.vector_load %arg6[%get3A_109, %get3A_110] {strides = array<i32>} : memref<128x256xf32, #tpu.memory_space<vmem>>, vector<16xf32>,
        %exp3A_112 = math.exp %get3A_111 : vector<16xf32>
        %add3A_113 = arith.addf %add3A_108, %exp3A_112 : vector<16xf32>
        %get3A_114 = arith.index_cast %add3A_90 : i32 to index
        %get3A_115 = arith.constant 80 : index
        %get3A_116 = tpu.vector_load %arg6[%get3A_114, %get3A_115] {strides = array<i32>} : memref<128x256xf32, #tpu.memory_space<vmem>>, vector<16xf32>,
        %exp3A_117 = math.exp %get3A_116 : vector<16xf32>
        %add3A_118 = arith.addf %add3A_113, %exp3A_117 : vector<16xf32>
        %get3A_119 = arith.index_cast %add3A_90 : i32 to index
        %get3A_120 = arith.constant 96 : index
        %get3A_121 = tpu.vector_load %arg6[%get3A_119, %get3A_120] {strides = array<i32>} : memref<128x256xf32, #tpu.memory_space<vmem>>, vector<16xf32>,
        %exp3A_122 = math.exp %get3A_121 : vector<16xf32>
        %add3A_123 = arith.addf %add3A_118, %exp3A_122 : vector<16xf32>
        %get3A_124 = arith.index_cast %add3A_90 : i32 to index
        %get3A_125 = arith.constant 112 : index
        %get3A_126 = tpu.vector_load %arg6[%get3A_124, %get3A_125] {strides = array<i32>} : memref<128x256xf32, #tpu.memory_space<vmem>>, vector<16xf32>,
        %exp3A_127 = math.exp %get3A_126 : vector<16xf32>
        %add3A_128 = arith.addf %add3A_123, %exp3A_127 : vector<16xf32>
        %get3A_129 = arith.index_cast %add3A_90 : i32 to index
        %get3A_130 = arith.constant 128 : index
        %get3A_131 = tpu.vector_load %arg6[%get3A_129, %get3A_130] {strides = array<i32>} : memref<128x256xf32, #tpu.memory_space<vmem>>, vector<16xf32>,
        %exp3A_132 = math.exp %get3A_131 : vector<16xf32>
        %add3A_133 = arith.addf %add3A_128, %exp3A_132 : vector<16xf32>
        %get3A_134 = arith.index_cast %add3A_90 : i32 to index
        %get3A_135 = arith.constant 144 : index
        %get3A_136 = tpu.vector_load %arg6[%get3A_134, %get3A_135] {strides = array<i32>} : memref<128x256xf32, #tpu.memory_space<vmem>>, vector<16xf32>,
        %exp3A_137 = math.exp %get3A_136 : vector<16xf32>
        %add3A_138 = arith.addf %add3A_133, %exp3A_137 : vector<16xf32>
        %get3A_139 = arith.index_cast %add3A_90 : i32 to index
        %get3A_140 = arith.constant 160 : index
        %get3A_141 = tpu.vector_load %arg6[%get3A_139, %get3A_140] {strides = array<i32>} : memref<128x256xf32, #tpu.memory_space<vmem>>, vector<16xf32>,
        %exp3A_142 = math.exp %get3A_141 : vector<16xf32>
        %add3A_143 = arith.addf %add3A_138, %exp3A_142 : vector<16xf32>
        %get3A_144 = arith.index_cast %add3A_90 : i32 to index
        %get3A_145 = arith.constant 176 : index
        %get3A_146 = tpu.vector_load %arg6[%get3A_144, %get3A_145] {strides = array<i32>} : memref<128x256xf32, #tpu.memory_space<vmem>>, vector<16xf32>,
        %exp3A_147 = math.exp %get3A_146 : vector<16xf32>
        %add3A_148 = arith.addf %add3A_143, %exp3A_147 : vector<16xf32>
        %get3A_149 = arith.index_cast %add3A_90 : i32 to index
        %get3A_150 = arith.constant 192 : index
        %get3A_151 = tpu.vector_load %arg6[%get3A_149, %get3A_150] {strides = array<i32>} : memref<128x256xf32, #tpu.memory_space<vmem>>, vector<16xf32>,
        %exp3A_152 = math.exp %get3A_151 : vector<16xf32>
        %add3A_153 = arith.addf %add3A_148, %exp3A_152 : vector<16xf32>
        %get3A_154 = arith.index_cast %add3A_90 : i32 to index
        %get3A_155 = arith.constant 208 : index
        %get3A_156 = tpu.vector_load %arg6[%get3A_154, %get3A_155] {strides = array<i32>} : memref<128x256xf32, #tpu.memory_space<vmem>>, vector<16xf32>,
        %exp3A_157 = math.exp %get3A_156 : vector<16xf32>
        %add3A_158 = arith.addf %add3A_153, %exp3A_157 : vector<16xf32>
        %get3A_159 = arith.index_cast %add3A_90 : i32 to index
        %get3A_160 = arith.constant 224 : index
        %get3A_161 = tpu.vector_load %arg6[%get3A_159, %get3A_160] {strides = array<i32>} : memref<128x256xf32, #tpu.memory_space<vmem>>, vector<16xf32>,
        %exp3A_162 = math.exp %get3A_161 : vector<16xf32>
        %add3A_163 = arith.addf %add3A_158, %exp3A_162 : vector<16xf32>
        %get3A_164 = arith.index_cast %add3A_90 : i32 to index
        %get3A_165 = arith.constant 240 : index
        %get3A_166 = tpu.vector_load %arg6[%get3A_164, %get3A_165] {strides = array<i32>} : memref<128x256xf32, #tpu.memory_space<vmem>>, vector<16xf32>,
        %exp3A_167 = math.exp %get3A_166 : vector<16xf32>
        %add3A_168 = arith.addf %add3A_163, %exp3A_167 : vector<16xf32>
        %eq3A = arith.constant 0 : i32
        %eq3A_169 = vector.broadcast %eq3A : i32 to vector<16xi32>
        %eq3A_170 = arith.cmpi eq, %iota3A_86, %eq3A_169 : vector<16xi32>
        %reduce_sum3A = arith.constant true
        %reduce_sum3A_171 = vector.broadcast %reduce_sum3A : i1 to vector<16xi1>
        %reduce_sum3A_172 = tpu.scan <sum>, %add3A_168 masked %reduce_sum3A_171 : vector<16xf32>, vector<16xi1> -> vector<16xf32>
        %reduce_sum3A_173 = vector.extract %reduce_sum3A_172[15] : f32 from vector<16xf32>
        %broadcast_in_dim3A_174 = vector.broadcast %reduce_sum3A_173 : f32 to vector<16xf32>
        %select_n3A_175 = arith.select %eq3A_170, %broadcast_in_dim3A_174, %broadcast_in_dim3A_85 : vector<16xi1>, vector<16xf32>
        %mul3A_176 = arith.constant 16 : i32
        %mul3A_177 = arith.muli %scan3A_58, %mul3A_176 : i32
        %add3A_178 = arith.constant 1 : i32
        %add3A_179 = arith.addi %mul3A_177, %add3A_178 : i32
        %get3A_180 = arith.index_cast %add3A_179 : i32 to index
        %get3A_181 = arith.constant 0 : index
        %get3A_182 = tpu.vector_load %arg6[%get3A_180, %get3A_181] {strides = array<i32>} : memref<128x256xf32, #tpu.memory_space<vmem>>, vector<16xf32>,
        %exp3A_183 = math.exp %get3A_182 : vector<16xf32>
        %get3A_184 = arith.index_cast %add3A_179 : i32 to index
        %get3A_185 = arith.constant 16 : index
        %get3A_186 = tpu.vector_load %arg6[%get3A_184, %get3A_185] {strides = array<i32>} : memref<128x256xf32, #tpu.memory_space<vmem>>, vector<16xf32>,
        %exp3A_187 = math.exp %get3A_186 : vector<16xf32>
        %add3A_188 = arith.addf %exp3A_183, %exp3A_187 : vector<16xf32>
        %get3A_189 = arith.index_cast %add3A_179 : i32 to index
        %get3A_190 = arith.constant 32 : index
        %get3A_191 = tpu.vector_load %arg6[%get3A_189, %get3A_190] {strides = array<i32>} : memref<128x256xf32, #tpu.memory_space<vmem>>, vector<16xf32>,
        %exp3A_192 = math.exp %get3A_191 : vector<16xf32>
        %add3A_193 = arith.addf %add3A_188, %exp3A_192 : vector<16xf32>
        %get3A_194 = arith.index_cast %add3A_179 : i32 to index
        %get3A_195 = arith.constant 48 : index
        %get3A_196 = tpu.vector_load %arg6[%get3A_194, %get3A_195] {strides = array<i32>} : memref<128x256xf32, #tpu.memory_space<vmem>>, vector<16xf32>,
        %exp3A_197 = math.exp %get3A_196 : vector<16xf32>
        %add3A_198 = arith.addf %add3A_193, %exp3A_197 : vector<16xf32>
        %get3A_199 = arith.index_cast %add3A_179 : i32 to index
        %get3A_200 = arith.constant 64 : index
        %get3A_201 = tpu.vector_load %arg6[%get3A_199, %get3A_200] {strides = array<i32>} : memref<128x256xf32, #tpu.memory_space<vmem>>, vector<16xf32>,
        %exp3A_202 = math.exp %get3A_201 : vector<16xf32>
        %add3A_203 = arith.addf %add3A_198, %exp3A_202 : vector<16xf32>
        %get3A_204 = arith.index_cast %add3A_179 : i32 to index
        %get3A_205 = arith.constant 80 : index
        %get3A_206 = tpu.vector_load %arg6[%get3A_204, %get3A_205] {strides = array<i32>} : memref<128x256xf32, #tpu.memory_space<vmem>>, vector<16xf32>,
        %exp3A_207 = math.exp %get3A_206 : vector<16xf32>
        %add3A_208 = arith.addf %add3A_203, %exp3A_207 : vector<16xf32>
        %get3A_209 = arith.index_cast %add3A_179 : i32 to index
        %get3A_210 = arith.constant 96 : index
        %get3A_211 = tpu.vector_load %arg6[%get3A_209, %get3A_210] {strides = array<i32>} : memref<128x256xf32, #tpu.memory_space<vmem>>, vector<16xf32>,
        %exp3A_212 = math.exp %get3A_211 : vector<16xf32>
        %add3A_213 = arith.addf %add3A_208, %exp3A_212 : vector<16xf32>
        %get3A_214 = arith.index_cast %add3A_179 : i32 to index
        %get3A_215 = arith.constant 112 : index
        %get3A_216 = tpu.vector_load %arg6[%get3A_214, %get3A_215] {strides = array<i32>} : memref<128x256xf32, #tpu.memory_space<vmem>>, vector<16xf32>,
        %exp3A_217 = math.exp %get3A_216 : vector<16xf32>
        %add3A_218 = arith.addf %add3A_213, %exp3A_217 : vector<16xf32>
        %get3A_219 = arith.index_cast %add3A_179 : i32 to index
        %get3A_220 = arith.constant 128 : index
        %get3A_221 = tpu.vector_load %arg6[%get3A_219, %get3A_220] {strides = array<i32>} : memref<128x256xf32, #tpu.memory_space<vmem>>, vector<16xf32>,
        %exp3A_222 = math.exp %get3A_221 : vector<16xf32>
        %add3A_223 = arith.addf %add3A_218, %exp3A_222 : vector<16xf32>
        %get3A_224 = arith.index_cast %add3A_179 : i32 to index
        %get3A_225 = arith.constant 144 : index
        %get3A_226 = tpu.vector_load %arg6[%get3A_224, %get3A_225] {strides = array<i32>} : memref<128x256xf32, #tpu.memory_space<vmem>>, vector<16xf32>,
        %exp3A_227 = math.exp %get3A_226 : vector<16xf32>
        %add3A_228 = arith.addf %add3A_223, %exp3A_227 : vector<16xf32>
        %get3A_229 = arith.index_cast %add3A_179 : i32 to index
        %get3A_230 = arith.constant 160 : index
        %get3A_231 = tpu.vector_load %arg6[%get3A_229, %get3A_230] {strides = array<i32>} : memref<128x256xf32, #tpu.memory_space<vmem>>, vector<16xf32>,
        %exp3A_232 = math.exp %get3A_231 : vector<16xf32>
        %add3A_233 = arith.addf %add3A_228, %exp3A_232 : vector<16xf32>
        %get3A_234 = arith.index_cast %add3A_179 : i32 to index
        %get3A_235 = arith.constant 176 : index
        %get3A_236 = tpu.vector_load %arg6[%get3A_234, %get3A_235] {strides = array<i32>} : memref<128x256xf32, #tpu.memory_space<vmem>>, vector<16xf32>,
        %exp3A_237 = math.exp %get3A_236 : vector<16xf32>
        %add3A_238 = arith.addf %add3A_233, %exp3A_237 : vector<16xf32>
        %get3A_239 = arith.index_cast %add3A_179 : i32 to index
        %get3A_240 = arith.constant 192 : index
        %get3A_241 = tpu.vector_load %arg6[%get3A_239, %get3A_240] {strides = array<i32>} : memref<128x256xf32, #tpu.memory_space<vmem>>, vector<16xf32>,
        %exp3A_242 = math.exp %get3A_241 : vector<16xf32>
        %add3A_243 = arith.addf %add3A_238, %exp3A_242 : vector<16xf32>
        %get3A_244 = arith.index_cast %add3A_179 : i32 to index
        %get3A_245 = arith.constant 208 : index
        %get3A_246 = tpu.vector_load %arg6[%get3A_244, %get3A_245] {strides = array<i32>} : memref<128x256xf32, #tpu.memory_space<vmem>>, vector<16xf32>,
        %exp3A_247 = math.exp %get3A_246 : vector<16xf32>
        %add3A_248 = arith.addf %add3A_243, %exp3A_247 : vector<16xf32>
        %get3A_249 = arith.index_cast %add3A_179 : i32 to index
        %get3A_250 = arith.constant 224 : index
        %get3A_251 = tpu.vector_load %arg6[%get3A_249, %get3A_250] {strides = array<i32>} : memref<128x256xf32, #tpu.memory_space<vmem>>, vector<16xf32>,
        %exp3A_252 = math.exp %get3A_251 : vector<16xf32>
        %add3A_253 = arith.addf %add3A_248, %exp3A_252 : vector<16xf32>
        %get3A_254 = arith.index_cast %add3A_179 : i32 to index
        %get3A_255 = arith.constant 240 : index
        %get3A_256 = tpu.vector_load %arg6[%get3A_254, %get3A_255] {strides = array<i32>} : memref<128x256xf32, #tpu.memory_space<vmem>>, vector<16xf32>,
        %exp3A_257 = math.exp %get3A_256 : vector<16xf32>
        %add3A_258 = arith.addf %add3A_253, %exp3A_257 : vector<16xf32>
        %eq3A_259 = arith.constant 1 : i32
        %eq3A_260 = vector.broadcast %eq3A_259 : i32 to vector<16xi32>
        %eq3A_261 = arith.cmpi eq, %iota3A_86, %eq3A_260 : vector<16xi32>
        %reduce_sum3A_262 = arith.constant true
        %reduce_sum3A_263 = vector.broadcast %reduce_sum3A_262 : i1 to vector<16xi1>
        %reduce_sum3A_264 = tpu.scan <sum>, %add3A_258 masked %reduce_sum3A_263 : vector<16xf32>, vector<16xi1> -> vector<16xf32>
        %reduce_sum3A_265 = vector.extract %reduce_sum3A_264[15] : f32 from vector<16xf32>
        %broadcast_in_dim3A_266 = vector.broadcast %reduce_sum3A_265 : f32 to vector<16xf32>
        %select_n3A_267 = arith.select %eq3A_261, %broadcast_in_dim3A_266, %select_n3A_175 : vector<16xi1>, vector<16xf32>
        %mul3A_268 = arith.constant 16 : i32
        %mul3A_269 = arith.muli %scan3A_58, %mul3A_268 : i32
        %add3A_270 = arith.constant 2 : i32
        %add3A_271 = arith.addi %mul3A_269, %add3A_270 : i32
        %get3A_272 = arith.index_cast %add3A_271 : i32 to index
        %get3A_273 = arith.constant 0 : index
        %get3A_274 = tpu.vector_load %arg6[%get3A_272, %get3A_273] {strides = array<i32>} : memref<128x256xf32, #tpu.memory_space<vmem>>, vector<16xf32>,
        %exp3A_275 = math.exp %get3A_274 : vector<16xf32>
        %get3A_276 = arith.index_cast %add3A_271 : i32 to index
        %get3A_277 = arith.constant 16 : index
        %get3A_278 = tpu.vector_load %arg6[%get3A_276, %get3A_277] {strides = array<i32>} : memref<128x256xf32, #tpu.memory_space<vmem>>, vector<16xf32>,
        %exp3A_279 = math.exp %get3A_278 : vector<16xf32>
        %add3A_280 = arith.addf %exp3A_275, %exp3A_279 : vector<16xf32>
        %get3A_281 = arith.index_cast %add3A_271 : i32 to index
        %get3A_282 = arith.constant 32 : index
        %get3A_283 = tpu.vector_load %arg6[%get3A_281, %get3A_282] {strides = array<i32>} : memref<128x256xf32, #tpu.memory_space<vmem>>, vector<16xf32>,
        %exp3A_284 = math.exp %get3A_283 : vector<16xf32>
        %add3A_285 = arith.addf %add3A_280, %exp3A_284 : vector<16xf32>
        %get3A_286 = arith.index_cast %add3A_271 : i32 to index
        %get3A_287 = arith.constant 48 : index
        %get3A_288 = tpu.vector_load %arg6[%get3A_286, %get3A_287] {strides = array<i32>} : memref<128x256xf32, #tpu.memory_space<vmem>>, vector<16xf32>,
        %exp3A_289 = math.exp %get3A_288 : vector<16xf32>
        %add3A_290 = arith.addf %add3A_285, %exp3A_289 : vector<16xf32>
        %get3A_291 = arith.index_cast %add3A_271 : i32 to index
        %get3A_292 = arith.constant 64 : index
        %get3A_293 = tpu.vector_load %arg6[%get3A_291, %get3A_292] {strides = array<i32>} : memref<128x256xf32, #tpu.memory_space<vmem>>, vector<16xf32>,
        %exp3A_294 = math.exp %get3A_293 : vector<16xf32>
        %add3A_295 = arith.addf %add3A_290, %exp3A_294 : vector<16xf32>
        %get3A_296 = arith.index_cast %add3A_271 : i32 to index
        %get3A_297 = arith.constant 80 : index
        %get3A_298 = tpu.vector_load %arg6[%get3A_296, %get3A_297] {strides = array<i32>} : memref<128x256xf32, #tpu.memory_space<vmem>>, vector<16xf32>,
        %exp3A_299 = math.exp %get3A_298 : vector<16xf32>
        %add3A_300 = arith.addf %add3A_295, %exp3A_299 : vector<16xf32>
        %get3A_301 = arith.index_cast %add3A_271 : i32 to index
        %get3A_302 = arith.constant 96 : index
        %get3A_303 = tpu.vector_load %arg6[%get3A_301, %get3A_302] {strides = array<i32>} : memref<128x256xf32, #tpu.memory_space<vmem>>, vector<16xf32>,
        %exp3A_304 = math.exp %get3A_303 : vector<16xf32>
        %add3A_305 = arith.addf %add3A_300, %exp3A_304 : vector<16xf32>
        %get3A_306 = arith.index_cast %add3A_271 : i32 to index
        %get3A_307 = arith.constant 112 : index
        %get3A_308 = tpu.vector_load %arg6[%get3A_306, %get3A_307] {strides = array<i32>} : memref<128x256xf32, #tpu.memory_space<vmem>>, vector<16xf32>,
        %exp3A_309 = math.exp %get3A_308 : vector<16xf32>
        %add3A_310 = arith.addf %add3A_305, %exp3A_309 : vector<16xf32>
        %get3A_311 = arith.index_cast %add3A_271 : i32 to index
        %get3A_312 = arith.constant 128 : index
        %get3A_313 = tpu.vector_load %arg6[%get3A_311, %get3A_312] {strides = array<i32>} : memref<128x256xf32, #tpu.memory_space<vmem>>, vector<16xf32>,
        %exp3A_314 = math.exp %get3A_313 : vector<16xf32>
        %add3A_315 = arith.addf %add3A_310, %exp3A_314 : vector<16xf32>
        %get3A_316 = arith.index_cast %add3A_271 : i32 to index
        %get3A_317 = arith.constant 144 : index
        %get3A_318 = tpu.vector_load %arg6[%get3A_316, %get3A_317] {strides = array<i32>} : memref<128x256xf32, #tpu.memory_space<vmem>>, vector<16xf32>,
        %exp3A_319 = math.exp %get3A_318 : vector<16xf32>
        %add3A_320 = arith.addf %add3A_315, %exp3A_319 : vector<16xf32>
        %get3A_321 = arith.index_cast %add3A_271 : i32 to index
        %get3A_322 = arith.constant 160 : index
        %get3A_323 = tpu.vector_load %arg6[%get3A_321, %get3A_322] {strides = array<i32>} : memref<128x256xf32, #tpu.memory_space<vmem>>, vector<16xf32>,
        %exp3A_324 = math.exp %get3A_323 : vector<16xf32>
        %add3A_325 = arith.addf %add3A_320, %exp3A_324 : vector<16xf32>
        %get3A_326 = arith.index_cast %add3A_271 : i32 to index
        %get3A_327 = arith.constant 176 : index
        %get3A_328 = tpu.vector_load %arg6[%get3A_326, %get3A_327] {strides = array<i32>} : memref<128x256xf32, #tpu.memory_space<vmem>>, vector<16xf32>,
        %exp3A_329 = math.exp %get3A_328 : vector<16xf32>
        %add3A_330 = arith.addf %add3A_325, %exp3A_329 : vector<16xf32>
        %get3A_331 = arith.index_cast %add3A_271 : i32 to index
        %get3A_332 = arith.constant 192 : index
        %get3A_333 = tpu.vector_load %arg6[%get3A_331, %get3A_332] {strides = array<i32>} : memref<128x256xf32, #tpu.memory_space<vmem>>, vector<16xf32>,
        %exp3A_334 = math.exp %get3A_333 : vector<16xf32>
        %add3A_335 = arith.addf %add3A_330, %exp3A_334 : vector<16xf32>
        %get3A_336 = arith.index_cast %add3A_271 : i32 to index
        %get3A_337 = arith.constant 208 : index
        %get3A_338 = tpu.vector_load %arg6[%get3A_336, %get3A_337] {strides = array<i32>} : memref<128x256xf32, #tpu.memory_space<vmem>>, vector<16xf32>,
        %exp3A_339 = math.exp %get3A_338 : vector<16xf32>
        %add3A_340 = arith.addf %add3A_335, %exp3A_339 : vector<16xf32>
        %get3A_341 = arith.index_cast %add3A_271 : i32 to index
        %get3A_342 = arith.constant 224 : index
        %get3A_343 = tpu.vector_load %arg6[%get3A_341, %get3A_342] {strides = array<i32>} : memref<128x256xf32, #tpu.memory_space<vmem>>, vector<16xf32>,
        %exp3A_344 = math.exp %get3A_343 : vector<16xf32>
        %add3A_345 = arith.addf %add3A_340, %exp3A_344 : vector<16xf32>
        %get3A_346 = arith.index_cast %add3A_271 : i32 to index
        %get3A_347 = arith.constant 240 : index
        %get3A_348 = tpu.vector_load %arg6[%get3A_346, %get3A_347] {strides = array<i32>} : memref<128x256xf32, #tpu.memory_space<vmem>>, vector<16xf32>,
        %exp3A_349 = math.exp %get3A_348 : vector<16xf32>
        %add3A_350 = arith.addf %add3A_345, %exp3A_349 : vector<16xf32>
        %eq3A_351 = arith.constant 2 : i32
        %eq3A_352 = vector.broadcast %eq3A_351 : i32 to vector<16xi32>
        %eq3A_353 = arith.cmpi eq, %iota3A_86, %eq3A_352 : vector<16xi32>
        %reduce_sum3A_354 = arith.constant true
        %reduce_sum3A_355 = vector.broadcast %reduce_sum3A_354 : i1 to vector<16xi1>
        %reduce_sum3A_356 = tpu.scan <sum>, %add3A_350 masked %reduce_sum3A_355 : vector<16xf32>, vector<16xi1> -> vector<16xf32>
        %reduce_sum3A_357 = vector.extract %reduce_sum3A_356[15] : f32 from vector<16xf32>
        %broadcast_in_dim3A_358 = vector.broadcast %reduce_sum3A_357 : f32 to vector<16xf32>
        %select_n3A_359 = arith.select %eq3A_353, %broadcast_in_dim3A_358, %select_n3A_267 : vector<16xi1>, vector<16xf32>
        %mul3A_360 = arith.constant 16 : i32
        %mul3A_361 = arith.muli %scan3A_58, %mul3A_360 : i32
        %add3A_362 = arith.constant 3 : i32
        %add3A_363 = arith.addi %mul3A_361, %add3A_362 : i32
        %get3A_364 = arith.index_cast %add3A_363 : i32 to index
        %get3A_365 = arith.constant 0 : index
        %get3A_366 = tpu.vector_load %arg6[%get3A_364, %get3A_365] {strides = array<i32>} : memref<128x256xf32, #tpu.memory_space<vmem>>, vector<16xf32>,
        %exp3A_367 = math.exp %get3A_366 : vector<16xf32>
        %get3A_368 = arith.index_cast %add3A_363 : i32 to index
        %get3A_369 = arith.constant 16 : index
        %get3A_370 = tpu.vector_load %arg6[%get3A_368, %get3A_369] {strides = array<i32>} : memref<128x256xf32, #tpu.memory_space<vmem>>, vector<16xf32>,
        %exp3A_371 = math.exp %get3A_370 : vector<16xf32>
        %add3A_372 = arith.addf %exp3A_367, %exp3A_371 : vector<16xf32>
        %get3A_373 = arith.index_cast %add3A_363 : i32 to index
        %get3A_374 = arith.constant 32 : index
        %get3A_375 = tpu.vector_load %arg6[%get3A_373, %get3A_374] {strides = array<i32>} : memref<128x256xf32, #tpu.memory_space<vmem>>, vector<16xf32>,
        %exp3A_376 = math.exp %get3A_375 : vector<16xf32>
        %add3A_377 = arith.addf %add3A_372, %exp3A_376 : vector<16xf32>
        %get3A_378 = arith.index_cast %add3A_363 : i32 to index
        %get3A_379 = arith.constant 48 : index
        %get3A_380 = tpu.vector_load %arg6[%get3A_378, %get3A_379] {strides = array<i32>} : memref<128x256xf32, #tpu.memory_space<vmem>>, vector<16xf32>,
        %exp3A_381 = math.exp %get3A_380 : vector<16xf32>
        %add3A_382 = arith.addf %add3A_377, %exp3A_381 : vector<16xf32>
        %get3A_383 = arith.index_cast %add3A_363 : i32 to index
        %get3A_384 = arith.constant 64 : index
        %get3A_385 = tpu.vector_load %arg6[%get3A_383, %get3A_384] {strides = array<i32>} : memref<128x256xf32, #tpu.memory_space<vmem>>, vector<16xf32>,
        %exp3A_386 = math.exp %get3A_385 : vector<16xf32>
        %add3A_387 = arith.addf %add3A_382, %exp3A_386 : vector<16xf32>
        %get3A_388 = arith.index_cast %add3A_363 : i32 to index
        %get3A_389 = arith.constant 80 : index
        %get3A_390 = tpu.vector_load %arg6[%get3A_388, %get3A_389] {strides = array<i32>} : memref<128x256xf32, #tpu.memory_space<vmem>>, vector<16xf32>,
        %exp3A_391 = math.exp %get3A_390 : vector<16xf32>
        %add3A_392 = arith.addf %add3A_387, %exp3A_391 : vector<16xf32>
        %get3A_393 = arith.index_cast %add3A_363 : i32 to index
        %get3A_394 = arith.constant 96 : index
        %get3A_395 = tpu.vector_load %arg6[%get3A_393, %get3A_394] {strides = array<i32>} : memref<128x256xf32, #tpu.memory_space<vmem>>, vector<16xf32>,
        %exp3A_396 = math.exp %get3A_395 : vector<16xf32>
        %add3A_397 = arith.addf %add3A_392, %exp3A_396 : vector<16xf32>
        %get3A_398 = arith.index_cast %add3A_363 : i32 to index
        %get3A_399 = arith.constant 112 : index
        %get3A_400 = tpu.vector_load %arg6[%get3A_398, %get3A_399] {strides = array<i32>} : memref<128x256xf32, #tpu.memory_space<vmem>>, vector<16xf32>,
        %exp3A_401 = math.exp %get3A_400 : vector<16xf32>
        %add3A_402 = arith.addf %add3A_397, %exp3A_401 : vector<16xf32>
        %get3A_403 = arith.index_cast %add3A_363 : i32 to index
        %get3A_404 = arith.constant 128 : index
        %get3A_405 = tpu.vector_load %arg6[%get3A_403, %get3A_404] {strides = array<i32>} : memref<128x256xf32, #tpu.memory_space<vmem>>, vector<16xf32>,
        %exp3A_406 = math.exp %get3A_405 : vector<16xf32>
        %add3A_407 = arith.addf %add3A_402, %exp3A_406 : vector<16xf32>
        %get3A_408 = arith.index_cast %add3A_363 : i32 to index
        %get3A_409 = arith.constant 144 : index
        %get3A_410 = tpu.vector_load %arg6[%get3A_408, %get3A_409] {strides = array<i32>} : memref<128x256xf32, #tpu.memory_space<vmem>>, vector<16xf32>,
        %exp3A_411 = math.exp %get3A_410 : vector<16xf32>
        %add3A_412 = arith.addf %add3A_407, %exp3A_411 : vector<16xf32>
        %get3A_413 = arith.index_cast %add3A_363 : i32 to index
        %get3A_414 = arith.constant 160 : index
        %get3A_415 = tpu.vector_load %arg6[%get3A_413, %get3A_414] {strides = array<i32>} : memref<128x256xf32, #tpu.memory_space<vmem>>, vector<16xf32>,
        %exp3A_416 = math.exp %get3A_415 : vector<16xf32>
        %add3A_417 = arith.addf %add3A_412, %exp3A_416 : vector<16xf32>
        %get3A_418 = arith.index_cast %add3A_363 : i32 to index
        %get3A_419 = arith.constant 176 : index
        %get3A_420 = tpu.vector_load %arg6[%get3A_418, %get3A_419] {strides = array<i32>} : memref<128x256xf32, #tpu.memory_space<vmem>>, vector<16xf32>,
        %exp3A_421 = math.exp %get3A_420 : vector<16xf32>
        %add3A_422 = arith.addf %add3A_417, %exp3A_421 : vector<16xf32>
        %get3A_423 = arith.index_cast %add3A_363 : i32 to index
        %get3A_424 = arith.constant 192 : index
        %get3A_425 = tpu.vector_load %arg6[%get3A_423, %get3A_424] {strides = array<i32>} : memref<128x256xf32, #tpu.memory_space<vmem>>, vector<16xf32>,
        %exp3A_426 = math.exp %get3A_425 : vector<16xf32>
        %add3A_427 = arith.addf %add3A_422, %exp3A_426 : vector<16xf32>
        %get3A_428 = arith.index_cast %add3A_363 : i32 to index
        %get3A_429 = arith.constant 208 : index
        %get3A_430 = tpu.vector_load %arg6[%get3A_428, %get3A_429] {strides = array<i32>} : memref<128x256xf32, #tpu.memory_space<vmem>>, vector<16xf32>,
        %exp3A_431 = math.exp %get3A_430 : vector<16xf32>
        %add3A_432 = arith.addf %add3A_427, %exp3A_431 : vector<16xf32>
        %get3A_433 = arith.index_cast %add3A_363 : i32 to index
        %get3A_434 = arith.constant 224 : index
        %get3A_435 = tpu.vector_load %arg6[%get3A_433, %get3A_434] {strides = array<i32>} : memref<128x256xf32, #tpu.memory_space<vmem>>, vector<16xf32>,
        %exp3A_436 = math.exp %get3A_435 : vector<16xf32>
        %add3A_437 = arith.addf %add3A_432, %exp3A_436 : vector<16xf32>
        %get3A_438 = arith.index_cast %add3A_363 : i32 to index
        %get3A_439 = arith.constant 240 : index
        %get3A_440 = tpu.vector_load %arg6[%get3A_438, %get3A_439] {strides = array<i32>} : memref<128x256xf32, #tpu.memory_space<vmem>>, vector<16xf32>,
        %exp3A_441 = math.exp %get3A_440 : vector<16xf32>
        %add3A_442 = arith.addf %add3A_437, %exp3A_441 : vector<16xf32>
        %eq3A_443 = arith.constant 3 : i32
        %eq3A_444 = vector.broadcast %eq3A_443 : i32 to vector<16xi32>
        %eq3A_445 = arith.cmpi eq, %iota3A_86, %eq3A_444 : vector<16xi32>
        %reduce_sum3A_446 = arith.constant true
        %reduce_sum3A_447 = vector.broadcast %reduce_sum3A_446 : i1 to vector<16xi1>
        %reduce_sum3A_448 = tpu.scan <sum>, %add3A_442 masked %reduce_sum3A_447 : vector<16xf32>, vector<16xi1> -> vector<16xf32>
        %reduce_sum3A_449 = vector.extract %reduce_sum3A_448[15] : f32 from vector<16xf32>
        %broadcast_in_dim3A_450 = vector.broadcast %reduce_sum3A_449 : f32 to vector<16xf32>
        %select_n3A_451 = arith.select %eq3A_445, %broadcast_in_dim3A_450, %select_n3A_359 : vector<16xi1>, vector<16xf32>
        %mul3A_452 = arith.constant 16 : i32
        %mul3A_453 = arith.muli %scan3A_58, %mul3A_452 : i32
        %add3A_454 = arith.constant 4 : i32
        %add3A_455 = arith.addi %mul3A_453, %add3A_454 : i32
        %get3A_456 = arith.index_cast %add3A_455 : i32 to index
        %get3A_457 = arith.constant 0 : index
        %get3A_458 = tpu.vector_load %arg6[%get3A_456, %get3A_457] {strides = array<i32>} : memref<128x256xf32, #tpu.memory_space<vmem>>, vector<16xf32>,
        %exp3A_459 = math.exp %get3A_458 : vector<16xf32>
        %get3A_460 = arith.index_cast %add3A_455 : i32 to index
        %get3A_461 = arith.constant 16 : index
        %get3A_462 = tpu.vector_load %arg6[%get3A_460, %get3A_461] {strides = array<i32>} : memref<128x256xf32, #tpu.memory_space<vmem>>, vector<16xf32>,
        %exp3A_463 = math.exp %get3A_462 : vector<16xf32>
        %add3A_464 = arith.addf %exp3A_459, %exp3A_463 : vector<16xf32>
        %get3A_465 = arith.index_cast %add3A_455 : i32 to index
        %get3A_466 = arith.constant 32 : index
        %get3A_467 = tpu.vector_load %arg6[%get3A_465, %get3A_466] {strides = array<i32>} : memref<128x256xf32, #tpu.memory_space<vmem>>, vector<16xf32>,
        %exp3A_468 = math.exp %get3A_467 : vector<16xf32>
        %add3A_469 = arith.addf %add3A_464, %exp3A_468 : vector<16xf32>
        %get3A_470 = arith.index_cast %add3A_455 : i32 to index
        %get3A_471 = arith.constant 48 : index
        %get3A_472 = tpu.vector_load %arg6[%get3A_470, %get3A_471] {strides = array<i32>} : memref<128x256xf32, #tpu.memory_space<vmem>>, vector<16xf32>,
        %exp3A_473 = math.exp %get3A_472 : vector<16xf32>
        %add3A_474 = arith.addf %add3A_469, %exp3A_473 : vector<16xf32>
        %get3A_475 = arith.index_cast %add3A_455 : i32 to index
        %get3A_476 = arith.constant 64 : index
        %get3A_477 = tpu.vector_load %arg6[%get3A_475, %get3A_476] {strides = array<i32>} : memref<128x256xf32, #tpu.memory_space<vmem>>, vector<16xf32>,
        %exp3A_478 = math.exp %get3A_477 : vector<16xf32>
        %add3A_479 = arith.addf %add3A_474, %exp3A_478 : vector<16xf32>
        %get3A_480 = arith.index_cast %add3A_455 : i32 to index
        %get3A_481 = arith.constant 80 : index
        %get3A_482 = tpu.vector_load %arg6[%get3A_480, %get3A_481] {strides = array<i32>} : memref<128x256xf32, #tpu.memory_space<vmem>>, vector<16xf32>,
        %exp3A_483 = math.exp %get3A_482 : vector<16xf32>
        %add3A_484 = arith.addf %add3A_479, %exp3A_483 : vector<16xf32>
        %get3A_485 = arith.index_cast %add3A_455 : i32 to index
        %get3A_486 = arith.constant 96 : index
        %get3A_487 = tpu.vector_load %arg6[%get3A_485, %get3A_486] {strides = array<i32>} : memref<128x256xf32, #tpu.memory_space<vmem>>, vector<16xf32>,
        %exp3A_488 = math.exp %get3A_487 : vector<16xf32>
        %add3A_489 = arith.addf %add3A_484, %exp3A_488 : vector<16xf32>
        %get3A_490 = arith.index_cast %add3A_455 : i32 to index
        %get3A_491 = arith.constant 112 : index
        %get3A_492 = tpu.vector_load %arg6[%get3A_490, %get3A_491] {strides = array<i32>} : memref<128x256xf32, #tpu.memory_space<vmem>>, vector<16xf32>,
        %exp3A_493 = math.exp %get3A_492 : vector<16xf32>
        %add3A_494 = arith.addf %add3A_489, %exp3A_493 : vector<16xf32>
        %get3A_495 = arith.index_cast %add3A_455 : i32 to index
        %get3A_496 = arith.constant 128 : index
        %get3A_497 = tpu.vector_load %arg6[%get3A_495, %get3A_496] {strides = array<i32>} : memref<128x256xf32, #tpu.memory_space<vmem>>, vector<16xf32>,
        %exp3A_498 = math.exp %get3A_497 : vector<16xf32>
        %add3A_499 = arith.addf %add3A_494, %exp3A_498 : vector<16xf32>
        %get3A_500 = arith.index_cast %add3A_455 : i32 to index
        %get3A_501 = arith.constant 144 : index
        %get3A_502 = tpu.vector_load %arg6[%get3A_500, %get3A_501] {strides = array<i32>} : memref<128x256xf32, #tpu.memory_space<vmem>>, vector<16xf32>,
        %exp3A_503 = math.exp %get3A_502 : vector<16xf32>
        %add3A_504 = arith.addf %add3A_499, %exp3A_503 : vector<16xf32>
        %get3A_505 = arith.index_cast %add3A_455 : i32 to index
        %get3A_506 = arith.constant 160 : index
        %get3A_507 = tpu.vector_load %arg6[%get3A_505, %get3A_506] {strides = array<i32>} : memref<128x256xf32, #tpu.memory_space<vmem>>, vector<16xf32>,
        %exp3A_508 = math.exp %get3A_507 : vector<16xf32>
        %add3A_509 = arith.addf %add3A_504, %exp3A_508 : vector<16xf32>
        %get3A_510 = arith.index_cast %add3A_455 : i32 to index
        %get3A_511 = arith.constant 176 : index
        %get3A_512 = tpu.vector_load %arg6[%get3A_510, %get3A_511] {strides = array<i32>} : memref<128x256xf32, #tpu.memory_space<vmem>>, vector<16xf32>,
        %exp3A_513 = math.exp %get3A_512 : vector<16xf32>
        %add3A_514 = arith.addf %add3A_509, %exp3A_513 : vector<16xf32>
        %get3A_515 = arith.index_cast %add3A_455 : i32 to index
        %get3A_516 = arith.constant 192 : index
        %get3A_517 = tpu.vector_load %arg6[%get3A_515, %get3A_516] {strides = array<i32>} : memref<128x256xf32, #tpu.memory_space<vmem>>, vector<16xf32>,
        %exp3A_518 = math.exp %get3A_517 : vector<16xf32>
        %add3A_519 = arith.addf %add3A_514, %exp3A_518 : vector<16xf32>
        %get3A_520 = arith.index_cast %add3A_455 : i32 to index
        %get3A_521 = arith.constant 208 : index
        %get3A_522 = tpu.vector_load %arg6[%get3A_520, %get3A_521] {strides = array<i32>} : memref<128x256xf32, #tpu.memory_space<vmem>>, vector<16xf32>,
        %exp3A_523 = math.exp %get3A_522 : vector<16xf32>
        %add3A_524 = arith.addf %add3A_519, %exp3A_523 : vector<16xf32>
        %get3A_525 = arith.index_cast %add3A_455 : i32 to index
        %get3A_526 = arith.constant 224 : index
        %get3A_527 = tpu.vector_load %arg6[%get3A_525, %get3A_526] {strides = array<i32>} : memref<128x256xf32, #tpu.memory_space<vmem>>, vector<16xf32>,
        %exp3A_528 = math.exp %get3A_527 : vector<16xf32>
        %add3A_529 = arith.addf %add3A_524, %exp3A_528 : vector<16xf32>
        %get3A_530 = arith.index_cast %add3A_455 : i32 to index
        %get3A_531 = arith.constant 240 : index
        %get3A_532 = tpu.vector_load %arg6[%get3A_530, %get3A_531] {strides = array<i32>} : memref<128x256xf32, #tpu.memory_space<vmem>>, vector<16xf32>,
        %exp3A_533 = math.exp %get3A_532 : vector<16xf32>
        %add3A_534 = arith.addf %add3A_529, %exp3A_533 : vector<16xf32>
        %eq3A_535 = arith.constant 4 : i32
        %eq3A_536 = vector.broadcast %eq3A_535 : i32 to vector<16xi32>
        %eq3A_537 = arith.cmpi eq, %iota3A_86, %eq3A_536 : vector<16xi32>
        %reduce_sum3A_538 = arith.constant true
        %reduce_sum3A_539 = vector.broadcast %reduce_sum3A_538 : i1 to vector<16xi1>
        %reduce_sum3A_540 = tpu.scan <sum>, %add3A_534 masked %reduce_sum3A_539 : vector<16xf32>, vector<16xi1> -> vector<16xf32>
        %reduce_sum3A_541 = vector.extract %reduce_sum3A_540[15] : f32 from vector<16xf32>
        %broadcast_in_dim3A_542 = vector.broadcast %reduce_sum3A_541 : f32 to vector<16xf32>
        %select_n3A_543 = arith.select %eq3A_537, %broadcast_in_dim3A_542, %select_n3A_451 : vector<16xi1>, vector<16xf32>
        %mul3A_544 = arith.constant 16 : i32
        %mul3A_545 = arith.muli %scan3A_58, %mul3A_544 : i32
        %add3A_546 = arith.constant 5 : i32
        %add3A_547 = arith.addi %mul3A_545, %add3A_546 : i32
        %get3A_548 = arith.index_cast %add3A_547 : i32 to index
        %get3A_549 = arith.constant 0 : index
        %get3A_550 = tpu.vector_load %arg6[%get3A_548, %get3A_549] {strides = array<i32>} : memref<128x256xf32, #tpu.memory_space<vmem>>, vector<16xf32>,
        %exp3A_551 = math.exp %get3A_550 : vector<16xf32>
        %get3A_552 = arith.index_cast %add3A_547 : i32 to index
        %get3A_553 = arith.constant 16 : index
        %get3A_554 = tpu.vector_load %arg6[%get3A_552, %get3A_553] {strides = array<i32>} : memref<128x256xf32, #tpu.memory_space<vmem>>, vector<16xf32>,
        %exp3A_555 = math.exp %get3A_554 : vector<16xf32>
        %add3A_556 = arith.addf %exp3A_551, %exp3A_555 : vector<16xf32>
        %get3A_557 = arith.index_cast %add3A_547 : i32 to index
        %get3A_558 = arith.constant 32 : index
        %get3A_559 = tpu.vector_load %arg6[%get3A_557, %get3A_558] {strides = array<i32>} : memref<128x256xf32, #tpu.memory_space<vmem>>, vector<16xf32>,
        %exp3A_560 = math.exp %get3A_559 : vector<16xf32>
        %add3A_561 = arith.addf %add3A_556, %exp3A_560 : vector<16xf32>
        %get3A_562 = arith.index_cast %add3A_547 : i32 to index
        %get3A_563 = arith.constant 48 : index
        %get3A_564 = tpu.vector_load %arg6[%get3A_562, %get3A_563] {strides = array<i32>} : memref<128x256xf32, #tpu.memory_space<vmem>>, vector<16xf32>,
        %exp3A_565 = math.exp %get3A_564 : vector<16xf32>
        %add3A_566 = arith.addf %add3A_561, %exp3A_565 : vector<16xf32>
        %get3A_567 = arith.index_cast %add3A_547 : i32 to index
        %get3A_568 = arith.constant 64 : index
        %get3A_569 = tpu.vector_load %arg6[%get3A_567, %get3A_568] {strides = array<i32>} : memref<128x256xf32, #tpu.memory_space<vmem>>, vector<16xf32>,
        %exp3A_570 = math.exp %get3A_569 : vector<16xf32>
        %add3A_571 = arith.addf %add3A_566, %exp3A_570 : vector<16xf32>
        %get3A_572 = arith.index_cast %add3A_547 : i32 to index
        %get3A_573 = arith.constant 80 : index
        %get3A_574 = tpu.vector_load %arg6[%get3A_572, %get3A_573] {strides = array<i32>} : memref<128x256xf32, #tpu.memory_space<vmem>>, vector<16xf32>,
        %exp3A_575 = math.exp %get3A_574 : vector<16xf32>
        %add3A_576 = arith.addf %add3A_571, %exp3A_575 : vector<16xf32>
        %get3A_577 = arith.index_cast %add3A_547 : i32 to index
        %get3A_578 = arith.constant 96 : index
        %get3A_579 = tpu.vector_load %arg6[%get3A_577, %get3A_578] {strides = array<i32>} : memref<128x256xf32, #tpu.memory_space<vmem>>, vector<16xf32>,
        %exp3A_580 = math.exp %get3A_579 : vector<16xf32>
        %add3A_581 = arith.addf %add3A_576, %exp3A_580 : vector<16xf32>
        %get3A_582 = arith.index_cast %add3A_547 : i32 to index
        %get3A_583 = arith.constant 112 : index
        %get3A_584 = tpu.vector_load %arg6[%get3A_582, %get3A_583] {strides = array<i32>} : memref<128x256xf32, #tpu.memory_space<vmem>>, vector<16xf32>,
        %exp3A_585 = math.exp %get3A_584 : vector<16xf32>
        %add3A_586 = arith.addf %add3A_581, %exp3A_585 : vector<16xf32>
        %get3A_587 = arith.index_cast %add3A_547 : i32 to index
        %get3A_588 = arith.constant 128 : index
        %get3A_589 = tpu.vector_load %arg6[%get3A_587, %get3A_588] {strides = array<i32>} : memref<128x256xf32, #tpu.memory_space<vmem>>, vector<16xf32>,
        %exp3A_590 = math.exp %get3A_589 : vector<16xf32>
        %add3A_591 = arith.addf %add3A_586, %exp3A_590 : vector<16xf32>
        %get3A_592 = arith.index_cast %add3A_547 : i32 to index
        %get3A_593 = arith.constant 144 : index
        %get3A_594 = tpu.vector_load %arg6[%get3A_592, %get3A_593] {strides = array<i32>} : memref<128x256xf32, #tpu.memory_space<vmem>>, vector<16xf32>,
        %exp3A_595 = math.exp %get3A_594 : vector<16xf32>
        %add3A_596 = arith.addf %add3A_591, %exp3A_595 : vector<16xf32>
        %get3A_597 = arith.index_cast %add3A_547 : i32 to index
        %get3A_598 = arith.constant 160 : index
        %get3A_599 = tpu.vector_load %arg6[%get3A_597, %get3A_598] {strides = array<i32>} : memref<128x256xf32, #tpu.memory_space<vmem>>, vector<16xf32>,
        %exp3A_600 = math.exp %get3A_599 : vector<16xf32>
        %add3A_601 = arith.addf %add3A_596, %exp3A_600 : vector<16xf32>
        %get3A_602 = arith.index_cast %add3A_547 : i32 to index
        %get3A_603 = arith.constant 176 : index
        %get3A_604 = tpu.vector_load %arg6[%get3A_602, %get3A_603] {strides = array<i32>} : memref<128x256xf32, #tpu.memory_space<vmem>>, vector<16xf32>,
        %exp3A_605 = math.exp %get3A_604 : vector<16xf32>
        %add3A_606 = arith.addf %add3A_601, %exp3A_605 : vector<16xf32>
        %get3A_607 = arith.index_cast %add3A_547 : i32 to index
        %get3A_608 = arith.constant 192 : index
        %get3A_609 = tpu.vector_load %arg6[%get3A_607, %get3A_608] {strides = array<i32>} : memref<128x256xf32, #tpu.memory_space<vmem>>, vector<16xf32>,
        %exp3A_610 = math.exp %get3A_609 : vector<16xf32>
        %add3A_611 = arith.addf %add3A_606, %exp3A_610 : vector<16xf32>
        %get3A_612 = arith.index_cast %add3A_547 : i32 to index
        %get3A_613 = arith.constant 208 : index
        %get3A_614 = tpu.vector_load %arg6[%get3A_612, %get3A_613] {strides = array<i32>} : memref<128x256xf32, #tpu.memory_space<vmem>>, vector<16xf32>,
        %exp3A_615 = math.exp %get3A_614 : vector<16xf32>
        %add3A_616 = arith.addf %add3A_611, %exp3A_615 : vector<16xf32>
        %get3A_617 = arith.index_cast %add3A_547 : i32 to index
        %get3A_618 = arith.constant 224 : index
        %get3A_619 = tpu.vector_load %arg6[%get3A_617, %get3A_618] {strides = array<i32>} : memref<128x256xf32, #tpu.memory_space<vmem>>, vector<16xf32>,
        %exp3A_620 = math.exp %get3A_619 : vector<16xf32>
        %add3A_621 = arith.addf %add3A_616, %exp3A_620 : vector<16xf32>
        %get3A_622 = arith.index_cast %add3A_547 : i32 to index
        %get3A_623 = arith.constant 240 : index
        %get3A_624 = tpu.vector_load %arg6[%get3A_622, %get3A_623] {strides = array<i32>} : memref<128x256xf32, #tpu.memory_space<vmem>>, vector<16xf32>,
        %exp3A_625 = math.exp %get3A_624 : vector<16xf32>
        %add3A_626 = arith.addf %add3A_621, %exp3A_625 : vector<16xf32>
        %eq3A_627 = arith.constant 5 : i32
        %eq3A_628 = vector.broadcast %eq3A_627 : i32 to vector<16xi32>
        %eq3A_629 = arith.cmpi eq, %iota3A_86, %eq3A_628 : vector<16xi32>
        %reduce_sum3A_630 = arith.constant true
        %reduce_sum3A_631 = vector.broadcast %reduce_sum3A_630 : i1 to vector<16xi1>
        %reduce_sum3A_632 = tpu.scan <sum>, %add3A_626 masked %reduce_sum3A_631 : vector<16xf32>, vector<16xi1> -> vector<16xf32>
        %reduce_sum3A_633 = vector.extract %reduce_sum3A_632[15] : f32 from vector<16xf32>
        %broadcast_in_dim3A_634 = vector.broadcast %reduce_sum3A_633 : f32 to vector<16xf32>
        %select_n3A_635 = arith.select %eq3A_629, %broadcast_in_dim3A_634, %select_n3A_543 : vector<16xi1>, vector<16xf32>
        %mul3A_636 = arith.constant 16 : i32
        %mul3A_637 = arith.muli %scan3A_58, %mul3A_636 : i32
        %add3A_638 = arith.constant 6 : i32
        %add3A_639 = arith.addi %mul3A_637, %add3A_638 : i32
        %get3A_640 = arith.index_cast %add3A_639 : i32 to index
        %get3A_641 = arith.constant 0 : index
        %get3A_642 = tpu.vector_load %arg6[%get3A_640, %get3A_641] {strides = array<i32>} : memref<128x256xf32, #tpu.memory_space<vmem>>, vector<16xf32>,
        %exp3A_643 = math.exp %get3A_642 : vector<16xf32>
        %get3A_644 = arith.index_cast %add3A_639 : i32 to index
        %get3A_645 = arith.constant 16 : index
        %get3A_646 = tpu.vector_load %arg6[%get3A_644, %get3A_645] {strides = array<i32>} : memref<128x256xf32, #tpu.memory_space<vmem>>, vector<16xf32>,
        %exp3A_647 = math.exp %get3A_646 : vector<16xf32>
        %add3A_648 = arith.addf %exp3A_643, %exp3A_647 : vector<16xf32>
        %get3A_649 = arith.index_cast %add3A_639 : i32 to index
        %get3A_650 = arith.constant 32 : index
        %get3A_651 = tpu.vector_load %arg6[%get3A_649, %get3A_650] {strides = array<i32>} : memref<128x256xf32, #tpu.memory_space<vmem>>, vector<16xf32>,
        %exp3A_652 = math.exp %get3A_651 : vector<16xf32>
        %add3A_653 = arith.addf %add3A_648, %exp3A_652 : vector<16xf32>
        %get3A_654 = arith.index_cast %add3A_639 : i32 to index
        %get3A_655 = arith.constant 48 : index
        %get3A_656 = tpu.vector_load %arg6[%get3A_654, %get3A_655] {strides = array<i32>} : memref<128x256xf32, #tpu.memory_space<vmem>>, vector<16xf32>,
        %exp3A_657 = math.exp %get3A_656 : vector<16xf32>
        %add3A_658 = arith.addf %add3A_653, %exp3A_657 : vector<16xf32>
        %get3A_659 = arith.index_cast %add3A_639 : i32 to index
        %get3A_660 = arith.constant 64 : index
        %get3A_661 = tpu.vector_load %arg6[%get3A_659, %get3A_660] {strides = array<i32>} : memref<128x256xf32, #tpu.memory_space<vmem>>, vector<16xf32>,
        %exp3A_662 = math.exp %get3A_661 : vector<16xf32>
        %add3A_663 = arith.addf %add3A_658, %exp3A_662 : vector<16xf32>
        %get3A_664 = arith.index_cast %add3A_639 : i32 to index
        %get3A_665 = arith.constant 80 : index
        %get3A_666 = tpu.vector_load %arg6[%get3A_664, %get3A_665] {strides = array<i32>} : memref<128x256xf32, #tpu.memory_space<vmem>>, vector<16xf32>,
        %exp3A_667 = math.exp %get3A_666 : vector<16xf32>
        %add3A_668 = arith.addf %add3A_663, %exp3A_667 : vector<16xf32>
        %get3A_669 = arith.index_cast %add3A_639 : i32 to index
        %get3A_670 = arith.constant 96 : index
        %get3A_671 = tpu.vector_load %arg6[%get3A_669, %get3A_670] {strides = array<i32>} : memref<128x256xf32, #tpu.memory_space<vmem>>, vector<16xf32>,
        %exp3A_672 = math.exp %get3A_671 : vector<16xf32>
        %add3A_673 = arith.addf %add3A_668, %exp3A_672 : vector<16xf32>
        %get3A_674 = arith.index_cast %add3A_639 : i32 to index
        %get3A_675 = arith.constant 112 : index
        %get3A_676 = tpu.vector_load %arg6[%get3A_674, %get3A_675] {strides = array<i32>} : memref<128x256xf32, #tpu.memory_space<vmem>>, vector<16xf32>,
        %exp3A_677 = math.exp %get3A_676 : vector<16xf32>
        %add3A_678 = arith.addf %add3A_673, %exp3A_677 : vector<16xf32>
        %get3A_679 = arith.index_cast %add3A_639 : i32 to index
        %get3A_680 = arith.constant 128 : index
        %get3A_681 = tpu.vector_load %arg6[%get3A_679, %get3A_680] {strides = array<i32>} : memref<128x256xf32, #tpu.memory_space<vmem>>, vector<16xf32>,
        %exp3A_682 = math.exp %get3A_681 : vector<16xf32>
        %add3A_683 = arith.addf %add3A_678, %exp3A_682 : vector<16xf32>
        %get3A_684 = arith.index_cast %add3A_639 : i32 to index
        %get3A_685 = arith.constant 144 : index
        %get3A_686 = tpu.vector_load %arg6[%get3A_684, %get3A_685] {strides = array<i32>} : memref<128x256xf32, #tpu.memory_space<vmem>>, vector<16xf32>,
        %exp3A_687 = math.exp %get3A_686 : vector<16xf32>
        %add3A_688 = arith.addf %add3A_683, %exp3A_687 : vector<16xf32>
        %get3A_689 = arith.index_cast %add3A_639 : i32 to index
        %get3A_690 = arith.constant 160 : index
        %get3A_691 = tpu.vector_load %arg6[%get3A_689, %get3A_690] {strides = array<i32>} : memref<128x256xf32, #tpu.memory_space<vmem>>, vector<16xf32>,
        %exp3A_692 = math.exp %get3A_691 : vector<16xf32>
        %add3A_693 = arith.addf %add3A_688, %exp3A_692 : vector<16xf32>
        %get3A_694 = arith.index_cast %add3A_639 : i32 to index
        %get3A_695 = arith.constant 176 : index
        %get3A_696 = tpu.vector_load %arg6[%get3A_694, %get3A_695] {strides = array<i32>} : memref<128x256xf32, #tpu.memory_space<vmem>>, vector<16xf32>,
        %exp3A_697 = math.exp %get3A_696 : vector<16xf32>
        %add3A_698 = arith.addf %add3A_693, %exp3A_697 : vector<16xf32>
        %get3A_699 = arith.index_cast %add3A_639 : i32 to index
        %get3A_700 = arith.constant 192 : index
        %get3A_701 = tpu.vector_load %arg6[%get3A_699, %get3A_700] {strides = array<i32>} : memref<128x256xf32, #tpu.memory_space<vmem>>, vector<16xf32>,
        %exp3A_702 = math.exp %get3A_701 : vector<16xf32>
        %add3A_703 = arith.addf %add3A_698, %exp3A_702 : vector<16xf32>
        %get3A_704 = arith.index_cast %add3A_639 : i32 to index
        %get3A_705 = arith.constant 208 : index
        %get3A_706 = tpu.vector_load %arg6[%get3A_704, %get3A_705] {strides = array<i32>} : memref<128x256xf32, #tpu.memory_space<vmem>>, vector<16xf32>,
        %exp3A_707 = math.exp %get3A_706 : vector<16xf32>
        %add3A_708 = arith.addf %add3A_703, %exp3A_707 : vector<16xf32>
        %get3A_709 = arith.index_cast %add3A_639 : i32 to index
        %get3A_710 = arith.constant 224 : index
        %get3A_711 = tpu.vector_load %arg6[%get3A_709, %get3A_710] {strides = array<i32>} : memref<128x256xf32, #tpu.memory_space<vmem>>, vector<16xf32>,
        %exp3A_712 = math.exp %get3A_711 : vector<16xf32>
        %add3A_713 = arith.addf %add3A_708, %exp3A_712 : vector<16xf32>
        %get3A_714 = arith.index_cast %add3A_639 : i32 to index
        %get3A_715 = arith.constant 240 : index
        %get3A_716 = tpu.vector_load %arg6[%get3A_714, %get3A_715] {strides = array<i32>} : memref<128x256xf32, #tpu.memory_space<vmem>>, vector<16xf32>,
        %exp3A_717 = math.exp %get3A_716 : vector<16xf32>
        %add3A_718 = arith.addf %add3A_713, %exp3A_717 : vector<16xf32>
        %eq3A_719 = arith.constant 6 : i32
        %eq3A_720 = vector.broadcast %eq3A_719 : i32 to vector<16xi32>
        %eq3A_721 = arith.cmpi eq, %iota3A_86, %eq3A_720 : vector<16xi32>
        %reduce_sum3A_722 = arith.constant true
        %reduce_sum3A_723 = vector.broadcast %reduce_sum3A_722 : i1 to vector<16xi1>
        %reduce_sum3A_724 = tpu.scan <sum>, %add3A_718 masked %reduce_sum3A_723 : vector<16xf32>, vector<16xi1> -> vector<16xf32>
        %reduce_sum3A_725 = vector.extract %reduce_sum3A_724[15] : f32 from vector<16xf32>
        %broadcast_in_dim3A_726 = vector.broadcast %reduce_sum3A_725 : f32 to vector<16xf32>
        %select_n3A_727 = arith.select %eq3A_721, %broadcast_in_dim3A_726, %select_n3A_635 : vector<16xi1>, vector<16xf32>
        %mul3A_728 = arith.constant 16 : i32
        %mul3A_729 = arith.muli %scan3A_58, %mul3A_728 : i32
        %add3A_730 = arith.constant 7 : i32
        %add3A_731 = arith.addi %mul3A_729, %add3A_730 : i32
        %get3A_732 = arith.index_cast %add3A_731 : i32 to index
        %get3A_733 = arith.constant 0 : index
        %get3A_734 = tpu.vector_load %arg6[%get3A_732, %get3A_733] {strides = array<i32>} : memref<128x256xf32, #tpu.memory_space<vmem>>, vector<16xf32>,
        %exp3A_735 = math.exp %get3A_734 : vector<16xf32>
        %get3A_736 = arith.index_cast %add3A_731 : i32 to index
        %get3A_737 = arith.constant 16 : index
        %get3A_738 = tpu.vector_load %arg6[%get3A_736, %get3A_737] {strides = array<i32>} : memref<128x256xf32, #tpu.memory_space<vmem>>, vector<16xf32>,
        %exp3A_739 = math.exp %get3A_738 : vector<16xf32>
        %add3A_740 = arith.addf %exp3A_735, %exp3A_739 : vector<16xf32>
        %get3A_741 = arith.index_cast %add3A_731 : i32 to index
        %get3A_742 = arith.constant 32 : index
        %get3A_743 = tpu.vector_load %arg6[%get3A_741, %get3A_742] {strides = array<i32>} : memref<128x256xf32, #tpu.memory_space<vmem>>, vector<16xf32>,
        %exp3A_744 = math.exp %get3A_743 : vector<16xf32>
        %add3A_745 = arith.addf %add3A_740, %exp3A_744 : vector<16xf32>
        %get3A_746 = arith.index_cast %add3A_731 : i32 to index
        %get3A_747 = arith.constant 48 : index
        %get3A_748 = tpu.vector_load %arg6[%get3A_746, %get3A_747] {strides = array<i32>} : memref<128x256xf32, #tpu.memory_space<vmem>>, vector<16xf32>,
        %exp3A_749 = math.exp %get3A_748 : vector<16xf32>
        %add3A_750 = arith.addf %add3A_745, %exp3A_749 : vector<16xf32>
        %get3A_751 = arith.index_cast %add3A_731 : i32 to index
        %get3A_752 = arith.constant 64 : index
        %get3A_753 = tpu.vector_load %arg6[%get3A_751, %get3A_752] {strides = array<i32>} : memref<128x256xf32, #tpu.memory_space<vmem>>, vector<16xf32>,
        %exp3A_754 = math.exp %get3A_753 : vector<16xf32>
        %add3A_755 = arith.addf %add3A_750, %exp3A_754 : vector<16xf32>
        %get3A_756 = arith.index_cast %add3A_731 : i32 to index
        %get3A_757 = arith.constant 80 : index
        %get3A_758 = tpu.vector_load %arg6[%get3A_756, %get3A_757] {strides = array<i32>} : memref<128x256xf32, #tpu.memory_space<vmem>>, vector<16xf32>,
        %exp3A_759 = math.exp %get3A_758 : vector<16xf32>
        %add3A_760 = arith.addf %add3A_755, %exp3A_759 : vector<16xf32>
        %get3A_761 = arith.index_cast %add3A_731 : i32 to index
        %get3A_762 = arith.constant 96 : index
        %get3A_763 = tpu.vector_load %arg6[%get3A_761, %get3A_762] {strides = array<i32>} : memref<128x256xf32, #tpu.memory_space<vmem>>, vector<16xf32>,
        %exp3A_764 = math.exp %get3A_763 : vector<16xf32>
        %add3A_765 = arith.addf %add3A_760, %exp3A_764 : vector<16xf32>
        %get3A_766 = arith.index_cast %add3A_731 : i32 to index
        %get3A_767 = arith.constant 112 : index
        %get3A_768 = tpu.vector_load %arg6[%get3A_766, %get3A_767] {strides = array<i32>} : memref<128x256xf32, #tpu.memory_space<vmem>>, vector<16xf32>,
        %exp3A_769 = math.exp %get3A_768 : vector<16xf32>
        %add3A_770 = arith.addf %add3A_765, %exp3A_769 : vector<16xf32>
        %get3A_771 = arith.index_cast %add3A_731 : i32 to index
        %get3A_772 = arith.constant 128 : index
        %get3A_773 = tpu.vector_load %arg6[%get3A_771, %get3A_772] {strides = array<i32>} : memref<128x256xf32, #tpu.memory_space<vmem>>, vector<16xf32>,
        %exp3A_774 = math.exp %get3A_773 : vector<16xf32>
        %add3A_775 = arith.addf %add3A_770, %exp3A_774 : vector<16xf32>
        %get3A_776 = arith.index_cast %add3A_731 : i32 to index
        %get3A_777 = arith.constant 144 : index
        %get3A_778 = tpu.vector_load %arg6[%get3A_776, %get3A_777] {strides = array<i32>} : memref<128x256xf32, #tpu.memory_space<vmem>>, vector<16xf32>,
        %exp3A_779 = math.exp %get3A_778 : vector<16xf32>
        %add3A_780 = arith.addf %add3A_775, %exp3A_779 : vector<16xf32>
        %get3A_781 = arith.index_cast %add3A_731 : i32 to index
        %get3A_782 = arith.constant 160 : index
        %get3A_783 = tpu.vector_load %arg6[%get3A_781, %get3A_782] {strides = array<i32>} : memref<128x256xf32, #tpu.memory_space<vmem>>, vector<16xf32>,
        %exp3A_784 = math.exp %get3A_783 : vector<16xf32>
        %add3A_785 = arith.addf %add3A_780, %exp3A_784 : vector<16xf32>
        %get3A_786 = arith.index_cast %add3A_731 : i32 to index
        %get3A_787 = arith.constant 176 : index
        %get3A_788 = tpu.vector_load %arg6[%get3A_786, %get3A_787] {strides = array<i32>} : memref<128x256xf32, #tpu.memory_space<vmem>>, vector<16xf32>,
        %exp3A_789 = math.exp %get3A_788 : vector<16xf32>
        %add3A_790 = arith.addf %add3A_785, %exp3A_789 : vector<16xf32>
        %get3A_791 = arith.index_cast %add3A_731 : i32 to index
        %get3A_792 = arith.constant 192 : index
        %get3A_793 = tpu.vector_load %arg6[%get3A_791, %get3A_792] {strides = array<i32>} : memref<128x256xf32, #tpu.memory_space<vmem>>, vector<16xf32>,
        %exp3A_794 = math.exp %get3A_793 : vector<16xf32>
        %add3A_795 = arith.addf %add3A_790, %exp3A_794 : vector<16xf32>
        %get3A_796 = arith.index_cast %add3A_731 : i32 to index
        %get3A_797 = arith.constant 208 : index
        %get3A_798 = tpu.vector_load %arg6[%get3A_796, %get3A_797] {strides = array<i32>} : memref<128x256xf32, #tpu.memory_space<vmem>>, vector<16xf32>,
        %exp3A_799 = math.exp %get3A_798 : vector<16xf32>
        %add3A_800 = arith.addf %add3A_795, %exp3A_799 : vector<16xf32>
        %get3A_801 = arith.index_cast %add3A_731 : i32 to index
        %get3A_802 = arith.constant 224 : index
        %get3A_803 = tpu.vector_load %arg6[%get3A_801, %get3A_802] {strides = array<i32>} : memref<128x256xf32, #tpu.memory_space<vmem>>, vector<16xf32>,
        %exp3A_804 = math.exp %get3A_803 : vector<16xf32>
        %add3A_805 = arith.addf %add3A_800, %exp3A_804 : vector<16xf32>
        %get3A_806 = arith.index_cast %add3A_731 : i32 to index
        %get3A_807 = arith.constant 240 : index
        %get3A_808 = tpu.vector_load %arg6[%get3A_806, %get3A_807] {strides = array<i32>} : memref<128x256xf32, #tpu.memory_space<vmem>>, vector<16xf32>,
        %exp3A_809 = math.exp %get3A_808 : vector<16xf32>
        %add3A_810 = arith.addf %add3A_805, %exp3A_809 : vector<16xf32>
        %eq3A_811 = arith.constant 7 : i32
        %eq3A_812 = vector.broadcast %eq3A_811 : i32 to vector<16xi32>
        %eq3A_813 = arith.cmpi eq, %iota3A_86, %eq3A_812 : vector<16xi32>
        %reduce_sum3A_814 = arith.constant true
        %reduce_sum3A_815 = vector.broadcast %reduce_sum3A_814 : i1 to vector<16xi1>
        %reduce_sum3A_816 = tpu.scan <sum>, %add3A_810 masked %reduce_sum3A_815 : vector<16xf32>, vector<16xi1> -> vector<16xf32>
        %reduce_sum3A_817 = vector.extract %reduce_sum3A_816[15] : f32 from vector<16xf32>
        %broadcast_in_dim3A_818 = vector.broadcast %reduce_sum3A_817 : f32 to vector<16xf32>
        %select_n3A_819 = arith.select %eq3A_813, %broadcast_in_dim3A_818, %select_n3A_727 : vector<16xi1>, vector<16xf32>
        %mul3A_820 = arith.constant 16 : i32
        %mul3A_821 = arith.muli %scan3A_58, %mul3A_820 : i32
        %add3A_822 = arith.constant 8 : i32
        %add3A_823 = arith.addi %mul3A_821, %add3A_822 : i32
        %get3A_824 = arith.index_cast %add3A_823 : i32 to index
        %get3A_825 = arith.constant 0 : index
        %get3A_826 = tpu.vector_load %arg6[%get3A_824, %get3A_825] {strides = array<i32>} : memref<128x256xf32, #tpu.memory_space<vmem>>, vector<16xf32>,
        %exp3A_827 = math.exp %get3A_826 : vector<16xf32>
        %get3A_828 = arith.index_cast %add3A_823 : i32 to index
        %get3A_829 = arith.constant 16 : index
        %get3A_830 = tpu.vector_load %arg6[%get3A_828, %get3A_829] {strides = array<i32>} : memref<128x256xf32, #tpu.memory_space<vmem>>, vector<16xf32>,
        %exp3A_831 = math.exp %get3A_830 : vector<16xf32>
        %add3A_832 = arith.addf %exp3A_827, %exp3A_831 : vector<16xf32>
        %get3A_833 = arith.index_cast %add3A_823 : i32 to index
        %get3A_834 = arith.constant 32 : index
        %get3A_835 = tpu.vector_load %arg6[%get3A_833, %get3A_834] {strides = array<i32>} : memref<128x256xf32, #tpu.memory_space<vmem>>, vector<16xf32>,
        %exp3A_836 = math.exp %get3A_835 : vector<16xf32>
        %add3A_837 = arith.addf %add3A_832, %exp3A_836 : vector<16xf32>
        %get3A_838 = arith.index_cast %add3A_823 : i32 to index
        %get3A_839 = arith.constant 48 : index
        %get3A_840 = tpu.vector_load %arg6[%get3A_838, %get3A_839] {strides = array<i32>} : memref<128x256xf32, #tpu.memory_space<vmem>>, vector<16xf32>,
        %exp3A_841 = math.exp %get3A_840 : vector<16xf32>
        %add3A_842 = arith.addf %add3A_837, %exp3A_841 : vector<16xf32>
        %get3A_843 = arith.index_cast %add3A_823 : i32 to index
        %get3A_844 = arith.constant 64 : index
        %get3A_845 = tpu.vector_load %arg6[%get3A_843, %get3A_844] {strides = array<i32>} : memref<128x256xf32, #tpu.memory_space<vmem>>, vector<16xf32>,
        %exp3A_846 = math.exp %get3A_845 : vector<16xf32>
        %add3A_847 = arith.addf %add3A_842, %exp3A_846 : vector<16xf32>
        %get3A_848 = arith.index_cast %add3A_823 : i32 to index
        %get3A_849 = arith.constant 80 : index
        %get3A_850 = tpu.vector_load %arg6[%get3A_848, %get3A_849] {strides = array<i32>} : memref<128x256xf32, #tpu.memory_space<vmem>>, vector<16xf32>,
        %exp3A_851 = math.exp %get3A_850 : vector<16xf32>
        %add3A_852 = arith.addf %add3A_847, %exp3A_851 : vector<16xf32>
        %get3A_853 = arith.index_cast %add3A_823 : i32 to index
        %get3A_854 = arith.constant 96 : index
        %get3A_855 = tpu.vector_load %arg6[%get3A_853, %get3A_854] {strides = array<i32>} : memref<128x256xf32, #tpu.memory_space<vmem>>, vector<16xf32>,
        %exp3A_856 = math.exp %get3A_855 : vector<16xf32>
        %add3A_857 = arith.addf %add3A_852, %exp3A_856 : vector<16xf32>
        %get3A_858 = arith.index_cast %add3A_823 : i32 to index
        %get3A_859 = arith.constant 112 : index
        %get3A_860 = tpu.vector_load %arg6[%get3A_858, %get3A_859] {strides = array<i32>} : memref<128x256xf32, #tpu.memory_space<vmem>>, vector<16xf32>,
        %exp3A_861 = math.exp %get3A_860 : vector<16xf32>
        %add3A_862 = arith.addf %add3A_857, %exp3A_861 : vector<16xf32>
        %get3A_863 = arith.index_cast %add3A_823 : i32 to index
        %get3A_864 = arith.constant 128 : index
        %get3A_865 = tpu.vector_load %arg6[%get3A_863, %get3A_864] {strides = array<i32>} : memref<128x256xf32, #tpu.memory_space<vmem>>, vector<16xf32>,
        %exp3A_866 = math.exp %get3A_865 : vector<16xf32>
        %add3A_867 = arith.addf %add3A_862, %exp3A_866 : vector<16xf32>
        %get3A_868 = arith.index_cast %add3A_823 : i32 to index
        %get3A_869 = arith.constant 144 : index
        %get3A_870 = tpu.vector_load %arg6[%get3A_868, %get3A_869] {strides = array<i32>} : memref<128x256xf32, #tpu.memory_space<vmem>>, vector<16xf32>,
        %exp3A_871 = math.exp %get3A_870 : vector<16xf32>
        %add3A_872 = arith.addf %add3A_867, %exp3A_871 : vector<16xf32>
        %get3A_873 = arith.index_cast %add3A_823 : i32 to index
        %get3A_874 = arith.constant 160 : index
        %get3A_875 = tpu.vector_load %arg6[%get3A_873, %get3A_874] {strides = array<i32>} : memref<128x256xf32, #tpu.memory_space<vmem>>, vector<16xf32>,
        %exp3A_876 = math.exp %get3A_875 : vector<16xf32>
        %add3A_877 = arith.addf %add3A_872, %exp3A_876 : vector<16xf32>
        %get3A_878 = arith.index_cast %add3A_823 : i32 to index
        %get3A_879 = arith.constant 176 : index
        %get3A_880 = tpu.vector_load %arg6[%get3A_878, %get3A_879] {strides = array<i32>} : memref<128x256xf32, #tpu.memory_space<vmem>>, vector<16xf32>,
        %exp3A_881 = math.exp %get3A_880 : vector<16xf32>
        %add3A_882 = arith.addf %add3A_877, %exp3A_881 : vector<16xf32>
        %get3A_883 = arith.index_cast %add3A_823 : i32 to index
        %get3A_884 = arith.constant 192 : index
        %get3A_885 = tpu.vector_load %arg6[%get3A_883, %get3A_884] {strides = array<i32>} : memref<128x256xf32, #tpu.memory_space<vmem>>, vector<16xf32>,
        %exp3A_886 = math.exp %get3A_885 : vector<16xf32>
        %add3A_887 = arith.addf %add3A_882, %exp3A_886 : vector<16xf32>
        %get3A_888 = arith.index_cast %add3A_823 : i32 to index
        %get3A_889 = arith.constant 208 : index
        %get3A_890 = tpu.vector_load %arg6[%get3A_888, %get3A_889] {strides = array<i32>} : memref<128x256xf32, #tpu.memory_space<vmem>>, vector<16xf32>,
        %exp3A_891 = math.exp %get3A_890 : vector<16xf32>
        %add3A_892 = arith.addf %add3A_887, %exp3A_891 : vector<16xf32>
        %get3A_893 = arith.index_cast %add3A_823 : i32 to index
        %get3A_894 = arith.constant 224 : index
        %get3A_895 = tpu.vector_load %arg6[%get3A_893, %get3A_894] {strides = array<i32>} : memref<128x256xf32, #tpu.memory_space<vmem>>, vector<16xf32>,
        %exp3A_896 = math.exp %get3A_895 : vector<16xf32>
        %add3A_897 = arith.addf %add3A_892, %exp3A_896 : vector<16xf32>
        %get3A_898 = arith.index_cast %add3A_823 : i32 to index
        %get3A_899 = arith.constant 240 : index
        %get3A_900 = tpu.vector_load %arg6[%get3A_898, %get3A_899] {strides = array<i32>} : memref<128x256xf32, #tpu.memory_space<vmem>>, vector<16xf32>,
        %exp3A_901 = math.exp %get3A_900 : vector<16xf32>
        %add3A_902 = arith.addf %add3A_897, %exp3A_901 : vector<16xf32>
        %eq3A_903 = arith.constant 8 : i32
        %eq3A_904 = vector.broadcast %eq3A_903 : i32 to vector<16xi32>
        %eq3A_905 = arith.cmpi eq, %iota3A_86, %eq3A_904 : vector<16xi32>
        %reduce_sum3A_906 = arith.constant true
        %reduce_sum3A_907 = vector.broadcast %reduce_sum3A_906 : i1 to vector<16xi1>
        %reduce_sum3A_908 = tpu.scan <sum>, %add3A_902 masked %reduce_sum3A_907 : vector<16xf32>, vector<16xi1> -> vector<16xf32>
        %reduce_sum3A_909 = vector.extract %reduce_sum3A_908[15] : f32 from vector<16xf32>
        %broadcast_in_dim3A_910 = vector.broadcast %reduce_sum3A_909 : f32 to vector<16xf32>
        %select_n3A_911 = arith.select %eq3A_905, %broadcast_in_dim3A_910, %select_n3A_819 : vector<16xi1>, vector<16xf32>
        %mul3A_912 = arith.constant 16 : i32
        %mul3A_913 = arith.muli %scan3A_58, %mul3A_912 : i32
        %add3A_914 = arith.constant 9 : i32
        %add3A_915 = arith.addi %mul3A_913, %add3A_914 : i32
        %get3A_916 = arith.index_cast %add3A_915 : i32 to index
        %get3A_917 = arith.constant 0 : index
        %get3A_918 = tpu.vector_load %arg6[%get3A_916, %get3A_917] {strides = array<i32>} : memref<128x256xf32, #tpu.memory_space<vmem>>, vector<16xf32>,
        %exp3A_919 = math.exp %get3A_918 : vector<16xf32>
        %get3A_920 = arith.index_cast %add3A_915 : i32 to index
        %get3A_921 = arith.constant 16 : index
        %get3A_922 = tpu.vector_load %arg6[%get3A_920, %get3A_921] {strides = array<i32>} : memref<128x256xf32, #tpu.memory_space<vmem>>, vector<16xf32>,
        %exp3A_923 = math.exp %get3A_922 : vector<16xf32>
        %add3A_924 = arith.addf %exp3A_919, %exp3A_923 : vector<16xf32>
        %get3A_925 = arith.index_cast %add3A_915 : i32 to index
        %get3A_926 = arith.constant 32 : index
        %get3A_927 = tpu.vector_load %arg6[%get3A_925, %get3A_926] {strides = array<i32>} : memref<128x256xf32, #tpu.memory_space<vmem>>, vector<16xf32>,
        %exp3A_928 = math.exp %get3A_927 : vector<16xf32>
        %add3A_929 = arith.addf %add3A_924, %exp3A_928 : vector<16xf32>
        %get3A_930 = arith.index_cast %add3A_915 : i32 to index
        %get3A_931 = arith.constant 48 : index
        %get3A_932 = tpu.vector_load %arg6[%get3A_930, %get3A_931] {strides = array<i32>} : memref<128x256xf32, #tpu.memory_space<vmem>>, vector<16xf32>,
        %exp3A_933 = math.exp %get3A_932 : vector<16xf32>
        %add3A_934 = arith.addf %add3A_929, %exp3A_933 : vector<16xf32>
        %get3A_935 = arith.index_cast %add3A_915 : i32 to index
        %get3A_936 = arith.constant 64 : index
        %get3A_937 = tpu.vector_load %arg6[%get3A_935, %get3A_936] {strides = array<i32>} : memref<128x256xf32, #tpu.memory_space<vmem>>, vector<16xf32>,
        %exp3A_938 = math.exp %get3A_937 : vector<16xf32>
        %add3A_939 = arith.addf %add3A_934, %exp3A_938 : vector<16xf32>
        %get3A_940 = arith.index_cast %add3A_915 : i32 to index
        %get3A_941 = arith.constant 80 : index
        %get3A_942 = tpu.vector_load %arg6[%get3A_940, %get3A_941] {strides = array<i32>} : memref<128x256xf32, #tpu.memory_space<vmem>>, vector<16xf32>,
        %exp3A_943 = math.exp %get3A_942 : vector<16xf32>
        %add3A_944 = arith.addf %add3A_939, %exp3A_943 : vector<16xf32>
        %get3A_945 = arith.index_cast %add3A_915 : i32 to index
        %get3A_946 = arith.constant 96 : index
        %get3A_947 = tpu.vector_load %arg6[%get3A_945, %get3A_946] {strides = array<i32>} : memref<128x256xf32, #tpu.memory_space<vmem>>, vector<16xf32>,
        %exp3A_948 = math.exp %get3A_947 : vector<16xf32>
        %add3A_949 = arith.addf %add3A_944, %exp3A_948 : vector<16xf32>
        %get3A_950 = arith.index_cast %add3A_915 : i32 to index
        %get3A_951 = arith.constant 112 : index
        %get3A_952 = tpu.vector_load %arg6[%get3A_950, %get3A_951] {strides = array<i32>} : memref<128x256xf32, #tpu.memory_space<vmem>>, vector<16xf32>,
        %exp3A_953 = math.exp %get3A_952 : vector<16xf32>
        %add3A_954 = arith.addf %add3A_949, %exp3A_953 : vector<16xf32>
        %get3A_955 = arith.index_cast %add3A_915 : i32 to index
        %get3A_956 = arith.constant 128 : index
        %get3A_957 = tpu.vector_load %arg6[%get3A_955, %get3A_956] {strides = array<i32>} : memref<128x256xf32, #tpu.memory_space<vmem>>, vector<16xf32>,
        %exp3A_958 = math.exp %get3A_957 : vector<16xf32>
        %add3A_959 = arith.addf %add3A_954, %exp3A_958 : vector<16xf32>
        %get3A_960 = arith.index_cast %add3A_915 : i32 to index
        %get3A_961 = arith.constant 144 : index
        %get3A_962 = tpu.vector_load %arg6[%get3A_960, %get3A_961] {strides = array<i32>} : memref<128x256xf32, #tpu.memory_space<vmem>>, vector<16xf32>,
        %exp3A_963 = math.exp %get3A_962 : vector<16xf32>
        %add3A_964 = arith.addf %add3A_959, %exp3A_963 : vector<16xf32>
        %get3A_965 = arith.index_cast %add3A_915 : i32 to index
        %get3A_966 = arith.constant 160 : index
        %get3A_967 = tpu.vector_load %arg6[%get3A_965, %get3A_966] {strides = array<i32>} : memref<128x256xf32, #tpu.memory_space<vmem>>, vector<16xf32>,
        %exp3A_968 = math.exp %get3A_967 : vector<16xf32>
        %add3A_969 = arith.addf %add3A_964, %exp3A_968 : vector<16xf32>
        %get3A_970 = arith.index_cast %add3A_915 : i32 to index
        %get3A_971 = arith.constant 176 : index
        %get3A_972 = tpu.vector_load %arg6[%get3A_970, %get3A_971] {strides = array<i32>} : memref<128x256xf32, #tpu.memory_space<vmem>>, vector<16xf32>,
        %exp3A_973 = math.exp %get3A_972 : vector<16xf32>
        %add3A_974 = arith.addf %add3A_969, %exp3A_973 : vector<16xf32>
        %get3A_975 = arith.index_cast %add3A_915 : i32 to index
        %get3A_976 = arith.constant 192 : index
        %get3A_977 = tpu.vector_load %arg6[%get3A_975, %get3A_976] {strides = array<i32>} : memref<128x256xf32, #tpu.memory_space<vmem>>, vector<16xf32>,
        %exp3A_978 = math.exp %get3A_977 : vector<16xf32>
        %add3A_979 = arith.addf %add3A_974, %exp3A_978 : vector<16xf32>
        %get3A_980 = arith.index_cast %add3A_915 : i32 to index
        %get3A_981 = arith.constant 208 : index
        %get3A_982 = tpu.vector_load %arg6[%get3A_980, %get3A_981] {strides = array<i32>} : memref<128x256xf32, #tpu.memory_space<vmem>>, vector<16xf32>,
        %exp3A_983 = math.exp %get3A_982 : vector<16xf32>
        %add3A_984 = arith.addf %add3A_979, %exp3A_983 : vector<16xf32>
        %get3A_985 = arith.index_cast %add3A_915 : i32 to index
        %get3A_986 = arith.constant 224 : index
        %get3A_987 = tpu.vector_load %arg6[%get3A_985, %get3A_986] {strides = array<i32>} : memref<128x256xf32, #tpu.memory_space<vmem>>, vector<16xf32>,
        %exp3A_988 = math.exp %get3A_987 : vector<16xf32>
        %add3A_989 = arith.addf %add3A_984, %exp3A_988 : vector<16xf32>
        %get3A_990 = arith.index_cast %add3A_915 : i32 to index
        %get3A_991 = arith.constant 240 : index
        %get3A_992 = tpu.vector_load %arg6[%get3A_990, %get3A_991] {strides = array<i32>} : memref<128x256xf32, #tpu.memory_space<vmem>>, vector<16xf32>,
        %exp3A_993 = math.exp %get3A_992 : vector<16xf32>
        %add3A_994 = arith.addf %add3A_989, %exp3A_993 : vector<16xf32>
        %eq3A_995 = arith.constant 9 : i32
        %eq3A_996 = vector.broadcast %eq3A_995 : i32 to vector<16xi32>
        %eq3A_997 = arith.cmpi eq, %iota3A_86, %eq3A_996 : vector<16xi32>
        %reduce_sum3A_998 = arith.constant true
        %reduce_sum3A_999 = vector.broadcast %reduce_sum3A_998 : i1 to vector<16xi1>
        %reduce_sum3A_1000 = tpu.scan <sum>, %add3A_994 masked %reduce_sum3A_999 : vector<16xf32>, vector<16xi1> -> vector<16xf32>
        %reduce_sum3A_1001 = vector.extract %reduce_sum3A_1000[15] : f32 from vector<16xf32>
        %broadcast_in_dim3A_1002 = vector.broadcast %reduce_sum3A_1001 : f32 to vector<16xf32>
        %select_n3A_1003 = arith.select %eq3A_997, %broadcast_in_dim3A_1002, %select_n3A_911 : vector<16xi1>, vector<16xf32>
        %mul3A_1004 = arith.constant 16 : i32
        %mul3A_1005 = arith.muli %scan3A_58, %mul3A_1004 : i32
        %add3A_1006 = arith.constant 10 : i32
        %add3A_1007 = arith.addi %mul3A_1005, %add3A_1006 : i32
        %get3A_1008 = arith.index_cast %add3A_1007 : i32 to index
        %get3A_1009 = arith.constant 0 : index
        %get3A_1010 = tpu.vector_load %arg6[%get3A_1008, %get3A_1009] {strides = array<i32>} : memref<128x256xf32, #tpu.memory_space<vmem>>, vector<16xf32>,
        %exp3A_1011 = math.exp %get3A_1010 : vector<16xf32>
        %get3A_1012 = arith.index_cast %add3A_1007 : i32 to index
        %get3A_1013 = arith.constant 16 : index
        %get3A_1014 = tpu.vector_load %arg6[%get3A_1012, %get3A_1013] {strides = array<i32>} : memref<128x256xf32, #tpu.memory_space<vmem>>, vector<16xf32>,
        %exp3A_1015 = math.exp %get3A_1014 : vector<16xf32>
        %add3A_1016 = arith.addf %exp3A_1011, %exp3A_1015 : vector<16xf32>
        %get3A_1017 = arith.index_cast %add3A_1007 : i32 to index
        %get3A_1018 = arith.constant 32 : index
        %get3A_1019 = tpu.vector_load %arg6[%get3A_1017, %get3A_1018] {strides = array<i32>} : memref<128x256xf32, #tpu.memory_space<vmem>>, vector<16xf32>,
        %exp3A_1020 = math.exp %get3A_1019 : vector<16xf32>
        %add3A_1021 = arith.addf %add3A_1016, %exp3A_1020 : vector<16xf32>
        %get3A_1022 = arith.index_cast %add3A_1007 : i32 to index
        %get3A_1023 = arith.constant 48 : index
        %get3A_1024 = tpu.vector_load %arg6[%get3A_1022, %get3A_1023] {strides = array<i32>} : memref<128x256xf32, #tpu.memory_space<vmem>>, vector<16xf32>,
        %exp3A_1025 = math.exp %get3A_1024 : vector<16xf32>
        %add3A_1026 = arith.addf %add3A_1021, %exp3A_1025 : vector<16xf32>
        %get3A_1027 = arith.index_cast %add3A_1007 : i32 to index
        %get3A_1028 = arith.constant 64 : index
        %get3A_1029 = tpu.vector_load %arg6[%get3A_1027, %get3A_1028] {strides = array<i32>} : memref<128x256xf32, #tpu.memory_space<vmem>>, vector<16xf32>,
        %exp3A_1030 = math.exp %get3A_1029 : vector<16xf32>
        %add3A_1031 = arith.addf %add3A_1026, %exp3A_1030 : vector<16xf32>
        %get3A_1032 = arith.index_cast %add3A_1007 : i32 to index
        %get3A_1033 = arith.constant 80 : index
        %get3A_1034 = tpu.vector_load %arg6[%get3A_1032, %get3A_1033] {strides = array<i32>} : memref<128x256xf32, #tpu.memory_space<vmem>>, vector<16xf32>,
        %exp3A_1035 = math.exp %get3A_1034 : vector<16xf32>
        %add3A_1036 = arith.addf %add3A_1031, %exp3A_1035 : vector<16xf32>
        %get3A_1037 = arith.index_cast %add3A_1007 : i32 to index
        %get3A_1038 = arith.constant 96 : index
        %get3A_1039 = tpu.vector_load %arg6[%get3A_1037, %get3A_1038] {strides = array<i32>} : memref<128x256xf32, #tpu.memory_space<vmem>>, vector<16xf32>,
        %exp3A_1040 = math.exp %get3A_1039 : vector<16xf32>
        %add3A_1041 = arith.addf %add3A_1036, %exp3A_1040 : vector<16xf32>
        %get3A_1042 = arith.index_cast %add3A_1007 : i32 to index
        %get3A_1043 = arith.constant 112 : index
        %get3A_1044 = tpu.vector_load %arg6[%get3A_1042, %get3A_1043] {strides = array<i32>} : memref<128x256xf32, #tpu.memory_space<vmem>>, vector<16xf32>,
        %exp3A_1045 = math.exp %get3A_1044 : vector<16xf32>
        %add3A_1046 = arith.addf %add3A_1041, %exp3A_1045 : vector<16xf32>
        %get3A_1047 = arith.index_cast %add3A_1007 : i32 to index
        %get3A_1048 = arith.constant 128 : index
        %get3A_1049 = tpu.vector_load %arg6[%get3A_1047, %get3A_1048] {strides = array<i32>} : memref<128x256xf32, #tpu.memory_space<vmem>>, vector<16xf32>,
        %exp3A_1050 = math.exp %get3A_1049 : vector<16xf32>
        %add3A_1051 = arith.addf %add3A_1046, %exp3A_1050 : vector<16xf32>
        %get3A_1052 = arith.index_cast %add3A_1007 : i32 to index
        %get3A_1053 = arith.constant 144 : index
        %get3A_1054 = tpu.vector_load %arg6[%get3A_1052, %get3A_1053] {strides = array<i32>} : memref<128x256xf32, #tpu.memory_space<vmem>>, vector<16xf32>,
        %exp3A_1055 = math.exp %get3A_1054 : vector<16xf32>
        %add3A_1056 = arith.addf %add3A_1051, %exp3A_1055 : vector<16xf32>
        %get3A_1057 = arith.index_cast %add3A_1007 : i32 to index
        %get3A_1058 = arith.constant 160 : index
        %get3A_1059 = tpu.vector_load %arg6[%get3A_1057, %get3A_1058] {strides = array<i32>} : memref<128x256xf32, #tpu.memory_space<vmem>>, vector<16xf32>,
        %exp3A_1060 = math.exp %get3A_1059 : vector<16xf32>
        %add3A_1061 = arith.addf %add3A_1056, %exp3A_1060 : vector<16xf32>
        %get3A_1062 = arith.index_cast %add3A_1007 : i32 to index
        %get3A_1063 = arith.constant 176 : index
        %get3A_1064 = tpu.vector_load %arg6[%get3A_1062, %get3A_1063] {strides = array<i32>} : memref<128x256xf32, #tpu.memory_space<vmem>>, vector<16xf32>,
        %exp3A_1065 = math.exp %get3A_1064 : vector<16xf32>
        %add3A_1066 = arith.addf %add3A_1061, %exp3A_1065 : vector<16xf32>
        %get3A_1067 = arith.index_cast %add3A_1007 : i32 to index
        %get3A_1068 = arith.constant 192 : index
        %get3A_1069 = tpu.vector_load %arg6[%get3A_1067, %get3A_1068] {strides = array<i32>} : memref<128x256xf32, #tpu.memory_space<vmem>>, vector<16xf32>,
        %exp3A_1070 = math.exp %get3A_1069 : vector<16xf32>
        %add3A_1071 = arith.addf %add3A_1066, %exp3A_1070 : vector<16xf32>
        %get3A_1072 = arith.index_cast %add3A_1007 : i32 to index
        %get3A_1073 = arith.constant 208 : index
        %get3A_1074 = tpu.vector_load %arg6[%get3A_1072, %get3A_1073] {strides = array<i32>} : memref<128x256xf32, #tpu.memory_space<vmem>>, vector<16xf32>,
        %exp3A_1075 = math.exp %get3A_1074 : vector<16xf32>
        %add3A_1076 = arith.addf %add3A_1071, %exp3A_1075 : vector<16xf32>
        %get3A_1077 = arith.index_cast %add3A_1007 : i32 to index
        %get3A_1078 = arith.constant 224 : index
        %get3A_1079 = tpu.vector_load %arg6[%get3A_1077, %get3A_1078] {strides = array<i32>} : memref<128x256xf32, #tpu.memory_space<vmem>>, vector<16xf32>,
        %exp3A_1080 = math.exp %get3A_1079 : vector<16xf32>
        %add3A_1081 = arith.addf %add3A_1076, %exp3A_1080 : vector<16xf32>
        %get3A_1082 = arith.index_cast %add3A_1007 : i32 to index
        %get3A_1083 = arith.constant 240 : index
        %get3A_1084 = tpu.vector_load %arg6[%get3A_1082, %get3A_1083] {strides = array<i32>} : memref<128x256xf32, #tpu.memory_space<vmem>>, vector<16xf32>,
        %exp3A_1085 = math.exp %get3A_1084 : vector<16xf32>
        %add3A_1086 = arith.addf %add3A_1081, %exp3A_1085 : vector<16xf32>
        %eq3A_1087 = arith.constant 10 : i32
        %eq3A_1088 = vector.broadcast %eq3A_1087 : i32 to vector<16xi32>
        %eq3A_1089 = arith.cmpi eq, %iota3A_86, %eq3A_1088 : vector<16xi32>
        %reduce_sum3A_1090 = arith.constant true
        %reduce_sum3A_1091 = vector.broadcast %reduce_sum3A_1090 : i1 to vector<16xi1>
        %reduce_sum3A_1092 = tpu.scan <sum>, %add3A_1086 masked %reduce_sum3A_1091 : vector<16xf32>, vector<16xi1> -> vector<16xf32>
        %reduce_sum3A_1093 = vector.extract %reduce_sum3A_1092[15] : f32 from vector<16xf32>
        %broadcast_in_dim3A_1094 = vector.broadcast %reduce_sum3A_1093 : f32 to vector<16xf32>
        %select_n3A_1095 = arith.select %eq3A_1089, %broadcast_in_dim3A_1094, %select_n3A_1003 : vector<16xi1>, vector<16xf32>
        %mul3A_1096 = arith.constant 16 : i32
        %mul3A_1097 = arith.muli %scan3A_58, %mul3A_1096 : i32
        %add3A_1098 = arith.constant 11 : i32
        %add3A_1099 = arith.addi %mul3A_1097, %add3A_1098 : i32
        %get3A_1100 = arith.index_cast %add3A_1099 : i32 to index
        %get3A_1101 = arith.constant 0 : index
        %get3A_1102 = tpu.vector_load %arg6[%get3A_1100, %get3A_1101] {strides = array<i32>} : memref<128x256xf32, #tpu.memory_space<vmem>>, vector<16xf32>,
        %exp3A_1103 = math.exp %get3A_1102 : vector<16xf32>
        %get3A_1104 = arith.index_cast %add3A_1099 : i32 to index
        %get3A_1105 = arith.constant 16 : index
        %get3A_1106 = tpu.vector_load %arg6[%get3A_1104, %get3A_1105] {strides = array<i32>} : memref<128x256xf32, #tpu.memory_space<vmem>>, vector<16xf32>,
        %exp3A_1107 = math.exp %get3A_1106 : vector<16xf32>
        %add3A_1108 = arith.addf %exp3A_1103, %exp3A_1107 : vector<16xf32>
        %get3A_1109 = arith.index_cast %add3A_1099 : i32 to index
        %get3A_1110 = arith.constant 32 : index
        %get3A_1111 = tpu.vector_load %arg6[%get3A_1109, %get3A_1110] {strides = array<i32>} : memref<128x256xf32, #tpu.memory_space<vmem>>, vector<16xf32>,
        %exp3A_1112 = math.exp %get3A_1111 : vector<16xf32>
        %add3A_1113 = arith.addf %add3A_1108, %exp3A_1112 : vector<16xf32>
        %get3A_1114 = arith.index_cast %add3A_1099 : i32 to index
        %get3A_1115 = arith.constant 48 : index
        %get3A_1116 = tpu.vector_load %arg6[%get3A_1114, %get3A_1115] {strides = array<i32>} : memref<128x256xf32, #tpu.memory_space<vmem>>, vector<16xf32>,
        %exp3A_1117 = math.exp %get3A_1116 : vector<16xf32>
        %add3A_1118 = arith.addf %add3A_1113, %exp3A_1117 : vector<16xf32>
        %get3A_1119 = arith.index_cast %add3A_1099 : i32 to index
        %get3A_1120 = arith.constant 64 : index
        %get3A_1121 = tpu.vector_load %arg6[%get3A_1119, %get3A_1120] {strides = array<i32>} : memref<128x256xf32, #tpu.memory_space<vmem>>, vector<16xf32>,
        %exp3A_1122 = math.exp %get3A_1121 : vector<16xf32>
        %add3A_1123 = arith.addf %add3A_1118, %exp3A_1122 : vector<16xf32>
        %get3A_1124 = arith.index_cast %add3A_1099 : i32 to index
        %get3A_1125 = arith.constant 80 : index
        %get3A_1126 = tpu.vector_load %arg6[%get3A_1124, %get3A_1125] {strides = array<i32>} : memref<128x256xf32, #tpu.memory_space<vmem>>, vector<16xf32>,
        %exp3A_1127 = math.exp %get3A_1126 : vector<16xf32>
        %add3A_1128 = arith.addf %add3A_1123, %exp3A_1127 : vector<16xf32>
        %get3A_1129 = arith.index_cast %add3A_1099 : i32 to index
        %get3A_1130 = arith.constant 96 : index
        %get3A_1131 = tpu.vector_load %arg6[%get3A_1129, %get3A_1130] {strides = array<i32>} : memref<128x256xf32, #tpu.memory_space<vmem>>, vector<16xf32>,
        %exp3A_1132 = math.exp %get3A_1131 : vector<16xf32>
        %add3A_1133 = arith.addf %add3A_1128, %exp3A_1132 : vector<16xf32>
        %get3A_1134 = arith.index_cast %add3A_1099 : i32 to index
        %get3A_1135 = arith.constant 112 : index
        %get3A_1136 = tpu.vector_load %arg6[%get3A_1134, %get3A_1135] {strides = array<i32>} : memref<128x256xf32, #tpu.memory_space<vmem>>, vector<16xf32>,
        %exp3A_1137 = math.exp %get3A_1136 : vector<16xf32>
        %add3A_1138 = arith.addf %add3A_1133, %exp3A_1137 : vector<16xf32>
        %get3A_1139 = arith.index_cast %add3A_1099 : i32 to index
        %get3A_1140 = arith.constant 128 : index
        %get3A_1141 = tpu.vector_load %arg6[%get3A_1139, %get3A_1140] {strides = array<i32>} : memref<128x256xf32, #tpu.memory_space<vmem>>, vector<16xf32>,
        %exp3A_1142 = math.exp %get3A_1141 : vector<16xf32>
        %add3A_1143 = arith.addf %add3A_1138, %exp3A_1142 : vector<16xf32>
        %get3A_1144 = arith.index_cast %add3A_1099 : i32 to index
        %get3A_1145 = arith.constant 144 : index
        %get3A_1146 = tpu.vector_load %arg6[%get3A_1144, %get3A_1145] {strides = array<i32>} : memref<128x256xf32, #tpu.memory_space<vmem>>, vector<16xf32>,
        %exp3A_1147 = math.exp %get3A_1146 : vector<16xf32>
        %add3A_1148 = arith.addf %add3A_1143, %exp3A_1147 : vector<16xf32>
        %get3A_1149 = arith.index_cast %add3A_1099 : i32 to index
        %get3A_1150 = arith.constant 160 : index
        %get3A_1151 = tpu.vector_load %arg6[%get3A_1149, %get3A_1150] {strides = array<i32>} : memref<128x256xf32, #tpu.memory_space<vmem>>, vector<16xf32>,
        %exp3A_1152 = math.exp %get3A_1151 : vector<16xf32>
        %add3A_1153 = arith.addf %add3A_1148, %exp3A_1152 : vector<16xf32>
        %get3A_1154 = arith.index_cast %add3A_1099 : i32 to index
        %get3A_1155 = arith.constant 176 : index
        %get3A_1156 = tpu.vector_load %arg6[%get3A_1154, %get3A_1155] {strides = array<i32>} : memref<128x256xf32, #tpu.memory_space<vmem>>, vector<16xf32>,
        %exp3A_1157 = math.exp %get3A_1156 : vector<16xf32>
        %add3A_1158 = arith.addf %add3A_1153, %exp3A_1157 : vector<16xf32>
        %get3A_1159 = arith.index_cast %add3A_1099 : i32 to index
        %get3A_1160 = arith.constant 192 : index
        %get3A_1161 = tpu.vector_load %arg6[%get3A_1159, %get3A_1160] {strides = array<i32>} : memref<128x256xf32, #tpu.memory_space<vmem>>, vector<16xf32>,
        %exp3A_1162 = math.exp %get3A_1161 : vector<16xf32>
        %add3A_1163 = arith.addf %add3A_1158, %exp3A_1162 : vector<16xf32>
        %get3A_1164 = arith.index_cast %add3A_1099 : i32 to index
        %get3A_1165 = arith.constant 208 : index
        %get3A_1166 = tpu.vector_load %arg6[%get3A_1164, %get3A_1165] {strides = array<i32>} : memref<128x256xf32, #tpu.memory_space<vmem>>, vector<16xf32>,
        %exp3A_1167 = math.exp %get3A_1166 : vector<16xf32>
        %add3A_1168 = arith.addf %add3A_1163, %exp3A_1167 : vector<16xf32>
        %get3A_1169 = arith.index_cast %add3A_1099 : i32 to index
        %get3A_1170 = arith.constant 224 : index
        %get3A_1171 = tpu.vector_load %arg6[%get3A_1169, %get3A_1170] {strides = array<i32>} : memref<128x256xf32, #tpu.memory_space<vmem>>, vector<16xf32>,
        %exp3A_1172 = math.exp %get3A_1171 : vector<16xf32>
        %add3A_1173 = arith.addf %add3A_1168, %exp3A_1172 : vector<16xf32>
        %get3A_1174 = arith.index_cast %add3A_1099 : i32 to index
        %get3A_1175 = arith.constant 240 : index
        %get3A_1176 = tpu.vector_load %arg6[%get3A_1174, %get3A_1175] {strides = array<i32>} : memref<128x256xf32, #tpu.memory_space<vmem>>, vector<16xf32>,
        %exp3A_1177 = math.exp %get3A_1176 : vector<16xf32>
        %add3A_1178 = arith.addf %add3A_1173, %exp3A_1177 : vector<16xf32>
        %eq3A_1179 = arith.constant 11 : i32
        %eq3A_1180 = vector.broadcast %eq3A_1179 : i32 to vector<16xi32>
        %eq3A_1181 = arith.cmpi eq, %iota3A_86, %eq3A_1180 : vector<16xi32>
        %reduce_sum3A_1182 = arith.constant true
        %reduce_sum3A_1183 = vector.broadcast %reduce_sum3A_1182 : i1 to vector<16xi1>
        %reduce_sum3A_1184 = tpu.scan <sum>, %add3A_1178 masked %reduce_sum3A_1183 : vector<16xf32>, vector<16xi1> -> vector<16xf32>
        %reduce_sum3A_1185 = vector.extract %reduce_sum3A_1184[15] : f32 from vector<16xf32>
        %broadcast_in_dim3A_1186 = vector.broadcast %reduce_sum3A_1185 : f32 to vector<16xf32>
        %select_n3A_1187 = arith.select %eq3A_1181, %broadcast_in_dim3A_1186, %select_n3A_1095 : vector<16xi1>, vector<16xf32>
        %mul3A_1188 = arith.constant 16 : i32
        %mul3A_1189 = arith.muli %scan3A_58, %mul3A_1188 : i32
        %add3A_1190 = arith.constant 12 : i32
        %add3A_1191 = arith.addi %mul3A_1189, %add3A_1190 : i32
        %get3A_1192 = arith.index_cast %add3A_1191 : i32 to index
        %get3A_1193 = arith.constant 0 : index
        %get3A_1194 = tpu.vector_load %arg6[%get3A_1192, %get3A_1193] {strides = array<i32>} : memref<128x256xf32, #tpu.memory_space<vmem>>, vector<16xf32>,
        %exp3A_1195 = math.exp %get3A_1194 : vector<16xf32>
        %get3A_1196 = arith.index_cast %add3A_1191 : i32 to index
        %get3A_1197 = arith.constant 16 : index
        %get3A_1198 = tpu.vector_load %arg6[%get3A_1196, %get3A_1197] {strides = array<i32>} : memref<128x256xf32, #tpu.memory_space<vmem>>, vector<16xf32>,
        %exp3A_1199 = math.exp %get3A_1198 : vector<16xf32>
        %add3A_1200 = arith.addf %exp3A_1195, %exp3A_1199 : vector<16xf32>
        %get3A_1201 = arith.index_cast %add3A_1191 : i32 to index
        %get3A_1202 = arith.constant 32 : index
        %get3A_1203 = tpu.vector_load %arg6[%get3A_1201, %get3A_1202] {strides = array<i32>} : memref<128x256xf32, #tpu.memory_space<vmem>>, vector<16xf32>,
        %exp3A_1204 = math.exp %get3A_1203 : vector<16xf32>
        %add3A_1205 = arith.addf %add3A_1200, %exp3A_1204 : vector<16xf32>
        %get3A_1206 = arith.index_cast %add3A_1191 : i32 to index
        %get3A_1207 = arith.constant 48 : index
        %get3A_1208 = tpu.vector_load %arg6[%get3A_1206, %get3A_1207] {strides = array<i32>} : memref<128x256xf32, #tpu.memory_space<vmem>>, vector<16xf32>,
        %exp3A_1209 = math.exp %get3A_1208 : vector<16xf32>
        %add3A_1210 = arith.addf %add3A_1205, %exp3A_1209 : vector<16xf32>
        %get3A_1211 = arith.index_cast %add3A_1191 : i32 to index
        %get3A_1212 = arith.constant 64 : index
        %get3A_1213 = tpu.vector_load %arg6[%get3A_1211, %get3A_1212] {strides = array<i32>} : memref<128x256xf32, #tpu.memory_space<vmem>>, vector<16xf32>,
        %exp3A_1214 = math.exp %get3A_1213 : vector<16xf32>
        %add3A_1215 = arith.addf %add3A_1210, %exp3A_1214 : vector<16xf32>
        %get3A_1216 = arith.index_cast %add3A_1191 : i32 to index
        %get3A_1217 = arith.constant 80 : index
        %get3A_1218 = tpu.vector_load %arg6[%get3A_1216, %get3A_1217] {strides = array<i32>} : memref<128x256xf32, #tpu.memory_space<vmem>>, vector<16xf32>,
        %exp3A_1219 = math.exp %get3A_1218 : vector<16xf32>
        %add3A_1220 = arith.addf %add3A_1215, %exp3A_1219 : vector<16xf32>
        %get3A_1221 = arith.index_cast %add3A_1191 : i32 to index
        %get3A_1222 = arith.constant 96 : index
        %get3A_1223 = tpu.vector_load %arg6[%get3A_1221, %get3A_1222] {strides = array<i32>} : memref<128x256xf32, #tpu.memory_space<vmem>>, vector<16xf32>,
        %exp3A_1224 = math.exp %get3A_1223 : vector<16xf32>
        %add3A_1225 = arith.addf %add3A_1220, %exp3A_1224 : vector<16xf32>
        %get3A_1226 = arith.index_cast %add3A_1191 : i32 to index
        %get3A_1227 = arith.constant 112 : index
        %get3A_1228 = tpu.vector_load %arg6[%get3A_1226, %get3A_1227] {strides = array<i32>} : memref<128x256xf32, #tpu.memory_space<vmem>>, vector<16xf32>,
        %exp3A_1229 = math.exp %get3A_1228 : vector<16xf32>
        %add3A_1230 = arith.addf %add3A_1225, %exp3A_1229 : vector<16xf32>
        %get3A_1231 = arith.index_cast %add3A_1191 : i32 to index
        %get3A_1232 = arith.constant 128 : index
        %get3A_1233 = tpu.vector_load %arg6[%get3A_1231, %get3A_1232] {strides = array<i32>} : memref<128x256xf32, #tpu.memory_space<vmem>>, vector<16xf32>,
        %exp3A_1234 = math.exp %get3A_1233 : vector<16xf32>
        %add3A_1235 = arith.addf %add3A_1230, %exp3A_1234 : vector<16xf32>
        %get3A_1236 = arith.index_cast %add3A_1191 : i32 to index
        %get3A_1237 = arith.constant 144 : index
        %get3A_1238 = tpu.vector_load %arg6[%get3A_1236, %get3A_1237] {strides = array<i32>} : memref<128x256xf32, #tpu.memory_space<vmem>>, vector<16xf32>,
        %exp3A_1239 = math.exp %get3A_1238 : vector<16xf32>
        %add3A_1240 = arith.addf %add3A_1235, %exp3A_1239 : vector<16xf32>
        %get3A_1241 = arith.index_cast %add3A_1191 : i32 to index
        %get3A_1242 = arith.constant 160 : index
        %get3A_1243 = tpu.vector_load %arg6[%get3A_1241, %get3A_1242] {strides = array<i32>} : memref<128x256xf32, #tpu.memory_space<vmem>>, vector<16xf32>,
        %exp3A_1244 = math.exp %get3A_1243 : vector<16xf32>
        %add3A_1245 = arith.addf %add3A_1240, %exp3A_1244 : vector<16xf32>
        %get3A_1246 = arith.index_cast %add3A_1191 : i32 to index
        %get3A_1247 = arith.constant 176 : index
        %get3A_1248 = tpu.vector_load %arg6[%get3A_1246, %get3A_1247] {strides = array<i32>} : memref<128x256xf32, #tpu.memory_space<vmem>>, vector<16xf32>,
        %exp3A_1249 = math.exp %get3A_1248 : vector<16xf32>
        %add3A_1250 = arith.addf %add3A_1245, %exp3A_1249 : vector<16xf32>
        %get3A_1251 = arith.index_cast %add3A_1191 : i32 to index
        %get3A_1252 = arith.constant 192 : index
        %get3A_1253 = tpu.vector_load %arg6[%get3A_1251, %get3A_1252] {strides = array<i32>} : memref<128x256xf32, #tpu.memory_space<vmem>>, vector<16xf32>,
        %exp3A_1254 = math.exp %get3A_1253 : vector<16xf32>
        %add3A_1255 = arith.addf %add3A_1250, %exp3A_1254 : vector<16xf32>
        %get3A_1256 = arith.index_cast %add3A_1191 : i32 to index
        %get3A_1257 = arith.constant 208 : index
        %get3A_1258 = tpu.vector_load %arg6[%get3A_1256, %get3A_1257] {strides = array<i32>} : memref<128x256xf32, #tpu.memory_space<vmem>>, vector<16xf32>,
        %exp3A_1259 = math.exp %get3A_1258 : vector<16xf32>
        %add3A_1260 = arith.addf %add3A_1255, %exp3A_1259 : vector<16xf32>
        %get3A_1261 = arith.index_cast %add3A_1191 : i32 to index
        %get3A_1262 = arith.constant 224 : index
        %get3A_1263 = tpu.vector_load %arg6[%get3A_1261, %get3A_1262] {strides = array<i32>} : memref<128x256xf32, #tpu.memory_space<vmem>>, vector<16xf32>,
        %exp3A_1264 = math.exp %get3A_1263 : vector<16xf32>
        %add3A_1265 = arith.addf %add3A_1260, %exp3A_1264 : vector<16xf32>
        %get3A_1266 = arith.index_cast %add3A_1191 : i32 to index
        %get3A_1267 = arith.constant 240 : index
        %get3A_1268 = tpu.vector_load %arg6[%get3A_1266, %get3A_1267] {strides = array<i32>} : memref<128x256xf32, #tpu.memory_space<vmem>>, vector<16xf32>,
        %exp3A_1269 = math.exp %get3A_1268 : vector<16xf32>
        %add3A_1270 = arith.addf %add3A_1265, %exp3A_1269 : vector<16xf32>
        %eq3A_1271 = arith.constant 12 : i32
        %eq3A_1272 = vector.broadcast %eq3A_1271 : i32 to vector<16xi32>
        %eq3A_1273 = arith.cmpi eq, %iota3A_86, %eq3A_1272 : vector<16xi32>
        %reduce_sum3A_1274 = arith.constant true
        %reduce_sum3A_1275 = vector.broadcast %reduce_sum3A_1274 : i1 to vector<16xi1>
        %reduce_sum3A_1276 = tpu.scan <sum>, %add3A_1270 masked %reduce_sum3A_1275 : vector<16xf32>, vector<16xi1> -> vector<16xf32>
        %reduce_sum3A_1277 = vector.extract %reduce_sum3A_1276[15] : f32 from vector<16xf32>
        %broadcast_in_dim3A_1278 = vector.broadcast %reduce_sum3A_1277 : f32 to vector<16xf32>
        %select_n3A_1279 = arith.select %eq3A_1273, %broadcast_in_dim3A_1278, %select_n3A_1187 : vector<16xi1>, vector<16xf32>
        %mul3A_1280 = arith.constant 16 : i32
        %mul3A_1281 = arith.muli %scan3A_58, %mul3A_1280 : i32
        %add3A_1282 = arith.constant 13 : i32
        %add3A_1283 = arith.addi %mul3A_1281, %add3A_1282 : i32
        %get3A_1284 = arith.index_cast %add3A_1283 : i32 to index
        %get3A_1285 = arith.constant 0 : index
        %get3A_1286 = tpu.vector_load %arg6[%get3A_1284, %get3A_1285] {strides = array<i32>} : memref<128x256xf32, #tpu.memory_space<vmem>>, vector<16xf32>,
        %exp3A_1287 = math.exp %get3A_1286 : vector<16xf32>
        %get3A_1288 = arith.index_cast %add3A_1283 : i32 to index
        %get3A_1289 = arith.constant 16 : index
        %get3A_1290 = tpu.vector_load %arg6[%get3A_1288, %get3A_1289] {strides = array<i32>} : memref<128x256xf32, #tpu.memory_space<vmem>>, vector<16xf32>,
        %exp3A_1291 = math.exp %get3A_1290 : vector<16xf32>
        %add3A_1292 = arith.addf %exp3A_1287, %exp3A_1291 : vector<16xf32>
        %get3A_1293 = arith.index_cast %add3A_1283 : i32 to index
        %get3A_1294 = arith.constant 32 : index
        %get3A_1295 = tpu.vector_load %arg6[%get3A_1293, %get3A_1294] {strides = array<i32>} : memref<128x256xf32, #tpu.memory_space<vmem>>, vector<16xf32>,
        %exp3A_1296 = math.exp %get3A_1295 : vector<16xf32>
        %add3A_1297 = arith.addf %add3A_1292, %exp3A_1296 : vector<16xf32>
        %get3A_1298 = arith.index_cast %add3A_1283 : i32 to index
        %get3A_1299 = arith.constant 48 : index
        %get3A_1300 = tpu.vector_load %arg6[%get3A_1298, %get3A_1299] {strides = array<i32>} : memref<128x256xf32, #tpu.memory_space<vmem>>, vector<16xf32>,
        %exp3A_1301 = math.exp %get3A_1300 : vector<16xf32>
        %add3A_1302 = arith.addf %add3A_1297, %exp3A_1301 : vector<16xf32>
        %get3A_1303 = arith.index_cast %add3A_1283 : i32 to index
        %get3A_1304 = arith.constant 64 : index
        %get3A_1305 = tpu.vector_load %arg6[%get3A_1303, %get3A_1304] {strides = array<i32>} : memref<128x256xf32, #tpu.memory_space<vmem>>, vector<16xf32>,
        %exp3A_1306 = math.exp %get3A_1305 : vector<16xf32>
        %add3A_1307 = arith.addf %add3A_1302, %exp3A_1306 : vector<16xf32>
        %get3A_1308 = arith.index_cast %add3A_1283 : i32 to index
        %get3A_1309 = arith.constant 80 : index
        %get3A_1310 = tpu.vector_load %arg6[%get3A_1308, %get3A_1309] {strides = array<i32>} : memref<128x256xf32, #tpu.memory_space<vmem>>, vector<16xf32>,
        %exp3A_1311 = math.exp %get3A_1310 : vector<16xf32>
        %add3A_1312 = arith.addf %add3A_1307, %exp3A_1311 : vector<16xf32>
        %get3A_1313 = arith.index_cast %add3A_1283 : i32 to index
        %get3A_1314 = arith.constant 96 : index
        %get3A_1315 = tpu.vector_load %arg6[%get3A_1313, %get3A_1314] {strides = array<i32>} : memref<128x256xf32, #tpu.memory_space<vmem>>, vector<16xf32>,
        %exp3A_1316 = math.exp %get3A_1315 : vector<16xf32>
        %add3A_1317 = arith.addf %add3A_1312, %exp3A_1316 : vector<16xf32>
        %get3A_1318 = arith.index_cast %add3A_1283 : i32 to index
        %get3A_1319 = arith.constant 112 : index
        %get3A_1320 = tpu.vector_load %arg6[%get3A_1318, %get3A_1319] {strides = array<i32>} : memref<128x256xf32, #tpu.memory_space<vmem>>, vector<16xf32>,
        %exp3A_1321 = math.exp %get3A_1320 : vector<16xf32>
        %add3A_1322 = arith.addf %add3A_1317, %exp3A_1321 : vector<16xf32>
        %get3A_1323 = arith.index_cast %add3A_1283 : i32 to index
        %get3A_1324 = arith.constant 128 : index
        %get3A_1325 = tpu.vector_load %arg6[%get3A_1323, %get3A_1324] {strides = array<i32>} : memref<128x256xf32, #tpu.memory_space<vmem>>, vector<16xf32>,
        %exp3A_1326 = math.exp %get3A_1325 : vector<16xf32>
        %add3A_1327 = arith.addf %add3A_1322, %exp3A_1326 : vector<16xf32>
        %get3A_1328 = arith.index_cast %add3A_1283 : i32 to index
        %get3A_1329 = arith.constant 144 : index
        %get3A_1330 = tpu.vector_load %arg6[%get3A_1328, %get3A_1329] {strides = array<i32>} : memref<128x256xf32, #tpu.memory_space<vmem>>, vector<16xf32>,
        %exp3A_1331 = math.exp %get3A_1330 : vector<16xf32>
        %add3A_1332 = arith.addf %add3A_1327, %exp3A_1331 : vector<16xf32>
        %get3A_1333 = arith.index_cast %add3A_1283 : i32 to index
        %get3A_1334 = arith.constant 160 : index
        %get3A_1335 = tpu.vector_load %arg6[%get3A_1333, %get3A_1334] {strides = array<i32>} : memref<128x256xf32, #tpu.memory_space<vmem>>, vector<16xf32>,
        %exp3A_1336 = math.exp %get3A_1335 : vector<16xf32>
        %add3A_1337 = arith.addf %add3A_1332, %exp3A_1336 : vector<16xf32>
        %get3A_1338 = arith.index_cast %add3A_1283 : i32 to index
        %get3A_1339 = arith.constant 176 : index
        %get3A_1340 = tpu.vector_load %arg6[%get3A_1338, %get3A_1339] {strides = array<i32>} : memref<128x256xf32, #tpu.memory_space<vmem>>, vector<16xf32>,
        %exp3A_1341 = math.exp %get3A_1340 : vector<16xf32>
        %add3A_1342 = arith.addf %add3A_1337, %exp3A_1341 : vector<16xf32>
        %get3A_1343 = arith.index_cast %add3A_1283 : i32 to index
        %get3A_1344 = arith.constant 192 : index
        %get3A_1345 = tpu.vector_load %arg6[%get3A_1343, %get3A_1344] {strides = array<i32>} : memref<128x256xf32, #tpu.memory_space<vmem>>, vector<16xf32>,
        %exp3A_1346 = math.exp %get3A_1345 : vector<16xf32>
        %add3A_1347 = arith.addf %add3A_1342, %exp3A_1346 : vector<16xf32>
        %get3A_1348 = arith.index_cast %add3A_1283 : i32 to index
        %get3A_1349 = arith.constant 208 : index
        %get3A_1350 = tpu.vector_load %arg6[%get3A_1348, %get3A_1349] {strides = array<i32>} : memref<128x256xf32, #tpu.memory_space<vmem>>, vector<16xf32>,
        %exp3A_1351 = math.exp %get3A_1350 : vector<16xf32>
        %add3A_1352 = arith.addf %add3A_1347, %exp3A_1351 : vector<16xf32>
        %get3A_1353 = arith.index_cast %add3A_1283 : i32 to index
        %get3A_1354 = arith.constant 224 : index
        %get3A_1355 = tpu.vector_load %arg6[%get3A_1353, %get3A_1354] {strides = array<i32>} : memref<128x256xf32, #tpu.memory_space<vmem>>, vector<16xf32>,
        %exp3A_1356 = math.exp %get3A_1355 : vector<16xf32>
        %add3A_1357 = arith.addf %add3A_1352, %exp3A_1356 : vector<16xf32>
        %get3A_1358 = arith.index_cast %add3A_1283 : i32 to index
        %get3A_1359 = arith.constant 240 : index
        %get3A_1360 = tpu.vector_load %arg6[%get3A_1358, %get3A_1359] {strides = array<i32>} : memref<128x256xf32, #tpu.memory_space<vmem>>, vector<16xf32>,
        %exp3A_1361 = math.exp %get3A_1360 : vector<16xf32>
        %add3A_1362 = arith.addf %add3A_1357, %exp3A_1361 : vector<16xf32>
        %eq3A_1363 = arith.constant 13 : i32
        %eq3A_1364 = vector.broadcast %eq3A_1363 : i32 to vector<16xi32>
        %eq3A_1365 = arith.cmpi eq, %iota3A_86, %eq3A_1364 : vector<16xi32>
        %reduce_sum3A_1366 = arith.constant true
        %reduce_sum3A_1367 = vector.broadcast %reduce_sum3A_1366 : i1 to vector<16xi1>
        %reduce_sum3A_1368 = tpu.scan <sum>, %add3A_1362 masked %reduce_sum3A_1367 : vector<16xf32>, vector<16xi1> -> vector<16xf32>
        %reduce_sum3A_1369 = vector.extract %reduce_sum3A_1368[15] : f32 from vector<16xf32>
        %broadcast_in_dim3A_1370 = vector.broadcast %reduce_sum3A_1369 : f32 to vector<16xf32>
        %select_n3A_1371 = arith.select %eq3A_1365, %broadcast_in_dim3A_1370, %select_n3A_1279 : vector<16xi1>, vector<16xf32>
        %mul3A_1372 = arith.constant 16 : i32
        %mul3A_1373 = arith.muli %scan3A_58, %mul3A_1372 : i32
        %add3A_1374 = arith.constant 14 : i32
        %add3A_1375 = arith.addi %mul3A_1373, %add3A_1374 : i32
        %get3A_1376 = arith.index_cast %add3A_1375 : i32 to index
        %get3A_1377 = arith.constant 0 : index
        %get3A_1378 = tpu.vector_load %arg6[%get3A_1376, %get3A_1377] {strides = array<i32>} : memref<128x256xf32, #tpu.memory_space<vmem>>, vector<16xf32>,
        %exp3A_1379 = math.exp %get3A_1378 : vector<16xf32>
        %get3A_1380 = arith.index_cast %add3A_1375 : i32 to index
        %get3A_1381 = arith.constant 16 : index
        %get3A_1382 = tpu.vector_load %arg6[%get3A_1380, %get3A_1381] {strides = array<i32>} : memref<128x256xf32, #tpu.memory_space<vmem>>, vector<16xf32>,
        %exp3A_1383 = math.exp %get3A_1382 : vector<16xf32>
        %add3A_1384 = arith.addf %exp3A_1379, %exp3A_1383 : vector<16xf32>
        %get3A_1385 = arith.index_cast %add3A_1375 : i32 to index
        %get3A_1386 = arith.constant 32 : index
        %get3A_1387 = tpu.vector_load %arg6[%get3A_1385, %get3A_1386] {strides = array<i32>} : memref<128x256xf32, #tpu.memory_space<vmem>>, vector<16xf32>,
        %exp3A_1388 = math.exp %get3A_1387 : vector<16xf32>
        %add3A_1389 = arith.addf %add3A_1384, %exp3A_1388 : vector<16xf32>
        %get3A_1390 = arith.index_cast %add3A_1375 : i32 to index
        %get3A_1391 = arith.constant 48 : index
        %get3A_1392 = tpu.vector_load %arg6[%get3A_1390, %get3A_1391] {strides = array<i32>} : memref<128x256xf32, #tpu.memory_space<vmem>>, vector<16xf32>,
        %exp3A_1393 = math.exp %get3A_1392 : vector<16xf32>
        %add3A_1394 = arith.addf %add3A_1389, %exp3A_1393 : vector<16xf32>
        %get3A_1395 = arith.index_cast %add3A_1375 : i32 to index
        %get3A_1396 = arith.constant 64 : index
        %get3A_1397 = tpu.vector_load %arg6[%get3A_1395, %get3A_1396] {strides = array<i32>} : memref<128x256xf32, #tpu.memory_space<vmem>>, vector<16xf32>,
        %exp3A_1398 = math.exp %get3A_1397 : vector<16xf32>
        %add3A_1399 = arith.addf %add3A_1394, %exp3A_1398 : vector<16xf32>
        %get3A_1400 = arith.index_cast %add3A_1375 : i32 to index
        %get3A_1401 = arith.constant 80 : index
        %get3A_1402 = tpu.vector_load %arg6[%get3A_1400, %get3A_1401] {strides = array<i32>} : memref<128x256xf32, #tpu.memory_space<vmem>>, vector<16xf32>,
        %exp3A_1403 = math.exp %get3A_1402 : vector<16xf32>
        %add3A_1404 = arith.addf %add3A_1399, %exp3A_1403 : vector<16xf32>
        %get3A_1405 = arith.index_cast %add3A_1375 : i32 to index
        %get3A_1406 = arith.constant 96 : index
        %get3A_1407 = tpu.vector_load %arg6[%get3A_1405, %get3A_1406] {strides = array<i32>} : memref<128x256xf32, #tpu.memory_space<vmem>>, vector<16xf32>,
        %exp3A_1408 = math.exp %get3A_1407 : vector<16xf32>
        %add3A_1409 = arith.addf %add3A_1404, %exp3A_1408 : vector<16xf32>
        %get3A_1410 = arith.index_cast %add3A_1375 : i32 to index
        %get3A_1411 = arith.constant 112 : index
        %get3A_1412 = tpu.vector_load %arg6[%get3A_1410, %get3A_1411] {strides = array<i32>} : memref<128x256xf32, #tpu.memory_space<vmem>>, vector<16xf32>,
        %exp3A_1413 = math.exp %get3A_1412 : vector<16xf32>
        %add3A_1414 = arith.addf %add3A_1409, %exp3A_1413 : vector<16xf32>
        %get3A_1415 = arith.index_cast %add3A_1375 : i32 to index
        %get3A_1416 = arith.constant 128 : index
        %get3A_1417 = tpu.vector_load %arg6[%get3A_1415, %get3A_1416] {strides = array<i32>} : memref<128x256xf32, #tpu.memory_space<vmem>>, vector<16xf32>,
        %exp3A_1418 = math.exp %get3A_1417 : vector<16xf32>
        %add3A_1419 = arith.addf %add3A_1414, %exp3A_1418 : vector<16xf32>
        %get3A_1420 = arith.index_cast %add3A_1375 : i32 to index
        %get3A_1421 = arith.constant 144 : index
        %get3A_1422 = tpu.vector_load %arg6[%get3A_1420, %get3A_1421] {strides = array<i32>} : memref<128x256xf32, #tpu.memory_space<vmem>>, vector<16xf32>,
        %exp3A_1423 = math.exp %get3A_1422 : vector<16xf32>
        %add3A_1424 = arith.addf %add3A_1419, %exp3A_1423 : vector<16xf32>
        %get3A_1425 = arith.index_cast %add3A_1375 : i32 to index
        %get3A_1426 = arith.constant 160 : index
        %get3A_1427 = tpu.vector_load %arg6[%get3A_1425, %get3A_1426] {strides = array<i32>} : memref<128x256xf32, #tpu.memory_space<vmem>>, vector<16xf32>,
        %exp3A_1428 = math.exp %get3A_1427 : vector<16xf32>
        %add3A_1429 = arith.addf %add3A_1424, %exp3A_1428 : vector<16xf32>
        %get3A_1430 = arith.index_cast %add3A_1375 : i32 to index
        %get3A_1431 = arith.constant 176 : index
        %get3A_1432 = tpu.vector_load %arg6[%get3A_1430, %get3A_1431] {strides = array<i32>} : memref<128x256xf32, #tpu.memory_space<vmem>>, vector<16xf32>,
        %exp3A_1433 = math.exp %get3A_1432 : vector<16xf32>
        %add3A_1434 = arith.addf %add3A_1429, %exp3A_1433 : vector<16xf32>
        %get3A_1435 = arith.index_cast %add3A_1375 : i32 to index
        %get3A_1436 = arith.constant 192 : index
        %get3A_1437 = tpu.vector_load %arg6[%get3A_1435, %get3A_1436] {strides = array<i32>} : memref<128x256xf32, #tpu.memory_space<vmem>>, vector<16xf32>,
        %exp3A_1438 = math.exp %get3A_1437 : vector<16xf32>
        %add3A_1439 = arith.addf %add3A_1434, %exp3A_1438 : vector<16xf32>
        %get3A_1440 = arith.index_cast %add3A_1375 : i32 to index
        %get3A_1441 = arith.constant 208 : index
        %get3A_1442 = tpu.vector_load %arg6[%get3A_1440, %get3A_1441] {strides = array<i32>} : memref<128x256xf32, #tpu.memory_space<vmem>>, vector<16xf32>,
        %exp3A_1443 = math.exp %get3A_1442 : vector<16xf32>
        %add3A_1444 = arith.addf %add3A_1439, %exp3A_1443 : vector<16xf32>
        %get3A_1445 = arith.index_cast %add3A_1375 : i32 to index
        %get3A_1446 = arith.constant 224 : index
        %get3A_1447 = tpu.vector_load %arg6[%get3A_1445, %get3A_1446] {strides = array<i32>} : memref<128x256xf32, #tpu.memory_space<vmem>>, vector<16xf32>,
        %exp3A_1448 = math.exp %get3A_1447 : vector<16xf32>
        %add3A_1449 = arith.addf %add3A_1444, %exp3A_1448 : vector<16xf32>
        %get3A_1450 = arith.index_cast %add3A_1375 : i32 to index
        %get3A_1451 = arith.constant 240 : index
        %get3A_1452 = tpu.vector_load %arg6[%get3A_1450, %get3A_1451] {strides = array<i32>} : memref<128x256xf32, #tpu.memory_space<vmem>>, vector<16xf32>,
        %exp3A_1453 = math.exp %get3A_1452 : vector<16xf32>
        %add3A_1454 = arith.addf %add3A_1449, %exp3A_1453 : vector<16xf32>
        %eq3A_1455 = arith.constant 14 : i32
        %eq3A_1456 = vector.broadcast %eq3A_1455 : i32 to vector<16xi32>
        %eq3A_1457 = arith.cmpi eq, %iota3A_86, %eq3A_1456 : vector<16xi32>
        %reduce_sum3A_1458 = arith.constant true
        %reduce_sum3A_1459 = vector.broadcast %reduce_sum3A_1458 : i1 to vector<16xi1>
        %reduce_sum3A_1460 = tpu.scan <sum>, %add3A_1454 masked %reduce_sum3A_1459 : vector<16xf32>, vector<16xi1> -> vector<16xf32>
        %reduce_sum3A_1461 = vector.extract %reduce_sum3A_1460[15] : f32 from vector<16xf32>
        %broadcast_in_dim3A_1462 = vector.broadcast %reduce_sum3A_1461 : f32 to vector<16xf32>
        %select_n3A_1463 = arith.select %eq3A_1457, %broadcast_in_dim3A_1462, %select_n3A_1371 : vector<16xi1>, vector<16xf32>
        %mul3A_1464 = arith.constant 16 : i32
        %mul3A_1465 = arith.muli %scan3A_58, %mul3A_1464 : i32
        %add3A_1466 = arith.constant 15 : i32
        %add3A_1467 = arith.addi %mul3A_1465, %add3A_1466 : i32
        %get3A_1468 = arith.index_cast %add3A_1467 : i32 to index
        %get3A_1469 = arith.constant 0 : index
        %get3A_1470 = tpu.vector_load %arg6[%get3A_1468, %get3A_1469] {strides = array<i32>} : memref<128x256xf32, #tpu.memory_space<vmem>>, vector<16xf32>,
        %exp3A_1471 = math.exp %get3A_1470 : vector<16xf32>
        %get3A_1472 = arith.index_cast %add3A_1467 : i32 to index
        %get3A_1473 = arith.constant 16 : index
        %get3A_1474 = tpu.vector_load %arg6[%get3A_1472, %get3A_1473] {strides = array<i32>} : memref<128x256xf32, #tpu.memory_space<vmem>>, vector<16xf32>,
        %exp3A_1475 = math.exp %get3A_1474 : vector<16xf32>
        %add3A_1476 = arith.addf %exp3A_1471, %exp3A_1475 : vector<16xf32>
        %get3A_1477 = arith.index_cast %add3A_1467 : i32 to index
        %get3A_1478 = arith.constant 32 : index
        %get3A_1479 = tpu.vector_load %arg6[%get3A_1477, %get3A_1478] {strides = array<i32>} : memref<128x256xf32, #tpu.memory_space<vmem>>, vector<16xf32>,
        %exp3A_1480 = math.exp %get3A_1479 : vector<16xf32>
        %add3A_1481 = arith.addf %add3A_1476, %exp3A_1480 : vector<16xf32>
        %get3A_1482 = arith.index_cast %add3A_1467 : i32 to index
        %get3A_1483 = arith.constant 48 : index
        %get3A_1484 = tpu.vector_load %arg6[%get3A_1482, %get3A_1483] {strides = array<i32>} : memref<128x256xf32, #tpu.memory_space<vmem>>, vector<16xf32>,
        %exp3A_1485 = math.exp %get3A_1484 : vector<16xf32>
        %add3A_1486 = arith.addf %add3A_1481, %exp3A_1485 : vector<16xf32>
        %get3A_1487 = arith.index_cast %add3A_1467 : i32 to index
        %get3A_1488 = arith.constant 64 : index
        %get3A_1489 = tpu.vector_load %arg6[%get3A_1487, %get3A_1488] {strides = array<i32>} : memref<128x256xf32, #tpu.memory_space<vmem>>, vector<16xf32>,
        %exp3A_1490 = math.exp %get3A_1489 : vector<16xf32>
        %add3A_1491 = arith.addf %add3A_1486, %exp3A_1490 : vector<16xf32>
        %get3A_1492 = arith.index_cast %add3A_1467 : i32 to index
        %get3A_1493 = arith.constant 80 : index
        %get3A_1494 = tpu.vector_load %arg6[%get3A_1492, %get3A_1493] {strides = array<i32>} : memref<128x256xf32, #tpu.memory_space<vmem>>, vector<16xf32>,
        %exp3A_1495 = math.exp %get3A_1494 : vector<16xf32>
        %add3A_1496 = arith.addf %add3A_1491, %exp3A_1495 : vector<16xf32>
        %get3A_1497 = arith.index_cast %add3A_1467 : i32 to index
        %get3A_1498 = arith.constant 96 : index
        %get3A_1499 = tpu.vector_load %arg6[%get3A_1497, %get3A_1498] {strides = array<i32>} : memref<128x256xf32, #tpu.memory_space<vmem>>, vector<16xf32>,
        %exp3A_1500 = math.exp %get3A_1499 : vector<16xf32>
        %add3A_1501 = arith.addf %add3A_1496, %exp3A_1500 : vector<16xf32>
        %get3A_1502 = arith.index_cast %add3A_1467 : i32 to index
        %get3A_1503 = arith.constant 112 : index
        %get3A_1504 = tpu.vector_load %arg6[%get3A_1502, %get3A_1503] {strides = array<i32>} : memref<128x256xf32, #tpu.memory_space<vmem>>, vector<16xf32>,
        %exp3A_1505 = math.exp %get3A_1504 : vector<16xf32>
        %add3A_1506 = arith.addf %add3A_1501, %exp3A_1505 : vector<16xf32>
        %get3A_1507 = arith.index_cast %add3A_1467 : i32 to index
        %get3A_1508 = arith.constant 128 : index
        %get3A_1509 = tpu.vector_load %arg6[%get3A_1507, %get3A_1508] {strides = array<i32>} : memref<128x256xf32, #tpu.memory_space<vmem>>, vector<16xf32>,
        %exp3A_1510 = math.exp %get3A_1509 : vector<16xf32>
        %add3A_1511 = arith.addf %add3A_1506, %exp3A_1510 : vector<16xf32>
        %get3A_1512 = arith.index_cast %add3A_1467 : i32 to index
        %get3A_1513 = arith.constant 144 : index
        %get3A_1514 = tpu.vector_load %arg6[%get3A_1512, %get3A_1513] {strides = array<i32>} : memref<128x256xf32, #tpu.memory_space<vmem>>, vector<16xf32>,
        %exp3A_1515 = math.exp %get3A_1514 : vector<16xf32>
        %add3A_1516 = arith.addf %add3A_1511, %exp3A_1515 : vector<16xf32>
        %get3A_1517 = arith.index_cast %add3A_1467 : i32 to index
        %get3A_1518 = arith.constant 160 : index
        %get3A_1519 = tpu.vector_load %arg6[%get3A_1517, %get3A_1518] {strides = array<i32>} : memref<128x256xf32, #tpu.memory_space<vmem>>, vector<16xf32>,
        %exp3A_1520 = math.exp %get3A_1519 : vector<16xf32>
        %add3A_1521 = arith.addf %add3A_1516, %exp3A_1520 : vector<16xf32>
        %get3A_1522 = arith.index_cast %add3A_1467 : i32 to index
        %get3A_1523 = arith.constant 176 : index
        %get3A_1524 = tpu.vector_load %arg6[%get3A_1522, %get3A_1523] {strides = array<i32>} : memref<128x256xf32, #tpu.memory_space<vmem>>, vector<16xf32>,
        %exp3A_1525 = math.exp %get3A_1524 : vector<16xf32>
        %add3A_1526 = arith.addf %add3A_1521, %exp3A_1525 : vector<16xf32>
        %get3A_1527 = arith.index_cast %add3A_1467 : i32 to index
        %get3A_1528 = arith.constant 192 : index
        %get3A_1529 = tpu.vector_load %arg6[%get3A_1527, %get3A_1528] {strides = array<i32>} : memref<128x256xf32, #tpu.memory_space<vmem>>, vector<16xf32>,
        %exp3A_1530 = math.exp %get3A_1529 : vector<16xf32>
        %add3A_1531 = arith.addf %add3A_1526, %exp3A_1530 : vector<16xf32>
        %get3A_1532 = arith.index_cast %add3A_1467 : i32 to index
        %get3A_1533 = arith.constant 208 : index
        %get3A_1534 = tpu.vector_load %arg6[%get3A_1532, %get3A_1533] {strides = array<i32>} : memref<128x256xf32, #tpu.memory_space<vmem>>, vector<16xf32>,
        %exp3A_1535 = math.exp %get3A_1534 : vector<16xf32>
        %add3A_1536 = arith.addf %add3A_1531, %exp3A_1535 : vector<16xf32>
        %get3A_1537 = arith.index_cast %add3A_1467 : i32 to index
        %get3A_1538 = arith.constant 224 : index
        %get3A_1539 = tpu.vector_load %arg6[%get3A_1537, %get3A_1538] {strides = array<i32>} : memref<128x256xf32, #tpu.memory_space<vmem>>, vector<16xf32>,
        %exp3A_1540 = math.exp %get3A_1539 : vector<16xf32>
        %add3A_1541 = arith.addf %add3A_1536, %exp3A_1540 : vector<16xf32>
        %get3A_1542 = arith.index_cast %add3A_1467 : i32 to index
        %get3A_1543 = arith.constant 240 : index
        %get3A_1544 = tpu.vector_load %arg6[%get3A_1542, %get3A_1543] {strides = array<i32>} : memref<128x256xf32, #tpu.memory_space<vmem>>, vector<16xf32>,
        %exp3A_1545 = math.exp %get3A_1544 : vector<16xf32>
        %add3A_1546 = arith.addf %add3A_1541, %exp3A_1545 : vector<16xf32>
        %eq3A_1547 = arith.constant 15 : i32
        %eq3A_1548 = vector.broadcast %eq3A_1547 : i32 to vector<16xi32>
        %eq3A_1549 = arith.cmpi eq, %iota3A_86, %eq3A_1548 : vector<16xi32>
        %reduce_sum3A_1550 = arith.constant true
        %reduce_sum3A_1551 = vector.broadcast %reduce_sum3A_1550 : i1 to vector<16xi1>
        %reduce_sum3A_1552 = tpu.scan <sum>, %add3A_1546 masked %reduce_sum3A_1551 : vector<16xf32>, vector<16xi1> -> vector<16xf32>
        %reduce_sum3A_1553 = vector.extract %reduce_sum3A_1552[15] : f32 from vector<16xf32>
        %broadcast_in_dim3A_1554 = vector.broadcast %reduce_sum3A_1553 : f32 to vector<16xf32>
        %select_n3A_1555 = arith.select %eq3A_1549, %broadcast_in_dim3A_1554, %select_n3A_1463 : vector<16xi1>, vector<16xf32>
        %swap3A_1556 = arith.index_cast %add3A_63 : i32 to index
        %swap3A_1557 = tpu.vector_load %arg9[%swap3A_1556] {strides = array<i32>} : memref<4096xf32, #tpu.memory_space<vmem>>, vector<16xf32>,
        tpu.vector_store %arg9[%swap3A_1556], %select_n3A_1555 {strides = array<i32>} : memref<4096xf32, #tpu.memory_space<vmem>>, vector<16xf32>,
      }
      %scan3A_32 = arith.constant 8 : i32
      %mul3A_33 = arith.constant 2 : i32
      %mul3A_34 = arith.muli %mul3A_33, %scan3A_13 : i32
      %add3A_35 = arith.constant 1 : i32
      %add3A_36 = arith.addi %mul3A_34, %add3A_35 : i32
      %add3A_37 = arith.constant 1 : i32
      %add3A_38 = arith.addi %add3A_36, %add3A_37 : i32
      %lt3A_39 = arith.constant 32 : i32
      %lt3A_40 = arith.cmpi slt, %add3A_38, %lt3A_39 : i32
      %convert_element_type3A_41 = arith.extui %lt3A_40 : i1 to i32
      %cond3A_42 = arith.constant 0 : i32
      %cond3A_43 = arith.cmpi ne, %convert_element_type3A_41, %cond3A_42 : i32
      scf.if %cond3A_43 {
        %add3A_58 = arith.constant 1 : i32
        %add3A_59 = arith.addi %add3A_36, %add3A_58 : i32
        %mul3A_60 = arith.constant 128 : i32
        %mul3A_61 = arith.muli %add3A_59, %mul3A_60 : i32
        %dma_start3A_62 = arith.constant 0 : i32
        %dma_start3A_63 = tpu.memref_slice %arg2[%add3A, %mul3A_61, %dma_start3A_62] : memref<32x4096x256xf32, #tpu.memory_space<hbm>> -> memref<1x128x256xf32, #tpu.memory_space<hbm>>
        %dma_start3A_64 = tpu.memref_squeeze %dma_start3A_63 : memref<1x128x256xf32, #tpu.memory_space<hbm>> -> memref<128x256xf32, #tpu.memory_space<hbm>>
        %dma_start3A_65 = arith.constant 0 : i32
        %dma_start3A_66 = tpu.memref_slice %arg2[%add3A, %mul3A_61, %dma_start3A_65] : memref<32x4096x256xf32, #tpu.memory_space<hbm>> -> memref<1x128x256xf32, #tpu.memory_space<hbm>>
        %dma_start3A_67 = tpu.memref_squeeze %dma_start3A_66 : memref<1x128x256xf32, #tpu.memory_space<hbm>> -> memref<128x256xf32, #tpu.memory_space<hbm>>
        tpu.enqueue_dma source(%dma_start3A_67 : memref<128x256xf32, #tpu.memory_space<hbm>>) target(%arg6 : memref<128x256xf32, #tpu.memory_space<vmem>>) target_semaphore(%arg11 : memref<!tpu.dma_semaphore, #tpu.memory_space<semaphore_mem>>)
      } else {
      }
      %dma_wait3A_44 = arith.constant 0 : i32
      %dma_wait3A_45 = arith.constant 0 : i32
      %dma_wait3A_46 = tpu.memref_slice %arg2[%add3A, %dma_wait3A_44, %dma_wait3A_45] : memref<32x4096x256xf32, #tpu.memory_space<hbm>> -> memref<1x128x256xf32, #tpu.memory_space<hbm>>
      %dma_wait3A_47 = tpu.memref_squeeze %dma_wait3A_46 : memref<1x128x256xf32, #tpu.memory_space<hbm>> -> memref<128x256xf32, #tpu.memory_space<hbm>>
      %dma_wait3A_48 = arith.constant 0 : i32
      %dma_wait3A_49 = arith.constant 0 : i32
      %dma_wait3A_50 = tpu.memref_slice %arg2[%add3A, %dma_wait3A_48, %dma_wait3A_49] : memref<32x4096x256xf32, #tpu.memory_space<hbm>> -> memref<1x128x256xf32, #tpu.memory_space<hbm>>
      %dma_wait3A_51 = tpu.memref_squeeze %dma_wait3A_50 : memref<1x128x256xf32, #tpu.memory_space<hbm>> -> memref<128x256xf32, #tpu.memory_space<hbm>>
      tpu.wait_dma2 semaphore(%arg12 : memref<!tpu.dma_semaphore, #tpu.memory_space<semaphore_mem>>) src(%dma_wait3A_51 : memref<128x256xf32, #tpu.memory_space<hbm>>) dst(%arg7 : memref<128x256xf32, #tpu.memory_space<vmem>>)
      %scan3A_52 = arith.constant 0 : i32
      %scan3A_53 = arith.constant 0 : i32
      %scan3A_54 = arith.constant 8 : i32
      %scan3A_55 = arith.addi %scan3A_53, %scan3A_54 : i32
      %scan3A_56 = arith.constant 1 : i32
      scf.for %scan3A_58 = %scan3A_53 to %scan3A_55 step %scan3A_56  : i32 {
        %mul3A_59 = arith.constant 128 : i32
        %mul3A_60 = arith.muli %add3A_36, %mul3A_59 : i32
        %mul3A_61 = arith.constant 16 : i32
        %mul3A_62 = arith.muli %scan3A_58, %mul3A_61 : i32
        %add3A_63 = arith.addi %mul3A_60, %mul3A_62 : i32
        %get3A = arith.index_cast %add3A_63 : i32 to index
        %get3A_64 = tpu.vector_load %arg8[%get3A] {strides = array<i32>} : memref<4096xf32, #tpu.memory_space<vmem>>, vector<16xf32>,
        %sub3A = arith.constant 2.500000e-03 : f32
        %sub3A_65 = vector.broadcast %sub3A : f32 to vector<16xf32>
        %sub3A_66 = arith.subf %get3A_64, %sub3A_65 : vector<16xf32>
        %mul3A_67 = arith.constant 11860.4648 : f32
        %mul3A_68 = vector.broadcast %mul3A_67 : f32 to vector<16xf32>
        %mul3A_69 = arith.mulf %sub3A_66, %mul3A_68 : vector<16xf32>
        %convert_element_type3A_70 = arith.fptosi %mul3A_69 : vector<16xf32> to vector<16xi32>
        %convert_element_type3A_71 = arith.sitofp %convert_element_type3A_70 : vector<16xi32> to vector<16xf32>
        %gt3A = arith.cmpf ogt, %mul3A_69, %convert_element_type3A_71 : vector<16xf32>
        %jit3A = arith.constant 1 : i32
        %jit3A_72 = arith.constant 0 : i32
        %broadcast_in_dim3A = vector.broadcast %jit3A : i32 to vector<16xi32>
        %broadcast_in_dim3A_73 = vector.broadcast %jit3A_72 : i32 to vector<16xi32>
        %select_n3A = arith.select %gt3A, %broadcast_in_dim3A, %broadcast_in_dim3A_73 : vector<16xi1>, vector<16xi32>
        %add3A_74 = arith.addi %convert_element_type3A_70, %select_n3A : vector<16xi32>
        %jit3A_75 = arith.constant 0 : i32
        %jit3A_76 = arith.constant 255 : i32
        %max3A = vector.broadcast %jit3A_75 : i32 to vector<16xi32>
        %max3A_77 = arith.maxsi %max3A, %add3A_74 : vector<16xi32>
        %min3A = vector.broadcast %jit3A_76 : i32 to vector<16xi32>
        %min3A_78 = arith.minsi %min3A, %max3A_77 : vector<16xi32>
        %iota3A = tpu.iota {dimensions = array<i32: 0>} : vector<16xi32>
        %mul3A_79 = arith.constant 16 : i32
        %mul3A_80 = arith.muli %scan3A_58, %mul3A_79 : i32
        %add3A_81 = vector.broadcast %mul3A_80 : i32 to vector<16xi32>
        %add3A_82 = arith.addi %iota3A, %add3A_81 : vector<16xi32>
        %gather3A = tpu.vector_load_idx %arg7[%add3A_82, %min3A_78] : memref<128x256xf32, #tpu.memory_space<vmem>>[vector<16xi32>, vector<16xi32>], vector<16xf32>,
        %swap3A = arith.index_cast %add3A_63 : i32 to index
        %swap3A_83 = tpu.vector_load %arg10[%swap3A] {strides = array<i32>} : memref<4096xf32, #tpu.memory_space<vmem>>, vector<16xf32>,
        tpu.vector_store %arg10[%swap3A], %gather3A {strides = array<i32>} : memref<4096xf32, #tpu.memory_space<vmem>>, vector<16xf32>,
        %broadcast_in_dim3A_84 = arith.constant 0.000000e+00 : f32
        %broadcast_in_dim3A_85 = vector.broadcast %broadcast_in_dim3A_84 : f32 to vector<16xf32>
        %iota3A_86 = tpu.iota {dimensions = array<i32: 0>} : vector<16xi32>
        %mul3A_87 = arith.constant 16 : i32
        %mul3A_88 = arith.muli %scan3A_58, %mul3A_87 : i32
        %add3A_89 = arith.constant 0 : i32
        %add3A_90 = arith.addi %mul3A_88, %add3A_89 : i32
        %get3A_91 = arith.index_cast %add3A_90 : i32 to index
        %get3A_92 = arith.constant 0 : index
        %get3A_93 = tpu.vector_load %arg7[%get3A_91, %get3A_92] {strides = array<i32>} : memref<128x256xf32, #tpu.memory_space<vmem>>, vector<16xf32>,
        %exp3A = math.exp %get3A_93 : vector<16xf32>
        %get3A_94 = arith.index_cast %add3A_90 : i32 to index
        %get3A_95 = arith.constant 16 : index
        %get3A_96 = tpu.vector_load %arg7[%get3A_94, %get3A_95] {strides = array<i32>} : memref<128x256xf32, #tpu.memory_space<vmem>>, vector<16xf32>,
        %exp3A_97 = math.exp %get3A_96 : vector<16xf32>
        %add3A_98 = arith.addf %exp3A, %exp3A_97 : vector<16xf32>
        %get3A_99 = arith.index_cast %add3A_90 : i32 to index
        %get3A_100 = arith.constant 32 : index
        %get3A_101 = tpu.vector_load %arg7[%get3A_99, %get3A_100] {strides = array<i32>} : memref<128x256xf32, #tpu.memory_space<vmem>>, vector<16xf32>,
        %exp3A_102 = math.exp %get3A_101 : vector<16xf32>
        %add3A_103 = arith.addf %add3A_98, %exp3A_102 : vector<16xf32>
        %get3A_104 = arith.index_cast %add3A_90 : i32 to index
        %get3A_105 = arith.constant 48 : index
        %get3A_106 = tpu.vector_load %arg7[%get3A_104, %get3A_105] {strides = array<i32>} : memref<128x256xf32, #tpu.memory_space<vmem>>, vector<16xf32>,
        %exp3A_107 = math.exp %get3A_106 : vector<16xf32>
        %add3A_108 = arith.addf %add3A_103, %exp3A_107 : vector<16xf32>
        %get3A_109 = arith.index_cast %add3A_90 : i32 to index
        %get3A_110 = arith.constant 64 : index
        %get3A_111 = tpu.vector_load %arg7[%get3A_109, %get3A_110] {strides = array<i32>} : memref<128x256xf32, #tpu.memory_space<vmem>>, vector<16xf32>,
        %exp3A_112 = math.exp %get3A_111 : vector<16xf32>
        %add3A_113 = arith.addf %add3A_108, %exp3A_112 : vector<16xf32>
        %get3A_114 = arith.index_cast %add3A_90 : i32 to index
        %get3A_115 = arith.constant 80 : index
        %get3A_116 = tpu.vector_load %arg7[%get3A_114, %get3A_115] {strides = array<i32>} : memref<128x256xf32, #tpu.memory_space<vmem>>, vector<16xf32>,
        %exp3A_117 = math.exp %get3A_116 : vector<16xf32>
        %add3A_118 = arith.addf %add3A_113, %exp3A_117 : vector<16xf32>
        %get3A_119 = arith.index_cast %add3A_90 : i32 to index
        %get3A_120 = arith.constant 96 : index
        %get3A_121 = tpu.vector_load %arg7[%get3A_119, %get3A_120] {strides = array<i32>} : memref<128x256xf32, #tpu.memory_space<vmem>>, vector<16xf32>,
        %exp3A_122 = math.exp %get3A_121 : vector<16xf32>
        %add3A_123 = arith.addf %add3A_118, %exp3A_122 : vector<16xf32>
        %get3A_124 = arith.index_cast %add3A_90 : i32 to index
        %get3A_125 = arith.constant 112 : index
        %get3A_126 = tpu.vector_load %arg7[%get3A_124, %get3A_125] {strides = array<i32>} : memref<128x256xf32, #tpu.memory_space<vmem>>, vector<16xf32>,
        %exp3A_127 = math.exp %get3A_126 : vector<16xf32>
        %add3A_128 = arith.addf %add3A_123, %exp3A_127 : vector<16xf32>
        %get3A_129 = arith.index_cast %add3A_90 : i32 to index
        %get3A_130 = arith.constant 128 : index
        %get3A_131 = tpu.vector_load %arg7[%get3A_129, %get3A_130] {strides = array<i32>} : memref<128x256xf32, #tpu.memory_space<vmem>>, vector<16xf32>,
        %exp3A_132 = math.exp %get3A_131 : vector<16xf32>
        %add3A_133 = arith.addf %add3A_128, %exp3A_132 : vector<16xf32>
        %get3A_134 = arith.index_cast %add3A_90 : i32 to index
        %get3A_135 = arith.constant 144 : index
        %get3A_136 = tpu.vector_load %arg7[%get3A_134, %get3A_135] {strides = array<i32>} : memref<128x256xf32, #tpu.memory_space<vmem>>, vector<16xf32>,
        %exp3A_137 = math.exp %get3A_136 : vector<16xf32>
        %add3A_138 = arith.addf %add3A_133, %exp3A_137 : vector<16xf32>
        %get3A_139 = arith.index_cast %add3A_90 : i32 to index
        %get3A_140 = arith.constant 160 : index
        %get3A_141 = tpu.vector_load %arg7[%get3A_139, %get3A_140] {strides = array<i32>} : memref<128x256xf32, #tpu.memory_space<vmem>>, vector<16xf32>,
        %exp3A_142 = math.exp %get3A_141 : vector<16xf32>
        %add3A_143 = arith.addf %add3A_138, %exp3A_142 : vector<16xf32>
        %get3A_144 = arith.index_cast %add3A_90 : i32 to index
        %get3A_145 = arith.constant 176 : index
        %get3A_146 = tpu.vector_load %arg7[%get3A_144, %get3A_145] {strides = array<i32>} : memref<128x256xf32, #tpu.memory_space<vmem>>, vector<16xf32>,
        %exp3A_147 = math.exp %get3A_146 : vector<16xf32>
        %add3A_148 = arith.addf %add3A_143, %exp3A_147 : vector<16xf32>
        %get3A_149 = arith.index_cast %add3A_90 : i32 to index
        %get3A_150 = arith.constant 192 : index
        %get3A_151 = tpu.vector_load %arg7[%get3A_149, %get3A_150] {strides = array<i32>} : memref<128x256xf32, #tpu.memory_space<vmem>>, vector<16xf32>,
        %exp3A_152 = math.exp %get3A_151 : vector<16xf32>
        %add3A_153 = arith.addf %add3A_148, %exp3A_152 : vector<16xf32>
        %get3A_154 = arith.index_cast %add3A_90 : i32 to index
        %get3A_155 = arith.constant 208 : index
        %get3A_156 = tpu.vector_load %arg7[%get3A_154, %get3A_155] {strides = array<i32>} : memref<128x256xf32, #tpu.memory_space<vmem>>, vector<16xf32>,
        %exp3A_157 = math.exp %get3A_156 : vector<16xf32>
        %add3A_158 = arith.addf %add3A_153, %exp3A_157 : vector<16xf32>
        %get3A_159 = arith.index_cast %add3A_90 : i32 to index
        %get3A_160 = arith.constant 224 : index
        %get3A_161 = tpu.vector_load %arg7[%get3A_159, %get3A_160] {strides = array<i32>} : memref<128x256xf32, #tpu.memory_space<vmem>>, vector<16xf32>,
        %exp3A_162 = math.exp %get3A_161 : vector<16xf32>
        %add3A_163 = arith.addf %add3A_158, %exp3A_162 : vector<16xf32>
        %get3A_164 = arith.index_cast %add3A_90 : i32 to index
        %get3A_165 = arith.constant 240 : index
        %get3A_166 = tpu.vector_load %arg7[%get3A_164, %get3A_165] {strides = array<i32>} : memref<128x256xf32, #tpu.memory_space<vmem>>, vector<16xf32>,
        %exp3A_167 = math.exp %get3A_166 : vector<16xf32>
        %add3A_168 = arith.addf %add3A_163, %exp3A_167 : vector<16xf32>
        %eq3A = arith.constant 0 : i32
        %eq3A_169 = vector.broadcast %eq3A : i32 to vector<16xi32>
        %eq3A_170 = arith.cmpi eq, %iota3A_86, %eq3A_169 : vector<16xi32>
        %reduce_sum3A = arith.constant true
        %reduce_sum3A_171 = vector.broadcast %reduce_sum3A : i1 to vector<16xi1>
        %reduce_sum3A_172 = tpu.scan <sum>, %add3A_168 masked %reduce_sum3A_171 : vector<16xf32>, vector<16xi1> -> vector<16xf32>
        %reduce_sum3A_173 = vector.extract %reduce_sum3A_172[15] : f32 from vector<16xf32>
        %broadcast_in_dim3A_174 = vector.broadcast %reduce_sum3A_173 : f32 to vector<16xf32>
        %select_n3A_175 = arith.select %eq3A_170, %broadcast_in_dim3A_174, %broadcast_in_dim3A_85 : vector<16xi1>, vector<16xf32>
        %mul3A_176 = arith.constant 16 : i32
        %mul3A_177 = arith.muli %scan3A_58, %mul3A_176 : i32
        %add3A_178 = arith.constant 1 : i32
        %add3A_179 = arith.addi %mul3A_177, %add3A_178 : i32
        %get3A_180 = arith.index_cast %add3A_179 : i32 to index
        %get3A_181 = arith.constant 0 : index
        %get3A_182 = tpu.vector_load %arg7[%get3A_180, %get3A_181] {strides = array<i32>} : memref<128x256xf32, #tpu.memory_space<vmem>>, vector<16xf32>,
        %exp3A_183 = math.exp %get3A_182 : vector<16xf32>
        %get3A_184 = arith.index_cast %add3A_179 : i32 to index
        %get3A_185 = arith.constant 16 : index
        %get3A_186 = tpu.vector_load %arg7[%get3A_184, %get3A_185] {strides = array<i32>} : memref<128x256xf32, #tpu.memory_space<vmem>>, vector<16xf32>,
        %exp3A_187 = math.exp %get3A_186 : vector<16xf32>
        %add3A_188 = arith.addf %exp3A_183, %exp3A_187 : vector<16xf32>
        %get3A_189 = arith.index_cast %add3A_179 : i32 to index
        %get3A_190 = arith.constant 32 : index
        %get3A_191 = tpu.vector_load %arg7[%get3A_189, %get3A_190] {strides = array<i32>} : memref<128x256xf32, #tpu.memory_space<vmem>>, vector<16xf32>,
        %exp3A_192 = math.exp %get3A_191 : vector<16xf32>
        %add3A_193 = arith.addf %add3A_188, %exp3A_192 : vector<16xf32>
        %get3A_194 = arith.index_cast %add3A_179 : i32 to index
        %get3A_195 = arith.constant 48 : index
        %get3A_196 = tpu.vector_load %arg7[%get3A_194, %get3A_195] {strides = array<i32>} : memref<128x256xf32, #tpu.memory_space<vmem>>, vector<16xf32>,
        %exp3A_197 = math.exp %get3A_196 : vector<16xf32>
        %add3A_198 = arith.addf %add3A_193, %exp3A_197 : vector<16xf32>
        %get3A_199 = arith.index_cast %add3A_179 : i32 to index
        %get3A_200 = arith.constant 64 : index
        %get3A_201 = tpu.vector_load %arg7[%get3A_199, %get3A_200] {strides = array<i32>} : memref<128x256xf32, #tpu.memory_space<vmem>>, vector<16xf32>,
        %exp3A_202 = math.exp %get3A_201 : vector<16xf32>
        %add3A_203 = arith.addf %add3A_198, %exp3A_202 : vector<16xf32>
        %get3A_204 = arith.index_cast %add3A_179 : i32 to index
        %get3A_205 = arith.constant 80 : index
        %get3A_206 = tpu.vector_load %arg7[%get3A_204, %get3A_205] {strides = array<i32>} : memref<128x256xf32, #tpu.memory_space<vmem>>, vector<16xf32>,
        %exp3A_207 = math.exp %get3A_206 : vector<16xf32>
        %add3A_208 = arith.addf %add3A_203, %exp3A_207 : vector<16xf32>
        %get3A_209 = arith.index_cast %add3A_179 : i32 to index
        %get3A_210 = arith.constant 96 : index
        %get3A_211 = tpu.vector_load %arg7[%get3A_209, %get3A_210] {strides = array<i32>} : memref<128x256xf32, #tpu.memory_space<vmem>>, vector<16xf32>,
        %exp3A_212 = math.exp %get3A_211 : vector<16xf32>
        %add3A_213 = arith.addf %add3A_208, %exp3A_212 : vector<16xf32>
        %get3A_214 = arith.index_cast %add3A_179 : i32 to index
        %get3A_215 = arith.constant 112 : index
        %get3A_216 = tpu.vector_load %arg7[%get3A_214, %get3A_215] {strides = array<i32>} : memref<128x256xf32, #tpu.memory_space<vmem>>, vector<16xf32>,
        %exp3A_217 = math.exp %get3A_216 : vector<16xf32>
        %add3A_218 = arith.addf %add3A_213, %exp3A_217 : vector<16xf32>
        %get3A_219 = arith.index_cast %add3A_179 : i32 to index
        %get3A_220 = arith.constant 128 : index
        %get3A_221 = tpu.vector_load %arg7[%get3A_219, %get3A_220] {strides = array<i32>} : memref<128x256xf32, #tpu.memory_space<vmem>>, vector<16xf32>,
        %exp3A_222 = math.exp %get3A_221 : vector<16xf32>
        %add3A_223 = arith.addf %add3A_218, %exp3A_222 : vector<16xf32>
        %get3A_224 = arith.index_cast %add3A_179 : i32 to index
        %get3A_225 = arith.constant 144 : index
        %get3A_226 = tpu.vector_load %arg7[%get3A_224, %get3A_225] {strides = array<i32>} : memref<128x256xf32, #tpu.memory_space<vmem>>, vector<16xf32>,
        %exp3A_227 = math.exp %get3A_226 : vector<16xf32>
        %add3A_228 = arith.addf %add3A_223, %exp3A_227 : vector<16xf32>
        %get3A_229 = arith.index_cast %add3A_179 : i32 to index
        %get3A_230 = arith.constant 160 : index
        %get3A_231 = tpu.vector_load %arg7[%get3A_229, %get3A_230] {strides = array<i32>} : memref<128x256xf32, #tpu.memory_space<vmem>>, vector<16xf32>,
        %exp3A_232 = math.exp %get3A_231 : vector<16xf32>
        %add3A_233 = arith.addf %add3A_228, %exp3A_232 : vector<16xf32>
        %get3A_234 = arith.index_cast %add3A_179 : i32 to index
        %get3A_235 = arith.constant 176 : index
        %get3A_236 = tpu.vector_load %arg7[%get3A_234, %get3A_235] {strides = array<i32>} : memref<128x256xf32, #tpu.memory_space<vmem>>, vector<16xf32>,
        %exp3A_237 = math.exp %get3A_236 : vector<16xf32>
        %add3A_238 = arith.addf %add3A_233, %exp3A_237 : vector<16xf32>
        %get3A_239 = arith.index_cast %add3A_179 : i32 to index
        %get3A_240 = arith.constant 192 : index
        %get3A_241 = tpu.vector_load %arg7[%get3A_239, %get3A_240] {strides = array<i32>} : memref<128x256xf32, #tpu.memory_space<vmem>>, vector<16xf32>,
        %exp3A_242 = math.exp %get3A_241 : vector<16xf32>
        %add3A_243 = arith.addf %add3A_238, %exp3A_242 : vector<16xf32>
        %get3A_244 = arith.index_cast %add3A_179 : i32 to index
        %get3A_245 = arith.constant 208 : index
        %get3A_246 = tpu.vector_load %arg7[%get3A_244, %get3A_245] {strides = array<i32>} : memref<128x256xf32, #tpu.memory_space<vmem>>, vector<16xf32>,
        %exp3A_247 = math.exp %get3A_246 : vector<16xf32>
        %add3A_248 = arith.addf %add3A_243, %exp3A_247 : vector<16xf32>
        %get3A_249 = arith.index_cast %add3A_179 : i32 to index
        %get3A_250 = arith.constant 224 : index
        %get3A_251 = tpu.vector_load %arg7[%get3A_249, %get3A_250] {strides = array<i32>} : memref<128x256xf32, #tpu.memory_space<vmem>>, vector<16xf32>,
        %exp3A_252 = math.exp %get3A_251 : vector<16xf32>
        %add3A_253 = arith.addf %add3A_248, %exp3A_252 : vector<16xf32>
        %get3A_254 = arith.index_cast %add3A_179 : i32 to index
        %get3A_255 = arith.constant 240 : index
        %get3A_256 = tpu.vector_load %arg7[%get3A_254, %get3A_255] {strides = array<i32>} : memref<128x256xf32, #tpu.memory_space<vmem>>, vector<16xf32>,
        %exp3A_257 = math.exp %get3A_256 : vector<16xf32>
        %add3A_258 = arith.addf %add3A_253, %exp3A_257 : vector<16xf32>
        %eq3A_259 = arith.constant 1 : i32
        %eq3A_260 = vector.broadcast %eq3A_259 : i32 to vector<16xi32>
        %eq3A_261 = arith.cmpi eq, %iota3A_86, %eq3A_260 : vector<16xi32>
        %reduce_sum3A_262 = arith.constant true
        %reduce_sum3A_263 = vector.broadcast %reduce_sum3A_262 : i1 to vector<16xi1>
        %reduce_sum3A_264 = tpu.scan <sum>, %add3A_258 masked %reduce_sum3A_263 : vector<16xf32>, vector<16xi1> -> vector<16xf32>
        %reduce_sum3A_265 = vector.extract %reduce_sum3A_264[15] : f32 from vector<16xf32>
        %broadcast_in_dim3A_266 = vector.broadcast %reduce_sum3A_265 : f32 to vector<16xf32>
        %select_n3A_267 = arith.select %eq3A_261, %broadcast_in_dim3A_266, %select_n3A_175 : vector<16xi1>, vector<16xf32>
        %mul3A_268 = arith.constant 16 : i32
        %mul3A_269 = arith.muli %scan3A_58, %mul3A_268 : i32
        %add3A_270 = arith.constant 2 : i32
        %add3A_271 = arith.addi %mul3A_269, %add3A_270 : i32
        %get3A_272 = arith.index_cast %add3A_271 : i32 to index
        %get3A_273 = arith.constant 0 : index
        %get3A_274 = tpu.vector_load %arg7[%get3A_272, %get3A_273] {strides = array<i32>} : memref<128x256xf32, #tpu.memory_space<vmem>>, vector<16xf32>,
        %exp3A_275 = math.exp %get3A_274 : vector<16xf32>
        %get3A_276 = arith.index_cast %add3A_271 : i32 to index
        %get3A_277 = arith.constant 16 : index
        %get3A_278 = tpu.vector_load %arg7[%get3A_276, %get3A_277] {strides = array<i32>} : memref<128x256xf32, #tpu.memory_space<vmem>>, vector<16xf32>,
        %exp3A_279 = math.exp %get3A_278 : vector<16xf32>
        %add3A_280 = arith.addf %exp3A_275, %exp3A_279 : vector<16xf32>
        %get3A_281 = arith.index_cast %add3A_271 : i32 to index
        %get3A_282 = arith.constant 32 : index
        %get3A_283 = tpu.vector_load %arg7[%get3A_281, %get3A_282] {strides = array<i32>} : memref<128x256xf32, #tpu.memory_space<vmem>>, vector<16xf32>,
        %exp3A_284 = math.exp %get3A_283 : vector<16xf32>
        %add3A_285 = arith.addf %add3A_280, %exp3A_284 : vector<16xf32>
        %get3A_286 = arith.index_cast %add3A_271 : i32 to index
        %get3A_287 = arith.constant 48 : index
        %get3A_288 = tpu.vector_load %arg7[%get3A_286, %get3A_287] {strides = array<i32>} : memref<128x256xf32, #tpu.memory_space<vmem>>, vector<16xf32>,
        %exp3A_289 = math.exp %get3A_288 : vector<16xf32>
        %add3A_290 = arith.addf %add3A_285, %exp3A_289 : vector<16xf32>
        %get3A_291 = arith.index_cast %add3A_271 : i32 to index
        %get3A_292 = arith.constant 64 : index
        %get3A_293 = tpu.vector_load %arg7[%get3A_291, %get3A_292] {strides = array<i32>} : memref<128x256xf32, #tpu.memory_space<vmem>>, vector<16xf32>,
        %exp3A_294 = math.exp %get3A_293 : vector<16xf32>
        %add3A_295 = arith.addf %add3A_290, %exp3A_294 : vector<16xf32>
        %get3A_296 = arith.index_cast %add3A_271 : i32 to index
        %get3A_297 = arith.constant 80 : index
        %get3A_298 = tpu.vector_load %arg7[%get3A_296, %get3A_297] {strides = array<i32>} : memref<128x256xf32, #tpu.memory_space<vmem>>, vector<16xf32>,
        %exp3A_299 = math.exp %get3A_298 : vector<16xf32>
        %add3A_300 = arith.addf %add3A_295, %exp3A_299 : vector<16xf32>
        %get3A_301 = arith.index_cast %add3A_271 : i32 to index
        %get3A_302 = arith.constant 96 : index
        %get3A_303 = tpu.vector_load %arg7[%get3A_301, %get3A_302] {strides = array<i32>} : memref<128x256xf32, #tpu.memory_space<vmem>>, vector<16xf32>,
        %exp3A_304 = math.exp %get3A_303 : vector<16xf32>
        %add3A_305 = arith.addf %add3A_300, %exp3A_304 : vector<16xf32>
        %get3A_306 = arith.index_cast %add3A_271 : i32 to index
        %get3A_307 = arith.constant 112 : index
        %get3A_308 = tpu.vector_load %arg7[%get3A_306, %get3A_307] {strides = array<i32>} : memref<128x256xf32, #tpu.memory_space<vmem>>, vector<16xf32>,
        %exp3A_309 = math.exp %get3A_308 : vector<16xf32>
        %add3A_310 = arith.addf %add3A_305, %exp3A_309 : vector<16xf32>
        %get3A_311 = arith.index_cast %add3A_271 : i32 to index
        %get3A_312 = arith.constant 128 : index
        %get3A_313 = tpu.vector_load %arg7[%get3A_311, %get3A_312] {strides = array<i32>} : memref<128x256xf32, #tpu.memory_space<vmem>>, vector<16xf32>,
        %exp3A_314 = math.exp %get3A_313 : vector<16xf32>
        %add3A_315 = arith.addf %add3A_310, %exp3A_314 : vector<16xf32>
        %get3A_316 = arith.index_cast %add3A_271 : i32 to index
        %get3A_317 = arith.constant 144 : index
        %get3A_318 = tpu.vector_load %arg7[%get3A_316, %get3A_317] {strides = array<i32>} : memref<128x256xf32, #tpu.memory_space<vmem>>, vector<16xf32>,
        %exp3A_319 = math.exp %get3A_318 : vector<16xf32>
        %add3A_320 = arith.addf %add3A_315, %exp3A_319 : vector<16xf32>
        %get3A_321 = arith.index_cast %add3A_271 : i32 to index
        %get3A_322 = arith.constant 160 : index
        %get3A_323 = tpu.vector_load %arg7[%get3A_321, %get3A_322] {strides = array<i32>} : memref<128x256xf32, #tpu.memory_space<vmem>>, vector<16xf32>,
        %exp3A_324 = math.exp %get3A_323 : vector<16xf32>
        %add3A_325 = arith.addf %add3A_320, %exp3A_324 : vector<16xf32>
        %get3A_326 = arith.index_cast %add3A_271 : i32 to index
        %get3A_327 = arith.constant 176 : index
        %get3A_328 = tpu.vector_load %arg7[%get3A_326, %get3A_327] {strides = array<i32>} : memref<128x256xf32, #tpu.memory_space<vmem>>, vector<16xf32>,
        %exp3A_329 = math.exp %get3A_328 : vector<16xf32>
        %add3A_330 = arith.addf %add3A_325, %exp3A_329 : vector<16xf32>
        %get3A_331 = arith.index_cast %add3A_271 : i32 to index
        %get3A_332 = arith.constant 192 : index
        %get3A_333 = tpu.vector_load %arg7[%get3A_331, %get3A_332] {strides = array<i32>} : memref<128x256xf32, #tpu.memory_space<vmem>>, vector<16xf32>,
        %exp3A_334 = math.exp %get3A_333 : vector<16xf32>
        %add3A_335 = arith.addf %add3A_330, %exp3A_334 : vector<16xf32>
        %get3A_336 = arith.index_cast %add3A_271 : i32 to index
        %get3A_337 = arith.constant 208 : index
        %get3A_338 = tpu.vector_load %arg7[%get3A_336, %get3A_337] {strides = array<i32>} : memref<128x256xf32, #tpu.memory_space<vmem>>, vector<16xf32>,
        %exp3A_339 = math.exp %get3A_338 : vector<16xf32>
        %add3A_340 = arith.addf %add3A_335, %exp3A_339 : vector<16xf32>
        %get3A_341 = arith.index_cast %add3A_271 : i32 to index
        %get3A_342 = arith.constant 224 : index
        %get3A_343 = tpu.vector_load %arg7[%get3A_341, %get3A_342] {strides = array<i32>} : memref<128x256xf32, #tpu.memory_space<vmem>>, vector<16xf32>,
        %exp3A_344 = math.exp %get3A_343 : vector<16xf32>
        %add3A_345 = arith.addf %add3A_340, %exp3A_344 : vector<16xf32>
        %get3A_346 = arith.index_cast %add3A_271 : i32 to index
        %get3A_347 = arith.constant 240 : index
        %get3A_348 = tpu.vector_load %arg7[%get3A_346, %get3A_347] {strides = array<i32>} : memref<128x256xf32, #tpu.memory_space<vmem>>, vector<16xf32>,
        %exp3A_349 = math.exp %get3A_348 : vector<16xf32>
        %add3A_350 = arith.addf %add3A_345, %exp3A_349 : vector<16xf32>
        %eq3A_351 = arith.constant 2 : i32
        %eq3A_352 = vector.broadcast %eq3A_351 : i32 to vector<16xi32>
        %eq3A_353 = arith.cmpi eq, %iota3A_86, %eq3A_352 : vector<16xi32>
        %reduce_sum3A_354 = arith.constant true
        %reduce_sum3A_355 = vector.broadcast %reduce_sum3A_354 : i1 to vector<16xi1>
        %reduce_sum3A_356 = tpu.scan <sum>, %add3A_350 masked %reduce_sum3A_355 : vector<16xf32>, vector<16xi1> -> vector<16xf32>
        %reduce_sum3A_357 = vector.extract %reduce_sum3A_356[15] : f32 from vector<16xf32>
        %broadcast_in_dim3A_358 = vector.broadcast %reduce_sum3A_357 : f32 to vector<16xf32>
        %select_n3A_359 = arith.select %eq3A_353, %broadcast_in_dim3A_358, %select_n3A_267 : vector<16xi1>, vector<16xf32>
        %mul3A_360 = arith.constant 16 : i32
        %mul3A_361 = arith.muli %scan3A_58, %mul3A_360 : i32
        %add3A_362 = arith.constant 3 : i32
        %add3A_363 = arith.addi %mul3A_361, %add3A_362 : i32
        %get3A_364 = arith.index_cast %add3A_363 : i32 to index
        %get3A_365 = arith.constant 0 : index
        %get3A_366 = tpu.vector_load %arg7[%get3A_364, %get3A_365] {strides = array<i32>} : memref<128x256xf32, #tpu.memory_space<vmem>>, vector<16xf32>,
        %exp3A_367 = math.exp %get3A_366 : vector<16xf32>
        %get3A_368 = arith.index_cast %add3A_363 : i32 to index
        %get3A_369 = arith.constant 16 : index
        %get3A_370 = tpu.vector_load %arg7[%get3A_368, %get3A_369] {strides = array<i32>} : memref<128x256xf32, #tpu.memory_space<vmem>>, vector<16xf32>,
        %exp3A_371 = math.exp %get3A_370 : vector<16xf32>
        %add3A_372 = arith.addf %exp3A_367, %exp3A_371 : vector<16xf32>
        %get3A_373 = arith.index_cast %add3A_363 : i32 to index
        %get3A_374 = arith.constant 32 : index
        %get3A_375 = tpu.vector_load %arg7[%get3A_373, %get3A_374] {strides = array<i32>} : memref<128x256xf32, #tpu.memory_space<vmem>>, vector<16xf32>,
        %exp3A_376 = math.exp %get3A_375 : vector<16xf32>
        %add3A_377 = arith.addf %add3A_372, %exp3A_376 : vector<16xf32>
        %get3A_378 = arith.index_cast %add3A_363 : i32 to index
        %get3A_379 = arith.constant 48 : index
        %get3A_380 = tpu.vector_load %arg7[%get3A_378, %get3A_379] {strides = array<i32>} : memref<128x256xf32, #tpu.memory_space<vmem>>, vector<16xf32>,
        %exp3A_381 = math.exp %get3A_380 : vector<16xf32>
        %add3A_382 = arith.addf %add3A_377, %exp3A_381 : vector<16xf32>
        %get3A_383 = arith.index_cast %add3A_363 : i32 to index
        %get3A_384 = arith.constant 64 : index
        %get3A_385 = tpu.vector_load %arg7[%get3A_383, %get3A_384] {strides = array<i32>} : memref<128x256xf32, #tpu.memory_space<vmem>>, vector<16xf32>,
        %exp3A_386 = math.exp %get3A_385 : vector<16xf32>
        %add3A_387 = arith.addf %add3A_382, %exp3A_386 : vector<16xf32>
        %get3A_388 = arith.index_cast %add3A_363 : i32 to index
        %get3A_389 = arith.constant 80 : index
        %get3A_390 = tpu.vector_load %arg7[%get3A_388, %get3A_389] {strides = array<i32>} : memref<128x256xf32, #tpu.memory_space<vmem>>, vector<16xf32>,
        %exp3A_391 = math.exp %get3A_390 : vector<16xf32>
        %add3A_392 = arith.addf %add3A_387, %exp3A_391 : vector<16xf32>
        %get3A_393 = arith.index_cast %add3A_363 : i32 to index
        %get3A_394 = arith.constant 96 : index
        %get3A_395 = tpu.vector_load %arg7[%get3A_393, %get3A_394] {strides = array<i32>} : memref<128x256xf32, #tpu.memory_space<vmem>>, vector<16xf32>,
        %exp3A_396 = math.exp %get3A_395 : vector<16xf32>
        %add3A_397 = arith.addf %add3A_392, %exp3A_396 : vector<16xf32>
        %get3A_398 = arith.index_cast %add3A_363 : i32 to index
        %get3A_399 = arith.constant 112 : index
        %get3A_400 = tpu.vector_load %arg7[%get3A_398, %get3A_399] {strides = array<i32>} : memref<128x256xf32, #tpu.memory_space<vmem>>, vector<16xf32>,
        %exp3A_401 = math.exp %get3A_400 : vector<16xf32>
        %add3A_402 = arith.addf %add3A_397, %exp3A_401 : vector<16xf32>
        %get3A_403 = arith.index_cast %add3A_363 : i32 to index
        %get3A_404 = arith.constant 128 : index
        %get3A_405 = tpu.vector_load %arg7[%get3A_403, %get3A_404] {strides = array<i32>} : memref<128x256xf32, #tpu.memory_space<vmem>>, vector<16xf32>,
        %exp3A_406 = math.exp %get3A_405 : vector<16xf32>
        %add3A_407 = arith.addf %add3A_402, %exp3A_406 : vector<16xf32>
        %get3A_408 = arith.index_cast %add3A_363 : i32 to index
        %get3A_409 = arith.constant 144 : index
        %get3A_410 = tpu.vector_load %arg7[%get3A_408, %get3A_409] {strides = array<i32>} : memref<128x256xf32, #tpu.memory_space<vmem>>, vector<16xf32>,
        %exp3A_411 = math.exp %get3A_410 : vector<16xf32>
        %add3A_412 = arith.addf %add3A_407, %exp3A_411 : vector<16xf32>
        %get3A_413 = arith.index_cast %add3A_363 : i32 to index
        %get3A_414 = arith.constant 160 : index
        %get3A_415 = tpu.vector_load %arg7[%get3A_413, %get3A_414] {strides = array<i32>} : memref<128x256xf32, #tpu.memory_space<vmem>>, vector<16xf32>,
        %exp3A_416 = math.exp %get3A_415 : vector<16xf32>
        %add3A_417 = arith.addf %add3A_412, %exp3A_416 : vector<16xf32>
        %get3A_418 = arith.index_cast %add3A_363 : i32 to index
        %get3A_419 = arith.constant 176 : index
        %get3A_420 = tpu.vector_load %arg7[%get3A_418, %get3A_419] {strides = array<i32>} : memref<128x256xf32, #tpu.memory_space<vmem>>, vector<16xf32>,
        %exp3A_421 = math.exp %get3A_420 : vector<16xf32>
        %add3A_422 = arith.addf %add3A_417, %exp3A_421 : vector<16xf32>
        %get3A_423 = arith.index_cast %add3A_363 : i32 to index
        %get3A_424 = arith.constant 192 : index
        %get3A_425 = tpu.vector_load %arg7[%get3A_423, %get3A_424] {strides = array<i32>} : memref<128x256xf32, #tpu.memory_space<vmem>>, vector<16xf32>,
        %exp3A_426 = math.exp %get3A_425 : vector<16xf32>
        %add3A_427 = arith.addf %add3A_422, %exp3A_426 : vector<16xf32>
        %get3A_428 = arith.index_cast %add3A_363 : i32 to index
        %get3A_429 = arith.constant 208 : index
        %get3A_430 = tpu.vector_load %arg7[%get3A_428, %get3A_429] {strides = array<i32>} : memref<128x256xf32, #tpu.memory_space<vmem>>, vector<16xf32>,
        %exp3A_431 = math.exp %get3A_430 : vector<16xf32>
        %add3A_432 = arith.addf %add3A_427, %exp3A_431 : vector<16xf32>
        %get3A_433 = arith.index_cast %add3A_363 : i32 to index
        %get3A_434 = arith.constant 224 : index
        %get3A_435 = tpu.vector_load %arg7[%get3A_433, %get3A_434] {strides = array<i32>} : memref<128x256xf32, #tpu.memory_space<vmem>>, vector<16xf32>,
        %exp3A_436 = math.exp %get3A_435 : vector<16xf32>
        %add3A_437 = arith.addf %add3A_432, %exp3A_436 : vector<16xf32>
        %get3A_438 = arith.index_cast %add3A_363 : i32 to index
        %get3A_439 = arith.constant 240 : index
        %get3A_440 = tpu.vector_load %arg7[%get3A_438, %get3A_439] {strides = array<i32>} : memref<128x256xf32, #tpu.memory_space<vmem>>, vector<16xf32>,
        %exp3A_441 = math.exp %get3A_440 : vector<16xf32>
        %add3A_442 = arith.addf %add3A_437, %exp3A_441 : vector<16xf32>
        %eq3A_443 = arith.constant 3 : i32
        %eq3A_444 = vector.broadcast %eq3A_443 : i32 to vector<16xi32>
        %eq3A_445 = arith.cmpi eq, %iota3A_86, %eq3A_444 : vector<16xi32>
        %reduce_sum3A_446 = arith.constant true
        %reduce_sum3A_447 = vector.broadcast %reduce_sum3A_446 : i1 to vector<16xi1>
        %reduce_sum3A_448 = tpu.scan <sum>, %add3A_442 masked %reduce_sum3A_447 : vector<16xf32>, vector<16xi1> -> vector<16xf32>
        %reduce_sum3A_449 = vector.extract %reduce_sum3A_448[15] : f32 from vector<16xf32>
        %broadcast_in_dim3A_450 = vector.broadcast %reduce_sum3A_449 : f32 to vector<16xf32>
        %select_n3A_451 = arith.select %eq3A_445, %broadcast_in_dim3A_450, %select_n3A_359 : vector<16xi1>, vector<16xf32>
        %mul3A_452 = arith.constant 16 : i32
        %mul3A_453 = arith.muli %scan3A_58, %mul3A_452 : i32
        %add3A_454 = arith.constant 4 : i32
        %add3A_455 = arith.addi %mul3A_453, %add3A_454 : i32
        %get3A_456 = arith.index_cast %add3A_455 : i32 to index
        %get3A_457 = arith.constant 0 : index
        %get3A_458 = tpu.vector_load %arg7[%get3A_456, %get3A_457] {strides = array<i32>} : memref<128x256xf32, #tpu.memory_space<vmem>>, vector<16xf32>,
        %exp3A_459 = math.exp %get3A_458 : vector<16xf32>
        %get3A_460 = arith.index_cast %add3A_455 : i32 to index
        %get3A_461 = arith.constant 16 : index
        %get3A_462 = tpu.vector_load %arg7[%get3A_460, %get3A_461] {strides = array<i32>} : memref<128x256xf32, #tpu.memory_space<vmem>>, vector<16xf32>,
        %exp3A_463 = math.exp %get3A_462 : vector<16xf32>
        %add3A_464 = arith.addf %exp3A_459, %exp3A_463 : vector<16xf32>
        %get3A_465 = arith.index_cast %add3A_455 : i32 to index
        %get3A_466 = arith.constant 32 : index
        %get3A_467 = tpu.vector_load %arg7[%get3A_465, %get3A_466] {strides = array<i32>} : memref<128x256xf32, #tpu.memory_space<vmem>>, vector<16xf32>,
        %exp3A_468 = math.exp %get3A_467 : vector<16xf32>
        %add3A_469 = arith.addf %add3A_464, %exp3A_468 : vector<16xf32>
        %get3A_470 = arith.index_cast %add3A_455 : i32 to index
        %get3A_471 = arith.constant 48 : index
        %get3A_472 = tpu.vector_load %arg7[%get3A_470, %get3A_471] {strides = array<i32>} : memref<128x256xf32, #tpu.memory_space<vmem>>, vector<16xf32>,
        %exp3A_473 = math.exp %get3A_472 : vector<16xf32>
        %add3A_474 = arith.addf %add3A_469, %exp3A_473 : vector<16xf32>
        %get3A_475 = arith.index_cast %add3A_455 : i32 to index
        %get3A_476 = arith.constant 64 : index
        %get3A_477 = tpu.vector_load %arg7[%get3A_475, %get3A_476] {strides = array<i32>} : memref<128x256xf32, #tpu.memory_space<vmem>>, vector<16xf32>,
        %exp3A_478 = math.exp %get3A_477 : vector<16xf32>
        %add3A_479 = arith.addf %add3A_474, %exp3A_478 : vector<16xf32>
        %get3A_480 = arith.index_cast %add3A_455 : i32 to index
        %get3A_481 = arith.constant 80 : index
        %get3A_482 = tpu.vector_load %arg7[%get3A_480, %get3A_481] {strides = array<i32>} : memref<128x256xf32, #tpu.memory_space<vmem>>, vector<16xf32>,
        %exp3A_483 = math.exp %get3A_482 : vector<16xf32>
        %add3A_484 = arith.addf %add3A_479, %exp3A_483 : vector<16xf32>
        %get3A_485 = arith.index_cast %add3A_455 : i32 to index
        %get3A_486 = arith.constant 96 : index
        %get3A_487 = tpu.vector_load %arg7[%get3A_485, %get3A_486] {strides = array<i32>} : memref<128x256xf32, #tpu.memory_space<vmem>>, vector<16xf32>,
        %exp3A_488 = math.exp %get3A_487 : vector<16xf32>
        %add3A_489 = arith.addf %add3A_484, %exp3A_488 : vector<16xf32>
        %get3A_490 = arith.index_cast %add3A_455 : i32 to index
        %get3A_491 = arith.constant 112 : index
        %get3A_492 = tpu.vector_load %arg7[%get3A_490, %get3A_491] {strides = array<i32>} : memref<128x256xf32, #tpu.memory_space<vmem>>, vector<16xf32>,
        %exp3A_493 = math.exp %get3A_492 : vector<16xf32>
        %add3A_494 = arith.addf %add3A_489, %exp3A_493 : vector<16xf32>
        %get3A_495 = arith.index_cast %add3A_455 : i32 to index
        %get3A_496 = arith.constant 128 : index
        %get3A_497 = tpu.vector_load %arg7[%get3A_495, %get3A_496] {strides = array<i32>} : memref<128x256xf32, #tpu.memory_space<vmem>>, vector<16xf32>,
        %exp3A_498 = math.exp %get3A_497 : vector<16xf32>
        %add3A_499 = arith.addf %add3A_494, %exp3A_498 : vector<16xf32>
        %get3A_500 = arith.index_cast %add3A_455 : i32 to index
        %get3A_501 = arith.constant 144 : index
        %get3A_502 = tpu.vector_load %arg7[%get3A_500, %get3A_501] {strides = array<i32>} : memref<128x256xf32, #tpu.memory_space<vmem>>, vector<16xf32>,
        %exp3A_503 = math.exp %get3A_502 : vector<16xf32>
        %add3A_504 = arith.addf %add3A_499, %exp3A_503 : vector<16xf32>
        %get3A_505 = arith.index_cast %add3A_455 : i32 to index
        %get3A_506 = arith.constant 160 : index
        %get3A_507 = tpu.vector_load %arg7[%get3A_505, %get3A_506] {strides = array<i32>} : memref<128x256xf32, #tpu.memory_space<vmem>>, vector<16xf32>,
        %exp3A_508 = math.exp %get3A_507 : vector<16xf32>
        %add3A_509 = arith.addf %add3A_504, %exp3A_508 : vector<16xf32>
        %get3A_510 = arith.index_cast %add3A_455 : i32 to index
        %get3A_511 = arith.constant 176 : index
        %get3A_512 = tpu.vector_load %arg7[%get3A_510, %get3A_511] {strides = array<i32>} : memref<128x256xf32, #tpu.memory_space<vmem>>, vector<16xf32>,
        %exp3A_513 = math.exp %get3A_512 : vector<16xf32>
        %add3A_514 = arith.addf %add3A_509, %exp3A_513 : vector<16xf32>
        %get3A_515 = arith.index_cast %add3A_455 : i32 to index
        %get3A_516 = arith.constant 192 : index
        %get3A_517 = tpu.vector_load %arg7[%get3A_515, %get3A_516] {strides = array<i32>} : memref<128x256xf32, #tpu.memory_space<vmem>>, vector<16xf32>,
        %exp3A_518 = math.exp %get3A_517 : vector<16xf32>
        %add3A_519 = arith.addf %add3A_514, %exp3A_518 : vector<16xf32>
        %get3A_520 = arith.index_cast %add3A_455 : i32 to index
        %get3A_521 = arith.constant 208 : index
        %get3A_522 = tpu.vector_load %arg7[%get3A_520, %get3A_521] {strides = array<i32>} : memref<128x256xf32, #tpu.memory_space<vmem>>, vector<16xf32>,
        %exp3A_523 = math.exp %get3A_522 : vector<16xf32>
        %add3A_524 = arith.addf %add3A_519, %exp3A_523 : vector<16xf32>
        %get3A_525 = arith.index_cast %add3A_455 : i32 to index
        %get3A_526 = arith.constant 224 : index
        %get3A_527 = tpu.vector_load %arg7[%get3A_525, %get3A_526] {strides = array<i32>} : memref<128x256xf32, #tpu.memory_space<vmem>>, vector<16xf32>,
        %exp3A_528 = math.exp %get3A_527 : vector<16xf32>
        %add3A_529 = arith.addf %add3A_524, %exp3A_528 : vector<16xf32>
        %get3A_530 = arith.index_cast %add3A_455 : i32 to index
        %get3A_531 = arith.constant 240 : index
        %get3A_532 = tpu.vector_load %arg7[%get3A_530, %get3A_531] {strides = array<i32>} : memref<128x256xf32, #tpu.memory_space<vmem>>, vector<16xf32>,
        %exp3A_533 = math.exp %get3A_532 : vector<16xf32>
        %add3A_534 = arith.addf %add3A_529, %exp3A_533 : vector<16xf32>
        %eq3A_535 = arith.constant 4 : i32
        %eq3A_536 = vector.broadcast %eq3A_535 : i32 to vector<16xi32>
        %eq3A_537 = arith.cmpi eq, %iota3A_86, %eq3A_536 : vector<16xi32>
        %reduce_sum3A_538 = arith.constant true
        %reduce_sum3A_539 = vector.broadcast %reduce_sum3A_538 : i1 to vector<16xi1>
        %reduce_sum3A_540 = tpu.scan <sum>, %add3A_534 masked %reduce_sum3A_539 : vector<16xf32>, vector<16xi1> -> vector<16xf32>
        %reduce_sum3A_541 = vector.extract %reduce_sum3A_540[15] : f32 from vector<16xf32>
        %broadcast_in_dim3A_542 = vector.broadcast %reduce_sum3A_541 : f32 to vector<16xf32>
        %select_n3A_543 = arith.select %eq3A_537, %broadcast_in_dim3A_542, %select_n3A_451 : vector<16xi1>, vector<16xf32>
        %mul3A_544 = arith.constant 16 : i32
        %mul3A_545 = arith.muli %scan3A_58, %mul3A_544 : i32
        %add3A_546 = arith.constant 5 : i32
        %add3A_547 = arith.addi %mul3A_545, %add3A_546 : i32
        %get3A_548 = arith.index_cast %add3A_547 : i32 to index
        %get3A_549 = arith.constant 0 : index
        %get3A_550 = tpu.vector_load %arg7[%get3A_548, %get3A_549] {strides = array<i32>} : memref<128x256xf32, #tpu.memory_space<vmem>>, vector<16xf32>,
        %exp3A_551 = math.exp %get3A_550 : vector<16xf32>
        %get3A_552 = arith.index_cast %add3A_547 : i32 to index
        %get3A_553 = arith.constant 16 : index
        %get3A_554 = tpu.vector_load %arg7[%get3A_552, %get3A_553] {strides = array<i32>} : memref<128x256xf32, #tpu.memory_space<vmem>>, vector<16xf32>,
        %exp3A_555 = math.exp %get3A_554 : vector<16xf32>
        %add3A_556 = arith.addf %exp3A_551, %exp3A_555 : vector<16xf32>
        %get3A_557 = arith.index_cast %add3A_547 : i32 to index
        %get3A_558 = arith.constant 32 : index
        %get3A_559 = tpu.vector_load %arg7[%get3A_557, %get3A_558] {strides = array<i32>} : memref<128x256xf32, #tpu.memory_space<vmem>>, vector<16xf32>,
        %exp3A_560 = math.exp %get3A_559 : vector<16xf32>
        %add3A_561 = arith.addf %add3A_556, %exp3A_560 : vector<16xf32>
        %get3A_562 = arith.index_cast %add3A_547 : i32 to index
        %get3A_563 = arith.constant 48 : index
        %get3A_564 = tpu.vector_load %arg7[%get3A_562, %get3A_563] {strides = array<i32>} : memref<128x256xf32, #tpu.memory_space<vmem>>, vector<16xf32>,
        %exp3A_565 = math.exp %get3A_564 : vector<16xf32>
        %add3A_566 = arith.addf %add3A_561, %exp3A_565 : vector<16xf32>
        %get3A_567 = arith.index_cast %add3A_547 : i32 to index
        %get3A_568 = arith.constant 64 : index
        %get3A_569 = tpu.vector_load %arg7[%get3A_567, %get3A_568] {strides = array<i32>} : memref<128x256xf32, #tpu.memory_space<vmem>>, vector<16xf32>,
        %exp3A_570 = math.exp %get3A_569 : vector<16xf32>
        %add3A_571 = arith.addf %add3A_566, %exp3A_570 : vector<16xf32>
        %get3A_572 = arith.index_cast %add3A_547 : i32 to index
        %get3A_573 = arith.constant 80 : index
        %get3A_574 = tpu.vector_load %arg7[%get3A_572, %get3A_573] {strides = array<i32>} : memref<128x256xf32, #tpu.memory_space<vmem>>, vector<16xf32>,
        %exp3A_575 = math.exp %get3A_574 : vector<16xf32>
        %add3A_576 = arith.addf %add3A_571, %exp3A_575 : vector<16xf32>
        %get3A_577 = arith.index_cast %add3A_547 : i32 to index
        %get3A_578 = arith.constant 96 : index
        %get3A_579 = tpu.vector_load %arg7[%get3A_577, %get3A_578] {strides = array<i32>} : memref<128x256xf32, #tpu.memory_space<vmem>>, vector<16xf32>,
        %exp3A_580 = math.exp %get3A_579 : vector<16xf32>
        %add3A_581 = arith.addf %add3A_576, %exp3A_580 : vector<16xf32>
        %get3A_582 = arith.index_cast %add3A_547 : i32 to index
        %get3A_583 = arith.constant 112 : index
        %get3A_584 = tpu.vector_load %arg7[%get3A_582, %get3A_583] {strides = array<i32>} : memref<128x256xf32, #tpu.memory_space<vmem>>, vector<16xf32>,
        %exp3A_585 = math.exp %get3A_584 : vector<16xf32>
        %add3A_586 = arith.addf %add3A_581, %exp3A_585 : vector<16xf32>
        %get3A_587 = arith.index_cast %add3A_547 : i32 to index
        %get3A_588 = arith.constant 128 : index
        %get3A_589 = tpu.vector_load %arg7[%get3A_587, %get3A_588] {strides = array<i32>} : memref<128x256xf32, #tpu.memory_space<vmem>>, vector<16xf32>,
        %exp3A_590 = math.exp %get3A_589 : vector<16xf32>
        %add3A_591 = arith.addf %add3A_586, %exp3A_590 : vector<16xf32>
        %get3A_592 = arith.index_cast %add3A_547 : i32 to index
        %get3A_593 = arith.constant 144 : index
        %get3A_594 = tpu.vector_load %arg7[%get3A_592, %get3A_593] {strides = array<i32>} : memref<128x256xf32, #tpu.memory_space<vmem>>, vector<16xf32>,
        %exp3A_595 = math.exp %get3A_594 : vector<16xf32>
        %add3A_596 = arith.addf %add3A_591, %exp3A_595 : vector<16xf32>
        %get3A_597 = arith.index_cast %add3A_547 : i32 to index
        %get3A_598 = arith.constant 160 : index
        %get3A_599 = tpu.vector_load %arg7[%get3A_597, %get3A_598] {strides = array<i32>} : memref<128x256xf32, #tpu.memory_space<vmem>>, vector<16xf32>,
        %exp3A_600 = math.exp %get3A_599 : vector<16xf32>
        %add3A_601 = arith.addf %add3A_596, %exp3A_600 : vector<16xf32>
        %get3A_602 = arith.index_cast %add3A_547 : i32 to index
        %get3A_603 = arith.constant 176 : index
        %get3A_604 = tpu.vector_load %arg7[%get3A_602, %get3A_603] {strides = array<i32>} : memref<128x256xf32, #tpu.memory_space<vmem>>, vector<16xf32>,
        %exp3A_605 = math.exp %get3A_604 : vector<16xf32>
        %add3A_606 = arith.addf %add3A_601, %exp3A_605 : vector<16xf32>
        %get3A_607 = arith.index_cast %add3A_547 : i32 to index
        %get3A_608 = arith.constant 192 : index
        %get3A_609 = tpu.vector_load %arg7[%get3A_607, %get3A_608] {strides = array<i32>} : memref<128x256xf32, #tpu.memory_space<vmem>>, vector<16xf32>,
        %exp3A_610 = math.exp %get3A_609 : vector<16xf32>
        %add3A_611 = arith.addf %add3A_606, %exp3A_610 : vector<16xf32>
        %get3A_612 = arith.index_cast %add3A_547 : i32 to index
        %get3A_613 = arith.constant 208 : index
        %get3A_614 = tpu.vector_load %arg7[%get3A_612, %get3A_613] {strides = array<i32>} : memref<128x256xf32, #tpu.memory_space<vmem>>, vector<16xf32>,
        %exp3A_615 = math.exp %get3A_614 : vector<16xf32>
        %add3A_616 = arith.addf %add3A_611, %exp3A_615 : vector<16xf32>
        %get3A_617 = arith.index_cast %add3A_547 : i32 to index
        %get3A_618 = arith.constant 224 : index
        %get3A_619 = tpu.vector_load %arg7[%get3A_617, %get3A_618] {strides = array<i32>} : memref<128x256xf32, #tpu.memory_space<vmem>>, vector<16xf32>,
        %exp3A_620 = math.exp %get3A_619 : vector<16xf32>
        %add3A_621 = arith.addf %add3A_616, %exp3A_620 : vector<16xf32>
        %get3A_622 = arith.index_cast %add3A_547 : i32 to index
        %get3A_623 = arith.constant 240 : index
        %get3A_624 = tpu.vector_load %arg7[%get3A_622, %get3A_623] {strides = array<i32>} : memref<128x256xf32, #tpu.memory_space<vmem>>, vector<16xf32>,
        %exp3A_625 = math.exp %get3A_624 : vector<16xf32>
        %add3A_626 = arith.addf %add3A_621, %exp3A_625 : vector<16xf32>
        %eq3A_627 = arith.constant 5 : i32
        %eq3A_628 = vector.broadcast %eq3A_627 : i32 to vector<16xi32>
        %eq3A_629 = arith.cmpi eq, %iota3A_86, %eq3A_628 : vector<16xi32>
        %reduce_sum3A_630 = arith.constant true
        %reduce_sum3A_631 = vector.broadcast %reduce_sum3A_630 : i1 to vector<16xi1>
        %reduce_sum3A_632 = tpu.scan <sum>, %add3A_626 masked %reduce_sum3A_631 : vector<16xf32>, vector<16xi1> -> vector<16xf32>
        %reduce_sum3A_633 = vector.extract %reduce_sum3A_632[15] : f32 from vector<16xf32>
        %broadcast_in_dim3A_634 = vector.broadcast %reduce_sum3A_633 : f32 to vector<16xf32>
        %select_n3A_635 = arith.select %eq3A_629, %broadcast_in_dim3A_634, %select_n3A_543 : vector<16xi1>, vector<16xf32>
        %mul3A_636 = arith.constant 16 : i32
        %mul3A_637 = arith.muli %scan3A_58, %mul3A_636 : i32
        %add3A_638 = arith.constant 6 : i32
        %add3A_639 = arith.addi %mul3A_637, %add3A_638 : i32
        %get3A_640 = arith.index_cast %add3A_639 : i32 to index
        %get3A_641 = arith.constant 0 : index
        %get3A_642 = tpu.vector_load %arg7[%get3A_640, %get3A_641] {strides = array<i32>} : memref<128x256xf32, #tpu.memory_space<vmem>>, vector<16xf32>,
        %exp3A_643 = math.exp %get3A_642 : vector<16xf32>
        %get3A_644 = arith.index_cast %add3A_639 : i32 to index
        %get3A_645 = arith.constant 16 : index
        %get3A_646 = tpu.vector_load %arg7[%get3A_644, %get3A_645] {strides = array<i32>} : memref<128x256xf32, #tpu.memory_space<vmem>>, vector<16xf32>,
        %exp3A_647 = math.exp %get3A_646 : vector<16xf32>
        %add3A_648 = arith.addf %exp3A_643, %exp3A_647 : vector<16xf32>
        %get3A_649 = arith.index_cast %add3A_639 : i32 to index
        %get3A_650 = arith.constant 32 : index
        %get3A_651 = tpu.vector_load %arg7[%get3A_649, %get3A_650] {strides = array<i32>} : memref<128x256xf32, #tpu.memory_space<vmem>>, vector<16xf32>,
        %exp3A_652 = math.exp %get3A_651 : vector<16xf32>
        %add3A_653 = arith.addf %add3A_648, %exp3A_652 : vector<16xf32>
        %get3A_654 = arith.index_cast %add3A_639 : i32 to index
        %get3A_655 = arith.constant 48 : index
        %get3A_656 = tpu.vector_load %arg7[%get3A_654, %get3A_655] {strides = array<i32>} : memref<128x256xf32, #tpu.memory_space<vmem>>, vector<16xf32>,
        %exp3A_657 = math.exp %get3A_656 : vector<16xf32>
        %add3A_658 = arith.addf %add3A_653, %exp3A_657 : vector<16xf32>
        %get3A_659 = arith.index_cast %add3A_639 : i32 to index
        %get3A_660 = arith.constant 64 : index
        %get3A_661 = tpu.vector_load %arg7[%get3A_659, %get3A_660] {strides = array<i32>} : memref<128x256xf32, #tpu.memory_space<vmem>>, vector<16xf32>,
        %exp3A_662 = math.exp %get3A_661 : vector<16xf32>
        %add3A_663 = arith.addf %add3A_658, %exp3A_662 : vector<16xf32>
        %get3A_664 = arith.index_cast %add3A_639 : i32 to index
        %get3A_665 = arith.constant 80 : index
        %get3A_666 = tpu.vector_load %arg7[%get3A_664, %get3A_665] {strides = array<i32>} : memref<128x256xf32, #tpu.memory_space<vmem>>, vector<16xf32>,
        %exp3A_667 = math.exp %get3A_666 : vector<16xf32>
        %add3A_668 = arith.addf %add3A_663, %exp3A_667 : vector<16xf32>
        %get3A_669 = arith.index_cast %add3A_639 : i32 to index
        %get3A_670 = arith.constant 96 : index
        %get3A_671 = tpu.vector_load %arg7[%get3A_669, %get3A_670] {strides = array<i32>} : memref<128x256xf32, #tpu.memory_space<vmem>>, vector<16xf32>,
        %exp3A_672 = math.exp %get3A_671 : vector<16xf32>
        %add3A_673 = arith.addf %add3A_668, %exp3A_672 : vector<16xf32>
        %get3A_674 = arith.index_cast %add3A_639 : i32 to index
        %get3A_675 = arith.constant 112 : index
        %get3A_676 = tpu.vector_load %arg7[%get3A_674, %get3A_675] {strides = array<i32>} : memref<128x256xf32, #tpu.memory_space<vmem>>, vector<16xf32>,
        %exp3A_677 = math.exp %get3A_676 : vector<16xf32>
        %add3A_678 = arith.addf %add3A_673, %exp3A_677 : vector<16xf32>
        %get3A_679 = arith.index_cast %add3A_639 : i32 to index
        %get3A_680 = arith.constant 128 : index
        %get3A_681 = tpu.vector_load %arg7[%get3A_679, %get3A_680] {strides = array<i32>} : memref<128x256xf32, #tpu.memory_space<vmem>>, vector<16xf32>,
        %exp3A_682 = math.exp %get3A_681 : vector<16xf32>
        %add3A_683 = arith.addf %add3A_678, %exp3A_682 : vector<16xf32>
        %get3A_684 = arith.index_cast %add3A_639 : i32 to index
        %get3A_685 = arith.constant 144 : index
        %get3A_686 = tpu.vector_load %arg7[%get3A_684, %get3A_685] {strides = array<i32>} : memref<128x256xf32, #tpu.memory_space<vmem>>, vector<16xf32>,
        %exp3A_687 = math.exp %get3A_686 : vector<16xf32>
        %add3A_688 = arith.addf %add3A_683, %exp3A_687 : vector<16xf32>
        %get3A_689 = arith.index_cast %add3A_639 : i32 to index
        %get3A_690 = arith.constant 160 : index
        %get3A_691 = tpu.vector_load %arg7[%get3A_689, %get3A_690] {strides = array<i32>} : memref<128x256xf32, #tpu.memory_space<vmem>>, vector<16xf32>,
        %exp3A_692 = math.exp %get3A_691 : vector<16xf32>
        %add3A_693 = arith.addf %add3A_688, %exp3A_692 : vector<16xf32>
        %get3A_694 = arith.index_cast %add3A_639 : i32 to index
        %get3A_695 = arith.constant 176 : index
        %get3A_696 = tpu.vector_load %arg7[%get3A_694, %get3A_695] {strides = array<i32>} : memref<128x256xf32, #tpu.memory_space<vmem>>, vector<16xf32>,
        %exp3A_697 = math.exp %get3A_696 : vector<16xf32>
        %add3A_698 = arith.addf %add3A_693, %exp3A_697 : vector<16xf32>
        %get3A_699 = arith.index_cast %add3A_639 : i32 to index
        %get3A_700 = arith.constant 192 : index
        %get3A_701 = tpu.vector_load %arg7[%get3A_699, %get3A_700] {strides = array<i32>} : memref<128x256xf32, #tpu.memory_space<vmem>>, vector<16xf32>,
        %exp3A_702 = math.exp %get3A_701 : vector<16xf32>
        %add3A_703 = arith.addf %add3A_698, %exp3A_702 : vector<16xf32>
        %get3A_704 = arith.index_cast %add3A_639 : i32 to index
        %get3A_705 = arith.constant 208 : index
        %get3A_706 = tpu.vector_load %arg7[%get3A_704, %get3A_705] {strides = array<i32>} : memref<128x256xf32, #tpu.memory_space<vmem>>, vector<16xf32>,
        %exp3A_707 = math.exp %get3A_706 : vector<16xf32>
        %add3A_708 = arith.addf %add3A_703, %exp3A_707 : vector<16xf32>
        %get3A_709 = arith.index_cast %add3A_639 : i32 to index
        %get3A_710 = arith.constant 224 : index
        %get3A_711 = tpu.vector_load %arg7[%get3A_709, %get3A_710] {strides = array<i32>} : memref<128x256xf32, #tpu.memory_space<vmem>>, vector<16xf32>,
        %exp3A_712 = math.exp %get3A_711 : vector<16xf32>
        %add3A_713 = arith.addf %add3A_708, %exp3A_712 : vector<16xf32>
        %get3A_714 = arith.index_cast %add3A_639 : i32 to index
        %get3A_715 = arith.constant 240 : index
        %get3A_716 = tpu.vector_load %arg7[%get3A_714, %get3A_715] {strides = array<i32>} : memref<128x256xf32, #tpu.memory_space<vmem>>, vector<16xf32>,
        %exp3A_717 = math.exp %get3A_716 : vector<16xf32>
        %add3A_718 = arith.addf %add3A_713, %exp3A_717 : vector<16xf32>
        %eq3A_719 = arith.constant 6 : i32
        %eq3A_720 = vector.broadcast %eq3A_719 : i32 to vector<16xi32>
        %eq3A_721 = arith.cmpi eq, %iota3A_86, %eq3A_720 : vector<16xi32>
        %reduce_sum3A_722 = arith.constant true
        %reduce_sum3A_723 = vector.broadcast %reduce_sum3A_722 : i1 to vector<16xi1>
        %reduce_sum3A_724 = tpu.scan <sum>, %add3A_718 masked %reduce_sum3A_723 : vector<16xf32>, vector<16xi1> -> vector<16xf32>
        %reduce_sum3A_725 = vector.extract %reduce_sum3A_724[15] : f32 from vector<16xf32>
        %broadcast_in_dim3A_726 = vector.broadcast %reduce_sum3A_725 : f32 to vector<16xf32>
        %select_n3A_727 = arith.select %eq3A_721, %broadcast_in_dim3A_726, %select_n3A_635 : vector<16xi1>, vector<16xf32>
        %mul3A_728 = arith.constant 16 : i32
        %mul3A_729 = arith.muli %scan3A_58, %mul3A_728 : i32
        %add3A_730 = arith.constant 7 : i32
        %add3A_731 = arith.addi %mul3A_729, %add3A_730 : i32
        %get3A_732 = arith.index_cast %add3A_731 : i32 to index
        %get3A_733 = arith.constant 0 : index
        %get3A_734 = tpu.vector_load %arg7[%get3A_732, %get3A_733] {strides = array<i32>} : memref<128x256xf32, #tpu.memory_space<vmem>>, vector<16xf32>,
        %exp3A_735 = math.exp %get3A_734 : vector<16xf32>
        %get3A_736 = arith.index_cast %add3A_731 : i32 to index
        %get3A_737 = arith.constant 16 : index
        %get3A_738 = tpu.vector_load %arg7[%get3A_736, %get3A_737] {strides = array<i32>} : memref<128x256xf32, #tpu.memory_space<vmem>>, vector<16xf32>,
        %exp3A_739 = math.exp %get3A_738 : vector<16xf32>
        %add3A_740 = arith.addf %exp3A_735, %exp3A_739 : vector<16xf32>
        %get3A_741 = arith.index_cast %add3A_731 : i32 to index
        %get3A_742 = arith.constant 32 : index
        %get3A_743 = tpu.vector_load %arg7[%get3A_741, %get3A_742] {strides = array<i32>} : memref<128x256xf32, #tpu.memory_space<vmem>>, vector<16xf32>,
        %exp3A_744 = math.exp %get3A_743 : vector<16xf32>
        %add3A_745 = arith.addf %add3A_740, %exp3A_744 : vector<16xf32>
        %get3A_746 = arith.index_cast %add3A_731 : i32 to index
        %get3A_747 = arith.constant 48 : index
        %get3A_748 = tpu.vector_load %arg7[%get3A_746, %get3A_747] {strides = array<i32>} : memref<128x256xf32, #tpu.memory_space<vmem>>, vector<16xf32>,
        %exp3A_749 = math.exp %get3A_748 : vector<16xf32>
        %add3A_750 = arith.addf %add3A_745, %exp3A_749 : vector<16xf32>
        %get3A_751 = arith.index_cast %add3A_731 : i32 to index
        %get3A_752 = arith.constant 64 : index
        %get3A_753 = tpu.vector_load %arg7[%get3A_751, %get3A_752] {strides = array<i32>} : memref<128x256xf32, #tpu.memory_space<vmem>>, vector<16xf32>,
        %exp3A_754 = math.exp %get3A_753 : vector<16xf32>
        %add3A_755 = arith.addf %add3A_750, %exp3A_754 : vector<16xf32>
        %get3A_756 = arith.index_cast %add3A_731 : i32 to index
        %get3A_757 = arith.constant 80 : index
        %get3A_758 = tpu.vector_load %arg7[%get3A_756, %get3A_757] {strides = array<i32>} : memref<128x256xf32, #tpu.memory_space<vmem>>, vector<16xf32>,
        %exp3A_759 = math.exp %get3A_758 : vector<16xf32>
        %add3A_760 = arith.addf %add3A_755, %exp3A_759 : vector<16xf32>
        %get3A_761 = arith.index_cast %add3A_731 : i32 to index
        %get3A_762 = arith.constant 96 : index
        %get3A_763 = tpu.vector_load %arg7[%get3A_761, %get3A_762] {strides = array<i32>} : memref<128x256xf32, #tpu.memory_space<vmem>>, vector<16xf32>,
        %exp3A_764 = math.exp %get3A_763 : vector<16xf32>
        %add3A_765 = arith.addf %add3A_760, %exp3A_764 : vector<16xf32>
        %get3A_766 = arith.index_cast %add3A_731 : i32 to index
        %get3A_767 = arith.constant 112 : index
        %get3A_768 = tpu.vector_load %arg7[%get3A_766, %get3A_767] {strides = array<i32>} : memref<128x256xf32, #tpu.memory_space<vmem>>, vector<16xf32>,
        %exp3A_769 = math.exp %get3A_768 : vector<16xf32>
        %add3A_770 = arith.addf %add3A_765, %exp3A_769 : vector<16xf32>
        %get3A_771 = arith.index_cast %add3A_731 : i32 to index
        %get3A_772 = arith.constant 128 : index
        %get3A_773 = tpu.vector_load %arg7[%get3A_771, %get3A_772] {strides = array<i32>} : memref<128x256xf32, #tpu.memory_space<vmem>>, vector<16xf32>,
        %exp3A_774 = math.exp %get3A_773 : vector<16xf32>
        %add3A_775 = arith.addf %add3A_770, %exp3A_774 : vector<16xf32>
        %get3A_776 = arith.index_cast %add3A_731 : i32 to index
        %get3A_777 = arith.constant 144 : index
        %get3A_778 = tpu.vector_load %arg7[%get3A_776, %get3A_777] {strides = array<i32>} : memref<128x256xf32, #tpu.memory_space<vmem>>, vector<16xf32>,
        %exp3A_779 = math.exp %get3A_778 : vector<16xf32>
        %add3A_780 = arith.addf %add3A_775, %exp3A_779 : vector<16xf32>
        %get3A_781 = arith.index_cast %add3A_731 : i32 to index
        %get3A_782 = arith.constant 160 : index
        %get3A_783 = tpu.vector_load %arg7[%get3A_781, %get3A_782] {strides = array<i32>} : memref<128x256xf32, #tpu.memory_space<vmem>>, vector<16xf32>,
        %exp3A_784 = math.exp %get3A_783 : vector<16xf32>
        %add3A_785 = arith.addf %add3A_780, %exp3A_784 : vector<16xf32>
        %get3A_786 = arith.index_cast %add3A_731 : i32 to index
        %get3A_787 = arith.constant 176 : index
        %get3A_788 = tpu.vector_load %arg7[%get3A_786, %get3A_787] {strides = array<i32>} : memref<128x256xf32, #tpu.memory_space<vmem>>, vector<16xf32>,
        %exp3A_789 = math.exp %get3A_788 : vector<16xf32>
        %add3A_790 = arith.addf %add3A_785, %exp3A_789 : vector<16xf32>
        %get3A_791 = arith.index_cast %add3A_731 : i32 to index
        %get3A_792 = arith.constant 192 : index
        %get3A_793 = tpu.vector_load %arg7[%get3A_791, %get3A_792] {strides = array<i32>} : memref<128x256xf32, #tpu.memory_space<vmem>>, vector<16xf32>,
        %exp3A_794 = math.exp %get3A_793 : vector<16xf32>
        %add3A_795 = arith.addf %add3A_790, %exp3A_794 : vector<16xf32>
        %get3A_796 = arith.index_cast %add3A_731 : i32 to index
        %get3A_797 = arith.constant 208 : index
        %get3A_798 = tpu.vector_load %arg7[%get3A_796, %get3A_797] {strides = array<i32>} : memref<128x256xf32, #tpu.memory_space<vmem>>, vector<16xf32>,
        %exp3A_799 = math.exp %get3A_798 : vector<16xf32>
        %add3A_800 = arith.addf %add3A_795, %exp3A_799 : vector<16xf32>
        %get3A_801 = arith.index_cast %add3A_731 : i32 to index
        %get3A_802 = arith.constant 224 : index
        %get3A_803 = tpu.vector_load %arg7[%get3A_801, %get3A_802] {strides = array<i32>} : memref<128x256xf32, #tpu.memory_space<vmem>>, vector<16xf32>,
        %exp3A_804 = math.exp %get3A_803 : vector<16xf32>
        %add3A_805 = arith.addf %add3A_800, %exp3A_804 : vector<16xf32>
        %get3A_806 = arith.index_cast %add3A_731 : i32 to index
        %get3A_807 = arith.constant 240 : index
        %get3A_808 = tpu.vector_load %arg7[%get3A_806, %get3A_807] {strides = array<i32>} : memref<128x256xf32, #tpu.memory_space<vmem>>, vector<16xf32>,
        %exp3A_809 = math.exp %get3A_808 : vector<16xf32>
        %add3A_810 = arith.addf %add3A_805, %exp3A_809 : vector<16xf32>
        %eq3A_811 = arith.constant 7 : i32
        %eq3A_812 = vector.broadcast %eq3A_811 : i32 to vector<16xi32>
        %eq3A_813 = arith.cmpi eq, %iota3A_86, %eq3A_812 : vector<16xi32>
        %reduce_sum3A_814 = arith.constant true
        %reduce_sum3A_815 = vector.broadcast %reduce_sum3A_814 : i1 to vector<16xi1>
        %reduce_sum3A_816 = tpu.scan <sum>, %add3A_810 masked %reduce_sum3A_815 : vector<16xf32>, vector<16xi1> -> vector<16xf32>
        %reduce_sum3A_817 = vector.extract %reduce_sum3A_816[15] : f32 from vector<16xf32>
        %broadcast_in_dim3A_818 = vector.broadcast %reduce_sum3A_817 : f32 to vector<16xf32>
        %select_n3A_819 = arith.select %eq3A_813, %broadcast_in_dim3A_818, %select_n3A_727 : vector<16xi1>, vector<16xf32>
        %mul3A_820 = arith.constant 16 : i32
        %mul3A_821 = arith.muli %scan3A_58, %mul3A_820 : i32
        %add3A_822 = arith.constant 8 : i32
        %add3A_823 = arith.addi %mul3A_821, %add3A_822 : i32
        %get3A_824 = arith.index_cast %add3A_823 : i32 to index
        %get3A_825 = arith.constant 0 : index
        %get3A_826 = tpu.vector_load %arg7[%get3A_824, %get3A_825] {strides = array<i32>} : memref<128x256xf32, #tpu.memory_space<vmem>>, vector<16xf32>,
        %exp3A_827 = math.exp %get3A_826 : vector<16xf32>
        %get3A_828 = arith.index_cast %add3A_823 : i32 to index
        %get3A_829 = arith.constant 16 : index
        %get3A_830 = tpu.vector_load %arg7[%get3A_828, %get3A_829] {strides = array<i32>} : memref<128x256xf32, #tpu.memory_space<vmem>>, vector<16xf32>,
        %exp3A_831 = math.exp %get3A_830 : vector<16xf32>
        %add3A_832 = arith.addf %exp3A_827, %exp3A_831 : vector<16xf32>
        %get3A_833 = arith.index_cast %add3A_823 : i32 to index
        %get3A_834 = arith.constant 32 : index
        %get3A_835 = tpu.vector_load %arg7[%get3A_833, %get3A_834] {strides = array<i32>} : memref<128x256xf32, #tpu.memory_space<vmem>>, vector<16xf32>,
        %exp3A_836 = math.exp %get3A_835 : vector<16xf32>
        %add3A_837 = arith.addf %add3A_832, %exp3A_836 : vector<16xf32>
        %get3A_838 = arith.index_cast %add3A_823 : i32 to index
        %get3A_839 = arith.constant 48 : index
        %get3A_840 = tpu.vector_load %arg7[%get3A_838, %get3A_839] {strides = array<i32>} : memref<128x256xf32, #tpu.memory_space<vmem>>, vector<16xf32>,
        %exp3A_841 = math.exp %get3A_840 : vector<16xf32>
        %add3A_842 = arith.addf %add3A_837, %exp3A_841 : vector<16xf32>
        %get3A_843 = arith.index_cast %add3A_823 : i32 to index
        %get3A_844 = arith.constant 64 : index
        %get3A_845 = tpu.vector_load %arg7[%get3A_843, %get3A_844] {strides = array<i32>} : memref<128x256xf32, #tpu.memory_space<vmem>>, vector<16xf32>,
        %exp3A_846 = math.exp %get3A_845 : vector<16xf32>
        %add3A_847 = arith.addf %add3A_842, %exp3A_846 : vector<16xf32>
        %get3A_848 = arith.index_cast %add3A_823 : i32 to index
        %get3A_849 = arith.constant 80 : index
        %get3A_850 = tpu.vector_load %arg7[%get3A_848, %get3A_849] {strides = array<i32>} : memref<128x256xf32, #tpu.memory_space<vmem>>, vector<16xf32>,
        %exp3A_851 = math.exp %get3A_850 : vector<16xf32>
        %add3A_852 = arith.addf %add3A_847, %exp3A_851 : vector<16xf32>
        %get3A_853 = arith.index_cast %add3A_823 : i32 to index
        %get3A_854 = arith.constant 96 : index
        %get3A_855 = tpu.vector_load %arg7[%get3A_853, %get3A_854] {strides = array<i32>} : memref<128x256xf32, #tpu.memory_space<vmem>>, vector<16xf32>,
        %exp3A_856 = math.exp %get3A_855 : vector<16xf32>
        %add3A_857 = arith.addf %add3A_852, %exp3A_856 : vector<16xf32>
        %get3A_858 = arith.index_cast %add3A_823 : i32 to index
        %get3A_859 = arith.constant 112 : index
        %get3A_860 = tpu.vector_load %arg7[%get3A_858, %get3A_859] {strides = array<i32>} : memref<128x256xf32, #tpu.memory_space<vmem>>, vector<16xf32>,
        %exp3A_861 = math.exp %get3A_860 : vector<16xf32>
        %add3A_862 = arith.addf %add3A_857, %exp3A_861 : vector<16xf32>
        %get3A_863 = arith.index_cast %add3A_823 : i32 to index
        %get3A_864 = arith.constant 128 : index
        %get3A_865 = tpu.vector_load %arg7[%get3A_863, %get3A_864] {strides = array<i32>} : memref<128x256xf32, #tpu.memory_space<vmem>>, vector<16xf32>,
        %exp3A_866 = math.exp %get3A_865 : vector<16xf32>
        %add3A_867 = arith.addf %add3A_862, %exp3A_866 : vector<16xf32>
        %get3A_868 = arith.index_cast %add3A_823 : i32 to index
        %get3A_869 = arith.constant 144 : index
        %get3A_870 = tpu.vector_load %arg7[%get3A_868, %get3A_869] {strides = array<i32>} : memref<128x256xf32, #tpu.memory_space<vmem>>, vector<16xf32>,
        %exp3A_871 = math.exp %get3A_870 : vector<16xf32>
        %add3A_872 = arith.addf %add3A_867, %exp3A_871 : vector<16xf32>
        %get3A_873 = arith.index_cast %add3A_823 : i32 to index
        %get3A_874 = arith.constant 160 : index
        %get3A_875 = tpu.vector_load %arg7[%get3A_873, %get3A_874] {strides = array<i32>} : memref<128x256xf32, #tpu.memory_space<vmem>>, vector<16xf32>,
        %exp3A_876 = math.exp %get3A_875 : vector<16xf32>
        %add3A_877 = arith.addf %add3A_872, %exp3A_876 : vector<16xf32>
        %get3A_878 = arith.index_cast %add3A_823 : i32 to index
        %get3A_879 = arith.constant 176 : index
        %get3A_880 = tpu.vector_load %arg7[%get3A_878, %get3A_879] {strides = array<i32>} : memref<128x256xf32, #tpu.memory_space<vmem>>, vector<16xf32>,
        %exp3A_881 = math.exp %get3A_880 : vector<16xf32>
        %add3A_882 = arith.addf %add3A_877, %exp3A_881 : vector<16xf32>
        %get3A_883 = arith.index_cast %add3A_823 : i32 to index
        %get3A_884 = arith.constant 192 : index
        %get3A_885 = tpu.vector_load %arg7[%get3A_883, %get3A_884] {strides = array<i32>} : memref<128x256xf32, #tpu.memory_space<vmem>>, vector<16xf32>,
        %exp3A_886 = math.exp %get3A_885 : vector<16xf32>
        %add3A_887 = arith.addf %add3A_882, %exp3A_886 : vector<16xf32>
        %get3A_888 = arith.index_cast %add3A_823 : i32 to index
        %get3A_889 = arith.constant 208 : index
        %get3A_890 = tpu.vector_load %arg7[%get3A_888, %get3A_889] {strides = array<i32>} : memref<128x256xf32, #tpu.memory_space<vmem>>, vector<16xf32>,
        %exp3A_891 = math.exp %get3A_890 : vector<16xf32>
        %add3A_892 = arith.addf %add3A_887, %exp3A_891 : vector<16xf32>
        %get3A_893 = arith.index_cast %add3A_823 : i32 to index
        %get3A_894 = arith.constant 224 : index
        %get3A_895 = tpu.vector_load %arg7[%get3A_893, %get3A_894] {strides = array<i32>} : memref<128x256xf32, #tpu.memory_space<vmem>>, vector<16xf32>,
        %exp3A_896 = math.exp %get3A_895 : vector<16xf32>
        %add3A_897 = arith.addf %add3A_892, %exp3A_896 : vector<16xf32>
        %get3A_898 = arith.index_cast %add3A_823 : i32 to index
        %get3A_899 = arith.constant 240 : index
        %get3A_900 = tpu.vector_load %arg7[%get3A_898, %get3A_899] {strides = array<i32>} : memref<128x256xf32, #tpu.memory_space<vmem>>, vector<16xf32>,
        %exp3A_901 = math.exp %get3A_900 : vector<16xf32>
        %add3A_902 = arith.addf %add3A_897, %exp3A_901 : vector<16xf32>
        %eq3A_903 = arith.constant 8 : i32
        %eq3A_904 = vector.broadcast %eq3A_903 : i32 to vector<16xi32>
        %eq3A_905 = arith.cmpi eq, %iota3A_86, %eq3A_904 : vector<16xi32>
        %reduce_sum3A_906 = arith.constant true
        %reduce_sum3A_907 = vector.broadcast %reduce_sum3A_906 : i1 to vector<16xi1>
        %reduce_sum3A_908 = tpu.scan <sum>, %add3A_902 masked %reduce_sum3A_907 : vector<16xf32>, vector<16xi1> -> vector<16xf32>
        %reduce_sum3A_909 = vector.extract %reduce_sum3A_908[15] : f32 from vector<16xf32>
        %broadcast_in_dim3A_910 = vector.broadcast %reduce_sum3A_909 : f32 to vector<16xf32>
        %select_n3A_911 = arith.select %eq3A_905, %broadcast_in_dim3A_910, %select_n3A_819 : vector<16xi1>, vector<16xf32>
        %mul3A_912 = arith.constant 16 : i32
        %mul3A_913 = arith.muli %scan3A_58, %mul3A_912 : i32
        %add3A_914 = arith.constant 9 : i32
        %add3A_915 = arith.addi %mul3A_913, %add3A_914 : i32
        %get3A_916 = arith.index_cast %add3A_915 : i32 to index
        %get3A_917 = arith.constant 0 : index
        %get3A_918 = tpu.vector_load %arg7[%get3A_916, %get3A_917] {strides = array<i32>} : memref<128x256xf32, #tpu.memory_space<vmem>>, vector<16xf32>,
        %exp3A_919 = math.exp %get3A_918 : vector<16xf32>
        %get3A_920 = arith.index_cast %add3A_915 : i32 to index
        %get3A_921 = arith.constant 16 : index
        %get3A_922 = tpu.vector_load %arg7[%get3A_920, %get3A_921] {strides = array<i32>} : memref<128x256xf32, #tpu.memory_space<vmem>>, vector<16xf32>,
        %exp3A_923 = math.exp %get3A_922 : vector<16xf32>
        %add3A_924 = arith.addf %exp3A_919, %exp3A_923 : vector<16xf32>
        %get3A_925 = arith.index_cast %add3A_915 : i32 to index
        %get3A_926 = arith.constant 32 : index
        %get3A_927 = tpu.vector_load %arg7[%get3A_925, %get3A_926] {strides = array<i32>} : memref<128x256xf32, #tpu.memory_space<vmem>>, vector<16xf32>,
        %exp3A_928 = math.exp %get3A_927 : vector<16xf32>
        %add3A_929 = arith.addf %add3A_924, %exp3A_928 : vector<16xf32>
        %get3A_930 = arith.index_cast %add3A_915 : i32 to index
        %get3A_931 = arith.constant 48 : index
        %get3A_932 = tpu.vector_load %arg7[%get3A_930, %get3A_931] {strides = array<i32>} : memref<128x256xf32, #tpu.memory_space<vmem>>, vector<16xf32>,
        %exp3A_933 = math.exp %get3A_932 : vector<16xf32>
        %add3A_934 = arith.addf %add3A_929, %exp3A_933 : vector<16xf32>
        %get3A_935 = arith.index_cast %add3A_915 : i32 to index
        %get3A_936 = arith.constant 64 : index
        %get3A_937 = tpu.vector_load %arg7[%get3A_935, %get3A_936] {strides = array<i32>} : memref<128x256xf32, #tpu.memory_space<vmem>>, vector<16xf32>,
        %exp3A_938 = math.exp %get3A_937 : vector<16xf32>
        %add3A_939 = arith.addf %add3A_934, %exp3A_938 : vector<16xf32>
        %get3A_940 = arith.index_cast %add3A_915 : i32 to index
        %get3A_941 = arith.constant 80 : index
        %get3A_942 = tpu.vector_load %arg7[%get3A_940, %get3A_941] {strides = array<i32>} : memref<128x256xf32, #tpu.memory_space<vmem>>, vector<16xf32>,
        %exp3A_943 = math.exp %get3A_942 : vector<16xf32>
        %add3A_944 = arith.addf %add3A_939, %exp3A_943 : vector<16xf32>
        %get3A_945 = arith.index_cast %add3A_915 : i32 to index
        %get3A_946 = arith.constant 96 : index
        %get3A_947 = tpu.vector_load %arg7[%get3A_945, %get3A_946] {strides = array<i32>} : memref<128x256xf32, #tpu.memory_space<vmem>>, vector<16xf32>,
        %exp3A_948 = math.exp %get3A_947 : vector<16xf32>
        %add3A_949 = arith.addf %add3A_944, %exp3A_948 : vector<16xf32>
        %get3A_950 = arith.index_cast %add3A_915 : i32 to index
        %get3A_951 = arith.constant 112 : index
        %get3A_952 = tpu.vector_load %arg7[%get3A_950, %get3A_951] {strides = array<i32>} : memref<128x256xf32, #tpu.memory_space<vmem>>, vector<16xf32>,
        %exp3A_953 = math.exp %get3A_952 : vector<16xf32>
        %add3A_954 = arith.addf %add3A_949, %exp3A_953 : vector<16xf32>
        %get3A_955 = arith.index_cast %add3A_915 : i32 to index
        %get3A_956 = arith.constant 128 : index
        %get3A_957 = tpu.vector_load %arg7[%get3A_955, %get3A_956] {strides = array<i32>} : memref<128x256xf32, #tpu.memory_space<vmem>>, vector<16xf32>,
        %exp3A_958 = math.exp %get3A_957 : vector<16xf32>
        %add3A_959 = arith.addf %add3A_954, %exp3A_958 : vector<16xf32>
        %get3A_960 = arith.index_cast %add3A_915 : i32 to index
        %get3A_961 = arith.constant 144 : index
        %get3A_962 = tpu.vector_load %arg7[%get3A_960, %get3A_961] {strides = array<i32>} : memref<128x256xf32, #tpu.memory_space<vmem>>, vector<16xf32>,
        %exp3A_963 = math.exp %get3A_962 : vector<16xf32>
        %add3A_964 = arith.addf %add3A_959, %exp3A_963 : vector<16xf32>
        %get3A_965 = arith.index_cast %add3A_915 : i32 to index
        %get3A_966 = arith.constant 160 : index
        %get3A_967 = tpu.vector_load %arg7[%get3A_965, %get3A_966] {strides = array<i32>} : memref<128x256xf32, #tpu.memory_space<vmem>>, vector<16xf32>,
        %exp3A_968 = math.exp %get3A_967 : vector<16xf32>
        %add3A_969 = arith.addf %add3A_964, %exp3A_968 : vector<16xf32>
        %get3A_970 = arith.index_cast %add3A_915 : i32 to index
        %get3A_971 = arith.constant 176 : index
        %get3A_972 = tpu.vector_load %arg7[%get3A_970, %get3A_971] {strides = array<i32>} : memref<128x256xf32, #tpu.memory_space<vmem>>, vector<16xf32>,
        %exp3A_973 = math.exp %get3A_972 : vector<16xf32>
        %add3A_974 = arith.addf %add3A_969, %exp3A_973 : vector<16xf32>
        %get3A_975 = arith.index_cast %add3A_915 : i32 to index
        %get3A_976 = arith.constant 192 : index
        %get3A_977 = tpu.vector_load %arg7[%get3A_975, %get3A_976] {strides = array<i32>} : memref<128x256xf32, #tpu.memory_space<vmem>>, vector<16xf32>,
        %exp3A_978 = math.exp %get3A_977 : vector<16xf32>
        %add3A_979 = arith.addf %add3A_974, %exp3A_978 : vector<16xf32>
        %get3A_980 = arith.index_cast %add3A_915 : i32 to index
        %get3A_981 = arith.constant 208 : index
        %get3A_982 = tpu.vector_load %arg7[%get3A_980, %get3A_981] {strides = array<i32>} : memref<128x256xf32, #tpu.memory_space<vmem>>, vector<16xf32>,
        %exp3A_983 = math.exp %get3A_982 : vector<16xf32>
        %add3A_984 = arith.addf %add3A_979, %exp3A_983 : vector<16xf32>
        %get3A_985 = arith.index_cast %add3A_915 : i32 to index
        %get3A_986 = arith.constant 224 : index
        %get3A_987 = tpu.vector_load %arg7[%get3A_985, %get3A_986] {strides = array<i32>} : memref<128x256xf32, #tpu.memory_space<vmem>>, vector<16xf32>,
        %exp3A_988 = math.exp %get3A_987 : vector<16xf32>
        %add3A_989 = arith.addf %add3A_984, %exp3A_988 : vector<16xf32>
        %get3A_990 = arith.index_cast %add3A_915 : i32 to index
        %get3A_991 = arith.constant 240 : index
        %get3A_992 = tpu.vector_load %arg7[%get3A_990, %get3A_991] {strides = array<i32>} : memref<128x256xf32, #tpu.memory_space<vmem>>, vector<16xf32>,
        %exp3A_993 = math.exp %get3A_992 : vector<16xf32>
        %add3A_994 = arith.addf %add3A_989, %exp3A_993 : vector<16xf32>
        %eq3A_995 = arith.constant 9 : i32
        %eq3A_996 = vector.broadcast %eq3A_995 : i32 to vector<16xi32>
        %eq3A_997 = arith.cmpi eq, %iota3A_86, %eq3A_996 : vector<16xi32>
        %reduce_sum3A_998 = arith.constant true
        %reduce_sum3A_999 = vector.broadcast %reduce_sum3A_998 : i1 to vector<16xi1>
        %reduce_sum3A_1000 = tpu.scan <sum>, %add3A_994 masked %reduce_sum3A_999 : vector<16xf32>, vector<16xi1> -> vector<16xf32>
        %reduce_sum3A_1001 = vector.extract %reduce_sum3A_1000[15] : f32 from vector<16xf32>
        %broadcast_in_dim3A_1002 = vector.broadcast %reduce_sum3A_1001 : f32 to vector<16xf32>
        %select_n3A_1003 = arith.select %eq3A_997, %broadcast_in_dim3A_1002, %select_n3A_911 : vector<16xi1>, vector<16xf32>
        %mul3A_1004 = arith.constant 16 : i32
        %mul3A_1005 = arith.muli %scan3A_58, %mul3A_1004 : i32
        %add3A_1006 = arith.constant 10 : i32
        %add3A_1007 = arith.addi %mul3A_1005, %add3A_1006 : i32
        %get3A_1008 = arith.index_cast %add3A_1007 : i32 to index
        %get3A_1009 = arith.constant 0 : index
        %get3A_1010 = tpu.vector_load %arg7[%get3A_1008, %get3A_1009] {strides = array<i32>} : memref<128x256xf32, #tpu.memory_space<vmem>>, vector<16xf32>,
        %exp3A_1011 = math.exp %get3A_1010 : vector<16xf32>
        %get3A_1012 = arith.index_cast %add3A_1007 : i32 to index
        %get3A_1013 = arith.constant 16 : index
        %get3A_1014 = tpu.vector_load %arg7[%get3A_1012, %get3A_1013] {strides = array<i32>} : memref<128x256xf32, #tpu.memory_space<vmem>>, vector<16xf32>,
        %exp3A_1015 = math.exp %get3A_1014 : vector<16xf32>
        %add3A_1016 = arith.addf %exp3A_1011, %exp3A_1015 : vector<16xf32>
        %get3A_1017 = arith.index_cast %add3A_1007 : i32 to index
        %get3A_1018 = arith.constant 32 : index
        %get3A_1019 = tpu.vector_load %arg7[%get3A_1017, %get3A_1018] {strides = array<i32>} : memref<128x256xf32, #tpu.memory_space<vmem>>, vector<16xf32>,
        %exp3A_1020 = math.exp %get3A_1019 : vector<16xf32>
        %add3A_1021 = arith.addf %add3A_1016, %exp3A_1020 : vector<16xf32>
        %get3A_1022 = arith.index_cast %add3A_1007 : i32 to index
        %get3A_1023 = arith.constant 48 : index
        %get3A_1024 = tpu.vector_load %arg7[%get3A_1022, %get3A_1023] {strides = array<i32>} : memref<128x256xf32, #tpu.memory_space<vmem>>, vector<16xf32>,
        %exp3A_1025 = math.exp %get3A_1024 : vector<16xf32>
        %add3A_1026 = arith.addf %add3A_1021, %exp3A_1025 : vector<16xf32>
        %get3A_1027 = arith.index_cast %add3A_1007 : i32 to index
        %get3A_1028 = arith.constant 64 : index
        %get3A_1029 = tpu.vector_load %arg7[%get3A_1027, %get3A_1028] {strides = array<i32>} : memref<128x256xf32, #tpu.memory_space<vmem>>, vector<16xf32>,
        %exp3A_1030 = math.exp %get3A_1029 : vector<16xf32>
        %add3A_1031 = arith.addf %add3A_1026, %exp3A_1030 : vector<16xf32>
        %get3A_1032 = arith.index_cast %add3A_1007 : i32 to index
        %get3A_1033 = arith.constant 80 : index
        %get3A_1034 = tpu.vector_load %arg7[%get3A_1032, %get3A_1033] {strides = array<i32>} : memref<128x256xf32, #tpu.memory_space<vmem>>, vector<16xf32>,
        %exp3A_1035 = math.exp %get3A_1034 : vector<16xf32>
        %add3A_1036 = arith.addf %add3A_1031, %exp3A_1035 : vector<16xf32>
        %get3A_1037 = arith.index_cast %add3A_1007 : i32 to index
        %get3A_1038 = arith.constant 96 : index
        %get3A_1039 = tpu.vector_load %arg7[%get3A_1037, %get3A_1038] {strides = array<i32>} : memref<128x256xf32, #tpu.memory_space<vmem>>, vector<16xf32>,
        %exp3A_1040 = math.exp %get3A_1039 : vector<16xf32>
        %add3A_1041 = arith.addf %add3A_1036, %exp3A_1040 : vector<16xf32>
        %get3A_1042 = arith.index_cast %add3A_1007 : i32 to index
        %get3A_1043 = arith.constant 112 : index
        %get3A_1044 = tpu.vector_load %arg7[%get3A_1042, %get3A_1043] {strides = array<i32>} : memref<128x256xf32, #tpu.memory_space<vmem>>, vector<16xf32>,
        %exp3A_1045 = math.exp %get3A_1044 : vector<16xf32>
        %add3A_1046 = arith.addf %add3A_1041, %exp3A_1045 : vector<16xf32>
        %get3A_1047 = arith.index_cast %add3A_1007 : i32 to index
        %get3A_1048 = arith.constant 128 : index
        %get3A_1049 = tpu.vector_load %arg7[%get3A_1047, %get3A_1048] {strides = array<i32>} : memref<128x256xf32, #tpu.memory_space<vmem>>, vector<16xf32>,
        %exp3A_1050 = math.exp %get3A_1049 : vector<16xf32>
        %add3A_1051 = arith.addf %add3A_1046, %exp3A_1050 : vector<16xf32>
        %get3A_1052 = arith.index_cast %add3A_1007 : i32 to index
        %get3A_1053 = arith.constant 144 : index
        %get3A_1054 = tpu.vector_load %arg7[%get3A_1052, %get3A_1053] {strides = array<i32>} : memref<128x256xf32, #tpu.memory_space<vmem>>, vector<16xf32>,
        %exp3A_1055 = math.exp %get3A_1054 : vector<16xf32>
        %add3A_1056 = arith.addf %add3A_1051, %exp3A_1055 : vector<16xf32>
        %get3A_1057 = arith.index_cast %add3A_1007 : i32 to index
        %get3A_1058 = arith.constant 160 : index
        %get3A_1059 = tpu.vector_load %arg7[%get3A_1057, %get3A_1058] {strides = array<i32>} : memref<128x256xf32, #tpu.memory_space<vmem>>, vector<16xf32>,
        %exp3A_1060 = math.exp %get3A_1059 : vector<16xf32>
        %add3A_1061 = arith.addf %add3A_1056, %exp3A_1060 : vector<16xf32>
        %get3A_1062 = arith.index_cast %add3A_1007 : i32 to index
        %get3A_1063 = arith.constant 176 : index
        %get3A_1064 = tpu.vector_load %arg7[%get3A_1062, %get3A_1063] {strides = array<i32>} : memref<128x256xf32, #tpu.memory_space<vmem>>, vector<16xf32>,
        %exp3A_1065 = math.exp %get3A_1064 : vector<16xf32>
        %add3A_1066 = arith.addf %add3A_1061, %exp3A_1065 : vector<16xf32>
        %get3A_1067 = arith.index_cast %add3A_1007 : i32 to index
        %get3A_1068 = arith.constant 192 : index
        %get3A_1069 = tpu.vector_load %arg7[%get3A_1067, %get3A_1068] {strides = array<i32>} : memref<128x256xf32, #tpu.memory_space<vmem>>, vector<16xf32>,
        %exp3A_1070 = math.exp %get3A_1069 : vector<16xf32>
        %add3A_1071 = arith.addf %add3A_1066, %exp3A_1070 : vector<16xf32>
        %get3A_1072 = arith.index_cast %add3A_1007 : i32 to index
        %get3A_1073 = arith.constant 208 : index
        %get3A_1074 = tpu.vector_load %arg7[%get3A_1072, %get3A_1073] {strides = array<i32>} : memref<128x256xf32, #tpu.memory_space<vmem>>, vector<16xf32>,
        %exp3A_1075 = math.exp %get3A_1074 : vector<16xf32>
        %add3A_1076 = arith.addf %add3A_1071, %exp3A_1075 : vector<16xf32>
        %get3A_1077 = arith.index_cast %add3A_1007 : i32 to index
        %get3A_1078 = arith.constant 224 : index
        %get3A_1079 = tpu.vector_load %arg7[%get3A_1077, %get3A_1078] {strides = array<i32>} : memref<128x256xf32, #tpu.memory_space<vmem>>, vector<16xf32>,
        %exp3A_1080 = math.exp %get3A_1079 : vector<16xf32>
        %add3A_1081 = arith.addf %add3A_1076, %exp3A_1080 : vector<16xf32>
        %get3A_1082 = arith.index_cast %add3A_1007 : i32 to index
        %get3A_1083 = arith.constant 240 : index
        %get3A_1084 = tpu.vector_load %arg7[%get3A_1082, %get3A_1083] {strides = array<i32>} : memref<128x256xf32, #tpu.memory_space<vmem>>, vector<16xf32>,
        %exp3A_1085 = math.exp %get3A_1084 : vector<16xf32>
        %add3A_1086 = arith.addf %add3A_1081, %exp3A_1085 : vector<16xf32>
        %eq3A_1087 = arith.constant 10 : i32
        %eq3A_1088 = vector.broadcast %eq3A_1087 : i32 to vector<16xi32>
        %eq3A_1089 = arith.cmpi eq, %iota3A_86, %eq3A_1088 : vector<16xi32>
        %reduce_sum3A_1090 = arith.constant true
        %reduce_sum3A_1091 = vector.broadcast %reduce_sum3A_1090 : i1 to vector<16xi1>
        %reduce_sum3A_1092 = tpu.scan <sum>, %add3A_1086 masked %reduce_sum3A_1091 : vector<16xf32>, vector<16xi1> -> vector<16xf32>
        %reduce_sum3A_1093 = vector.extract %reduce_sum3A_1092[15] : f32 from vector<16xf32>
        %broadcast_in_dim3A_1094 = vector.broadcast %reduce_sum3A_1093 : f32 to vector<16xf32>
        %select_n3A_1095 = arith.select %eq3A_1089, %broadcast_in_dim3A_1094, %select_n3A_1003 : vector<16xi1>, vector<16xf32>
        %mul3A_1096 = arith.constant 16 : i32
        %mul3A_1097 = arith.muli %scan3A_58, %mul3A_1096 : i32
        %add3A_1098 = arith.constant 11 : i32
        %add3A_1099 = arith.addi %mul3A_1097, %add3A_1098 : i32
        %get3A_1100 = arith.index_cast %add3A_1099 : i32 to index
        %get3A_1101 = arith.constant 0 : index
        %get3A_1102 = tpu.vector_load %arg7[%get3A_1100, %get3A_1101] {strides = array<i32>} : memref<128x256xf32, #tpu.memory_space<vmem>>, vector<16xf32>,
        %exp3A_1103 = math.exp %get3A_1102 : vector<16xf32>
        %get3A_1104 = arith.index_cast %add3A_1099 : i32 to index
        %get3A_1105 = arith.constant 16 : index
        %get3A_1106 = tpu.vector_load %arg7[%get3A_1104, %get3A_1105] {strides = array<i32>} : memref<128x256xf32, #tpu.memory_space<vmem>>, vector<16xf32>,
        %exp3A_1107 = math.exp %get3A_1106 : vector<16xf32>
        %add3A_1108 = arith.addf %exp3A_1103, %exp3A_1107 : vector<16xf32>
        %get3A_1109 = arith.index_cast %add3A_1099 : i32 to index
        %get3A_1110 = arith.constant 32 : index
        %get3A_1111 = tpu.vector_load %arg7[%get3A_1109, %get3A_1110] {strides = array<i32>} : memref<128x256xf32, #tpu.memory_space<vmem>>, vector<16xf32>,
        %exp3A_1112 = math.exp %get3A_1111 : vector<16xf32>
        %add3A_1113 = arith.addf %add3A_1108, %exp3A_1112 : vector<16xf32>
        %get3A_1114 = arith.index_cast %add3A_1099 : i32 to index
        %get3A_1115 = arith.constant 48 : index
        %get3A_1116 = tpu.vector_load %arg7[%get3A_1114, %get3A_1115] {strides = array<i32>} : memref<128x256xf32, #tpu.memory_space<vmem>>, vector<16xf32>,
        %exp3A_1117 = math.exp %get3A_1116 : vector<16xf32>
        %add3A_1118 = arith.addf %add3A_1113, %exp3A_1117 : vector<16xf32>
        %get3A_1119 = arith.index_cast %add3A_1099 : i32 to index
        %get3A_1120 = arith.constant 64 : index
        %get3A_1121 = tpu.vector_load %arg7[%get3A_1119, %get3A_1120] {strides = array<i32>} : memref<128x256xf32, #tpu.memory_space<vmem>>, vector<16xf32>,
        %exp3A_1122 = math.exp %get3A_1121 : vector<16xf32>
        %add3A_1123 = arith.addf %add3A_1118, %exp3A_1122 : vector<16xf32>
        %get3A_1124 = arith.index_cast %add3A_1099 : i32 to index
        %get3A_1125 = arith.constant 80 : index
        %get3A_1126 = tpu.vector_load %arg7[%get3A_1124, %get3A_1125] {strides = array<i32>} : memref<128x256xf32, #tpu.memory_space<vmem>>, vector<16xf32>,
        %exp3A_1127 = math.exp %get3A_1126 : vector<16xf32>
        %add3A_1128 = arith.addf %add3A_1123, %exp3A_1127 : vector<16xf32>
        %get3A_1129 = arith.index_cast %add3A_1099 : i32 to index
        %get3A_1130 = arith.constant 96 : index
        %get3A_1131 = tpu.vector_load %arg7[%get3A_1129, %get3A_1130] {strides = array<i32>} : memref<128x256xf32, #tpu.memory_space<vmem>>, vector<16xf32>,
        %exp3A_1132 = math.exp %get3A_1131 : vector<16xf32>
        %add3A_1133 = arith.addf %add3A_1128, %exp3A_1132 : vector<16xf32>
        %get3A_1134 = arith.index_cast %add3A_1099 : i32 to index
        %get3A_1135 = arith.constant 112 : index
        %get3A_1136 = tpu.vector_load %arg7[%get3A_1134, %get3A_1135] {strides = array<i32>} : memref<128x256xf32, #tpu.memory_space<vmem>>, vector<16xf32>,
        %exp3A_1137 = math.exp %get3A_1136 : vector<16xf32>
        %add3A_1138 = arith.addf %add3A_1133, %exp3A_1137 : vector<16xf32>
        %get3A_1139 = arith.index_cast %add3A_1099 : i32 to index
        %get3A_1140 = arith.constant 128 : index
        %get3A_1141 = tpu.vector_load %arg7[%get3A_1139, %get3A_1140] {strides = array<i32>} : memref<128x256xf32, #tpu.memory_space<vmem>>, vector<16xf32>,
        %exp3A_1142 = math.exp %get3A_1141 : vector<16xf32>
        %add3A_1143 = arith.addf %add3A_1138, %exp3A_1142 : vector<16xf32>
        %get3A_1144 = arith.index_cast %add3A_1099 : i32 to index
        %get3A_1145 = arith.constant 144 : index
        %get3A_1146 = tpu.vector_load %arg7[%get3A_1144, %get3A_1145] {strides = array<i32>} : memref<128x256xf32, #tpu.memory_space<vmem>>, vector<16xf32>,
        %exp3A_1147 = math.exp %get3A_1146 : vector<16xf32>
        %add3A_1148 = arith.addf %add3A_1143, %exp3A_1147 : vector<16xf32>
        %get3A_1149 = arith.index_cast %add3A_1099 : i32 to index
        %get3A_1150 = arith.constant 160 : index
        %get3A_1151 = tpu.vector_load %arg7[%get3A_1149, %get3A_1150] {strides = array<i32>} : memref<128x256xf32, #tpu.memory_space<vmem>>, vector<16xf32>,
        %exp3A_1152 = math.exp %get3A_1151 : vector<16xf32>
        %add3A_1153 = arith.addf %add3A_1148, %exp3A_1152 : vector<16xf32>
        %get3A_1154 = arith.index_cast %add3A_1099 : i32 to index
        %get3A_1155 = arith.constant 176 : index
        %get3A_1156 = tpu.vector_load %arg7[%get3A_1154, %get3A_1155] {strides = array<i32>} : memref<128x256xf32, #tpu.memory_space<vmem>>, vector<16xf32>,
        %exp3A_1157 = math.exp %get3A_1156 : vector<16xf32>
        %add3A_1158 = arith.addf %add3A_1153, %exp3A_1157 : vector<16xf32>
        %get3A_1159 = arith.index_cast %add3A_1099 : i32 to index
        %get3A_1160 = arith.constant 192 : index
        %get3A_1161 = tpu.vector_load %arg7[%get3A_1159, %get3A_1160] {strides = array<i32>} : memref<128x256xf32, #tpu.memory_space<vmem>>, vector<16xf32>,
        %exp3A_1162 = math.exp %get3A_1161 : vector<16xf32>
        %add3A_1163 = arith.addf %add3A_1158, %exp3A_1162 : vector<16xf32>
        %get3A_1164 = arith.index_cast %add3A_1099 : i32 to index
        %get3A_1165 = arith.constant 208 : index
        %get3A_1166 = tpu.vector_load %arg7[%get3A_1164, %get3A_1165] {strides = array<i32>} : memref<128x256xf32, #tpu.memory_space<vmem>>, vector<16xf32>,
        %exp3A_1167 = math.exp %get3A_1166 : vector<16xf32>
        %add3A_1168 = arith.addf %add3A_1163, %exp3A_1167 : vector<16xf32>
        %get3A_1169 = arith.index_cast %add3A_1099 : i32 to index
        %get3A_1170 = arith.constant 224 : index
        %get3A_1171 = tpu.vector_load %arg7[%get3A_1169, %get3A_1170] {strides = array<i32>} : memref<128x256xf32, #tpu.memory_space<vmem>>, vector<16xf32>,
        %exp3A_1172 = math.exp %get3A_1171 : vector<16xf32>
        %add3A_1173 = arith.addf %add3A_1168, %exp3A_1172 : vector<16xf32>
        %get3A_1174 = arith.index_cast %add3A_1099 : i32 to index
        %get3A_1175 = arith.constant 240 : index
        %get3A_1176 = tpu.vector_load %arg7[%get3A_1174, %get3A_1175] {strides = array<i32>} : memref<128x256xf32, #tpu.memory_space<vmem>>, vector<16xf32>,
        %exp3A_1177 = math.exp %get3A_1176 : vector<16xf32>
        %add3A_1178 = arith.addf %add3A_1173, %exp3A_1177 : vector<16xf32>
        %eq3A_1179 = arith.constant 11 : i32
        %eq3A_1180 = vector.broadcast %eq3A_1179 : i32 to vector<16xi32>
        %eq3A_1181 = arith.cmpi eq, %iota3A_86, %eq3A_1180 : vector<16xi32>
        %reduce_sum3A_1182 = arith.constant true
        %reduce_sum3A_1183 = vector.broadcast %reduce_sum3A_1182 : i1 to vector<16xi1>
        %reduce_sum3A_1184 = tpu.scan <sum>, %add3A_1178 masked %reduce_sum3A_1183 : vector<16xf32>, vector<16xi1> -> vector<16xf32>
        %reduce_sum3A_1185 = vector.extract %reduce_sum3A_1184[15] : f32 from vector<16xf32>
        %broadcast_in_dim3A_1186 = vector.broadcast %reduce_sum3A_1185 : f32 to vector<16xf32>
        %select_n3A_1187 = arith.select %eq3A_1181, %broadcast_in_dim3A_1186, %select_n3A_1095 : vector<16xi1>, vector<16xf32>
        %mul3A_1188 = arith.constant 16 : i32
        %mul3A_1189 = arith.muli %scan3A_58, %mul3A_1188 : i32
        %add3A_1190 = arith.constant 12 : i32
        %add3A_1191 = arith.addi %mul3A_1189, %add3A_1190 : i32
        %get3A_1192 = arith.index_cast %add3A_1191 : i32 to index
        %get3A_1193 = arith.constant 0 : index
        %get3A_1194 = tpu.vector_load %arg7[%get3A_1192, %get3A_1193] {strides = array<i32>} : memref<128x256xf32, #tpu.memory_space<vmem>>, vector<16xf32>,
        %exp3A_1195 = math.exp %get3A_1194 : vector<16xf32>
        %get3A_1196 = arith.index_cast %add3A_1191 : i32 to index
        %get3A_1197 = arith.constant 16 : index
        %get3A_1198 = tpu.vector_load %arg7[%get3A_1196, %get3A_1197] {strides = array<i32>} : memref<128x256xf32, #tpu.memory_space<vmem>>, vector<16xf32>,
        %exp3A_1199 = math.exp %get3A_1198 : vector<16xf32>
        %add3A_1200 = arith.addf %exp3A_1195, %exp3A_1199 : vector<16xf32>
        %get3A_1201 = arith.index_cast %add3A_1191 : i32 to index
        %get3A_1202 = arith.constant 32 : index
        %get3A_1203 = tpu.vector_load %arg7[%get3A_1201, %get3A_1202] {strides = array<i32>} : memref<128x256xf32, #tpu.memory_space<vmem>>, vector<16xf32>,
        %exp3A_1204 = math.exp %get3A_1203 : vector<16xf32>
        %add3A_1205 = arith.addf %add3A_1200, %exp3A_1204 : vector<16xf32>
        %get3A_1206 = arith.index_cast %add3A_1191 : i32 to index
        %get3A_1207 = arith.constant 48 : index
        %get3A_1208 = tpu.vector_load %arg7[%get3A_1206, %get3A_1207] {strides = array<i32>} : memref<128x256xf32, #tpu.memory_space<vmem>>, vector<16xf32>,
        %exp3A_1209 = math.exp %get3A_1208 : vector<16xf32>
        %add3A_1210 = arith.addf %add3A_1205, %exp3A_1209 : vector<16xf32>
        %get3A_1211 = arith.index_cast %add3A_1191 : i32 to index
        %get3A_1212 = arith.constant 64 : index
        %get3A_1213 = tpu.vector_load %arg7[%get3A_1211, %get3A_1212] {strides = array<i32>} : memref<128x256xf32, #tpu.memory_space<vmem>>, vector<16xf32>,
        %exp3A_1214 = math.exp %get3A_1213 : vector<16xf32>
        %add3A_1215 = arith.addf %add3A_1210, %exp3A_1214 : vector<16xf32>
        %get3A_1216 = arith.index_cast %add3A_1191 : i32 to index
        %get3A_1217 = arith.constant 80 : index
        %get3A_1218 = tpu.vector_load %arg7[%get3A_1216, %get3A_1217] {strides = array<i32>} : memref<128x256xf32, #tpu.memory_space<vmem>>, vector<16xf32>,
        %exp3A_1219 = math.exp %get3A_1218 : vector<16xf32>
        %add3A_1220 = arith.addf %add3A_1215, %exp3A_1219 : vector<16xf32>
        %get3A_1221 = arith.index_cast %add3A_1191 : i32 to index
        %get3A_1222 = arith.constant 96 : index
        %get3A_1223 = tpu.vector_load %arg7[%get3A_1221, %get3A_1222] {strides = array<i32>} : memref<128x256xf32, #tpu.memory_space<vmem>>, vector<16xf32>,
        %exp3A_1224 = math.exp %get3A_1223 : vector<16xf32>
        %add3A_1225 = arith.addf %add3A_1220, %exp3A_1224 : vector<16xf32>
        %get3A_1226 = arith.index_cast %add3A_1191 : i32 to index
        %get3A_1227 = arith.constant 112 : index
        %get3A_1228 = tpu.vector_load %arg7[%get3A_1226, %get3A_1227] {strides = array<i32>} : memref<128x256xf32, #tpu.memory_space<vmem>>, vector<16xf32>,
        %exp3A_1229 = math.exp %get3A_1228 : vector<16xf32>
        %add3A_1230 = arith.addf %add3A_1225, %exp3A_1229 : vector<16xf32>
        %get3A_1231 = arith.index_cast %add3A_1191 : i32 to index
        %get3A_1232 = arith.constant 128 : index
        %get3A_1233 = tpu.vector_load %arg7[%get3A_1231, %get3A_1232] {strides = array<i32>} : memref<128x256xf32, #tpu.memory_space<vmem>>, vector<16xf32>,
        %exp3A_1234 = math.exp %get3A_1233 : vector<16xf32>
        %add3A_1235 = arith.addf %add3A_1230, %exp3A_1234 : vector<16xf32>
        %get3A_1236 = arith.index_cast %add3A_1191 : i32 to index
        %get3A_1237 = arith.constant 144 : index
        %get3A_1238 = tpu.vector_load %arg7[%get3A_1236, %get3A_1237] {strides = array<i32>} : memref<128x256xf32, #tpu.memory_space<vmem>>, vector<16xf32>,
        %exp3A_1239 = math.exp %get3A_1238 : vector<16xf32>
        %add3A_1240 = arith.addf %add3A_1235, %exp3A_1239 : vector<16xf32>
        %get3A_1241 = arith.index_cast %add3A_1191 : i32 to index
        %get3A_1242 = arith.constant 160 : index
        %get3A_1243 = tpu.vector_load %arg7[%get3A_1241, %get3A_1242] {strides = array<i32>} : memref<128x256xf32, #tpu.memory_space<vmem>>, vector<16xf32>,
        %exp3A_1244 = math.exp %get3A_1243 : vector<16xf32>
        %add3A_1245 = arith.addf %add3A_1240, %exp3A_1244 : vector<16xf32>
        %get3A_1246 = arith.index_cast %add3A_1191 : i32 to index
        %get3A_1247 = arith.constant 176 : index
        %get3A_1248 = tpu.vector_load %arg7[%get3A_1246, %get3A_1247] {strides = array<i32>} : memref<128x256xf32, #tpu.memory_space<vmem>>, vector<16xf32>,
        %exp3A_1249 = math.exp %get3A_1248 : vector<16xf32>
        %add3A_1250 = arith.addf %add3A_1245, %exp3A_1249 : vector<16xf32>
        %get3A_1251 = arith.index_cast %add3A_1191 : i32 to index
        %get3A_1252 = arith.constant 192 : index
        %get3A_1253 = tpu.vector_load %arg7[%get3A_1251, %get3A_1252] {strides = array<i32>} : memref<128x256xf32, #tpu.memory_space<vmem>>, vector<16xf32>,
        %exp3A_1254 = math.exp %get3A_1253 : vector<16xf32>
        %add3A_1255 = arith.addf %add3A_1250, %exp3A_1254 : vector<16xf32>
        %get3A_1256 = arith.index_cast %add3A_1191 : i32 to index
        %get3A_1257 = arith.constant 208 : index
        %get3A_1258 = tpu.vector_load %arg7[%get3A_1256, %get3A_1257] {strides = array<i32>} : memref<128x256xf32, #tpu.memory_space<vmem>>, vector<16xf32>,
        %exp3A_1259 = math.exp %get3A_1258 : vector<16xf32>
        %add3A_1260 = arith.addf %add3A_1255, %exp3A_1259 : vector<16xf32>
        %get3A_1261 = arith.index_cast %add3A_1191 : i32 to index
        %get3A_1262 = arith.constant 224 : index
        %get3A_1263 = tpu.vector_load %arg7[%get3A_1261, %get3A_1262] {strides = array<i32>} : memref<128x256xf32, #tpu.memory_space<vmem>>, vector<16xf32>,
        %exp3A_1264 = math.exp %get3A_1263 : vector<16xf32>
        %add3A_1265 = arith.addf %add3A_1260, %exp3A_1264 : vector<16xf32>
        %get3A_1266 = arith.index_cast %add3A_1191 : i32 to index
        %get3A_1267 = arith.constant 240 : index
        %get3A_1268 = tpu.vector_load %arg7[%get3A_1266, %get3A_1267] {strides = array<i32>} : memref<128x256xf32, #tpu.memory_space<vmem>>, vector<16xf32>,
        %exp3A_1269 = math.exp %get3A_1268 : vector<16xf32>
        %add3A_1270 = arith.addf %add3A_1265, %exp3A_1269 : vector<16xf32>
        %eq3A_1271 = arith.constant 12 : i32
        %eq3A_1272 = vector.broadcast %eq3A_1271 : i32 to vector<16xi32>
        %eq3A_1273 = arith.cmpi eq, %iota3A_86, %eq3A_1272 : vector<16xi32>
        %reduce_sum3A_1274 = arith.constant true
        %reduce_sum3A_1275 = vector.broadcast %reduce_sum3A_1274 : i1 to vector<16xi1>
        %reduce_sum3A_1276 = tpu.scan <sum>, %add3A_1270 masked %reduce_sum3A_1275 : vector<16xf32>, vector<16xi1> -> vector<16xf32>
        %reduce_sum3A_1277 = vector.extract %reduce_sum3A_1276[15] : f32 from vector<16xf32>
        %broadcast_in_dim3A_1278 = vector.broadcast %reduce_sum3A_1277 : f32 to vector<16xf32>
        %select_n3A_1279 = arith.select %eq3A_1273, %broadcast_in_dim3A_1278, %select_n3A_1187 : vector<16xi1>, vector<16xf32>
        %mul3A_1280 = arith.constant 16 : i32
        %mul3A_1281 = arith.muli %scan3A_58, %mul3A_1280 : i32
        %add3A_1282 = arith.constant 13 : i32
        %add3A_1283 = arith.addi %mul3A_1281, %add3A_1282 : i32
        %get3A_1284 = arith.index_cast %add3A_1283 : i32 to index
        %get3A_1285 = arith.constant 0 : index
        %get3A_1286 = tpu.vector_load %arg7[%get3A_1284, %get3A_1285] {strides = array<i32>} : memref<128x256xf32, #tpu.memory_space<vmem>>, vector<16xf32>,
        %exp3A_1287 = math.exp %get3A_1286 : vector<16xf32>
        %get3A_1288 = arith.index_cast %add3A_1283 : i32 to index
        %get3A_1289 = arith.constant 16 : index
        %get3A_1290 = tpu.vector_load %arg7[%get3A_1288, %get3A_1289] {strides = array<i32>} : memref<128x256xf32, #tpu.memory_space<vmem>>, vector<16xf32>,
        %exp3A_1291 = math.exp %get3A_1290 : vector<16xf32>
        %add3A_1292 = arith.addf %exp3A_1287, %exp3A_1291 : vector<16xf32>
        %get3A_1293 = arith.index_cast %add3A_1283 : i32 to index
        %get3A_1294 = arith.constant 32 : index
        %get3A_1295 = tpu.vector_load %arg7[%get3A_1293, %get3A_1294] {strides = array<i32>} : memref<128x256xf32, #tpu.memory_space<vmem>>, vector<16xf32>,
        %exp3A_1296 = math.exp %get3A_1295 : vector<16xf32>
        %add3A_1297 = arith.addf %add3A_1292, %exp3A_1296 : vector<16xf32>
        %get3A_1298 = arith.index_cast %add3A_1283 : i32 to index
        %get3A_1299 = arith.constant 48 : index
        %get3A_1300 = tpu.vector_load %arg7[%get3A_1298, %get3A_1299] {strides = array<i32>} : memref<128x256xf32, #tpu.memory_space<vmem>>, vector<16xf32>,
        %exp3A_1301 = math.exp %get3A_1300 : vector<16xf32>
        %add3A_1302 = arith.addf %add3A_1297, %exp3A_1301 : vector<16xf32>
        %get3A_1303 = arith.index_cast %add3A_1283 : i32 to index
        %get3A_1304 = arith.constant 64 : index
        %get3A_1305 = tpu.vector_load %arg7[%get3A_1303, %get3A_1304] {strides = array<i32>} : memref<128x256xf32, #tpu.memory_space<vmem>>, vector<16xf32>,
        %exp3A_1306 = math.exp %get3A_1305 : vector<16xf32>
        %add3A_1307 = arith.addf %add3A_1302, %exp3A_1306 : vector<16xf32>
        %get3A_1308 = arith.index_cast %add3A_1283 : i32 to index
        %get3A_1309 = arith.constant 80 : index
        %get3A_1310 = tpu.vector_load %arg7[%get3A_1308, %get3A_1309] {strides = array<i32>} : memref<128x256xf32, #tpu.memory_space<vmem>>, vector<16xf32>,
        %exp3A_1311 = math.exp %get3A_1310 : vector<16xf32>
        %add3A_1312 = arith.addf %add3A_1307, %exp3A_1311 : vector<16xf32>
        %get3A_1313 = arith.index_cast %add3A_1283 : i32 to index
        %get3A_1314 = arith.constant 96 : index
        %get3A_1315 = tpu.vector_load %arg7[%get3A_1313, %get3A_1314] {strides = array<i32>} : memref<128x256xf32, #tpu.memory_space<vmem>>, vector<16xf32>,
        %exp3A_1316 = math.exp %get3A_1315 : vector<16xf32>
        %add3A_1317 = arith.addf %add3A_1312, %exp3A_1316 : vector<16xf32>
        %get3A_1318 = arith.index_cast %add3A_1283 : i32 to index
        %get3A_1319 = arith.constant 112 : index
        %get3A_1320 = tpu.vector_load %arg7[%get3A_1318, %get3A_1319] {strides = array<i32>} : memref<128x256xf32, #tpu.memory_space<vmem>>, vector<16xf32>,
        %exp3A_1321 = math.exp %get3A_1320 : vector<16xf32>
        %add3A_1322 = arith.addf %add3A_1317, %exp3A_1321 : vector<16xf32>
        %get3A_1323 = arith.index_cast %add3A_1283 : i32 to index
        %get3A_1324 = arith.constant 128 : index
        %get3A_1325 = tpu.vector_load %arg7[%get3A_1323, %get3A_1324] {strides = array<i32>} : memref<128x256xf32, #tpu.memory_space<vmem>>, vector<16xf32>,
        %exp3A_1326 = math.exp %get3A_1325 : vector<16xf32>
        %add3A_1327 = arith.addf %add3A_1322, %exp3A_1326 : vector<16xf32>
        %get3A_1328 = arith.index_cast %add3A_1283 : i32 to index
        %get3A_1329 = arith.constant 144 : index
        %get3A_1330 = tpu.vector_load %arg7[%get3A_1328, %get3A_1329] {strides = array<i32>} : memref<128x256xf32, #tpu.memory_space<vmem>>, vector<16xf32>,
        %exp3A_1331 = math.exp %get3A_1330 : vector<16xf32>
        %add3A_1332 = arith.addf %add3A_1327, %exp3A_1331 : vector<16xf32>
        %get3A_1333 = arith.index_cast %add3A_1283 : i32 to index
        %get3A_1334 = arith.constant 160 : index
        %get3A_1335 = tpu.vector_load %arg7[%get3A_1333, %get3A_1334] {strides = array<i32>} : memref<128x256xf32, #tpu.memory_space<vmem>>, vector<16xf32>,
        %exp3A_1336 = math.exp %get3A_1335 : vector<16xf32>
        %add3A_1337 = arith.addf %add3A_1332, %exp3A_1336 : vector<16xf32>
        %get3A_1338 = arith.index_cast %add3A_1283 : i32 to index
        %get3A_1339 = arith.constant 176 : index
        %get3A_1340 = tpu.vector_load %arg7[%get3A_1338, %get3A_1339] {strides = array<i32>} : memref<128x256xf32, #tpu.memory_space<vmem>>, vector<16xf32>,
        %exp3A_1341 = math.exp %get3A_1340 : vector<16xf32>
        %add3A_1342 = arith.addf %add3A_1337, %exp3A_1341 : vector<16xf32>
        %get3A_1343 = arith.index_cast %add3A_1283 : i32 to index
        %get3A_1344 = arith.constant 192 : index
        %get3A_1345 = tpu.vector_load %arg7[%get3A_1343, %get3A_1344] {strides = array<i32>} : memref<128x256xf32, #tpu.memory_space<vmem>>, vector<16xf32>,
        %exp3A_1346 = math.exp %get3A_1345 : vector<16xf32>
        %add3A_1347 = arith.addf %add3A_1342, %exp3A_1346 : vector<16xf32>
        %get3A_1348 = arith.index_cast %add3A_1283 : i32 to index
        %get3A_1349 = arith.constant 208 : index
        %get3A_1350 = tpu.vector_load %arg7[%get3A_1348, %get3A_1349] {strides = array<i32>} : memref<128x256xf32, #tpu.memory_space<vmem>>, vector<16xf32>,
        %exp3A_1351 = math.exp %get3A_1350 : vector<16xf32>
        %add3A_1352 = arith.addf %add3A_1347, %exp3A_1351 : vector<16xf32>
        %get3A_1353 = arith.index_cast %add3A_1283 : i32 to index
        %get3A_1354 = arith.constant 224 : index
        %get3A_1355 = tpu.vector_load %arg7[%get3A_1353, %get3A_1354] {strides = array<i32>} : memref<128x256xf32, #tpu.memory_space<vmem>>, vector<16xf32>,
        %exp3A_1356 = math.exp %get3A_1355 : vector<16xf32>
        %add3A_1357 = arith.addf %add3A_1352, %exp3A_1356 : vector<16xf32>
        %get3A_1358 = arith.index_cast %add3A_1283 : i32 to index
        %get3A_1359 = arith.constant 240 : index
        %get3A_1360 = tpu.vector_load %arg7[%get3A_1358, %get3A_1359] {strides = array<i32>} : memref<128x256xf32, #tpu.memory_space<vmem>>, vector<16xf32>,
        %exp3A_1361 = math.exp %get3A_1360 : vector<16xf32>
        %add3A_1362 = arith.addf %add3A_1357, %exp3A_1361 : vector<16xf32>
        %eq3A_1363 = arith.constant 13 : i32
        %eq3A_1364 = vector.broadcast %eq3A_1363 : i32 to vector<16xi32>
        %eq3A_1365 = arith.cmpi eq, %iota3A_86, %eq3A_1364 : vector<16xi32>
        %reduce_sum3A_1366 = arith.constant true
        %reduce_sum3A_1367 = vector.broadcast %reduce_sum3A_1366 : i1 to vector<16xi1>
        %reduce_sum3A_1368 = tpu.scan <sum>, %add3A_1362 masked %reduce_sum3A_1367 : vector<16xf32>, vector<16xi1> -> vector<16xf32>
        %reduce_sum3A_1369 = vector.extract %reduce_sum3A_1368[15] : f32 from vector<16xf32>
        %broadcast_in_dim3A_1370 = vector.broadcast %reduce_sum3A_1369 : f32 to vector<16xf32>
        %select_n3A_1371 = arith.select %eq3A_1365, %broadcast_in_dim3A_1370, %select_n3A_1279 : vector<16xi1>, vector<16xf32>
        %mul3A_1372 = arith.constant 16 : i32
        %mul3A_1373 = arith.muli %scan3A_58, %mul3A_1372 : i32
        %add3A_1374 = arith.constant 14 : i32
        %add3A_1375 = arith.addi %mul3A_1373, %add3A_1374 : i32
        %get3A_1376 = arith.index_cast %add3A_1375 : i32 to index
        %get3A_1377 = arith.constant 0 : index
        %get3A_1378 = tpu.vector_load %arg7[%get3A_1376, %get3A_1377] {strides = array<i32>} : memref<128x256xf32, #tpu.memory_space<vmem>>, vector<16xf32>,
        %exp3A_1379 = math.exp %get3A_1378 : vector<16xf32>
        %get3A_1380 = arith.index_cast %add3A_1375 : i32 to index
        %get3A_1381 = arith.constant 16 : index
        %get3A_1382 = tpu.vector_load %arg7[%get3A_1380, %get3A_1381] {strides = array<i32>} : memref<128x256xf32, #tpu.memory_space<vmem>>, vector<16xf32>,
        %exp3A_1383 = math.exp %get3A_1382 : vector<16xf32>
        %add3A_1384 = arith.addf %exp3A_1379, %exp3A_1383 : vector<16xf32>
        %get3A_1385 = arith.index_cast %add3A_1375 : i32 to index
        %get3A_1386 = arith.constant 32 : index
        %get3A_1387 = tpu.vector_load %arg7[%get3A_1385, %get3A_1386] {strides = array<i32>} : memref<128x256xf32, #tpu.memory_space<vmem>>, vector<16xf32>,
        %exp3A_1388 = math.exp %get3A_1387 : vector<16xf32>
        %add3A_1389 = arith.addf %add3A_1384, %exp3A_1388 : vector<16xf32>
        %get3A_1390 = arith.index_cast %add3A_1375 : i32 to index
        %get3A_1391 = arith.constant 48 : index
        %get3A_1392 = tpu.vector_load %arg7[%get3A_1390, %get3A_1391] {strides = array<i32>} : memref<128x256xf32, #tpu.memory_space<vmem>>, vector<16xf32>,
        %exp3A_1393 = math.exp %get3A_1392 : vector<16xf32>
        %add3A_1394 = arith.addf %add3A_1389, %exp3A_1393 : vector<16xf32>
        %get3A_1395 = arith.index_cast %add3A_1375 : i32 to index
        %get3A_1396 = arith.constant 64 : index
        %get3A_1397 = tpu.vector_load %arg7[%get3A_1395, %get3A_1396] {strides = array<i32>} : memref<128x256xf32, #tpu.memory_space<vmem>>, vector<16xf32>,
        %exp3A_1398 = math.exp %get3A_1397 : vector<16xf32>
        %add3A_1399 = arith.addf %add3A_1394, %exp3A_1398 : vector<16xf32>
        %get3A_1400 = arith.index_cast %add3A_1375 : i32 to index
        %get3A_1401 = arith.constant 80 : index
        %get3A_1402 = tpu.vector_load %arg7[%get3A_1400, %get3A_1401] {strides = array<i32>} : memref<128x256xf32, #tpu.memory_space<vmem>>, vector<16xf32>,
        %exp3A_1403 = math.exp %get3A_1402 : vector<16xf32>
        %add3A_1404 = arith.addf %add3A_1399, %exp3A_1403 : vector<16xf32>
        %get3A_1405 = arith.index_cast %add3A_1375 : i32 to index
        %get3A_1406 = arith.constant 96 : index
        %get3A_1407 = tpu.vector_load %arg7[%get3A_1405, %get3A_1406] {strides = array<i32>} : memref<128x256xf32, #tpu.memory_space<vmem>>, vector<16xf32>,
        %exp3A_1408 = math.exp %get3A_1407 : vector<16xf32>
        %add3A_1409 = arith.addf %add3A_1404, %exp3A_1408 : vector<16xf32>
        %get3A_1410 = arith.index_cast %add3A_1375 : i32 to index
        %get3A_1411 = arith.constant 112 : index
        %get3A_1412 = tpu.vector_load %arg7[%get3A_1410, %get3A_1411] {strides = array<i32>} : memref<128x256xf32, #tpu.memory_space<vmem>>, vector<16xf32>,
        %exp3A_1413 = math.exp %get3A_1412 : vector<16xf32>
        %add3A_1414 = arith.addf %add3A_1409, %exp3A_1413 : vector<16xf32>
        %get3A_1415 = arith.index_cast %add3A_1375 : i32 to index
        %get3A_1416 = arith.constant 128 : index
        %get3A_1417 = tpu.vector_load %arg7[%get3A_1415, %get3A_1416] {strides = array<i32>} : memref<128x256xf32, #tpu.memory_space<vmem>>, vector<16xf32>,
        %exp3A_1418 = math.exp %get3A_1417 : vector<16xf32>
        %add3A_1419 = arith.addf %add3A_1414, %exp3A_1418 : vector<16xf32>
        %get3A_1420 = arith.index_cast %add3A_1375 : i32 to index
        %get3A_1421 = arith.constant 144 : index
        %get3A_1422 = tpu.vector_load %arg7[%get3A_1420, %get3A_1421] {strides = array<i32>} : memref<128x256xf32, #tpu.memory_space<vmem>>, vector<16xf32>,
        %exp3A_1423 = math.exp %get3A_1422 : vector<16xf32>
        %add3A_1424 = arith.addf %add3A_1419, %exp3A_1423 : vector<16xf32>
        %get3A_1425 = arith.index_cast %add3A_1375 : i32 to index
        %get3A_1426 = arith.constant 160 : index
        %get3A_1427 = tpu.vector_load %arg7[%get3A_1425, %get3A_1426] {strides = array<i32>} : memref<128x256xf32, #tpu.memory_space<vmem>>, vector<16xf32>,
        %exp3A_1428 = math.exp %get3A_1427 : vector<16xf32>
        %add3A_1429 = arith.addf %add3A_1424, %exp3A_1428 : vector<16xf32>
        %get3A_1430 = arith.index_cast %add3A_1375 : i32 to index
        %get3A_1431 = arith.constant 176 : index
        %get3A_1432 = tpu.vector_load %arg7[%get3A_1430, %get3A_1431] {strides = array<i32>} : memref<128x256xf32, #tpu.memory_space<vmem>>, vector<16xf32>,
        %exp3A_1433 = math.exp %get3A_1432 : vector<16xf32>
        %add3A_1434 = arith.addf %add3A_1429, %exp3A_1433 : vector<16xf32>
        %get3A_1435 = arith.index_cast %add3A_1375 : i32 to index
        %get3A_1436 = arith.constant 192 : index
        %get3A_1437 = tpu.vector_load %arg7[%get3A_1435, %get3A_1436] {strides = array<i32>} : memref<128x256xf32, #tpu.memory_space<vmem>>, vector<16xf32>,
        %exp3A_1438 = math.exp %get3A_1437 : vector<16xf32>
        %add3A_1439 = arith.addf %add3A_1434, %exp3A_1438 : vector<16xf32>
        %get3A_1440 = arith.index_cast %add3A_1375 : i32 to index
        %get3A_1441 = arith.constant 208 : index
        %get3A_1442 = tpu.vector_load %arg7[%get3A_1440, %get3A_1441] {strides = array<i32>} : memref<128x256xf32, #tpu.memory_space<vmem>>, vector<16xf32>,
        %exp3A_1443 = math.exp %get3A_1442 : vector<16xf32>
        %add3A_1444 = arith.addf %add3A_1439, %exp3A_1443 : vector<16xf32>
        %get3A_1445 = arith.index_cast %add3A_1375 : i32 to index
        %get3A_1446 = arith.constant 224 : index
        %get3A_1447 = tpu.vector_load %arg7[%get3A_1445, %get3A_1446] {strides = array<i32>} : memref<128x256xf32, #tpu.memory_space<vmem>>, vector<16xf32>,
        %exp3A_1448 = math.exp %get3A_1447 : vector<16xf32>
        %add3A_1449 = arith.addf %add3A_1444, %exp3A_1448 : vector<16xf32>
        %get3A_1450 = arith.index_cast %add3A_1375 : i32 to index
        %get3A_1451 = arith.constant 240 : index
        %get3A_1452 = tpu.vector_load %arg7[%get3A_1450, %get3A_1451] {strides = array<i32>} : memref<128x256xf32, #tpu.memory_space<vmem>>, vector<16xf32>,
        %exp3A_1453 = math.exp %get3A_1452 : vector<16xf32>
        %add3A_1454 = arith.addf %add3A_1449, %exp3A_1453 : vector<16xf32>
        %eq3A_1455 = arith.constant 14 : i32
        %eq3A_1456 = vector.broadcast %eq3A_1455 : i32 to vector<16xi32>
        %eq3A_1457 = arith.cmpi eq, %iota3A_86, %eq3A_1456 : vector<16xi32>
        %reduce_sum3A_1458 = arith.constant true
        %reduce_sum3A_1459 = vector.broadcast %reduce_sum3A_1458 : i1 to vector<16xi1>
        %reduce_sum3A_1460 = tpu.scan <sum>, %add3A_1454 masked %reduce_sum3A_1459 : vector<16xf32>, vector<16xi1> -> vector<16xf32>
        %reduce_sum3A_1461 = vector.extract %reduce_sum3A_1460[15] : f32 from vector<16xf32>
        %broadcast_in_dim3A_1462 = vector.broadcast %reduce_sum3A_1461 : f32 to vector<16xf32>
        %select_n3A_1463 = arith.select %eq3A_1457, %broadcast_in_dim3A_1462, %select_n3A_1371 : vector<16xi1>, vector<16xf32>
        %mul3A_1464 = arith.constant 16 : i32
        %mul3A_1465 = arith.muli %scan3A_58, %mul3A_1464 : i32
        %add3A_1466 = arith.constant 15 : i32
        %add3A_1467 = arith.addi %mul3A_1465, %add3A_1466 : i32
        %get3A_1468 = arith.index_cast %add3A_1467 : i32 to index
        %get3A_1469 = arith.constant 0 : index
        %get3A_1470 = tpu.vector_load %arg7[%get3A_1468, %get3A_1469] {strides = array<i32>} : memref<128x256xf32, #tpu.memory_space<vmem>>, vector<16xf32>,
        %exp3A_1471 = math.exp %get3A_1470 : vector<16xf32>
        %get3A_1472 = arith.index_cast %add3A_1467 : i32 to index
        %get3A_1473 = arith.constant 16 : index
        %get3A_1474 = tpu.vector_load %arg7[%get3A_1472, %get3A_1473] {strides = array<i32>} : memref<128x256xf32, #tpu.memory_space<vmem>>, vector<16xf32>,
        %exp3A_1475 = math.exp %get3A_1474 : vector<16xf32>
        %add3A_1476 = arith.addf %exp3A_1471, %exp3A_1475 : vector<16xf32>
        %get3A_1477 = arith.index_cast %add3A_1467 : i32 to index
        %get3A_1478 = arith.constant 32 : index
        %get3A_1479 = tpu.vector_load %arg7[%get3A_1477, %get3A_1478] {strides = array<i32>} : memref<128x256xf32, #tpu.memory_space<vmem>>, vector<16xf32>,
        %exp3A_1480 = math.exp %get3A_1479 : vector<16xf32>
        %add3A_1481 = arith.addf %add3A_1476, %exp3A_1480 : vector<16xf32>
        %get3A_1482 = arith.index_cast %add3A_1467 : i32 to index
        %get3A_1483 = arith.constant 48 : index
        %get3A_1484 = tpu.vector_load %arg7[%get3A_1482, %get3A_1483] {strides = array<i32>} : memref<128x256xf32, #tpu.memory_space<vmem>>, vector<16xf32>,
        %exp3A_1485 = math.exp %get3A_1484 : vector<16xf32>
        %add3A_1486 = arith.addf %add3A_1481, %exp3A_1485 : vector<16xf32>
        %get3A_1487 = arith.index_cast %add3A_1467 : i32 to index
        %get3A_1488 = arith.constant 64 : index
        %get3A_1489 = tpu.vector_load %arg7[%get3A_1487, %get3A_1488] {strides = array<i32>} : memref<128x256xf32, #tpu.memory_space<vmem>>, vector<16xf32>,
        %exp3A_1490 = math.exp %get3A_1489 : vector<16xf32>
        %add3A_1491 = arith.addf %add3A_1486, %exp3A_1490 : vector<16xf32>
        %get3A_1492 = arith.index_cast %add3A_1467 : i32 to index
        %get3A_1493 = arith.constant 80 : index
        %get3A_1494 = tpu.vector_load %arg7[%get3A_1492, %get3A_1493] {strides = array<i32>} : memref<128x256xf32, #tpu.memory_space<vmem>>, vector<16xf32>,
        %exp3A_1495 = math.exp %get3A_1494 : vector<16xf32>
        %add3A_1496 = arith.addf %add3A_1491, %exp3A_1495 : vector<16xf32>
        %get3A_1497 = arith.index_cast %add3A_1467 : i32 to index
        %get3A_1498 = arith.constant 96 : index
        %get3A_1499 = tpu.vector_load %arg7[%get3A_1497, %get3A_1498] {strides = array<i32>} : memref<128x256xf32, #tpu.memory_space<vmem>>, vector<16xf32>,
        %exp3A_1500 = math.exp %get3A_1499 : vector<16xf32>
        %add3A_1501 = arith.addf %add3A_1496, %exp3A_1500 : vector<16xf32>
        %get3A_1502 = arith.index_cast %add3A_1467 : i32 to index
        %get3A_1503 = arith.constant 112 : index
        %get3A_1504 = tpu.vector_load %arg7[%get3A_1502, %get3A_1503] {strides = array<i32>} : memref<128x256xf32, #tpu.memory_space<vmem>>, vector<16xf32>,
        %exp3A_1505 = math.exp %get3A_1504 : vector<16xf32>
        %add3A_1506 = arith.addf %add3A_1501, %exp3A_1505 : vector<16xf32>
        %get3A_1507 = arith.index_cast %add3A_1467 : i32 to index
        %get3A_1508 = arith.constant 128 : index
        %get3A_1509 = tpu.vector_load %arg7[%get3A_1507, %get3A_1508] {strides = array<i32>} : memref<128x256xf32, #tpu.memory_space<vmem>>, vector<16xf32>,
        %exp3A_1510 = math.exp %get3A_1509 : vector<16xf32>
        %add3A_1511 = arith.addf %add3A_1506, %exp3A_1510 : vector<16xf32>
        %get3A_1512 = arith.index_cast %add3A_1467 : i32 to index
        %get3A_1513 = arith.constant 144 : index
        %get3A_1514 = tpu.vector_load %arg7[%get3A_1512, %get3A_1513] {strides = array<i32>} : memref<128x256xf32, #tpu.memory_space<vmem>>, vector<16xf32>,
        %exp3A_1515 = math.exp %get3A_1514 : vector<16xf32>
        %add3A_1516 = arith.addf %add3A_1511, %exp3A_1515 : vector<16xf32>
        %get3A_1517 = arith.index_cast %add3A_1467 : i32 to index
        %get3A_1518 = arith.constant 160 : index
        %get3A_1519 = tpu.vector_load %arg7[%get3A_1517, %get3A_1518] {strides = array<i32>} : memref<128x256xf32, #tpu.memory_space<vmem>>, vector<16xf32>,
        %exp3A_1520 = math.exp %get3A_1519 : vector<16xf32>
        %add3A_1521 = arith.addf %add3A_1516, %exp3A_1520 : vector<16xf32>
        %get3A_1522 = arith.index_cast %add3A_1467 : i32 to index
        %get3A_1523 = arith.constant 176 : index
        %get3A_1524 = tpu.vector_load %arg7[%get3A_1522, %get3A_1523] {strides = array<i32>} : memref<128x256xf32, #tpu.memory_space<vmem>>, vector<16xf32>,
        %exp3A_1525 = math.exp %get3A_1524 : vector<16xf32>
        %add3A_1526 = arith.addf %add3A_1521, %exp3A_1525 : vector<16xf32>
        %get3A_1527 = arith.index_cast %add3A_1467 : i32 to index
        %get3A_1528 = arith.constant 192 : index
        %get3A_1529 = tpu.vector_load %arg7[%get3A_1527, %get3A_1528] {strides = array<i32>} : memref<128x256xf32, #tpu.memory_space<vmem>>, vector<16xf32>,
        %exp3A_1530 = math.exp %get3A_1529 : vector<16xf32>
        %add3A_1531 = arith.addf %add3A_1526, %exp3A_1530 : vector<16xf32>
        %get3A_1532 = arith.index_cast %add3A_1467 : i32 to index
        %get3A_1533 = arith.constant 208 : index
        %get3A_1534 = tpu.vector_load %arg7[%get3A_1532, %get3A_1533] {strides = array<i32>} : memref<128x256xf32, #tpu.memory_space<vmem>>, vector<16xf32>,
        %exp3A_1535 = math.exp %get3A_1534 : vector<16xf32>
        %add3A_1536 = arith.addf %add3A_1531, %exp3A_1535 : vector<16xf32>
        %get3A_1537 = arith.index_cast %add3A_1467 : i32 to index
        %get3A_1538 = arith.constant 224 : index
        %get3A_1539 = tpu.vector_load %arg7[%get3A_1537, %get3A_1538] {strides = array<i32>} : memref<128x256xf32, #tpu.memory_space<vmem>>, vector<16xf32>,
        %exp3A_1540 = math.exp %get3A_1539 : vector<16xf32>
        %add3A_1541 = arith.addf %add3A_1536, %exp3A_1540 : vector<16xf32>
        %get3A_1542 = arith.index_cast %add3A_1467 : i32 to index
        %get3A_1543 = arith.constant 240 : index
        %get3A_1544 = tpu.vector_load %arg7[%get3A_1542, %get3A_1543] {strides = array<i32>} : memref<128x256xf32, #tpu.memory_space<vmem>>, vector<16xf32>,
        %exp3A_1545 = math.exp %get3A_1544 : vector<16xf32>
        %add3A_1546 = arith.addf %add3A_1541, %exp3A_1545 : vector<16xf32>
        %eq3A_1547 = arith.constant 15 : i32
        %eq3A_1548 = vector.broadcast %eq3A_1547 : i32 to vector<16xi32>
        %eq3A_1549 = arith.cmpi eq, %iota3A_86, %eq3A_1548 : vector<16xi32>
        %reduce_sum3A_1550 = arith.constant true
        %reduce_sum3A_1551 = vector.broadcast %reduce_sum3A_1550 : i1 to vector<16xi1>
        %reduce_sum3A_1552 = tpu.scan <sum>, %add3A_1546 masked %reduce_sum3A_1551 : vector<16xf32>, vector<16xi1> -> vector<16xf32>
        %reduce_sum3A_1553 = vector.extract %reduce_sum3A_1552[15] : f32 from vector<16xf32>
        %broadcast_in_dim3A_1554 = vector.broadcast %reduce_sum3A_1553 : f32 to vector<16xf32>
        %select_n3A_1555 = arith.select %eq3A_1549, %broadcast_in_dim3A_1554, %select_n3A_1463 : vector<16xi1>, vector<16xf32>
        %swap3A_1556 = arith.index_cast %add3A_63 : i32 to index
        %swap3A_1557 = tpu.vector_load %arg9[%swap3A_1556] {strides = array<i32>} : memref<4096xf32, #tpu.memory_space<vmem>>, vector<16xf32>,
        tpu.vector_store %arg9[%swap3A_1556], %select_n3A_1555 {strides = array<i32>} : memref<4096xf32, #tpu.memory_space<vmem>>, vector<16xf32>,
      }
      %scan3A_57 = arith.constant 8 : i32
    }
    %scan3A_12 = arith.constant 16 : i32
    "tpu.region"() ({
      %run_scoped3A = tpu.sem_alloc : memref<!tpu.dma_semaphore, #tpu.memory_space<semaphore_mem>>
      %dma_start3A_13 = arith.constant 0 : i32
      %dma_start3A_14 = tpu.memref_slice %arg4[%add3A, %dma_start3A_13] : memref<32x4096xf32, #tpu.memory_space<hbm>> -> memref<1x4096xf32, #tpu.memory_space<hbm>>
      %dma_start3A_15 = tpu.memref_squeeze %dma_start3A_14 : memref<1x4096xf32, #tpu.memory_space<hbm>> -> memref<4096xf32, #tpu.memory_space<hbm>>
      %dma_start3A_16 = arith.constant 0 : i32
      %dma_start3A_17 = tpu.memref_slice %arg4[%add3A, %dma_start3A_16] : memref<32x4096xf32, #tpu.memory_space<hbm>> -> memref<1x4096xf32, #tpu.memory_space<hbm>>
      %dma_start3A_18 = tpu.memref_squeeze %dma_start3A_17 : memref<1x4096xf32, #tpu.memory_space<hbm>> -> memref<4096xf32, #tpu.memory_space<hbm>>
      tpu.enqueue_dma source(%arg9 : memref<4096xf32, #tpu.memory_space<vmem>>) target(%dma_start3A_18 : memref<4096xf32, #tpu.memory_space<hbm>>) target_semaphore(%run_scoped3A : memref<!tpu.dma_semaphore, #tpu.memory_space<semaphore_mem>>)
      %dma_wait3A = arith.constant 0 : i32
      %dma_wait3A_19 = tpu.memref_slice %arg4[%add3A, %dma_wait3A] : memref<32x4096xf32, #tpu.memory_space<hbm>> -> memref<1x4096xf32, #tpu.memory_space<hbm>>
      %dma_wait3A_20 = tpu.memref_squeeze %dma_wait3A_19 : memref<1x4096xf32, #tpu.memory_space<hbm>> -> memref<4096xf32, #tpu.memory_space<hbm>>
      %dma_wait3A_21 = arith.constant 0 : i32
      %dma_wait3A_22 = tpu.memref_slice %arg4[%add3A, %dma_wait3A_21] : memref<32x4096xf32, #tpu.memory_space<hbm>> -> memref<1x4096xf32, #tpu.memory_space<hbm>>
      %dma_wait3A_23 = tpu.memref_squeeze %dma_wait3A_22 : memref<1x4096xf32, #tpu.memory_space<hbm>> -> memref<4096xf32, #tpu.memory_space<hbm>>
      tpu.wait_dma2 semaphore(%run_scoped3A : memref<!tpu.dma_semaphore, #tpu.memory_space<semaphore_mem>>) src(%arg9 : memref<4096xf32, #tpu.memory_space<vmem>>) dst(%dma_wait3A_23 : memref<4096xf32, #tpu.memory_space<hbm>>)
      tpu.yield
    }) : () -> ()
    "tpu.region"() ({
      %run_scoped3A = tpu.sem_alloc : memref<!tpu.dma_semaphore, #tpu.memory_space<semaphore_mem>>
      %dma_start3A_13 = arith.constant 0 : i32
      %dma_start3A_14 = tpu.memref_slice %arg5[%add3A, %dma_start3A_13] : memref<32x4096xf32, #tpu.memory_space<hbm>> -> memref<1x4096xf32, #tpu.memory_space<hbm>>
      %dma_start3A_15 = tpu.memref_squeeze %dma_start3A_14 : memref<1x4096xf32, #tpu.memory_space<hbm>> -> memref<4096xf32, #tpu.memory_space<hbm>>
      %dma_start3A_16 = arith.constant 0 : i32
      %dma_start3A_17 = tpu.memref_slice %arg5[%add3A, %dma_start3A_16] : memref<32x4096xf32, #tpu.memory_space<hbm>> -> memref<1x4096xf32, #tpu.memory_space<hbm>>
      %dma_start3A_18 = tpu.memref_squeeze %dma_start3A_17 : memref<1x4096xf32, #tpu.memory_space<hbm>> -> memref<4096xf32, #tpu.memory_space<hbm>>
      tpu.enqueue_dma source(%arg10 : memref<4096xf32, #tpu.memory_space<vmem>>) target(%dma_start3A_18 : memref<4096xf32, #tpu.memory_space<hbm>>) target_semaphore(%run_scoped3A : memref<!tpu.dma_semaphore, #tpu.memory_space<semaphore_mem>>)
      %dma_wait3A = arith.constant 0 : i32
      %dma_wait3A_19 = tpu.memref_slice %arg5[%add3A, %dma_wait3A] : memref<32x4096xf32, #tpu.memory_space<hbm>> -> memref<1x4096xf32, #tpu.memory_space<hbm>>
      %dma_wait3A_20 = tpu.memref_squeeze %dma_wait3A_19 : memref<1x4096xf32, #tpu.memory_space<hbm>> -> memref<4096xf32, #tpu.memory_space<hbm>>
      %dma_wait3A_21 = arith.constant 0 : i32
      %dma_wait3A_22 = tpu.memref_slice %arg5[%add3A, %dma_wait3A_21] : memref<32x4096xf32, #tpu.memory_space<hbm>> -> memref<1x4096xf32, #tpu.memory_space<hbm>>
      %dma_wait3A_23 = tpu.memref_squeeze %dma_wait3A_22 : memref<1x4096xf32, #tpu.memory_space<hbm>> -> memref<4096xf32, #tpu.memory_space<hbm>>
      tpu.wait_dma2 semaphore(%run_scoped3A : memref<!tpu.dma_semaphore, #tpu.memory_space<semaphore_mem>>) src(%arg10 : memref<4096xf32, #tpu.memory_space<vmem>>) dst(%dma_wait3A_23 : memref<4096xf32, #tpu.memory_space<hbm>>)
      tpu.yield
    }) : () -> ()
    return
  }
}

module attributes {stable_mosaic.version = 14 : i64} {
  func.func @_mel_kernel(%arg0: i32, %arg1: memref<1x80x4096xf32, #tpu.memory_space<vmem>>, %arg2: memref<1x80x4096xf32, #tpu.memory_space<vmem>>, %arg3: memref<1x80x4096xf32, #tpu.memory_space<vmem>>, %arg4: memref<1x80x4096xf32, #tpu.memory_space<vmem>>, %arg5: memref<1x1x4096xf32, #tpu.memory_space<vmem>>, %arg6: memref<32x512xf32, #tpu.memory_space<vmem>>, %arg7: memref<32x512xf32, #tpu.memory_space<vmem>>, %arg8: memref<32x512xf32, #tpu.memory_space<vmem>>, %arg9: memref<1x1xf32, #tpu.memory_space<smem>>, %arg10: memref<1x1xf32, #tpu.memory_space<smem>>, %arg11: memref<1x1xf32, #tpu.memory_space<smem>>, %arg12: memref<1x1xf32, #tpu.memory_space<smem>>, %arg13: memref<1x1xf32, #tpu.memory_space<smem>>, %arg14: memref<1x1xf32, #tpu.memory_space<smem>>, %arg15: memref<1x1xf32, #tpu.memory_space<smem>>, %arg16: memref<1x1xf32, #tpu.memory_space<smem>>, %arg17: memref<8x4096xf32, #tpu.memory_space<vmem>>, %arg18: memref<8x4096xf32, #tpu.memory_space<vmem>>, %arg19: memref<8x4096xf32, #tpu.memory_space<vmem>>, %arg20: memref<8x4096xf32, #tpu.memory_space<vmem>>, %arg21: memref<2x4096xf32, #tpu.memory_space<vmem>>) attributes {dimension_semantics = [#tpu.dimension_semantics<arbitrary>], iteration_bounds = array<i64: 32>, scalar_prefetch = 0 : i64, scratch_operands = 5 : i64, tpu.core_type = #tpu.core_type<tc>, window_params = [{transform_indices = @transform_0, window_bounds = array<i64: 1, 80, 4096>}, {transform_indices = @transform_1, window_bounds = array<i64: 1, 80, 4096>}, {transform_indices = @transform_2, window_bounds = array<i64: 1, 80, 4096>}, {transform_indices = @transform_3, window_bounds = array<i64: 1, 80, 4096>}, {transform_indices = @transform_4, window_bounds = array<i64: 1, 1, 4096>}, {pipeline_mode = #tpu.pipeline_mode<synchronous>, transform_indices = @transform_5, window_bounds = array<i64: 32, 512>}, {pipeline_mode = #tpu.pipeline_mode<synchronous>, transform_indices = @transform_6, window_bounds = array<i64: 32, 512>}, {pipeline_mode = #tpu.pipeline_mode<synchronous>, transform_indices = @transform_7, window_bounds = array<i64: 32, 512>}, {transform_indices = @transform_8, window_bounds = array<i64: 1, 1>}, {transform_indices = @transform_9, window_bounds = array<i64: 1, 1>}, {transform_indices = @transform_10, window_bounds = array<i64: 1, 1>}, {transform_indices = @transform_11, window_bounds = array<i64: 1, 1>}, {transform_indices = @transform_12, window_bounds = array<i64: 1, 1>}, {transform_indices = @transform_13, window_bounds = array<i64: 1, 1>}, {transform_indices = @transform_14, window_bounds = array<i64: 1, 1>}, {transform_indices = @transform_15, window_bounds = array<i64: 1, 1>}]} {
    %eq3A = arith.constant 0 : i32
    %eq3A_0 = arith.cmpi eq, %arg0, %eq3A : i32
    %eq3A_1 = arith.constant 31 : i32
    %eq3A_2 = arith.cmpi eq, %arg0, %eq3A_1 : i32
    %convert_element_type3A = arith.extui %eq3A_0 : i1 to i32
    %cond3A = arith.constant 0 : i32
    %cond3A_3 = arith.cmpi ne, %convert_element_type3A, %cond3A : i32
    scf.if %cond3A_3 {
      %get3A_81 = arith.constant 0 : index
      %get3A_82 = arith.constant 0 : index
      %get3A_83 = vector.load %arg6[%get3A_81, %get3A_82] : memref<32x512xf32, #tpu.memory_space<vmem>>, vector<32x512xf32>
      %get3A_84 = arith.constant 0 : index
      %get3A_85 = arith.constant 0 : index
      %get3A_86 = vector.load %arg7[%get3A_84, %get3A_85] : memref<32x512xf32, #tpu.memory_space<vmem>>, vector<32x512xf32>
      %log3A = math.log %get3A_86 : vector<32x512xf32>
      %sub3A_87 = arith.subf %get3A_83, %log3A : vector<32x512xf32>
      %get3A_88 = arith.constant 0 : index
      %get3A_89 = arith.constant 0 : index
      %get3A_90 = vector.load %arg8[%get3A_88, %get3A_89] : memref<32x512xf32, #tpu.memory_space<vmem>>, vector<32x512xf32>
      %abs3A_91 = math.absf %sub3A_87 : vector<32x512xf32>
      %mul3A_92 = arith.mulf %abs3A_91, %get3A_90 : vector<32x512xf32>
      %reduce_sum3A_93 = vector.shape_cast %mul3A_92 : vector<32x512xf32> to vector<1x32x512xf32>
      %reduce_sum3A_94 = arith.constant dense<0.000000e+00> : vector<1xf32>
      %reduce_sum3A_95 = vector.multi_reduction <add>, %reduce_sum3A_93, %reduce_sum3A_94 [1, 2] : vector<1x32x512xf32> to vector<1xf32>
      %reduce_sum3A_96 = vector.shape_cast %reduce_sum3A_95 : vector<1xf32> to vector<1x1x1xf32>
      %reduce_sum3A_97 = vector.extract %reduce_sum3A_96[0, 0, 0] : f32 from vector<1x1x1xf32>
      %swap3A_98 = arith.constant 0 : index
      %swap3A_99 = arith.constant 0 : index
      %swap3A_100 = memref.load %arg14[%swap3A_98, %swap3A_99] : memref<1x1xf32, #tpu.memory_space<smem>>
      memref.store %reduce_sum3A_97, %arg14[%swap3A_98, %swap3A_99] : memref<1x1xf32, #tpu.memory_space<smem>>
      %mul3A_101 = arith.mulf %sub3A_87, %sub3A_87 : vector<32x512xf32>
      %mul3A_102 = arith.mulf %mul3A_101, %get3A_90 : vector<32x512xf32>
      %reduce_sum3A_103 = vector.shape_cast %mul3A_102 : vector<32x512xf32> to vector<1x32x512xf32>
      %reduce_sum3A_104 = arith.constant dense<0.000000e+00> : vector<1xf32>
      %reduce_sum3A_105 = vector.multi_reduction <add>, %reduce_sum3A_103, %reduce_sum3A_104 [1, 2] : vector<1x32x512xf32> to vector<1xf32>
      %reduce_sum3A_106 = vector.shape_cast %reduce_sum3A_105 : vector<1xf32> to vector<1x1x1xf32>
      %reduce_sum3A_107 = vector.extract %reduce_sum3A_106[0, 0, 0] : f32 from vector<1x1x1xf32>
      %swap3A_108 = arith.constant 0 : index
      %swap3A_109 = arith.constant 0 : index
      %swap3A_110 = memref.load %arg15[%swap3A_108, %swap3A_109] : memref<1x1xf32, #tpu.memory_space<smem>>
      memref.store %reduce_sum3A_107, %arg15[%swap3A_108, %swap3A_109] : memref<1x1xf32, #tpu.memory_space<smem>>
      %reduce_sum3A_111 = vector.shape_cast %get3A_90 : vector<32x512xf32> to vector<1x32x512xf32>
      %reduce_sum3A_112 = arith.constant dense<0.000000e+00> : vector<1xf32>
      %reduce_sum3A_113 = vector.multi_reduction <add>, %reduce_sum3A_111, %reduce_sum3A_112 [1, 2] : vector<1x32x512xf32> to vector<1xf32>
      %reduce_sum3A_114 = vector.shape_cast %reduce_sum3A_113 : vector<1xf32> to vector<1x1x1xf32>
      %reduce_sum3A_115 = vector.extract %reduce_sum3A_114[0, 0, 0] : f32 from vector<1x1x1xf32>
      %swap3A_116 = arith.constant 0 : index
      %swap3A_117 = arith.constant 0 : index
      %swap3A_118 = memref.load %arg16[%swap3A_116, %swap3A_117] : memref<1x1xf32, #tpu.memory_space<smem>>
      memref.store %reduce_sum3A_115, %arg16[%swap3A_116, %swap3A_117] : memref<1x1xf32, #tpu.memory_space<smem>>
      %broadcast_in_dim3A = arith.constant 0.000000e+00 : f32
      %broadcast_in_dim3A_119 = vector.broadcast %broadcast_in_dim3A : f32 to vector<8x4096xf32>
      %swap3A_120 = arith.constant 0 : index
      %swap3A_121 = arith.constant 0 : index
      %swap3A_122 = vector.load %arg17[%swap3A_120, %swap3A_121] : memref<8x4096xf32, #tpu.memory_space<vmem>>, vector<8x4096xf32>
      tpu.vector_store %arg17[%swap3A_120, %swap3A_121], %broadcast_in_dim3A_119 {strides = array<i32>} : memref<8x4096xf32, #tpu.memory_space<vmem>>, vector<8x4096xf32>,
      %broadcast_in_dim3A_123 = arith.constant 0.000000e+00 : f32
      %broadcast_in_dim3A_124 = vector.broadcast %broadcast_in_dim3A_123 : f32 to vector<8x4096xf32>
      %swap3A_125 = arith.constant 0 : index
      %swap3A_126 = arith.constant 0 : index
      %swap3A_127 = vector.load %arg18[%swap3A_125, %swap3A_126] : memref<8x4096xf32, #tpu.memory_space<vmem>>, vector<8x4096xf32>
      tpu.vector_store %arg18[%swap3A_125, %swap3A_126], %broadcast_in_dim3A_124 {strides = array<i32>} : memref<8x4096xf32, #tpu.memory_space<vmem>>, vector<8x4096xf32>,
      %broadcast_in_dim3A_128 = arith.constant 0.000000e+00 : f32
      %broadcast_in_dim3A_129 = vector.broadcast %broadcast_in_dim3A_128 : f32 to vector<8x4096xf32>
      %swap3A_130 = arith.constant 0 : index
      %swap3A_131 = arith.constant 0 : index
      %swap3A_132 = vector.load %arg19[%swap3A_130, %swap3A_131] : memref<8x4096xf32, #tpu.memory_space<vmem>>, vector<8x4096xf32>
      tpu.vector_store %arg19[%swap3A_130, %swap3A_131], %broadcast_in_dim3A_129 {strides = array<i32>} : memref<8x4096xf32, #tpu.memory_space<vmem>>, vector<8x4096xf32>,
      %broadcast_in_dim3A_133 = arith.constant 0.000000e+00 : f32
      %broadcast_in_dim3A_134 = vector.broadcast %broadcast_in_dim3A_133 : f32 to vector<8x4096xf32>
      %swap3A_135 = arith.constant 0 : index
      %swap3A_136 = arith.constant 0 : index
      %swap3A_137 = vector.load %arg20[%swap3A_135, %swap3A_136] : memref<8x4096xf32, #tpu.memory_space<vmem>>, vector<8x4096xf32>
      tpu.vector_store %arg20[%swap3A_135, %swap3A_136], %broadcast_in_dim3A_134 {strides = array<i32>} : memref<8x4096xf32, #tpu.memory_space<vmem>>, vector<8x4096xf32>,
      %broadcast_in_dim3A_138 = arith.constant 0.000000e+00 : f32
      %broadcast_in_dim3A_139 = vector.broadcast %broadcast_in_dim3A_138 : f32 to vector<2x4096xf32>
      %swap3A_140 = arith.constant 0 : index
      %swap3A_141 = arith.constant 0 : index
      %swap3A_142 = vector.load %arg21[%swap3A_140, %swap3A_141] : memref<2x4096xf32, #tpu.memory_space<vmem>>, vector<2x4096xf32>
      tpu.vector_store %arg21[%swap3A_140, %swap3A_141], %broadcast_in_dim3A_139 {strides = array<i32>} : memref<2x4096xf32, #tpu.memory_space<vmem>>, vector<2x4096xf32>,
    } else {
    }
    %get3A = arith.constant 0 : index
    %get3A_4 = arith.constant 0 : index
    %get3A_5 = arith.constant 0 : index
    %get3A_6 = vector.load %arg5[%get3A, %get3A_4, %get3A_5] : memref<1x1x4096xf32, #tpu.memory_space<vmem>>, vector<1x1x4096xf32>
    %get3A_7 = vector.shape_cast %get3A_6 : vector<1x1x4096xf32> to vector<1x4096xf32>
    %get3A_8 = arith.constant 0 : index
    %get3A_9 = arith.constant 0 : index
    %get3A_10 = arith.constant 0 : index
    %get3A_11 = vector.load %arg3[%get3A_8, %get3A_9, %get3A_10] : memref<1x80x4096xf32, #tpu.memory_space<vmem>>, vector<1x80x4096xf32>
    %get3A_12 = vector.shape_cast %get3A_11 : vector<1x80x4096xf32> to vector<80x4096xf32>
    %get3A_13 = arith.constant 0 : index
    %get3A_14 = arith.constant 0 : index
    %get3A_15 = arith.constant 0 : index
    %get3A_16 = vector.load %arg1[%get3A_13, %get3A_14, %get3A_15] : memref<1x80x4096xf32, #tpu.memory_space<vmem>>, vector<1x80x4096xf32>
    %get3A_17 = vector.shape_cast %get3A_16 : vector<1x80x4096xf32> to vector<80x4096xf32>
    %sub3A = arith.subf %get3A_12, %get3A_17 : vector<80x4096xf32>
    %get3A_18 = arith.constant 0 : index
    %get3A_19 = arith.constant 0 : index
    %get3A_20 = arith.constant 0 : index
    %get3A_21 = vector.load %arg4[%get3A_18, %get3A_19, %get3A_20] : memref<1x80x4096xf32, #tpu.memory_space<vmem>>, vector<1x80x4096xf32>
    %get3A_22 = vector.shape_cast %get3A_21 : vector<1x80x4096xf32> to vector<80x4096xf32>
    %get3A_23 = arith.constant 0 : index
    %get3A_24 = arith.constant 0 : index
    %get3A_25 = arith.constant 0 : index
    %get3A_26 = vector.load %arg2[%get3A_23, %get3A_24, %get3A_25] : memref<1x80x4096xf32, #tpu.memory_space<vmem>>, vector<1x80x4096xf32>
    %get3A_27 = vector.shape_cast %get3A_26 : vector<1x80x4096xf32> to vector<80x4096xf32>
    %sub3A_28 = arith.subf %get3A_22, %get3A_27 : vector<80x4096xf32>
    %mul3A = vector.broadcast %get3A_7 : vector<1x4096xf32> to vector<80x4096xf32>
    %mul3A_29 = arith.mulf %sub3A, %mul3A : vector<80x4096xf32>
    %mul3A_30 = vector.broadcast %get3A_7 : vector<1x4096xf32> to vector<80x4096xf32>
    %mul3A_31 = arith.mulf %sub3A_28, %mul3A_30 : vector<80x4096xf32>
    %get3A_32 = arith.constant 0 : index
    %get3A_33 = arith.constant 0 : index
    %get3A_34 = vector.load %arg17[%get3A_32, %get3A_33] : memref<8x4096xf32, #tpu.memory_space<vmem>>, vector<8x4096xf32>
    %abs3A = math.absf %mul3A_29 : vector<80x4096xf32>
    %reshape3A = vector.shape_cast %abs3A : vector<80x4096xf32> to vector<10x8x4096xf32>
    %reduce_sum3A = arith.constant dense<0.000000e+00> : vector<8x4096xf32>
    %reduce_sum3A_35 = vector.multi_reduction <add>, %reshape3A, %reduce_sum3A [0] : vector<10x8x4096xf32> to vector<8x4096xf32>
    %add3A = arith.addf %get3A_34, %reduce_sum3A_35 : vector<8x4096xf32>
    %swap3A = arith.constant 0 : index
    %swap3A_36 = arith.constant 0 : index
    %swap3A_37 = vector.load %arg17[%swap3A, %swap3A_36] : memref<8x4096xf32, #tpu.memory_space<vmem>>, vector<8x4096xf32>
    tpu.vector_store %arg17[%swap3A, %swap3A_36], %add3A {strides = array<i32>} : memref<8x4096xf32, #tpu.memory_space<vmem>>, vector<8x4096xf32>,
    %get3A_38 = arith.constant 0 : index
    %get3A_39 = arith.constant 0 : index
    %get3A_40 = vector.load %arg18[%get3A_38, %get3A_39] : memref<8x4096xf32, #tpu.memory_space<vmem>>, vector<8x4096xf32>
    %mul3A_41 = arith.mulf %mul3A_29, %sub3A : vector<80x4096xf32>
    %reshape3A_42 = vector.shape_cast %mul3A_41 : vector<80x4096xf32> to vector<10x8x4096xf32>
    %reduce_sum3A_43 = arith.constant dense<0.000000e+00> : vector<8x4096xf32>
    %reduce_sum3A_44 = vector.multi_reduction <add>, %reshape3A_42, %reduce_sum3A_43 [0] : vector<10x8x4096xf32> to vector<8x4096xf32>
    %add3A_45 = arith.addf %get3A_40, %reduce_sum3A_44 : vector<8x4096xf32>
    %swap3A_46 = arith.constant 0 : index
    %swap3A_47 = arith.constant 0 : index
    %swap3A_48 = vector.load %arg18[%swap3A_46, %swap3A_47] : memref<8x4096xf32, #tpu.memory_space<vmem>>, vector<8x4096xf32>
    tpu.vector_store %arg18[%swap3A_46, %swap3A_47], %add3A_45 {strides = array<i32>} : memref<8x4096xf32, #tpu.memory_space<vmem>>, vector<8x4096xf32>,
    %get3A_49 = arith.constant 0 : index
    %get3A_50 = arith.constant 0 : index
    %get3A_51 = vector.load %arg19[%get3A_49, %get3A_50] : memref<8x4096xf32, #tpu.memory_space<vmem>>, vector<8x4096xf32>
    %abs3A_52 = math.absf %mul3A_31 : vector<80x4096xf32>
    %reshape3A_53 = vector.shape_cast %abs3A_52 : vector<80x4096xf32> to vector<10x8x4096xf32>
    %reduce_sum3A_54 = arith.constant dense<0.000000e+00> : vector<8x4096xf32>
    %reduce_sum3A_55 = vector.multi_reduction <add>, %reshape3A_53, %reduce_sum3A_54 [0] : vector<10x8x4096xf32> to vector<8x4096xf32>
    %add3A_56 = arith.addf %get3A_51, %reduce_sum3A_55 : vector<8x4096xf32>
    %swap3A_57 = arith.constant 0 : index
    %swap3A_58 = arith.constant 0 : index
    %swap3A_59 = vector.load %arg19[%swap3A_57, %swap3A_58] : memref<8x4096xf32, #tpu.memory_space<vmem>>, vector<8x4096xf32>
    tpu.vector_store %arg19[%swap3A_57, %swap3A_58], %add3A_56 {strides = array<i32>} : memref<8x4096xf32, #tpu.memory_space<vmem>>, vector<8x4096xf32>,
    %get3A_60 = arith.constant 0 : index
    %get3A_61 = arith.constant 0 : index
    %get3A_62 = vector.load %arg20[%get3A_60, %get3A_61] : memref<8x4096xf32, #tpu.memory_space<vmem>>, vector<8x4096xf32>
    %mul3A_63 = arith.mulf %mul3A_31, %sub3A_28 : vector<80x4096xf32>
    %reshape3A_64 = vector.shape_cast %mul3A_63 : vector<80x4096xf32> to vector<10x8x4096xf32>
    %reduce_sum3A_65 = arith.constant dense<0.000000e+00> : vector<8x4096xf32>
    %reduce_sum3A_66 = vector.multi_reduction <add>, %reshape3A_64, %reduce_sum3A_65 [0] : vector<10x8x4096xf32> to vector<8x4096xf32>
    %add3A_67 = arith.addf %get3A_62, %reduce_sum3A_66 : vector<8x4096xf32>
    %swap3A_68 = arith.constant 0 : index
    %swap3A_69 = arith.constant 0 : index
    %swap3A_70 = vector.load %arg20[%swap3A_68, %swap3A_69] : memref<8x4096xf32, #tpu.memory_space<vmem>>, vector<8x4096xf32>
    tpu.vector_store %arg20[%swap3A_68, %swap3A_69], %add3A_67 {strides = array<i32>} : memref<8x4096xf32, #tpu.memory_space<vmem>>, vector<8x4096xf32>,
    %get3A_71 = arith.constant 0 : index
    %get3A_72 = arith.constant 0 : index
    %get3A_73 = vector.load %arg21[%get3A_71, %get3A_72] : memref<2x4096xf32, #tpu.memory_space<vmem>>, vector<1x4096xf32>
    %add3A_74 = arith.addf %get3A_73, %get3A_7 : vector<1x4096xf32>
    %swap3A_75 = arith.constant 0 : index
    %swap3A_76 = arith.constant 0 : index
    %swap3A_77 = vector.load %arg21[%swap3A_75, %swap3A_76] : memref<2x4096xf32, #tpu.memory_space<vmem>>, vector<1x4096xf32>
    tpu.vector_store %arg21[%swap3A_75, %swap3A_76], %add3A_74 {strides = array<i32>} : memref<2x4096xf32, #tpu.memory_space<vmem>>, vector<1x4096xf32>,
    %convert_element_type3A_78 = arith.extui %eq3A_2 : i1 to i32
    %cond3A_79 = arith.constant 0 : i32
    %cond3A_80 = arith.cmpi ne, %convert_element_type3A_78, %cond3A_79 : i32
    scf.if %cond3A_80 {
      %get3A_81 = arith.constant 0 : index
      %get3A_82 = arith.constant 0 : index
      %get3A_83 = vector.load %arg17[%get3A_81, %get3A_82] : memref<8x4096xf32, #tpu.memory_space<vmem>>, vector<8x4096xf32>
      %reduce_sum3A_84 = vector.shape_cast %get3A_83 : vector<8x4096xf32> to vector<1x8x4096xf32>
      %reduce_sum3A_85 = arith.constant dense<0.000000e+00> : vector<1xf32>
      %reduce_sum3A_86 = vector.multi_reduction <add>, %reduce_sum3A_84, %reduce_sum3A_85 [1, 2] : vector<1x8x4096xf32> to vector<1xf32>
      %reduce_sum3A_87 = vector.shape_cast %reduce_sum3A_86 : vector<1xf32> to vector<1x1x1xf32>
      %reduce_sum3A_88 = vector.extract %reduce_sum3A_87[0, 0, 0] : f32 from vector<1x1x1xf32>
      %swap3A_89 = arith.constant 0 : index
      %swap3A_90 = arith.constant 0 : index
      %swap3A_91 = memref.load %arg9[%swap3A_89, %swap3A_90] : memref<1x1xf32, #tpu.memory_space<smem>>
      memref.store %reduce_sum3A_88, %arg9[%swap3A_89, %swap3A_90] : memref<1x1xf32, #tpu.memory_space<smem>>
      %get3A_92 = arith.constant 0 : index
      %get3A_93 = arith.constant 0 : index
      %get3A_94 = vector.load %arg18[%get3A_92, %get3A_93] : memref<8x4096xf32, #tpu.memory_space<vmem>>, vector<8x4096xf32>
      %reduce_sum3A_95 = vector.shape_cast %get3A_94 : vector<8x4096xf32> to vector<1x8x4096xf32>
      %reduce_sum3A_96 = arith.constant dense<0.000000e+00> : vector<1xf32>
      %reduce_sum3A_97 = vector.multi_reduction <add>, %reduce_sum3A_95, %reduce_sum3A_96 [1, 2] : vector<1x8x4096xf32> to vector<1xf32>
      %reduce_sum3A_98 = vector.shape_cast %reduce_sum3A_97 : vector<1xf32> to vector<1x1x1xf32>
      %reduce_sum3A_99 = vector.extract %reduce_sum3A_98[0, 0, 0] : f32 from vector<1x1x1xf32>
      %swap3A_100 = arith.constant 0 : index
      %swap3A_101 = arith.constant 0 : index
      %swap3A_102 = memref.load %arg10[%swap3A_100, %swap3A_101] : memref<1x1xf32, #tpu.memory_space<smem>>
      memref.store %reduce_sum3A_99, %arg10[%swap3A_100, %swap3A_101] : memref<1x1xf32, #tpu.memory_space<smem>>
      %get3A_103 = arith.constant 0 : index
      %get3A_104 = arith.constant 0 : index
      %get3A_105 = vector.load %arg19[%get3A_103, %get3A_104] : memref<8x4096xf32, #tpu.memory_space<vmem>>, vector<8x4096xf32>
      %reduce_sum3A_106 = vector.shape_cast %get3A_105 : vector<8x4096xf32> to vector<1x8x4096xf32>
      %reduce_sum3A_107 = arith.constant dense<0.000000e+00> : vector<1xf32>
      %reduce_sum3A_108 = vector.multi_reduction <add>, %reduce_sum3A_106, %reduce_sum3A_107 [1, 2] : vector<1x8x4096xf32> to vector<1xf32>
      %reduce_sum3A_109 = vector.shape_cast %reduce_sum3A_108 : vector<1xf32> to vector<1x1x1xf32>
      %reduce_sum3A_110 = vector.extract %reduce_sum3A_109[0, 0, 0] : f32 from vector<1x1x1xf32>
      %swap3A_111 = arith.constant 0 : index
      %swap3A_112 = arith.constant 0 : index
      %swap3A_113 = memref.load %arg11[%swap3A_111, %swap3A_112] : memref<1x1xf32, #tpu.memory_space<smem>>
      memref.store %reduce_sum3A_110, %arg11[%swap3A_111, %swap3A_112] : memref<1x1xf32, #tpu.memory_space<smem>>
      %get3A_114 = arith.constant 0 : index
      %get3A_115 = arith.constant 0 : index
      %get3A_116 = vector.load %arg20[%get3A_114, %get3A_115] : memref<8x4096xf32, #tpu.memory_space<vmem>>, vector<8x4096xf32>
      %reduce_sum3A_117 = vector.shape_cast %get3A_116 : vector<8x4096xf32> to vector<1x8x4096xf32>
      %reduce_sum3A_118 = arith.constant dense<0.000000e+00> : vector<1xf32>
      %reduce_sum3A_119 = vector.multi_reduction <add>, %reduce_sum3A_117, %reduce_sum3A_118 [1, 2] : vector<1x8x4096xf32> to vector<1xf32>
      %reduce_sum3A_120 = vector.shape_cast %reduce_sum3A_119 : vector<1xf32> to vector<1x1x1xf32>
      %reduce_sum3A_121 = vector.extract %reduce_sum3A_120[0, 0, 0] : f32 from vector<1x1x1xf32>
      %swap3A_122 = arith.constant 0 : index
      %swap3A_123 = arith.constant 0 : index
      %swap3A_124 = memref.load %arg12[%swap3A_122, %swap3A_123] : memref<1x1xf32, #tpu.memory_space<smem>>
      memref.store %reduce_sum3A_121, %arg12[%swap3A_122, %swap3A_123] : memref<1x1xf32, #tpu.memory_space<smem>>
      %get3A_125 = arith.constant 0 : index
      %get3A_126 = arith.constant 0 : index
      %get3A_127 = vector.load %arg21[%get3A_125, %get3A_126] : memref<2x4096xf32, #tpu.memory_space<vmem>>, vector<1x4096xf32>
      %reduce_sum3A_128 = vector.shape_cast %get3A_127 : vector<1x4096xf32> to vector<1x1x4096xf32>
      %reduce_sum3A_129 = arith.constant dense<0.000000e+00> : vector<1xf32>
      %reduce_sum3A_130 = vector.multi_reduction <add>, %reduce_sum3A_128, %reduce_sum3A_129 [1, 2] : vector<1x1x4096xf32> to vector<1xf32>
      %reduce_sum3A_131 = vector.shape_cast %reduce_sum3A_130 : vector<1xf32> to vector<1x1x1xf32>
      %reduce_sum3A_132 = vector.extract %reduce_sum3A_131[0, 0, 0] : f32 from vector<1x1x1xf32>
      %swap3A_133 = arith.constant 0 : index
      %swap3A_134 = arith.constant 0 : index
      %swap3A_135 = memref.load %arg13[%swap3A_133, %swap3A_134] : memref<1x1xf32, #tpu.memory_space<smem>>
      memref.store %reduce_sum3A_132, %arg13[%swap3A_133, %swap3A_134] : memref<1x1xf32, #tpu.memory_space<smem>>
    } else {
    }
    return
  }
  func.func @transform_0(%arg0: i32) -> (i32, i32, i32) {
    %c0_i32 = arith.constant 0 : i32
    %c0_i32_0 = arith.constant 0 : i32
    %c0_i32_1 = arith.constant 0 : i32
    return %arg0, %c0_i32, %c0_i32_0 : i32, i32, i32
  }
  func.func @transform_1(%arg0: i32) -> (i32, i32, i32) {
    %c0_i32 = arith.constant 0 : i32
    %c0_i32_0 = arith.constant 0 : i32
    %c0_i32_1 = arith.constant 0 : i32
    return %arg0, %c0_i32, %c0_i32_0 : i32, i32, i32
  }
  func.func @transform_2(%arg0: i32) -> (i32, i32, i32) {
    %c0_i32 = arith.constant 0 : i32
    %c0_i32_0 = arith.constant 0 : i32
    %c0_i32_1 = arith.constant 0 : i32
    return %arg0, %c0_i32, %c0_i32_0 : i32, i32, i32
  }
  func.func @transform_3(%arg0: i32) -> (i32, i32, i32) {
    %c0_i32 = arith.constant 0 : i32
    %c0_i32_0 = arith.constant 0 : i32
    %c0_i32_1 = arith.constant 0 : i32
    return %arg0, %c0_i32, %c0_i32_0 : i32, i32, i32
  }
  func.func @transform_4(%arg0: i32) -> (i32, i32, i32) {
    %c0_i32 = arith.constant 0 : i32
    %c0_i32_0 = arith.constant 0 : i32
    %c0_i32_1 = arith.constant 0 : i32
    return %arg0, %c0_i32, %c0_i32_0 : i32, i32, i32
  }
  func.func @transform_5(%arg0: i32) -> (i32, i32) {
    %c0_i32 = arith.constant 0 : i32
    %c0_i32_0 = arith.constant 0 : i32
    %c0_i32_1 = arith.constant 0 : i32
    return %c0_i32, %c0_i32_0 : i32, i32
  }
  func.func @transform_6(%arg0: i32) -> (i32, i32) {
    %c0_i32 = arith.constant 0 : i32
    %c0_i32_0 = arith.constant 0 : i32
    %c0_i32_1 = arith.constant 0 : i32
    return %c0_i32, %c0_i32_0 : i32, i32
  }
  func.func @transform_7(%arg0: i32) -> (i32, i32) {
    %c0_i32 = arith.constant 0 : i32
    %c0_i32_0 = arith.constant 0 : i32
    %c0_i32_1 = arith.constant 0 : i32
    return %c0_i32, %c0_i32_0 : i32, i32
  }
  func.func @transform_8(%arg0: i32) -> (i32, i32) {
    %c0_i32 = arith.constant 0 : i32
    %c0_i32_0 = arith.constant 0 : i32
    %c0_i32_1 = arith.constant 0 : i32
    return %c0_i32, %c0_i32_0 : i32, i32
  }
  func.func @transform_9(%arg0: i32) -> (i32, i32) {
    %c0_i32 = arith.constant 0 : i32
    %c0_i32_0 = arith.constant 0 : i32
    %c0_i32_1 = arith.constant 0 : i32
    return %c0_i32, %c0_i32_0 : i32, i32
  }
  func.func @transform_10(%arg0: i32) -> (i32, i32) {
    %c0_i32 = arith.constant 0 : i32
    %c0_i32_0 = arith.constant 0 : i32
    %c0_i32_1 = arith.constant 0 : i32
    return %c0_i32, %c0_i32_0 : i32, i32
  }
  func.func @transform_11(%arg0: i32) -> (i32, i32) {
    %c0_i32 = arith.constant 0 : i32
    %c0_i32_0 = arith.constant 0 : i32
    %c0_i32_1 = arith.constant 0 : i32
    return %c0_i32, %c0_i32_0 : i32, i32
  }
  func.func @transform_12(%arg0: i32) -> (i32, i32) {
    %c0_i32 = arith.constant 0 : i32
    %c0_i32_0 = arith.constant 0 : i32
    %c0_i32_1 = arith.constant 0 : i32
    return %c0_i32, %c0_i32_0 : i32, i32
  }
  func.func @transform_13(%arg0: i32) -> (i32, i32) {
    %c0_i32 = arith.constant 0 : i32
    %c0_i32_0 = arith.constant 0 : i32
    %c0_i32_1 = arith.constant 0 : i32
    return %c0_i32, %c0_i32_0 : i32, i32
  }
  func.func @transform_14(%arg0: i32) -> (i32, i32) {
    %c0_i32 = arith.constant 0 : i32
    %c0_i32_0 = arith.constant 0 : i32
    %c0_i32_1 = arith.constant 0 : i32
    return %c0_i32, %c0_i32_0 : i32, i32
  }
  func.func @transform_15(%arg0: i32) -> (i32, i32) {
    %c0_i32 = arith.constant 0 : i32
    %c0_i32_0 = arith.constant 0 : i32
    %c0_i32_1 = arith.constant 0 : i32
    return %c0_i32, %c0_i32_0 : i32, i32
  }
}

module attributes {stable_mosaic.version = 14 : i64} {
  func.func @_ce_finish_kernel(%arg0: memref<32x4096xf32, #tpu.memory_space<vmem>>, %arg1: memref<32x4096xf32, #tpu.memory_space<vmem>>, %arg2: memref<32x4096xf32, #tpu.memory_space<vmem>>, %arg3: memref<1x1xf32, #tpu.memory_space<smem>>) attributes {dimension_semantics = [], scalar_prefetch = 0 : i64, scratch_operands = 0 : i64, tpu.core_type = #tpu.core_type<tc>} {
    %get3A = arith.constant 0 : index
    %get3A_0 = arith.constant 0 : index
    %get3A_1 = vector.load %arg0[%get3A, %get3A_0] : memref<32x4096xf32, #tpu.memory_space<vmem>>, vector<32x4096xf32>
    %log3A = math.log %get3A_1 : vector<32x4096xf32>
    %get3A_2 = arith.constant 0 : index
    %get3A_3 = arith.constant 0 : index
    %get3A_4 = vector.load %arg1[%get3A_2, %get3A_3] : memref<32x4096xf32, #tpu.memory_space<vmem>>, vector<32x4096xf32>
    %sub3A = arith.subf %log3A, %get3A_4 : vector<32x4096xf32>
    %get3A_5 = arith.constant 0 : index
    %get3A_6 = arith.constant 0 : index
    %get3A_7 = vector.load %arg2[%get3A_5, %get3A_6] : memref<32x4096xf32, #tpu.memory_space<vmem>>, vector<32x4096xf32>
    %mul3A = arith.mulf %sub3A, %get3A_7 : vector<32x4096xf32>
    %reduce_sum3A = vector.shape_cast %mul3A : vector<32x4096xf32> to vector<1x32x4096xf32>
    %reduce_sum3A_8 = arith.constant dense<0.000000e+00> : vector<1xf32>
    %reduce_sum3A_9 = vector.multi_reduction <add>, %reduce_sum3A, %reduce_sum3A_8 [1, 2] : vector<1x32x4096xf32> to vector<1xf32>
    %reduce_sum3A_10 = vector.shape_cast %reduce_sum3A_9 : vector<1xf32> to vector<1x1x1xf32>
    %reduce_sum3A_11 = vector.extract %reduce_sum3A_10[0, 0, 0] : f32 from vector<1x1x1xf32>
    %swap3A = arith.constant 0 : index
    %swap3A_12 = arith.constant 0 : index
    %swap3A_13 = memref.load %arg3[%swap3A, %swap3A_12] : memref<1x1xf32, #tpu.memory_space<smem>>
    memref.store %reduce_sum3A_11, %arg3[%swap3A, %swap3A_12] : memref<1x1xf32, #tpu.memory_space<smem>>
    return
  }
}

</mosaic_0001>

<sc_bundles>
// kernel: kernel.5.cloned.1.call-start
scs
__scs_entry_jumppad:
0x0: {  	(pc) =	sbr.rel $0x88, $3  }
0x1: {  	(tag) =	ssettag $0x0;
	lr =	simm.s32 $0x1  }
0x2: {  	[smem:$0x3F97] =	sst lr;
	_ =	strace $0xD0000000  }
0x3: {  	_ = 	snop  }
0x4: {  	_ = 	snop  }
0x5: {  	_ = 	snop  }
0x6: {  	_ = 	snop  }
0x7: {  	_ = 	snop  }
__scs_overlays_trampoline_lowered:
0x8: {  	[smem:$0x3FA6] =	sst s0  }
0x9: {  	[smem:$0x3FA7] =	sst s1  }
0xa: {  	[smem:$0x3FA8] =	sst s2  }
0xb: {  	[smem:$0x3FA9] =	sst s3  }
0xc: {  	[smem:$0x3FAA] =	sst s4  }
0xd: {  	[smem:$0x3FAB] =	sst s5  }
0xe: {  	[smem:$0x3FAC] =	sst s6  }
0xf: {  	[smem:$0x3FAD] =	sst s7  }
0x10: {  	[smem:$0x3FAE] =	sst s8  }
0x11: {  	[smem:$0x3FAF] =	sst s9;
	s0 =	simm.s32 @!p0 $0x0  }
0x12: {  	s1 =	sld [smem:$0x3F95];
	s0 =	simm.s32 @p0 $0x1  }
0x13: {  	[smem:$0x3FB0] =	sst s0;
	s0 =	simm.s32 @!p1 $0x0  }
0x14: {  	s2 =	sld [smem:$0x3F94];
	s0 =	simm.s32 @p1 $0x1  }
0x15: {  	[smem:$0x3FB1] =	sst s0;
	s0 =	simm.s32 @!p2 $0x0  }
0x16: {  	s3 =	sld [smem:$0x3FDB];
	s0 =	simm.s32 @p2 $0x1  }
0x17: {  	s4 =	simm.s32 $0x1BF5;
	[smem:$0x3FB3] =	sst s0  }
0x18: {  	s0 =	sld [smem:$0x3F96];
	_ =	swait.ge [sflag:s4], $0x0  }
0x19: {  	s7 =	sld [smem:$0x3F97]  }
0x1a: {  	s8 =	sadd.s32 $0xFFFFE003, lr  }
0x1b: {  	s9 =	sadd.s32 $0xFFFFFEF7, lr;
	s5 =	simm.s32 $0xFFFFFFFF;
	p2 =	slt.u32 s8, $0xFFFFF086  }
0x1c: {  	p1 =	slt.u32 s9, $0xF7A;
	s5 =	simm.s32 @!p2 $0x0  }
0x1d: {  	s5 =	simm.s32 @p1 $0x1;
	p0 =	seq.s32 s7, s2  }
0x1e: {  	s7 =	smul.u32 @!p0 $0xF7A, s2;
	p2 =	seq.s32 @!p0 s5, $0x0  }
0x1f: {  	s9 =	smul.u32 $0xF7A, s1;
	s8 =	simm.s32 @!p0 $0x1BF5;
	p2 =	por !p2, p0  }
0x20: {  	[sflag:s8] =	ssyncset.s32 @!p0 $0xFFFFF086;
	s6 =	sadd.s32 @!p0 s3, s7;
	s7 =	simm.s32 @!p0 $0x108  }
0x21: {  	s3 =	sadd.s32 s3, s9;
	s6 =	sadd.s32 @!p0 $0x88, s6;
	s7 =	simm.s32 @p2 $0x1082  }
0x22: {  	[simem:s7], [sflag:s8] =	dma.local @!p0 [hbm:s6], $0xF7A  }
0x23: {  	s9 =	sor.u32 $0xD0000000, s2;
	s6 =	simm.s32 $0x108;
	_ =	swait.ge @!p0 [sflag:s8], $0x0  }
0x24: {  	s3 =	sadd.s32 $0x88, s3;
	s6 =	simm.s32 @!p1 $0x1082;
	[sflag:s4] =	ssyncset.s32 $0xFFFFF086  }
0x25: {  	[simem:s6], [sflag:s4] =	dma.local [hbm:s3], $0xF7A  }
0x26: {  	[smem:$0x3F97] =	sst s1;
	(tag) =	ssettag s2;
	_ =	strace s9  }
0x27: {  	s1 =	sld [smem:$0x3FA7]  }
0x28: {  	s2 =	sld [smem:$0x3FA8]  }
0x29: {  	s4 =	sld [smem:$0x3FAA]  }
0x2a: {  	p0 =	seq.s32 s5, $0x0;
	s5 =	sld [smem:$0x3FAB]  }
0x2b: {  	s6 =	sld [smem:$0x3FAC]  }
0x2c: {  	s7 =	sld [smem:$0x3FAD]  }
0x2d: {  	s3 =	simm.s32 $0x108;
	s8 =	sld [smem:$0x3FAE]  }
0x2e: {  	s3 =	simm.s32 @!p0 $0x1082;
	s9 =	sld [smem:$0x3FAF]  }
0x2f: {  	lr =	sadd.s32 s0, s3;
	s0 =	sld [smem:$0x3FA6]  }
0x30: {  	s3 =	sld [smem:$0x3FA9]  }
0x31: {  	[smem:$0x3FB2] =	sst s10  }
0x32: {  	s10 =	sld [smem:$0x3FB0];
	_ =	sdelay $0x3  }
0x33: {  	p0 =	seq.s32 s10, $0x1;
	s10 =	sld [smem:$0x3FB2];
	_ =	sdelay $0x3  }
0x34: {  	[smem:$0x3FB2] =	sst s10  }
0x35: {  	s10 =	sld [smem:$0x3FB1];
	_ =	sdelay $0x3  }
0x36: {  	p1 =	seq.s32 s10, $0x1;
	s10 =	sld [smem:$0x3FB2];
	_ =	sdelay $0x3  }
0x37: {  	[smem:$0x3FB2] =	sst s10  }
0x38: {  	s10 =	sld [smem:$0x3FB3]  }
0x39: {  	_ = 	snop;
	(pc) =	sbr.ind lr, $3  }
0x3a: {  	_ = 	snop  }
0x3b: {  	_ = 	snop  }
0x3c: {  	p2 =	seq.s32 s10, $0x1;
	s10 =	sld [smem:$0x3FB2]  }
0x3d: {  	_ =	shalt  }
0x3e: {  	_ =	shalt  }
0x3f: {  	_ =	shalt  }
0x40: {  	_ =	shalt  }
0x41: {  	_ =	shalt  }
0x42: {  	_ =	shalt  }
0x43: {  	_ =	shalt  }
0x44: {  	_ =	shalt  }
0x45: {  	_ =	shalt  }
0x46: {  	_ =	shalt  }
0x47: {  	_ =	shalt  }
0x48: {  	_ =	shalt  }
0x49: {  	_ =	shalt  }
0x4a: {  	_ =	shalt  }
0x4b: {  	_ =	shalt  }
0x4c: {  	_ =	shalt  }
0x4d: {  	_ =	shalt  }
0x4e: {  	_ =	shalt  }
0x4f: {  	_ =	shalt  }
0x50: {  	_ =	shalt  }
0x51: {  	_ =	shalt  }
0x52: {  	_ =	shalt  }
0x53: {  	_ =	shalt  }
0x54: {  	_ =	shalt  }
0x55: {  	_ =	shalt  }
0x56: {  	_ =	shalt  }
0x57: {  	_ =	shalt  }
0x58: {  	_ =	shalt  }
0x59: {  	_ =	shalt  }
0x5a: {  	_ =	shalt  }
0x5b: {  	_ =	shalt  }
0x5c: {  	_ =	shalt  }
0x5d: {  	_ =	shalt  }
0x5e: {  	_ =	shalt  }
0x5f: {  	_ =	shalt  }
0x60: {  	_ =	shalt  }
0x61: {  	_ =	shalt  }
0x62: {  	_ =	shalt  }
0x63: {  	_ =	shalt  }
0x64: {  	_ =	shalt  }
0x65: {  	_ =	shalt  }
0x66: {  	_ =	shalt  }
0x67: {  	_ =	shalt  }
0x68: {  	_ =	shalt  }
0x69: {  	_ =	shalt  }
0x6a: {  	_ =	shalt  }
0x6b: {  	_ =	shalt  }
0x6c: {  	_ =	shalt  }
0x6d: {  	_ =	shalt  }
0x6e: {  	_ =	shalt  }
0x6f: {  	_ =	shalt  }
0x70: {  	_ =	shalt  }
0x71: {  	_ =	shalt  }
0x72: {  	_ =	shalt  }
0x73: {  	_ =	shalt  }
0x74: {  	_ =	shalt  }
0x75: {  	_ =	shalt  }
0x76: {  	_ =	shalt  }
0x77: {  	_ =	shalt  }
0x78: {  	_ =	shalt  }
0x79: {  	_ =	shalt  }
0x7a: {  	_ =	shalt  }
0x7b: {  	_ =	shalt  }
0x7c: {  	_ =	shalt  }
0x7d: {  	_ =	shalt  }
0x7e: {  	_ =	shalt  }
0x7f: {  	_ =	shalt  }
0x80: {  	_ =	shalt  }
0x81: {  	_ =	shalt  }
0x82: {  	_ =	shalt  }
0x83: {  	_ =	shalt  }
0x84: {  	_ =	shalt  }
0x85: {  	_ =	shalt  }
0x86: {  	_ =	shalt  }
0x87: {  	_ =	shalt  }
.Lfunc_end0:
.L_simem_size_0:
called_computation_lowered:
.L_overlay_start_0:
0x88: {  	s2 =	sld [smem:$0x3FD9]  }
0x89: {  	s3 =	sld [smem:$0x3FFE];
	_ =	sdelay $0x1  }
0x8a: {  	s1 =	srdreg.scid  }
0x8b: {  	s0 =	sand.u32 $0x1, s1  }
0x8c: {  	s17 =	sshll.u32 s0, $0xA;
	s2 =	sadd.s32 s3, s2  }
0x8d: {  	s2 =	sadd.s32 s2, s17  }
0x8e: {  	[smem:$0x3FBE] =	sst s2  }
0x8f: {  	_ = 	snop  }
0x90: {  	s2 =	sld [smem:$0x3FC6]  }
0x91: {  	s18 =	sld [smem:$0x3FC2];
	(tm) =	ssettm $0x1  }
0x92: {  	s4 =	sld [smem:$0x3FFB];
	_ =	sdelay $0x3  }
0x93: {  	_ =	strace s4  }
0x94: {  	s4 =	sld [smem:$0x3FFC];
	_ =	sdelay $0x3  }
0x95: {  	_ =	strace s4  }
0x96: {  	s4 =	sld [smem:$0x3FFD];
	_ =	sdelay $0x3  }
0x97: {  	_ =	strace s4  }
0x98: {  	_ =	strace $0x8FFFFFFF  }
0x99: {  	s19 =	sld [smem:$0x3FDB];
	_ =	sdelay $0x1  }
0x9a: {  	s5 =	simm.s32 $_scs_section_size  }
0x9b: {  	s6 =	simm.s32 $_size__tile_overlayer_lowered;
	s7 =	simm.s32 $_tile_overlayer_lowered  }
0x9c: {  	s22 =	simm.s32 $0x1BFF;
	s21 =	sshll.u32 s7, $0x1;
	s4 =	sadd.s32 s5, s19  }
0x9d: {  	s8 =	simm.s32 $0x0;
	s20 =	sshll.u32 s6, $0x1;
	s6 =	sadd.s32 s21, s4  }
0x9e: {  	[timem:s8], [sflag:s22] =	dma.local [hbm:s6], s20  }
0x9f: {  	_ =	swait.ge [sflag:s22], s20  }
0xa0: {  	s5 =	ssub.s32 $0x0, s20;
	[sflag:s22] =	ssyncset.done $0x0  }
0xa1: {  	[sflag:s22] =	ssyncadd.s32 s5;
	_ =	sdelay $0x1  }
0xa2: {  	s23 =	simm.s32 $0x1B8B  }
0xa3: {  	_ =	swait.ge [sflag:s23], $0x1  }
0xa4: {  	[sflag:s23] =	ssyncset.done $0x0  }
0xa5: {  	s25 =	simm.s32 $0x1B8E;
	s24 =	sld [smem:$0x3FFE];
	[sflag:s23] =	ssyncadd.s32 $0xFFFFFFFF  }
0xa6: {  	s26 =	simm.s32 $execute0_lowered;
	[smem:$0x3FD2] =	sst s25  }
0xa7: {  	s6 =	sshll.u32 s26, $0x1;
	_ =	strace $0x80000046;
	[dreg:$0x1] =	wrdreg $0xFFFFFFFF  }
0xa8: {  	s28 =	simm.s32 $_size_execute0_lowered;
	s4 =	sadd.s32 s4, s6;
	[dreg:$0x0] =	wrdreg $0x0  }
0xa9: {  	s6 =	sshll.u32 s28, $0x1;
	[dreg:$0x2] =	wrdreg s4  }
0xaa: {  	[dreg:$0x3] =	wrdreg s6  }
0xab: {  	[dreg:$0x4] =	wrdreg $0xC0  }
0xac: {  	_ =	task [dreg:s8], $0x5FFFF  }
0xad: {  	[dreg:$0x1] =	wrdreg $0xFFFFFFFF  }
0xae: {  	[dreg:$0x0] =	wrdreg $0x60  }
0xaf: {  	[dreg:$0x2] =	wrdreg s18  }
0xb0: {  	[dreg:$0x3] =	wrdreg s2  }
0xb1: {  	[dreg:$0x4] =	wrdreg s24  }
0xb2: {  	[dreg:$0x5] =	wrdreg $0x9  }
0xb3: {  	_ =	task.clear_ibuf [dreg:s8], $0x6FFFF;
	_ =	strace $0x90000046  }
0xb4: {  	s29 =	simm.s32 $0x9;
	_ =	strace $0x80000048  }
0xb5: {  	_ =	swait.ge [sflag:s29], $0x1  }
0xb6: {  	[sflag:s29] =	ssyncadd.s32 $0xFFFFFFFF  }
0xb7: {  	_ =	strace $0x90000048  }
0xb8: {  	_ =	sfence  }
0xb9: {  	s30 =	sld [smem:$0x0];
	_ =	sdelay $0x2  }
0xba: {  	s31 =	sshll.u32 s1, $0xD;
	s1 =	sshrl.u32 s1, $0x2  }
0xbb: {  	s3 =	sand.u32 $0x4000, s31;
	s1 =	sadd.s32 s1, s30  }
0xbc: {  	s0 =	sor.u32 s3, s0;
	s1 =	sshll.u32 s1, $0x11  }
0xbd: {  	s0 =	sor.u32 s1, s0  }
0xbe: {  	s0 =	sadd.s32 $0x8F2B, s0  }
0xbf: {  	[sflag:s0] =	ssyncadd.remote.s32 $0x1  }
0xc0: {  	_ =	sfence.sel $0xFFFF  }
0xc1: {  	[dreg:$0x0] =	wrdreg $0xFFFFFFFF;
	(pc) =	sbr.abs _section_cstart, $3  }
0xc2: {  	[dreg:$0x1] =	wrdreg $0xFFFFFFFF  }
0xc3: {  	_ =	task.clear_ibuf [dreg:s8], $0x2FFFF;
	_ =	strace $0x9FFFFFFF  }
0xc4: {  	(tm) =	ssettm $0x7FFFFFFF  }
0xc5: {  	_ =	shalt  }
tec
execute0_lowered:
.L_overlay_start_1:
0x0: {  	(tag) =	ssettag $0x1  }
0x1: {  	s1 =	rddreg [dreg:$0x0]  }
0x2: {  	s2 =	srdreg.scid;
	s4 =	rddreg [dreg:$0x1]  }
0x3: {  	s0 =	stileid.u32;
	s6 =	rddreg [dreg:$0x2]  }
0x4: {  	s3 =	simm.s32 $0x0;
	s12 =	simm.s32 $0x400;
	s13 =	simm.s32 $0x10000  }
0x5: {  	s14 =	simm.s32 $0x3;
	s15 =	simm.s32 $0x8000;
	s16 =	simm.s32 $0x1  }
0x6: {  	s17 =	simm.s32 $0x2;
	s18 =	simm.s32 $0x11000;
	s19 =	simm.s32 $0x12000  }
0x7: {  	s20 =	simm.s32 $0x0;
	s5 =	sand.u32 $0x1, s2;
	s29 =	sshll.u32 s0, $0x1  }
0x8: {  	v1 =	vlaneseq.u32;
	v7 =	vimm.s32 $0x0;
	s2 =	rddreg [dreg:$0x3];
	s8 =	sshll.u32 s0, $0xA;
	s7 =	sor.u32 s5, s29  }
0x9: {  	vm0 =	vmmov $0x1;
	vm1 =	vmmov $0x3;
	vm2 =	vmmov $0x7;
	[smem:$0x7FF] =	sst s3;
	s5 =	ssub.s32 $0x2, s5;
	s9 =	sshll.u32 s7, $0x4  }
0xa: {  	vm3 =	vmmov $0xf;
	vm4 =	vmmov $0x1f;
	vm5 =	vmmov $0x3f;
	_ =	strace $0x80000047;
	s30 =	sshrl.u32 s5, $0x1;
	s8 =	sor.u32 s8, s9  }
0xb: {  	vm6 =	vmmov $0x7f;
	vm7 =	vmmov $0xff;
	vm8 =	vmmov $0x1ff;
	s11 =	ssub.s32 s5, s30;
	s5 =	sshll.u32 s7, $0x14;
	s8 =	sand.u32 $0x3070, s8  }
0xc: {  	vm9 =	vmmov $0x3ff;
	vm10 =	vmmov $0x7ff;
	v8 =	vmul.u32 $0x100, v1;
	s31 =	sshll.u32 s7, $0x11;
	s7 =	sor.u32 $0x10000, s5;
	s10 =	sadd.s32 s8, s6  }
0xd: {  	vm11 =	vmmov $0xfff;
	vm12 =	vmmov $0x1fff;
	v2 =	vand.u32 $0x7, v1;
	s4 =	sadd.s32 s4, s8;
	s6 =	sadd.s32 s1, s31;
	s8 =	sadd.s32 $0x1800, s10  }
0xe: {  	vm13 =	vmmov $0x3fff;
	vm14 =	vmmov $0x7fff;
	v9 =	vmul.u32 $0x80, v2;
	[tilespmem:$0x1FFF0] =	vst v8;
	s9 =	sadd.s32 $0x5800, s10;
	s10 =	smax.u32 s11, $0x1;
	s11 =	simm.s32 $0x80  }
.LBB2_1:
0xf: {  	[tilespmem:s13], [sflag:$0x3] =	stream.strided.gather [hbm4b:s4+s11], $0x1000, s12, s11, $0x38;
	[tilespmem:$0x13000] =	vst v63  }
0x10: {  	_ =	swait.ge [sflag:s14], $0x1000  }
0x11: {  	[sflag:s14] =	ssyncset.done $0x0  }
0x12: {  	s21 =	simm.s32 $0x0;
	[sflag:s14] =	ssyncadd.s32 $0xFFFFF000  }
0x13: {  	[tilespmem:s3], [sflag:$0x1] =	stream.linear.gather [hbm4b:s6+s3], $0x8000, $0x38;
	[tilespmem:$0x13000] =	vst v63  }
.LBB2_2:
0x14: {  	s22 =	sshllo.u32 s21, $0x1  }
0x15: {  	s23 =	sshll.u32 s22, $0xF  }
0x16: {  	s23 =	sadd.s32 s5, s23  }
0x17: {  	s23 =	sshrl.u32 s23, $0x3  }
0x18: {  	s31 =	sshll.u32 s21, $0x8;
	s24 =	sadd.s32 s1, s23;
	s23 =	simm.s32 $0x0  }
0x19: {  	v3 =	vmov s31;
	[tilespmem:s15], [sflag:$0x2] =	stream.linear.gather [hbm4b:s24+s23], $0x8000, $0x38;
	[tilespmem:$0x13000] =	vst v63  }
0x1a: {  	_ =	swait.ge [sflag:s16], $0x8000  }
0x1b: {  	[sflag:s16] =	ssyncset.done $0x0  }
0x1c: {  	[sflag:s16] =	ssyncadd.s32 $0xFFFF8000  }
.LBB2_3:
0x1d: {  	s24 =	sshll.u32 s23, $0x4  }
0x1e: {  	v4 =	vld.idx.msk [tilespmem:v3+s24+$0x10000 ss:$0x1], $0xffff;
	_ =	sdelay $0x4  }
0x1f: {  	v4 =	vadd.f32 $-2.499999940e-03, v4;
	_ =	sdelay $0x1  }
0x20: {  	v4 =	vmul.f32 $1.186046480e+04, v4;
	_ =	sdelay $0x1  }
0x21: {  	v5 =	vtrunc.f32 v4  }
0x22: {  	v6 =	vcvt.f32.s32 v5;
	vm15 =	vgt.f32 v4, v5  }
0x23: {  	v4 =	vsel vm15, $0x1, v7  }
0x24: {  	v4 =	vadd.s32 v6, v4  }
0x25: {  	v5 =	vmov s24;
	vm15 =	vgt.s32 v4, $0x0  }
0x26: {  	v5 =	vshll.u32 v5, $0x8;
	v4 =	vnsel vm15, $0x0, v4  }
0x27: {  	v5 =	vor.u32 v8, v5;
	v4 =	vmin.u32 v4, $0xFF  }
0x28: {  	v5 =	vand.u32 $0x7800, v5;
	v6 =	vand.u32 $0x7F, v4;
	v4 =	vshll.u32 v4, $0x3  }
0x29: {  	v4 =	vand.u32 $0x400, v4;
	v5 =	vor.u32 v6, v5  }
0x2a: {  	v4 =	vor.u32 v4, v5  }
0x2b: {  	v4 =	vor.u32 v9, v4;
	_ =	sdelay $0x4  }
0x2c: {  	v4 =	vld.idx.msk [tilespmem:v4+s3+$0x0], $0xffff;
	_ =	sdelay $0x3  }
0x2d: {  	s25 =	sshll.u32 s23, $0xC  }
0x2e: {  	s25 =	sand.u32 $0x3FFFF000, s25;
	[tilespmem:v3+s24+$0x12000 ss:$0x1] =	vst.idx.msk $0xffff, v4  }
0x2f: {  	v4 =	vld [tilespmem:s25+$0x0]  }
0x30: {  	v5 =	vld [tilespmem:s25+$0x10]  }
0x31: {  	v16 =	vld [tilespmem:s25+$0xF0]  }
0x32: {  	v6 =	vld [tilespmem:s25+$0x20]  }
0x33: {  	v7 =	vld [tilespmem:s25+$0x30]  }
0x34: {  	v8 =	vld [tilespmem:s25+$0x40]  }
0x35: {  	v2 =	vmov v9;
	v9 =	vld [tilespmem:s25+$0x50];
	v4 =	vmul.f32 $1.442695020e+00, v4  }
0x36: {  	v10 =	vld [tilespmem:s25+$0x60];
	v5 =	vmul.f32 $1.442695020e+00, v5;
	v16 =	vmul.f32 $1.442695020e+00, v16  }
0x37: {  	(erf) = vpow2.f32 v4;
	v4 =	vmul.f32 $1.442695020e+00, v6;
	v6 =	vld [tilespmem:s25+$0x70]  }
0x38: {  	(erf) = vpow2.f32 v5;
	v5 =	vmul.f32 $1.442695020e+00, v7;
	v7 =	vld [tilespmem:s25+$0x400]  }
0x39: {  	(erf) = vpow2.f32 v4;
	v4 =	vmul.f32 $1.442695020e+00, v8;
	v8 =	vld [tilespmem:s25+$0x410]  }
0x3a: {  	(erf) = vpow2.f32 v5;
	v5 =	vmul.f32 $1.442695020e+00, v9;
	v9 =	vld [tilespmem:s25+$0x420]  }
0x3b: {  	(erf) = vpow2.f32 v4;
	v4 =	vmul.f32 $1.442695020e+00, v10;
	v10 =	vld [tilespmem:s25+$0x430]  }
0x3c: {  	(erf) = vpow2.f32 v5;
	v5 =	vmul.f32 $1.442695020e+00, v6;
	v6 =	vld [tilespmem:s25+$0x440]  }
0x3d: {  	(erf) = vpow2.f32 v4;
	v4 =	vmul.f32 $1.442695020e+00, v7;
	v7 =	vld [tilespmem:s25+$0x450]  }
0x3e: {  	(erf) = vpow2.f32 v5;
	v5 =	vmul.f32 $1.442695020e+00, v8;
	v8 =	vld [tilespmem:s25+$0x460]  }
0x3f: {  	v13 =	vld [tilespmem:s25+$0x470];
	(erf) = vpow2.f32 v4;
	v4 =	vmul.f32 $1.442695020e+00, v9  }
0x40: {  	v14 =	vld [tilespmem:s25+$0x80];
	v11 =	vpop (erf);
	(erf) = vpow2.f32 v5;
	v5 =	vmul.f32 $1.442695020e+00, v10  }
0x41: {  	v12 =	vpop (erf);
	(erf) = vpow2.f32 v4;
	v4 =	vmul.f32 $1.442695020e+00, v6;
	v6 =	vld [tilespmem:s25+$0x90]  }
0x42: {  	v10 =	vpop (erf);
	(erf) = vpow2.f32 v5;
	v5 =	vmul.f32 $1.442695020e+00, v7;
	v7 =	vld [tilespmem:s25+$0xA0]  }
0x43: {  	v15 =	vld [tilespmem:s25+$0xB0];
	v9 =	vpop (erf);
	(erf) = vpow2.f32 v4;
	v4 =	vmul.f32 $1.442695020e+00, v8  }
0x44: {  	v61 =	vld [tilespmem:s25+$0xC0];
	v8 =	vpop (erf);
	(erf) = vpow2.f32 v5;
	v5 =	vmul.f32 $1.442695020e+00, v13  }
0x45: {  	v62 =	vld [tilespmem:s25+$0xD0];
	v28 =	vpop (erf);
	(erf) = vpow2.f32 v4;
	v4 =	vmul.f32 $1.442695020e+00, v14  }
0x46: {  	v26 =	vpop (erf);
	(erf) = vpow2.f32 v5;
	v5 =	vmul.f32 $1.442695020e+00, v6;
	v6 =	vld [tilespmem:s25+$0xE0]  }
0x47: {  	v18 =	vld [tilespmem:s25+$0x480];
	v24 =	vpop (erf);
	(erf) = vpow2.f32 v4;
	v4 =	vmul.f32 $1.442695020e+00, v7  }
0x48: {  	v19 =	vld [tilespmem:s25+$0x4B0];
	v22 =	vpop (erf);
	(erf) = vpow2.f32 v5;
	v5 =	vmul.f32 $1.442695020e+00, v15  }
0x49: {  	v63 =	vld [tilespmem:s25+$0x490];
	v20 =	vpop (erf);
	(erf) = vpow2.f32 v4;
	v4 =	vmul.f32 $1.442695020e+00, v61  }
0x4a: {  	v25 =	vld [tilespmem:s25+$0x4A0];
	v17 =	vpop (erf);
	(erf) = vpow2.f32 v5;
	v5 =	vmul.f32 $1.442695020e+00, v62  }
0x4b: {  	v21 =	vld [tilespmem:s25+$0x4C0];
	v15 =	vpop (erf);
	(erf) = vpow2.f32 v4;
	v4 =	vmul.f32 $1.442695020e+00, v6  }
0x4c: {  	v18 =	vmul.f32 $1.442695020e+00, v18;
	v7 =	vpop (erf);
	(erf) = vpow2.f32 v5  }
0x4d: {  	v23 =	vld [tilespmem:s25+$0x4D0];
	v30 =	vmul.f32 $1.442695020e+00, v19;
	v6 =	vpop (erf);
	(erf) = vpow2.f32 v4  }
0x4e: {  	v27 =	vld [tilespmem:s25+$0x4E0];
	v13 =	vmul.f32 $1.442695020e+00, v63;
	v5 =	vpop (erf);
	(erf) = vpow2.f32 v16  }
0x4f: {  	v29 =	vld [tilespmem:s25+$0x4F0];
	v14 =	vmul.f32 $1.442695020e+00, v25;
	v4 =	vpop (erf);
	(erf) = vpow2.f32 v18  }
0x50: {  	v31 =	vld [tilespmem:s25+$0x100];
	v35 =	vmul.f32 $1.442695020e+00, v21;
	v41 =	vpop (erf);
	(erf) = vpow2.f32 v13  }
0x51: {  	v43 =	vld [tilespmem:s25+$0x110];
	v42 =	vpop (erf);
	(erf) = vpow2.f32 v14  }
0x52: {  	v45 =	vld [tilespmem:s25+$0x120];
	v44 =	vmul.f32 $1.442695020e+00, v23;
	v39 =	vpop (erf);
	(erf) = vpow2.f32 v30  }
0x53: {  	v47 =	vld [tilespmem:s25+$0x130];
	v46 =	vmul.f32 $1.442695020e+00, v27;
	v38 =	vpop (erf);
	(erf) = vpow2.f32 v35  }
0x54: {  	v49 =	vld [tilespmem:s25+$0x140];
	v48 =	vmul.f32 $1.442695020e+00, v29;
	v35 =	vpop (erf);
	(erf) = vpow2.f32 v44  }
0x55: {  	v51 =	vld [tilespmem:s25+$0x150];
	v50 =	vmul.f32 $1.442695020e+00, v31;
	v33 =	vpop (erf);
	(erf) = vpow2.f32 v46  }
0x56: {  	v52 =	vmul.f32 $1.442695020e+00, v43;
	v29 =	vld [tilespmem:s25+$0x160];
	v30 =	vpop (erf);
	(erf) = vpow2.f32 v48  }
0x57: {  	v53 =	vmul.f32 $1.442695020e+00, v45;
	v31 =	vld [tilespmem:s25+$0x170];
	v27 =	vpop (erf);
	(erf) = vpow2.f32 v50  }
0x58: {  	v32 =	vld [tilespmem:s25+$0x500];
	v54 =	vmul.f32 $1.442695020e+00, v47;
	v25 =	vpop (erf);
	(erf) = vpow2.f32 v52  }
0x59: {  	v34 =	vld [tilespmem:s25+$0x510];
	v55 =	vmul.f32 $1.442695020e+00, v49;
	v23 =	vpop (erf);
	(erf) = vpow2.f32 v53  }
0x5a: {  	v36 =	vld [tilespmem:s25+$0x520];
	v56 =	vmul.f32 $1.442695020e+00, v51;
	v21 =	vpop (erf);
	(erf) = vpow2.f32 v54  }
0x5b: {  	v58 =	vld [tilespmem:s25+$0x530];
	v57 =	vmul.f32 $1.442695020e+00, v29;
	v19 =	vpop (erf);
	(erf) = vpow2.f32 v55  }
0x5c: {  	v60 =	vld [tilespmem:s25+$0x540];
	v59 =	vmul.f32 $1.442695020e+00, v31;
	v18 =	vpop (erf);
	(erf) = vpow2.f32 v56  }
0x5d: {  	v37 =	vld [tilespmem:s25+$0x550];
	v32 =	vmul.f32 $1.442695020e+00, v32;
	v16 =	vpop (erf);
	(erf) = vpow2.f32 v57  }
0x5e: {  	v40 =	vld [tilespmem:s25+$0x560];
	v34 =	vmul.f32 $1.442695020e+00, v34;
	v14 =	vpop (erf);
	(erf) = vpow2.f32 v59  }
0x5f: {  	v61 =	vmul.f32 $1.442695020e+00, v36;
	v62 =	vld [tilespmem:s25+$0x570];
	v13 =	vpop (erf);
	(erf) = vpow2.f32 v32  }
0x60: {  	v29 =	vmul.f32 $1.442695020e+00, v58;
	v63 =	vld [tilespmem:s25+$0x180];
	v50 =	vpop (erf);
	(erf) = vpow2.f32 v34  }
0x61: {  	v31 =	vmul.f32 $1.442695020e+00, v60;
	v54 =	vld [tilespmem:s25+$0x190];
	v51 =	vpop (erf);
	(erf) = vpow2.f32 v61  }
0x62: {  	v43 =	vld [tilespmem:s25+$0x1A0];
	v55 =	vmul.f32 $1.442695020e+00, v37;
	v49 =	vpop (erf);
	(erf) = vpow2.f32 v29  }
0x63: {  	v45 =	vld [tilespmem:s25+$0x1B0];
	v56 =	vmul.f32 $1.442695020e+00, v40;
	v44 =	vpop (erf);
	(erf) = vpow2.f32 v31  }
0x64: {  	v46 =	vld [tilespmem:s25+$0x1C0];
	v57 =	vmul.f32 $1.442695020e+00, v62;
	v40 =	vpop (erf);
	(erf) = vpow2.f32 v55  }
0x65: {  	v47 =	vld [tilespmem:s25+$0x1D0];
	v58 =	vmul.f32 $1.442695020e+00, v63;
	v37 =	vpop (erf);
	(erf) = vpow2.f32 v56  }
0x66: {  	v11 =	vadd.f32 v12, v11;
	v48 =	vld [tilespmem:s25+$0x1E0];
	v59 =	vmul.f32 $1.442695020e+00, v54;
	v36 =	vpop (erf);
	(erf) = vpow2.f32 v57  }
0x67: {  	v43 =	vmul.f32 $1.442695020e+00, v43;
	v52 =	vld [tilespmem:s25+$0x1F0];
	v34 =	vpop (erf);
	(erf) = vpow2.f32 v58  }
0x68: {  	v60 =	vmul.f32 $1.442695020e+00, v45;
	v10 =	vadd.f32 v10, v11;
	v61 =	vld [tilespmem:s25+$0x580];
	v32 =	vpop (erf);
	(erf) = vpow2.f32 v59  }
0x69: {  	v63 =	vld [tilespmem:s25+$0x590];
	v62 =	vmul.f32 $1.442695020e+00, v46;
	v31 =	vpop (erf);
	(erf) = vpow2.f32 v43  }
0x6a: {  	v47 =	vmul.f32 $1.442695020e+00, v47;
	v10 =	vadd.f32 v9, v10;
	v53 =	vld [tilespmem:s25+$0x5A0];
	v29 =	vpop (erf);
	(erf) = vpow2.f32 v60  }
0x6b: {  	v56 =	vmul.f32 $1.442695020e+00, v48;
	v57 =	vld [tilespmem:s25+$0x5B0];
	v12 =	vpop (erf);
	(erf) = vpow2.f32 v62  }
0x6c: {  	v58 =	vmul.f32 $1.442695020e+00, v52;
	v52 =	vld [tilespmem:s25+$0x5C0];
	v11 =	vpop (erf);
	(erf) = vpow2.f32 v47  }
0x6d: {  	v54 =	vld [tilespmem:s25+$0x5D0];
	v59 =	vmul.f32 $1.442695020e+00, v61;
	v60 =	vadd.f32 v8, v10;
	v9 =	vpop (erf);
	(erf) = vpow2.f32 v56  }
0x6e: {  	v46 =	vmul.f32 $1.442695020e+00, v63;
	v55 =	vld [tilespmem:s25+$0x5E0];
	v10 =	vpop (erf);
	(erf) = vpow2.f32 v58  }
0x6f: {  	v61 =	vmul.f32 $1.442695020e+00, v53;
	v62 =	vld [tilespmem:s25+$0x5F0];
	v28 =	vadd.f32 v28, v60;
	v8 =	vpop (erf);
	(erf) = vpow2.f32 v59  }
0x70: {  	v63 =	vmul.f32 $1.442695020e+00, v57;
	v45 =	vpop (erf);
	(erf) = vpow2.f32 v46  }
0x71: {  	v56 =	vld [tilespmem:s25+$0x200];
	v26 =	vadd.f32 v26, v28;
	v59 =	vmul.f32 $1.442695020e+00, v52;
	v48 =	vpop (erf);
	(erf) = vpow2.f32 v61  }
0x72: {  	v41 =	vadd.f32 v42, v41;
	v60 =	vmul.f32 $1.442695020e+00, v54;
	v52 =	vld [tilespmem:s25+$0x210];
	v47 =	vpop (erf);
	(erf) = vpow2.f32 v63  }
0x73: {  	v55 =	vmul.f32 $1.442695020e+00, v55;
	v54 =	vld [tilespmem:s25+$0x220];
	v24 =	vadd.f32 v24, v26;
	v46 =	vpop (erf);
	(erf) = vpow2.f32 v59  }
0x74: {  	v57 =	vld [tilespmem:s25+$0x230];
	v61 =	vmul.f32 $1.442695020e+00, v62;
	v62 =	vadd.f32 v39, v41;
	v43 =	vpop (erf);
	(erf) = vpow2.f32 v60  }
0x75: {  	v53 =	vld [tilespmem:s25+$0x240];
	v22 =	vadd.f32 v22, v24;
	v42 =	vpop (erf);
	(erf) = vpow2.f32 v55  }
0x76: {  	v63 =	vmul.f32 $1.442695020e+00, v56;
	v56 =	vld [tilespmem:s25+$0x250];
	v41 =	vpop (erf);
	(erf) = vpow2.f32 v61;
	v61 =	vadd.f32 v38, v62  }
0x77: {  	v50 =	vadd.f32 v51, v50;
	v60 =	vmul.f32 $1.442695020e+00, v52;
	v52 =	vld [tilespmem:s25+$0x260];
	v20 =	vadd.f32 v20, v22  }
0x78: {  	v54 =	vmul.f32 $1.442695020e+00, v54;
	v55 =	vld [tilespmem:s25+$0x270];
	v39 =	vpop (erf);
	(erf) = vpow2.f32 v63;
	v63 =	vadd.f32 v35, v61  }
0x79: {  	v62 =	vmul.f32 $1.442695020e+00, v57;
	v57 =	vld [tilespmem:s25+$0x600];
	v17 =	vadd.f32 v17, v20;
	v38 =	vpop (erf);
	(erf) = vpow2.f32 v60  }
0x7a: {  	v58 =	vmul.f32 $1.442695020e+00, v53;
	v53 =	vld [tilespmem:s25+$0x610];
	v28 =	vpop (erf);
	(erf) = vpow2.f32 v54;
	v60 =	vadd.f32 v33, v63  }
0x7b: {  	v49 =	vadd.f32 v49, v50;
	v59 =	vmul.f32 $1.442695020e+00, v56;
	v54 =	vld [tilespmem:s25+$0x620];
	v26 =	vpop (erf);
	(erf) = vpow2.f32 v62  }
0x7c: {  	v35 =	vld [tilespmem:s25+$0x630];
	v61 =	vmul.f32 $1.442695020e+00, v52;
	v24 =	vpop (erf);
	(erf) = vpow2.f32 v58;
	v30 =	vadd.f32 v30, v60  }
0x7d: {  	v52 =	vadd.f32 v15, v17;
	v62 =	vmul.f32 $1.442695020e+00, v55;
	v55 =	vld [tilespmem:s25+$0x640];
	v17 =	vpop (erf);
	(erf) = vpow2.f32 v59  }
0x7e: {  	v56 =	vld [tilespmem:s25+$0x650];
	v63 =	vmul.f32 $1.442695020e+00, v57;
	v20 =	vpop (erf);
	(erf) = vpow2.f32 v61;
	v27 =	vadd.f32 v27, v30  }
0x7f: {  	v44 =	vadd.f32 v44, v49;
	v59 =	vmul.f32 $1.442695020e+00, v53;
	v60 =	vld [tilespmem:s25+$0x660];
	v22 =	vpop (erf);
	(erf) = vpow2.f32 v62  }
0x80: {  	v61 =	vmul.f32 $1.442695020e+00, v54;
	v62 =	vld [tilespmem:s25+$0x670];
	v15 =	vpop (erf);
	(erf) = vpow2.f32 v63;
	v25 =	vadd.f32 v25, v27  }
0x81: {  	v40 =	vadd.f32 v40, v44;
	v35 =	vmul.f32 $1.442695020e+00, v35;
	v63 =	vld [tilespmem:s25+$0x280];
	v50 =	vpop (erf);
	(erf) = vpow2.f32 v59  }
0x82: {  	v58 =	vld [tilespmem:s25+$0x290];
	v57 =	vmul.f32 $1.442695020e+00, v55;
	v27 =	vpop (erf);
	(erf) = vpow2.f32 v61;
	v23 =	vadd.f32 v23, v25  }
0x83: {  	v37 =	vadd.f32 v37, v40;
	v59 =	vmul.f32 $1.442695020e+00, v56;
	v49 =	vpop (erf);
	(erf) = vpow2.f32 v35  }
0x84: {  	v60 =	vmul.f32 $1.442695020e+00, v60;
	v61 =	vld [tilespmem:s25+$0x2A0];
	v25 =	vpop (erf);
	(erf) = vpow2.f32 v57;
	v21 =	vadd.f32 v21, v23  }
0x85: {  	v7 =	vadd.f32 v7, v52;
	v33 =	vmul.f32 $1.442695020e+00, v62;
	v44 =	vpop (erf);
	(erf) = vpow2.f32 v59  }
0x86: {  	v62 =	vmul.f32 $1.442695020e+00, v63;
	v63 =	vld [tilespmem:s25+$0x2B0];
	v23 =	vpop (erf);
	(erf) = vpow2.f32 v60;
	v19 =	vadd.f32 v19, v21  }
0x87: {  	v36 =	vadd.f32 v36, v37;
	v52 =	vld [tilespmem:s25+$0x2C0];
	v51 =	vmul.f32 $1.442695020e+00, v58;
	v40 =	vpop (erf);
	(erf) = vpow2.f32 v33  }
0x88: {  	v6 =	vadd.f32 v6, v7;
	v21 =	vpop (erf);
	(erf) = vpow2.f32 v62;
	v7 =	vadd.f32 v18, v19  }
0x89: {  	v34 =	vadd.f32 v34, v36;
	v53 =	vmul.f32 $1.442695020e+00, v61;
	v37 =	vpop (erf);
	(erf) = vpow2.f32 v51  }
0x8a: {  	v54 =	vld [tilespmem:s25+$0x2D0];
	v5 =	vadd.f32 v5, v6;
	v18 =	vpop (erf);
	v6 =	vadd.f32 v16, v7  }
0x8b: {  	v32 =	vadd.f32 v32, v34;
	v55 =	vmul.f32 $1.442695020e+00, v63;
	v36 =	vpop (erf);
	(erf) = vpow2.f32 v53  }
0x8c: {  	v56 =	vld [tilespmem:s25+$0x2E0];
	v30 =	vmul.f32 $1.442695020e+00, v52;
	v7 =	vpop (erf)  }
0x8d: {  	v31 =	vadd.f32 v31, v32;
	(erf) = vpow2.f32 v55;
	v34 =	vpop (erf)  }
0x8e: {  	v4 =	vadd.f32 v4, v5;
	v57 =	vld [tilespmem:s25+$0x2F0];
	v5 =	vadd.f32 v14, v6;
	v6 =	vpop (erf)  }
0x8f: {  	v61 =	vadd.f32 v27, v50;
	v19 =	vmul.f32 $1.442695020e+00, v54;
	(erf) = vpow2.f32 v30;
	v32 =	vpop (erf)  }
0x90: {  	v58 =	vadd.f32 v48, v45;
	v59 =	vld [tilespmem:s25+$0x680];
	v30 =	vpop (erf)  }
0x91: {  	v63 =	vld [tilespmem:s25+$0x690];
	v45 =	vadd.f32 v49, v61;
	v16 =	vmul.f32 $1.442695020e+00, v56;
	v60 =	vpop (erf);
	(erf) = vpow2.f32 v19  }
0x92: {  	v5 =	vadd.f32 v13, v5;
	v13 =	vadd.f32 v47, v58;
	v62 =	vpop (erf)  }
0x93: {  	v14 =	vmul.f32 $1.442695020e+00, v57;
	v47 =	vld [tilespmem:s25+$0x6A0];
	(erf) = vpow2.f32 v16;
	v27 =	vadd.f32 v62, v60  }
0x94: {  	v13 =	vadd.f32 v46, v13;
	v16 =	vadd.f32 v25, v45;
	v46 =	vpop (erf)  }
0x95: {  	v50 =	vld [tilespmem:s25+$0x6B0];
	v48 =	vmul.f32 $1.442695020e+00, v59;
	(erf) = vpow2.f32 v14;
	v19 =	vadd.f32 v46, v27  }
0x96: {  	v51 =	vmul.f32 $1.442695020e+00, v63;
	v16 =	vadd.f32 v44, v16;
	v49 =	vpop (erf)  }
0x97: {  	v53 =	vld [tilespmem:s25+$0x6C0];
	v13 =	vadd.f32 v43, v13;
	(erf) = vpow2.f32 v48;
	v19 =	vadd.f32 v49, v19  }
0x98: {  	v54 =	vmul.f32 $1.442695020e+00, v47;
	v52 =	vpop (erf);
	v16 =	vadd.f32 v23, v16  }
0x99: {  	v56 =	vld [tilespmem:s25+$0x6D0];
	v13 =	vadd.f32 v42, v13;
	(erf) = vpow2.f32 v51;
	v19 =	vadd.f32 v52, v19  }
0x9a: {  	v57 =	vmul.f32 $1.442695020e+00, v50;
	v16 =	vadd.f32 v40, v16;
	v55 =	vpop (erf)  }
0x9b: {  	v59 =	vld [tilespmem:s25+$0x6E0];
	v13 =	vadd.f32 v41, v13;
	(erf) = vpow2.f32 v54;
	v19 =	vadd.f32 v55, v19  }
0x9c: {  	v60 =	vmul.f32 $1.442695020e+00, v53;
	v16 =	vadd.f32 v21, v16;
	v58 =	vpop (erf)  }
0x9d: {  	v62 =	vld [tilespmem:s25+$0x6F0];
	v13 =	vadd.f32 v39, v13;
	(erf) = vpow2.f32 v57;
	v19 =	vadd.f32 v58, v19  }
0x9e: {  	v63 =	vmul.f32 $1.442695020e+00, v56;
	v61 =	vpop (erf);
	v16 =	vadd.f32 v37, v16  }
0x9f: {  	v13 =	vadd.f32 v38, v13;
	(erf) = vpow2.f32 v60;
	v19 =	vadd.f32 v61, v19  }
0xa0: {  	v29 =	vadd.f32 v29, v31;
	v27 =	vmul.f32 $1.442695020e+00, v59;
	v25 =	vpop (erf);
	v16 =	vadd.f32 v18, v16  }
0xa1: {  	v13 =	vadd.f32 v28, v13;
	(erf) = vpow2.f32 v63;
	v19 =	vadd.f32 v25, v19  }
0xa2: {  	v12 =	vadd.f32 v12, v29;
	v31 =	vmul.f32 $1.442695020e+00, v62;
	v28 =	vpop (erf);
	v16 =	vadd.f32 v36, v16  }
0xa3: {  	v13 =	vadd.f32 v26, v13;
	(erf) = vpow2.f32 v27;
	v18 =	vadd.f32 v28, v19  }
0xa4: {  	v11 =	vadd.f32 v11, v12;
	v7 =	vadd.f32 v7, v16;
	v33 =	vpop (erf)  }
0xa5: {  	v13 =	vadd.f32 v24, v13;
	(erf) = vpow2.f32 v31;
	v18 =	vadd.f32 v33, v18  }
0xa6: {  	v35 =	vpop (erf);
	v7 =	vadd.f32 v34, v7  }
0xa7: {  	v13 =	vadd.f32 v17, v13;
	v12 =	vadd.f32 v35, v18  }
0xa8: {  	v9 =	vadd.f32 v9, v11;
	v11 =	vpop (erf);
	v6 =	vadd.f32 v6, v7  }
0xa9: {  	v13 =	vadd.f32 v20, v13;
	v11 =	vadd.f32 v11, v12  }
0xaa: {  	v9 =	vadd.f32 v10, v9;
	v7 =	vpop (erf);
	v6 =	vadd.f32 v32, v6  }
0xab: {  	v10 =	vadd.f32 v22, v13;
	v7 =	vadd.f32 v7, v11  }
0xac: {  	(xrf2) =	vadd.scan.msk.f32 $0xffff, v4;
	v4 =	vadd.f32 v8, v9;
	v8 =	vpop (erf)  }
0xad: {  	(xrf2) =	vadd.scan.msk.f32 $0xffff, v5;
	v5 =	vadd.f32 v15, v10;
	v7 =	vadd.f32 v8, v7  }
0xae: {  	(xrf2) =	vadd.scan.msk.f32 $0xffff, v4;
	v4 =	vadd.f32 v30, v6;
	v6 =	vpop (erf)  }
0xaf: {  	(xrf2) =	vadd.scan.msk.f32 $0xffff, v5;
	v5 =	vadd.f32 v6, v7  }
0xb0: {  	(xrf2) =	vadd.scan.msk.f32 $0xffff, v4  }
0xb1: {  	(xrf2) =	vadd.scan.msk.f32 $0xffff, v5;
	_ =	sdelay $0x2  }
0xb2: {  	v4 =	vld [tilespmem:s25+$0x300];
	_ =	sdelay $0x1  }
0xb3: {  	v8, _, _ =	vpop (xrf2)  }
0xb4: {  	v9, _, _ =	vpop (xrf2)  }
0xb5: {  	v7, _, _ =	vpop (xrf2)  }
0xb6: {  	v10 =	vmul.f32 $1.442695020e+00, v4;
	v6, _, _ =	vpop (xrf2)  }
0xb7: {  	v5, _, _ =	vpop (xrf2)  }
0xb8: {  	(erf) = vpow2.f32 v10;
	v4, _, _ =	vpop (xrf2)  }
0xb9: {  	v10 =	vld [tilespmem:s25+$0x310]  }
0xba: {  	v11 =	vld [tilespmem:s25+$0x320]  }
0xbb: {  	v36 =	vld [tilespmem:s25+$0x330]  }
0xbc: {  	v37 =	vld [tilespmem:s25+$0x340]  }
0xbd: {  	v38 =	vld [tilespmem:s25+$0x350]  }
0xbe: {  	v39 =	vld [tilespmem:s25+$0x360];
	v10 =	vmul.f32 $1.442695020e+00, v10  }
0xbf: {  	v40 =	vld [tilespmem:s25+$0x370];
	v11 =	vmul.f32 $1.442695020e+00, v11  }
0xc0: {  	v41 =	vld [tilespmem:s25+$0x700];
	(erf) = vpow2.f32 v10;
	v10 =	vmul.f32 $1.442695020e+00, v36  }
0xc1: {  	v42 =	vld [tilespmem:s25+$0x710];
	(erf) = vpow2.f32 v11;
	v11 =	vmul.f32 $1.442695020e+00, v37  }
0xc2: {  	v43 =	vld [tilespmem:s25+$0x720];
	(erf) = vpow2.f32 v10;
	v10 =	vmul.f32 $1.442695020e+00, v38  }
0xc3: {  	v44 =	vld [tilespmem:s25+$0x730];
	(erf) = vpow2.f32 v11;
	v11 =	vmul.f32 $1.442695020e+00, v39  }
0xc4: {  	v45 =	vld [tilespmem:s25+$0x740];
	(erf) = vpow2.f32 v10;
	v10 =	vmul.f32 $1.442695020e+00, v40  }
0xc5: {  	v46 =	vld [tilespmem:s25+$0x750];
	(erf) = vpow2.f32 v11;
	v11 =	vmul.f32 $1.442695020e+00, v41  }
0xc6: {  	v47 =	vld [tilespmem:s25+$0x760];
	(erf) = vpow2.f32 v10;
	v10 =	vmul.f32 $1.442695020e+00, v42  }
0xc7: {  	v48 =	vld [tilespmem:s25+$0x770];
	(erf) = vpow2.f32 v11;
	v11 =	vmul.f32 $1.442695020e+00, v43  }
0xc8: {  	v19 =	vpop (erf);
	v49 =	vld [tilespmem:s25+$0x380];
	(erf) = vpow2.f32 v10;
	v10 =	vmul.f32 $1.442695020e+00, v44  }
0xc9: {  	v50 =	vld [tilespmem:s25+$0x390];
	v21 =	vpop (erf);
	(erf) = vpow2.f32 v11;
	v11 =	vmul.f32 $1.442695020e+00, v45  }
0xca: {  	v51 =	vld [tilespmem:s25+$0x3A0];
	v17 =	vpop (erf);
	(erf) = vpow2.f32 v10;
	v10 =	vmul.f32 $1.442695020e+00, v46  }
0xcb: {  	v52 =	vld [tilespmem:s25+$0x3B0];
	v16 =	vpop (erf);
	(erf) = vpow2.f32 v11;
	v11 =	vmul.f32 $1.442695020e+00, v47  }
0xcc: {  	v53 =	vld [tilespmem:s25+$0x3C0];
	v12 =	vpop (erf);
	(erf) = vpow2.f32 v10;
	v10 =	vmul.f32 $1.442695020e+00, v48  }
0xcd: {  	v54 =	vld [tilespmem:s25+$0x3D0];
	v37 =	vpop (erf);
	(erf) = vpow2.f32 v11;
	v11 =	vmul.f32 $1.442695020e+00, v49  }
0xce: {  	v55 =	vld [tilespmem:s25+$0x3E0];
	v34 =	vpop (erf);
	(erf) = vpow2.f32 v10;
	v10 =	vmul.f32 $1.442695020e+00, v50  }
0xcf: {  	v56 =	vld [tilespmem:s25+$0x3F0];
	v31 =	vpop (erf);
	(erf) = vpow2.f32 v11;
	v11 =	vmul.f32 $1.442695020e+00, v51  }
0xd0: {  	v62 =	vld [tilespmem:s25+$0x7D0];
	v28 =	vpop (erf);
	(erf) = vpow2.f32 v10;
	v10 =	vmul.f32 $1.442695020e+00, v52  }
0xd1: {  	v57 =	vld [tilespmem:s25+$0x780];
	v25 =	vpop (erf);
	(erf) = vpow2.f32 v11;
	v11 =	vmul.f32 $1.442695020e+00, v53  }
0xd2: {  	v58 =	vld [tilespmem:s25+$0x790];
	v22 =	vpop (erf);
	(erf) = vpow2.f32 v10;
	v10 =	vmul.f32 $1.442695020e+00, v54  }
0xd3: {  	v59 =	vld [tilespmem:s25+$0x7A0];
	v20 =	vpop (erf);
	(erf) = vpow2.f32 v11;
	v11 =	vmul.f32 $1.442695020e+00, v55  }
0xd4: {  	v60 =	vld [tilespmem:s25+$0x7B0];
	v18 =	vpop (erf);
	(erf) = vpow2.f32 v10;
	v10 =	vmul.f32 $1.442695020e+00, v56  }
0xd5: {  	v61 =	vld [tilespmem:s25+$0x7C0];
	v13 =	vmul.f32 $1.442695020e+00, v62  }
0xd6: {  	v62 =	vld [tilespmem:s25+$0xC00];
	v23 =	vpop (erf);
	(erf) = vpow2.f32 v11;
	v11 =	vmul.f32 $1.442695020e+00, v57  }
0xd7: {  	v63 =	vld [tilespmem:s25+$0x7E0];
	v24 =	vmul.f32 $1.442695020e+00, v58;
	v14 =	vpop (erf);
	(erf) = vpow2.f32 v10  }
0xd8: {  	v32 =	vld [tilespmem:s25+$0x7F0];
	v10 =	vpop (erf);
	(erf) = vpow2.f32 v11;
	v11 =	vmul.f32 $1.442695020e+00, v59  }
0xd9: {  	v35 =	vld [tilespmem:s25+$0x800];
	v33 =	vmul.f32 $1.442695020e+00, v60;
	v43 =	vpop (erf);
	(erf) = vpow2.f32 v24  }
0xda: {  	v36 =	vld [tilespmem:s25+$0x810];
	v46 =	vpop (erf);
	(erf) = vpow2.f32 v11;
	v11 =	vmul.f32 $1.442695020e+00, v61  }
0xdb: {  	v38 =	vld [tilespmem:s25+$0x820];
	v30 =	vmul.f32 $1.442695020e+00, v62;
	v40 =	vpop (erf);
	(erf) = vpow2.f32 v33  }
0xdc: {  	v54 =	vld [tilespmem:s25+$0x830];
	v52 =	vpop (erf);
	(erf) = vpow2.f32 v11;
	v11 =	vmul.f32 $1.442695020e+00, v63  }
0xdd: {  	v55 =	vmul.f32 $1.442695020e+00, v32;
	v56 =	vld [tilespmem:s25+$0x840];
	v50 =	vpop (erf);
	(erf) = vpow2.f32 v13  }
0xde: {  	v57 =	vld [tilespmem:s25+$0x850];
	v47 =	vpop (erf);
	(erf) = vpow2.f32 v11;
	v11 =	vmul.f32 $1.442695020e+00, v35  }
0xdf: {  	v58 =	vmul.f32 $1.442695020e+00, v36;
	v59 =	vld [tilespmem:s25+$0x860];
	v44 =	vpop (erf);
	(erf) = vpow2.f32 v55  }
0xe0: {  	v60 =	vld [tilespmem:s25+$0x870];
	v41 =	vpop (erf);
	(erf) = vpow2.f32 v11;
	v11 =	vmul.f32 $1.442695020e+00, v38  }
0xe1: {  	v48 =	vld [tilespmem:s25+$0xC20];
	v61 =	vmul.f32 $1.442695020e+00, v54;
	v38 =	vpop (erf);
	(erf) = vpow2.f32 v58  }
0xe2: {  	v63 =	vld [tilespmem:s25+$0xC10];
	v35 =	vpop (erf);
	(erf) = vpow2.f32 v11;
	v11 =	vmul.f32 $1.442695020e+00, v56  }
0xe3: {  	v49 =	vld [tilespmem:s25+$0xC30];
	v45 =	vmul.f32 $1.442695020e+00, v57;
	v32 =	vpop (erf);
	(erf) = vpow2.f32 v61  }
0xe4: {  	v29 =	vpop (erf);
	(erf) = vpow2.f32 v11;
	v11 =	vmul.f32 $1.442695020e+00, v59  }
0xe5: {  	v51 =	vld [tilespmem:s25+$0xC40];
	v24 =	vmul.f32 $1.442695020e+00, v60;
	v26 =	vpop (erf);
	(erf) = vpow2.f32 v45  }
0xe6: {  	v42 =	vld [tilespmem:s25+$0xC50];
	v62 =	vmul.f32 $1.442695020e+00, v48;
	v15 =	vpop (erf);
	(erf) = vpow2.f32 v11  }
0xe7: {  	v60 =	vmul.f32 $1.442695020e+00, v63;
	v61 =	vld [tilespmem:s25+$0xC60];
	v13 =	vpop (erf);
	(erf) = vpow2.f32 v24  }
0xe8: {  	v63 =	vld [tilespmem:s25+$0xC70];
	v45 =	vmul.f32 $1.442695020e+00, v49;
	v11 =	vpop (erf);
	(erf) = vpow2.f32 v30  }
0xe9: {  	v27 =	vld [tilespmem:s25+$0x880];
	v54 =	vpop (erf);
	(erf) = vpow2.f32 v60  }
0xea: {  	v48 =	vld [tilespmem:s25+$0x890];
	v59 =	vmul.f32 $1.442695020e+00, v51;
	v56 =	vpop (erf);
	(erf) = vpow2.f32 v62  }
0xeb: {  	v49 =	vld [tilespmem:s25+$0x8A0];
	v60 =	vmul.f32 $1.442695020e+00, v42;
	v51 =	vpop (erf);
	(erf) = vpow2.f32 v45  }
0xec: {  	v53 =	vld [tilespmem:s25+$0x8B0];
	v61 =	vmul.f32 $1.442695020e+00, v61;
	v45 =	vpop (erf);
	(erf) = vpow2.f32 v59  }
0xed: {  	v62 =	vmul.f32 $1.442695020e+00, v63;
	v63 =	vld [tilespmem:s25+$0x8C0];
	v42 =	vpop (erf);
	(erf) = vpow2.f32 v60  }
0xee: {  	v27 =	vmul.f32 $1.442695020e+00, v27;
	v57 =	vld [tilespmem:s25+$0x8D0];
	v39 =	vpop (erf);
	(erf) = vpow2.f32 v61  }
0xef: {  	v19 =	vadd.f32 v21, v19;
	v60 =	vmul.f32 $1.442695020e+00, v48;
	v61 =	vld [tilespmem:s25+$0x8E0];
	v36 =	vpop (erf);
	(erf) = vpow2.f32 v62  }
0xf0: {  	v58 =	vld [tilespmem:s25+$0x8F0];
	v49 =	vmul.f32 $1.442695020e+00, v49;
	v33 =	vpop (erf);
	(erf) = vpow2.f32 v27  }
0xf1: {  	v17 =	vadd.f32 v17, v19;
	v62 =	vmul.f32 $1.442695020e+00, v53;
	v53 =	vld [tilespmem:s25+$0xC80];
	v30 =	vpop (erf);
	(erf) = vpow2.f32 v60  }
0xf2: {  	v55 =	vld [tilespmem:s25+$0xC90];
	v63 =	vmul.f32 $1.442695020e+00, v63;
	v27 =	vpop (erf);
	(erf) = vpow2.f32 v49  }
0xf3: {  	v16 =	vadd.f32 v16, v17;
	v57 =	vmul.f32 $1.442695020e+00, v57;
	v59 =	vld [tilespmem:s25+$0xCA0];
	v24 =	vpop (erf);
	(erf) = vpow2.f32 v62  }
0xf4: {  	v49 =	vld [tilespmem:s25+$0xCB0];
	v48 =	vmul.f32 $1.442695020e+00, v61;
	v21 =	vpop (erf);
	(erf) = vpow2.f32 v63  }
0xf5: {  	v60 =	vld [tilespmem:s25+$0xCC0];
	v19 =	vpop (erf);
	(erf) = vpow2.f32 v57;
	v57 =	vmul.f32 $1.442695020e+00, v58;
	v58 =	vadd.f32 v12, v16  }
0xf6: {  	v17 =	vpop (erf);
	(erf) = vpow2.f32 v48;
	v48 =	vmul.f32 $1.442695020e+00, v53;
	v53 =	vld [tilespmem:s25+$0xCD0]  }
0xf7: {  	v55 =	vmul.f32 $1.442695020e+00, v55;
	v61 =	vld [tilespmem:s25+$0xCE0];
	v16 =	vpop (erf);
	(erf) = vpow2.f32 v57  }
0xf8: {  	v62 =	vld [tilespmem:s25+$0xCF0];
	v37 =	vadd.f32 v37, v58;
	v12 =	vpop (erf);
	(erf) = vpow2.f32 v48;
	v48 =	vmul.f32 $1.442695020e+00, v59  }
0xf9: {  	v49 =	vmul.f32 $1.442695020e+00, v49;
	v58 =	vpop (erf);
	(erf) = vpow2.f32 v55  }
0xfa: {  	v60 =	vmul.f32 $1.442695020e+00, v60;
	v55 =	vld [tilespmem:s25+$0x900];
	v34 =	vadd.f32 v34, v37;
	v59 =	vpop (erf);
	(erf) = vpow2.f32 v48  }
0xfb: {  	v63 =	vld [tilespmem:s25+$0x910];
	v57 =	vpop (erf);
	(erf) = vpow2.f32 v49;
	v37 =	vmul.f32 $1.442695020e+00, v53  }
0xfc: {  	v53 =	vld [tilespmem:s25+$0x920];
	v31 =	vadd.f32 v31, v34;
	v48 =	vpop (erf);
	(erf) = vpow2.f32 v60;
	v60 =	vmul.f32 $1.442695020e+00, v61  }
0xfd: {  	v34 =	vmul.f32 $1.442695020e+00, v62;
	v61 =	vld [tilespmem:s25+$0x930];
	v49 =	vpop (erf);
	(erf) = vpow2.f32 v37;
	v37 =	vadd.f32 v46, v43  }
0xfe: {  	v62 =	vld [tilespmem:s25+$0x940];
	v28 =	vadd.f32 v28, v31;
	v46 =	vpop (erf);
	(erf) = vpow2.f32 v60  }
0xff: {  	v55 =	vmul.f32 $1.442695020e+00, v55;
	v60 =	vld [tilespmem:s25+$0x950];
	v43 =	vpop (erf);
	(erf) = vpow2.f32 v34;
	v34 =	vadd.f32 v40, v37  }
0x100: {  	v31 =	vmul.f32 $1.442695020e+00, v63  }
0x101: {  	v63 =	vld [tilespmem:s25+$0x960];
	v25 =	vadd.f32 v25, v28;
	v40 =	vpop (erf);
	(erf) = vpow2.f32 v55;
	v53 =	vmul.f32 $1.442695020e+00, v53  }
0x102: {  	v55 =	vld [tilespmem:s25+$0x970];
	v37 =	vpop (erf);
	(erf) = vpow2.f32 v31;
	v28 =	vmul.f32 $1.442695020e+00, v61  }
0x103: {  	v61 =	vld [tilespmem:s25+$0xD00];
	v52 =	vadd.f32 v52, v34;
	v22 =	vadd.f32 v22, v25;
	v34 =	vpop (erf);
	(erf) = vpow2.f32 v53  }
0x104: {  	v53 =	vmul.f32 $1.442695020e+00, v62;
	v62 =	vld [tilespmem:s25+$0xD10];
	v60 =	vmul.f32 $1.442695020e+00, v60  }
0x105: {  	v0 =	vld [tilespmem:s25+$0xD20];
	v50 =	vadd.f32 v50, v52;
	v20 =	vadd.f32 v20, v22;
	v31 =	vpop (erf);
	(erf) = vpow2.f32 v28  }
0x106: {  	v52 =	vmul.f32 $1.442695020e+00, v63;
	v28 =	vpop (erf);
	(erf) = vpow2.f32 v53;
	v53 =	vld [tilespmem:s25+$0xD30]  }
0x107: {  	v55 =	vmul.f32 $1.442695020e+00, v55;
	v47 =	vadd.f32 v47, v50;
	v25 =	vpop (erf);
	(erf) = vpow2.f32 v60  }
0x108: {  	v60 =	vld [tilespmem:s25+$0xD40];
	v50 =	vmul.f32 $1.442695020e+00, v61;
	v22 =	vpop (erf);
	(erf) = vpow2.f32 v52;
	v52 =	vadd.f32 v18, v20  }
0x109: {  	v61 =	vld [tilespmem:s25+$0xD50];
	v44 =	vadd.f32 v44, v47;
	v20 =	vpop (erf);
	(erf) = vpow2.f32 v55;
	v55 =	vmul.f32 $1.442695020e+00, v62  }
0x10a: {  	v0 =	vmul.f32 $1.442695020e+00, v0;
	v62 =	vld [tilespmem:s25+$0xD60]  }
0x10b: {  	v63 =	vld [tilespmem:s25+$0xD70];
	v18 =	vpop (erf);
	(erf) = vpow2.f32 v50;
	v41 =	vadd.f32 v41, v44;
	v50 =	vmul.f32 $1.442695020e+00, v53  }
0x10c: {  	v1 =	vld [tilespmem:s25+$0x980];
	v54 =	vadd.f32 v56, v54;
	v23 =	vadd.f32 v23, v52;
	v52 =	vpop (erf);
	(erf) = vpow2.f32 v55  }
0x10d: {  	v38 =	vadd.f32 v38, v41;
	v55 =	vpop (erf);
	(erf) = vpow2.f32 v0;
	v0 =	vmul.f32 $1.442695020e+00, v60;
	v60 =	vld [tilespmem:s25+$0x990]  }
0x10e: {  	v14 =	vadd.f32 v14, v23;
	v23 =	vmul.f32 $1.442695020e+00, v61;
	v61 =	vld [tilespmem:s25+$0x9A0];
	v53 =	vpop (erf);
	(erf) = vpow2.f32 v50  }
0x10f: {  	v35 =	vadd.f32 v35, v38;
	v50 =	vpop (erf);
	(erf) = vpow2.f32 v0;
	v0 =	vmul.f32 $1.442695020e+00, v62;
	v62 =	vld [tilespmem:s25+$0x9B0]  }
0x110: {  	v51 =	vadd.f32 v51, v54;
	v63 =	vmul.f32 $1.442695020e+00, v63;
	v47 =	vpop (erf);
	(erf) = vpow2.f32 v23;
	v23 =	vld [tilespmem:s25+$0x9C0]  }
0x111: {  	v32 =	vadd.f32 v32, v35;
	v44 =	vpop (erf);
	(erf) = vpow2.f32 v0;
	v0 =	vmul.f32 $1.442695020e+00, v1;
	v1 =	vld [tilespmem:s25+$0x9D0]  }
0x112: {  	v56 =	vld [tilespmem:s25+$0x9E0];
	v10 =	vadd.f32 v10, v14;
	v41 =	vpop (erf);
	(erf) = vpow2.f32 v63;
	v14 =	vmul.f32 $1.442695020e+00, v60  }
0x113: {  	v60 =	vld [tilespmem:s25+$0x9F0];
	v63 =	vadd.f32 v45, v51;
	v38 =	vpop (erf);
	(erf) = vpow2.f32 v0;
	v0 =	vmul.f32 $1.442695020e+00, v61  }
0x114: {  	v54 =	vld [tilespmem:s25+$0xD80];
	v61 =	vadd.f32 v29, v32;
	v35 =	vpop (erf);
	(erf) = vpow2.f32 v14;
	v14 =	vmul.f32 $1.442695020e+00, v62  }
0x115: {  	v62 =	vld [tilespmem:s25+$0xD90];
	v42 =	vadd.f32 v42, v63;
	v32 =	vpop (erf);
	(erf) = vpow2.f32 v0;
	v0 =	vmul.f32 $1.442695020e+00, v23  }
0x116: {  	v45 =	vld [tilespmem:s25+$0xDA0];
	v61 =	vadd.f32 v26, v61;
	v29 =	vpop (erf);
	(erf) = vpow2.f32 v14;
	v1 =	vmul.f32 $1.442695020e+00, v1  }
0x117: {  	v51 =	vld [tilespmem:s25+$0xDB0];
	v39 =	vadd.f32 v39, v42;
	v26 =	vpop (erf);
	(erf) = vpow2.f32 v0;
	v0 =	vmul.f32 $1.442695020e+00, v56  }
0x118: {  	v56 =	vld [tilespmem:s25+$0xDC0];
	v23 =	vpop (erf);
	(erf) = vpow2.f32 v1;
	v1 =	vmul.f32 $1.442695020e+00, v60;
	v60 =	vadd.f32 v15, v61  }
0x119: {  	v36 =	vadd.f32 v36, v39;
	v15 =	vpop (erf);
	(erf) = vpow2.f32 v0;
	v0 =	vmul.f32 $1.442695020e+00, v54;
	v54 =	vld [tilespmem:s25+$0xDD0]  }
0x11a: {  	v42 =	vld [tilespmem:s25+$0xDE0];
	v14 =	vpop (erf);
	(erf) = vpow2.f32 v1;
	v1 =	vmul.f32 $1.442695020e+00, v62;
	v61 =	vadd.f32 v13, v60  }
0x11b: {  	v52 =	vadd.f32 v55, v52;
	v13 =	vpop (erf);
	(erf) = vpow2.f32 v0;
	v0 =	vmul.f32 $1.442695020e+00, v45;
	v45 =	vld [tilespmem:s25+$0xDF0]  }
0x11c: {  	v39 =	vld [tilespmem:s25+$0xA00];
	v33 =	vadd.f32 v33, v36;
	v60 =	vpop (erf);
	(erf) = vpow2.f32 v1;
	v1 =	vmul.f32 $1.442695020e+00, v51  }
0x11d: {  	v63 =	vld [tilespmem:s25+$0xA10];
	v11 =	vadd.f32 v11, v61;
	v62 =	vpop (erf);
	(erf) = vpow2.f32 v0;
	v0 =	vmul.f32 $1.442695020e+00, v56  }
0x11e: {  	v51 =	vadd.f32 v59, v58;
	v61 =	vpop (erf);
	(erf) = vpow2.f32 v1;
	v1 =	vmul.f32 $1.442695020e+00, v54  }
0x11f: {  	v36 =	vld [tilespmem:s25+$0xA20];
	v30 =	vadd.f32 v30, v33;
	v58 =	vpop (erf);
	(erf) = vpow2.f32 v0;
	v0 =	vmul.f32 $1.442695020e+00, v42  }
0x120: {  	v42 =	vld [tilespmem:s25+$0xA30];
	v56 =	vpop (erf);
	(erf) = vpow2.f32 v1;
	v1 =	vmul.f32 $1.442695020e+00, v45;
	v45 =	vadd.f32 v57, v51  }
0x121: {  	v33 =	vld [tilespmem:s25+$0xA40];
	v27 =	vadd.f32 v27, v30;
	v54 =	vpop (erf);
	(erf) = vpow2.f32 v0;
	v0 =	vmul.f32 $1.442695020e+00, v39  }
0x122: {  	v57 =	vld [tilespmem:s25+$0xA50];
	v51 =	vpop (erf);
	(erf) = vpow2.f32 v1;
	v1 =	vmul.f32 $1.442695020e+00, v63;
	v63 =	vadd.f32 v48, v45  }
0x123: {  	v52 =	vadd.f32 v53, v52;
	v30 =	vld [tilespmem:s25+$0xA60];
	v24 =	vadd.f32 v24, v27  }
0x124: {  	v59 =	vld [tilespmem:s25+$0xA70];
	v48 =	vpop (erf);
	(erf) = vpow2.f32 v0;
	v0 =	vmul.f32 $1.442695020e+00, v36;
	v63 =	vadd.f32 v49, v63  }
0x125: {  	v27 =	vld [tilespmem:s25+$0xE00];
	v21 =	vadd.f32 v21, v24;
	v45 =	vpop (erf);
	(erf) = vpow2.f32 v1;
	v1 =	vmul.f32 $1.442695020e+00, v42  }
0x126: {  	v49 =	vld [tilespmem:s25+$0xE10];
	v42 =	vpop (erf);
	(erf) = vpow2.f32 v0;
	v0 =	vmul.f32 $1.442695020e+00, v33;
	v24 =	vadd.f32 v46, v63  }
0x127: {  	v50 =	vadd.f32 v50, v52;
	v39 =	vpop (erf);
	(erf) = vpow2.f32 v1;
	v1 =	vmul.f32 $1.442695020e+00, v57;
	v57 =	vld [tilespmem:s25+$0xE20]  }
0x128: {  	v63 =	vld [tilespmem:s25+$0xE30];
	v36 =	vpop (erf);
	(erf) = vpow2.f32 v0;
	v0 =	vmul.f32 $1.442695020e+00, v30;
	v24 =	vadd.f32 v43, v24  }
0x129: {  	v19 =	vadd.f32 v19, v21;
	v21 =	vld [tilespmem:s25+$0xE40];
	v33 =	vpop (erf);
	(erf) = vpow2.f32 v1;
	v1 =	vmul.f32 $1.442695020e+00, v59  }
0x12a: {  	v43 =	vld [tilespmem:s25+$0xE50];
	v30 =	vpop (erf);
	(erf) = vpow2.f32 v0;
	v0 =	vmul.f32 $1.442695020e+00, v27;
	v40 =	vadd.f32 v40, v24  }
0x12b: {  	v17 =	vadd.f32 v17, v19;
	v19 =	vld [tilespmem:s25+$0xE60];
	v27 =	vpop (erf);
	(erf) = vpow2.f32 v1;
	v1 =	vmul.f32 $1.442695020e+00, v49  }
0x12c: {  	v49 =	vld [tilespmem:s25+$0xE70];
	v24 =	vpop (erf);
	(erf) = vpow2.f32 v0;
	v0 =	vmul.f32 $1.442695020e+00, v57;
	v37 =	vadd.f32 v37, v40  }
0x12d: {  	v16 =	vadd.f32 v16, v17;
	v17 =	vld [tilespmem:s25+$0xA80];
	v57 =	vpop (erf);
	(erf) = vpow2.f32 v1;
	v1 =	vmul.f32 $1.442695020e+00, v63  }
0x12e: {  	v63 =	vpop (erf);
	(erf) = vpow2.f32 v0;
	v0 =	vmul.f32 $1.442695020e+00, v21;
	v21 =	vld [tilespmem:s25+$0xA90];
	v34 =	vadd.f32 v34, v37  }
0x12f: {  	v12 =	vadd.f32 v12, v16;
	v16 =	vld [tilespmem:s25+$0xAA0];
	v59 =	vpop (erf);
	(erf) = vpow2.f32 v1;
	v1 =	vmul.f32 $1.442695020e+00, v43  }
0x130: {  	v46 =	vpop (erf);
	(erf) = vpow2.f32 v0;
	v0 =	vmul.f32 $1.442695020e+00, v19;
	v19 =	vld [tilespmem:s25+$0xAB0];
	v31 =	vadd.f32 v31, v34  }
0x131: {  	v47 =	vadd.f32 v47, v50;
	v43 =	vpop (erf);
	(erf) = vpow2.f32 v1;
	v1 =	vmul.f32 $1.442695020e+00, v49;
	v49 =	vld [tilespmem:s25+$0xAC0]  }
0x132: {  	v40 =	vpop (erf);
	(erf) = vpow2.f32 v0;
	v0 =	vmul.f32 $1.442695020e+00, v17;
	v17 =	vld [tilespmem:s25+$0xAD0];
	v28 =	vadd.f32 v28, v31  }
0x133: {  	v37 =	vpop (erf);
	(erf) = vpow2.f32 v1;
	v1 =	vmul.f32 $1.442695020e+00, v21;
	v21 =	vld [tilespmem:s25+$0xAE0]  }
0x134: {  	v44 =	vadd.f32 v44, v47;
	v34 =	vpop (erf);
	(erf) = vpow2.f32 v0;
	v0 =	vmul.f32 $1.442695020e+00, v16;
	v16 =	vld [tilespmem:s25+$0xAF0]  }
0x135: {  	v52 =	vld [tilespmem:s25+$0xE80];
	v53 =	vadd.f32 v25, v28;
	v31 =	vpop (erf);
	(erf) = vpow2.f32 v1;
	v1 =	vmul.f32 $1.442695020e+00, v19  }
0x136: {  	v41 =	vadd.f32 v41, v44;
	v28 =	vpop (erf);
	(erf) = vpow2.f32 v0;
	v0 =	vmul.f32 $1.442695020e+00, v49;
	v49 =	vld [tilespmem:s25+$0xE90]  }
0x137: {  	v50 =	vld [tilespmem:s25+$0xEA0];
	v25 =	vpop (erf);
	(erf) = vpow2.f32 v1;
	v1 =	vmul.f32 $1.442695020e+00, v17;
	v17 =	vadd.f32 v22, v53  }
0x138: {  	v53 =	vld [tilespmem:s25+$0xEB0];
	v22 =	vpop (erf);
	(erf) = vpow2.f32 v0;
	v0 =	vmul.f32 $1.442695020e+00, v21  }
0x139: {  	v47 =	vld [tilespmem:s25+$0xEC0];
	v38 =	vadd.f32 v38, v41;
	v21 =	vpop (erf);
	(erf) = vpow2.f32 v1;
	v1 =	vmul.f32 $1.442695020e+00, v16  }
0x13a: {  	v55 =	vadd.f32 v20, v17;
	v20 =	vld [tilespmem:s25+$0xED0];
	v19 =	vpop (erf);
	(erf) = vpow2.f32 v0;
	v0 =	vmul.f32 $1.442695020e+00, v52  }
0x13b: {  	v44 =	vld [tilespmem:s25+$0xEE0];
	v35 =	vadd.f32 v35, v38;
	v17 =	vpop (erf);
	(erf) = vpow2.f32 v1;
	v1 =	vmul.f32 $1.442695020e+00, v49  }
0x13c: {  	v49 =	vld [tilespmem:s25+$0xEF0];
	v16 =	vpop (erf);
	(erf) = vpow2.f32 v0;
	v0 =	vmul.f32 $1.442695020e+00, v50;
	v50 =	vadd.f32 v62, v60  }
0x13d: {  	v41 =	vld [tilespmem:s25+$0xB00];
	v32 =	vadd.f32 v32, v35;
	v52 =	vpop (erf);
	(erf) = vpow2.f32 v1;
	v1 =	vmul.f32 $1.442695020e+00, v53  }
0x13e: {  	v62 =	vld [tilespmem:s25+$0xB10];
	v60 =	vpop (erf);
	(erf) = vpow2.f32 v0;
	v0 =	vmul.f32 $1.442695020e+00, v47;
	v47 =	vadd.f32 v61, v50  }
0x13f: {  	v18 =	vadd.f32 v18, v55;
	v55 =	vpop (erf);
	(erf) = vpow2.f32 v1;
	v1 =	vmul.f32 $1.442695020e+00, v20;
	v20 =	vld [tilespmem:s25+$0xB20]  }
0x140: {  	v61 =	vld [tilespmem:s25+$0xB30];
	v53 =	vpop (erf);
	(erf) = vpow2.f32 v0;
	v0 =	vmul.f32 $1.442695020e+00, v44;
	v38 =	vadd.f32 v58, v47  }
0x141: {  	v35 =	vld [tilespmem:s25+$0xB40];
	v29 =	vadd.f32 v29, v32;
	v50 =	vpop (erf);
	(erf) = vpow2.f32 v1;
	v1 =	vmul.f32 $1.442695020e+00, v49  }
0x142: {  	v58 =	vld [tilespmem:s25+$0xB50];
	v49 =	vpop (erf);
	(erf) = vpow2.f32 v0;
	v0 =	vmul.f32 $1.442695020e+00, v41;
	v38 =	vadd.f32 v56, v38  }
0x143: {  	v47 =	vpop (erf);
	(erf) = vpow2.f32 v1;
	v1 =	vmul.f32 $1.442695020e+00, v62;
	v62 =	vld [tilespmem:s25+$0xB60]  }
0x144: {  	v26 =	vadd.f32 v26, v29;
	v44 =	vpop (erf);
	(erf) = vpow2.f32 v0;
	v0 =	vmul.f32 $1.442695020e+00, v20;
	v20 =	vld [tilespmem:s25+$0xB70]  }
0x145: {  	v29 =	vadd.f32 v54, v38;
	v41 =	vpop (erf);
	(erf) = vpow2.f32 v1;
	v1 =	vmul.f32 $1.442695020e+00, v61  }
0x146: {  	v56 =	vld [tilespmem:s25+$0xF00];
	v61 =	vadd.f32 v23, v26;
	v38 =	vpop (erf);
	(erf) = vpow2.f32 v0;
	v0 =	vmul.f32 $1.442695020e+00, v35  }
0x147: {  	v54 =	vld [tilespmem:s25+$0xF10];
	v26 =	vadd.f32 v51, v29;
	v35 =	vpop (erf);
	(erf) = vpow2.f32 v1;
	v1 =	vmul.f32 $1.442695020e+00, v58  }
0x148: {  	v57 =	vadd.f32 v63, v57;
	v58 =	vld [tilespmem:s25+$0xF20];
	v32 =	vpop (erf);
	(erf) = vpow2.f32 v0;
	v0 =	vmul.f32 $1.442695020e+00, v62  }
0x149: {  	v51 =	vld [tilespmem:s25+$0xF30];
	v29 =	vpop (erf);
	(erf) = vpow2.f32 v1;
	v1 =	vmul.f32 $1.442695020e+00, v20;
	v20 =	vadd.f32 v48, v26  }
0x14a: {  	v63 =	vadd.f32 v59, v57;
	v62 =	vld [tilespmem:s25+$0xF40]  }
0x14b: {  	v48 =	vld [tilespmem:s25+$0xF50];
	v26 =	vpop (erf);
	(erf) = vpow2.f32 v0;
	v0 =	vmul.f32 $1.442695020e+00, v56;
	v45 =	vadd.f32 v45, v20  }
0x14c: {  	v46 =	vadd.f32 v46, v63;
	v23 =	vpop (erf);
	(erf) = vpow2.f32 v1;
	v1 =	vmul.f32 $1.442695020e+00, v54;
	v54 =	vld [tilespmem:s25+$0xF60]  }
0x14d: {  	v57 =	vld [tilespmem:s25+$0xF70];
	v20 =	vpop (erf);
	(erf) = vpow2.f32 v0;
	v0 =	vmul.f32 $1.442695020e+00, v58;
	v42 =	vadd.f32 v42, v45  }
0x14e: {  	v43 =	vadd.f32 v43, v46;
	v56 =	vpop (erf);
	(erf) = vpow2.f32 v1;
	v1 =	vmul.f32 $1.442695020e+00, v51;
	v51 =	vld [tilespmem:s25+$0xB80]  }
0x14f: {  	v63 =	vld [tilespmem:s25+$0xB90];
	v45 =	vpop (erf);
	(erf) = vpow2.f32 v0;
	v0 =	vmul.f32 $1.442695020e+00, v62;
	v39 =	vadd.f32 v39, v42  }
0x150: {  	v40 =	vadd.f32 v40, v43;
	v46 =	vpop (erf);
	(erf) = vpow2.f32 v1;
	v1 =	vmul.f32 $1.442695020e+00, v48  }
0x151: {  	v42 =	vpop (erf);
	(erf) = vpow2.f32 v0;
	v0 =	vmul.f32 $1.442695020e+00, v54;
	v54 =	vld [tilespmem:s25+$0xBA0];
	v36 =	vadd.f32 v36, v39  }
0x152: {  	v37 =	vadd.f32 v37, v40;
	v43 =	vpop (erf);
	(erf) = vpow2.f32 v1;
	v1 =	vmul.f32 $1.442695020e+00, v57  }
0x153: {  	v57 =	vld [tilespmem:s25+$0xBB0];
	v39 =	vpop (erf);
	(erf) = vpow2.f32 v0;
	v0 =	vmul.f32 $1.442695020e+00, v51  }
0x154: {  	v40 =	vpop (erf);
	(erf) = vpow2.f32 v1;
	v1 =	vmul.f32 $1.442695020e+00, v63  }
0x155: {  	v33 =	vadd.f32 v33, v36;
	v36 =	vpop (erf);
	(erf) = vpow2.f32 v0  }
0x156: {  	v34 =	vadd.f32 v34, v37;
	v0 =	vld [tilespmem:s25+$0xBC0];
	v37 =	vpop (erf);
	(erf) = vpow2.f32 v1;
	v1 =	vmul.f32 $1.442695020e+00, v54  }
0x157: {  	v15 =	vadd.f32 v15, v61  }
0x158: {  	v31 =	vadd.f32 v31, v34;
	v61 =	vld [tilespmem:s25+$0xBD0];
	v48 =	vpop (erf);
	(erf) = vpow2.f32 v1;
	v1 =	vmul.f32 $1.442695020e+00, v57  }
0x159: {  	v14 =	vadd.f32 v14, v15;
	v59 =	vadd.f32 v30, v33;
	v33 =	vpop (erf)  }
0x15a: {  	v52 =	vadd.f32 v60, v52;
	v63 =	vld [tilespmem:s25+$0xBE0];
	v34 =	vpop (erf)  }
0x15b: {  	v13 =	vadd.f32 v13, v14;
	v51 =	vadd.f32 v28, v31;
	v28 =	vpop (erf);
	v0 =	vmul.f32 $1.442695020e+00, v0  }
0x15c: {  	v45 =	vadd.f32 v45, v56;
	v54 =	vld [tilespmem:s25+$0xBF0];
	v62 =	vadd.f32 v27, v59;
	(erf) = vpow2.f32 v1;
	v1 =	vpop (erf)  }
0x15d: {  	v25 =	vadd.f32 v25, v51;
	(erf) = vpow2.f32 v0;
	v0 =	vmul.f32 $1.442695020e+00, v61;
	v27 =	vpop (erf)  }
0x15e: {  	v14 =	vadd.f32 v24, v62;
	v24 =	vadd.f32 v55, v52;
	v55 =	vld [tilespmem:s25+$0xF80];
	v30 =	vpop (erf)  }
0x15f: {  	v58 =	vadd.f32 v46, v45;
	v56 =	vpop (erf);
	(erf) = vpow2.f32 v0;
	v0 =	vmul.f32 $1.442695020e+00, v63  }
0x160: {  	v60 =	vld [tilespmem:s25+$0xF90];
	v22 =	vadd.f32 v22, v25;
	v57 =	vadd.f32 v53, v24  }
0x161: {  	v24 =	vadd.f32 v42, v58;
	v59 =	vpop (erf);
	(erf) = vpow2.f32 v0;
	v0 =	vmul.f32 $1.442695020e+00, v54  }
0x162: {  	v62 =	vld [tilespmem:s25+$0xFA0];
	v15 =	vadd.f32 v50, v57;
	v25 =	vadd.f32 v59, v56  }
0x163: {  	v24 =	vadd.f32 v43, v24;
	v61 =	vpop (erf);
	(erf) = vpow2.f32 v0;
	v0 =	vmul.f32 $1.442695020e+00, v55  }
0x164: {  	v45 =	vld [tilespmem:s25+$0xFB0];
	v15 =	vadd.f32 v49, v15;
	v25 =	vadd.f32 v61, v25  }
0x165: {  	v24 =	vadd.f32 v39, v24;
	v63 =	vpop (erf);
	(erf) = vpow2.f32 v0;
	v0 =	vmul.f32 $1.442695020e+00, v60  }
0x166: {  	v49 =	vld [tilespmem:s25+$0xFC0];
	v15 =	vadd.f32 v47, v15;
	v25 =	vadd.f32 v63, v25  }
0x167: {  	v24 =	vadd.f32 v40, v24;
	v47 =	vpop (erf);
	(erf) = vpow2.f32 v0;
	v0 =	vmul.f32 $1.442695020e+00, v62  }
0x168: {  	v51 =	vld [tilespmem:s25+$0xFD0];
	v25 =	vadd.f32 v47, v25  }
0x169: {  	v24 =	vadd.f32 v36, v24;
	v50 =	vpop (erf);
	(erf) = vpow2.f32 v0;
	v0 =	vmul.f32 $1.442695020e+00, v45  }
0x16a: {  	v53 =	vld [tilespmem:s25+$0xFE0];
	v15 =	vadd.f32 v44, v15;
	v25 =	vadd.f32 v50, v25  }
0x16b: {  	v24 =	vadd.f32 v37, v24;
	v52 =	vpop (erf);
	(erf) = vpow2.f32 v0;
	v0 =	vmul.f32 $1.442695020e+00, v49  }
0x16c: {  	v55 =	vld [tilespmem:s25+$0xFF0];
	v15 =	vadd.f32 v41, v15;
	v25 =	vadd.f32 v52, v25  }
0x16d: {  	v24 =	vadd.f32 v48, v24;
	v54 =	vpop (erf);
	(erf) = vpow2.f32 v0;
	v0 =	vmul.f32 $1.442695020e+00, v51  }
0x16e: {  	v15 =	vadd.f32 v38, v15;
	v25 =	vadd.f32 v54, v25  }
0x16f: {  	v24 =	vadd.f32 v33, v24;
	v56 =	vpop (erf);
	(erf) = vpow2.f32 v0;
	v0 =	vmul.f32 $1.442695020e+00, v53  }
0x170: {  	v15 =	vadd.f32 v35, v15;
	v25 =	vadd.f32 v56, v25  }
0x171: {  	v58 =	vadd.f32 v34, v24;
	v57 =	vpop (erf);
	(erf) = vpow2.f32 v0;
	v0 =	vmul.f32 $1.442695020e+00, v55  }
0x172: {  	v15 =	vadd.f32 v32, v15;
	v25 =	vadd.f32 v57, v25  }
0x173: {  	v21 =	vadd.f32 v21, v22;
	v60 =	vadd.f32 v28, v58;
	v59 =	vpop (erf)  }
0x174: {  	v15 =	vadd.f32 v29, v15;
	v24 =	vadd.f32 v59, v25;
	(erf) = vpow2.f32 v0  }
0x175: {  	(xrf2) =	vadd.scan.msk.f32 $0xffff, v10;
	v10 =	vadd.f32 v19, v21;
	v1 =	vadd.f32 v1, v60;
	v0 =	vpop (erf)  }
0x176: {  	(xrf2) =	vadd.scan.msk.f32 $0xffff, v11;
	v11 =	vadd.f32 v26, v15;
	v0 =	vadd.f32 v0, v24  }
0x177: {  	(xrf2) =	vadd.scan.msk.f32 $0xffff, v12;
	v10 =	vadd.f32 v17, v10;
	v1 =	vadd.f32 v27, v1;
	v61 =	vpop (erf)  }
0x178: {  	(xrf2) =	vadd.scan.msk.f32 $0xffff, v18;
	v11 =	vadd.f32 v23, v11;
	v0 =	vadd.f32 v61, v0  }
0x179: {  	v8 =	vbroadcast v8, $0xF;
	(xrf2) =	vadd.scan.msk.f32 $0xffff, v13;
	v10 =	vadd.f32 v16, v10;
	v1 =	vadd.f32 v30, v1;
	v62 =	vpop (erf)  }
0x17a: {  	v9 =	vbroadcast v9, $0xF;
	(xrf2) =	vadd.scan.msk.f32 $0xffff, v14;
	v11 =	vadd.f32 v20, v11;
	v0 =	vadd.f32 v62, v0  }
0x17b: {  	v7 =	vbroadcast v7, $0xF;
	(xrf2) =	vadd.scan.msk.f32 $0xffff, v10;
	v63 =	vpop (erf)  }
0x17c: {  	v8 =	vsel vm0, v8, v9;
	v6 =	vbroadcast v6, $0xF;
	(xrf2) =	vadd.scan.msk.f32 $0xffff, v11;
	v0 =	vadd.f32 v63, v0  }
0x17d: {  	v7 =	vsel vm1, v8, v7;
	(xrf2) =	vadd.scan.msk.f32 $0xffff, v1;
	v1 =	vpop (erf)  }
0x17e: {  	v5 =	vbroadcast v5, $0xF;
	v6 =	vsel vm2, v7, v6;
	v0 =	vadd.f32 v1, v0  }
0x17f: {  	v4 =	vbroadcast v4, $0xF  }
0x180: {  	v5 =	vsel vm3, v6, v5;
	v1, _, _ =	vpop (xrf2)  }
0x181: {  	v4 =	vsel vm4, v5, v4;
	v1 =	vbroadcast v1, $0xF;
	v6, _, _ =	vpop (xrf2)  }
0x182: {  	(xrf2) =	vadd.scan.msk.f32 $0xffff, v0;
	v5 =	vbroadcast v6, $0xF;
	v0, _, _ =	vpop (xrf2)  }
0x183: {  	v1 =	vsel vm5, v4, v1;
	v6, _, _ =	vpop (xrf2);
	v0 =	vbroadcast v0, $0xF  }
0x184: {  	v1 =	vsel vm6, v1, v5;
	v4, _, _ =	vpop (xrf2);
	v5 =	vbroadcast v6, $0xF  }
0x185: {  	v6, _, _ =	vpop (xrf2);
	v0 =	vsel vm7, v1, v0;
	v1 =	vbroadcast v4, $0xF  }
0x186: {  	v4, _, _ =	vpop (xrf2);
	v0 =	vsel vm8, v0, v5;
	v5 =	vbroadcast v6, $0xF  }
0x187: {  	v6, _, _ =	vpop (xrf2);
	v0 =	vsel vm9, v0, v1;
	v1 =	vbroadcast v4, $0xF  }
0x188: {  	v4, _, _ =	vpop (xrf2);
	v0 =	vsel vm10, v0, v5  }
0x189: {  	v0 =	vsel vm11, v0, v1;
	v1 =	vbroadcast v4, $0xF  }
0x18a: {  	p0 =	sne.s32 s23, $0x7;
	v5 =	vbroadcast v6, $0xF  }
.Ltmp0:
0x18b: {  	_ = 	snop;
	(pc) =	sbr.rel @p0 .LBB2_3-.Ltmp0, $4  }
0x18c: {  	v0 =	vsel vm12, v0, v5  }
0x18d: {  	v0 =	vsel vm13, v0, v1;
	v1, _, _ =	vpop (xrf2)  }
0x18e: {  	v0 =	vsel vm14, v0, v1  }
0x18f: {  	s23 =	sadd.s32 $0x1, s23;
	v9 =	vmov v2;
	v7 =	vimm.s32 $0x0;
	v8 =	vld [tilespmem:$0x1FFF0];
	[tilespmem:v3+s24+$0x11000 ss:$0x1] =	vst.idx.msk $0xffff, v0  }
0x190: {  	p0 =	seq.s32 s21, $0xF  }
0x191: {  	s23 =	sshll.u32 @!p0 s21, $0x10  }
0x192: {  	s23 =	sadd.s32 @!p0 s23, s7  }
0x193: {  	s23 =	sshrl.u32 @!p0 s23, $0x3  }
0x194: {  	s31 =	sshll.u32 s22, $0x7;
	s24 =	simm.s32 @!p0 $0x0;
	s23 =	sadd.s32 @!p0 s1, s23  }
0x195: {  	v3 =	vmov s31;
	[tilespmem:s24], [sflag:$0x1] =	stream.linear.gather @!p0 [hbm4b:s23+s24], $0x8000, $0x38;
	[tilespmem:$0x13000] =	vst v63  }
0x196: {  	_ =	swait.ge [sflag:s17], $0x8000  }
0x197: {  	[sflag:s17] =	ssyncset.done $0x0  }
0x198: {  	s22 =	simm.s32 $0x0;
	[sflag:s17] =	ssyncadd.s32 $0xFFFF8000  }
.LBB2_5:
0x199: {  	s23 =	sshll.u32 s22, $0x4  }
0x19a: {  	v0 =	vld.idx.msk [tilespmem:v3+s23+$0x10000 ss:$0x1], $0xffff;
	_ =	sdelay $0x4  }
0x19b: {  	v0 =	vadd.f32 $-2.499999940e-03, v0;
	_ =	sdelay $0x1  }
0x19c: {  	v0 =	vmul.f32 $1.186046480e+04, v0;
	_ =	sdelay $0x1  }
0x19d: {  	v1 =	vtrunc.f32 v0  }
0x19e: {  	v4 =	vcvt.f32.s32 v1;
	vm15 =	vgt.f32 v0, v1  }
0x19f: {  	v0 =	vsel vm15, $0x1, v7  }
0x1a0: {  	v0 =	vadd.s32 v4, v0  }
0x1a1: {  	v1 =	vmov s23;
	vm15 =	vgt.s32 v0, $0x0  }
0x1a2: {  	v1 =	vshll.u32 v1, $0x8;
	v0 =	vnsel vm15, $0x0, v0  }
0x1a3: {  	v1 =	vor.u32 v8, v1;
	v0 =	vmin.u32 v0, $0xFF  }
0x1a4: {  	v1 =	vand.u32 $0x7800, v1;
	v4 =	vand.u32 $0x7F, v0;
	v0 =	vshll.u32 v0, $0x3  }
0x1a5: {  	v0 =	vand.u32 $0x400, v0;
	v1 =	vor.u32 v4, v1  }
0x1a6: {  	v0 =	vor.u32 v0, v1  }
0x1a7: {  	v0 =	vor.u32 v9, v0;
	_ =	sdelay $0x4  }
0x1a8: {  	v0 =	vld.idx.msk [tilespmem:v0+s15+$0x0], $0xffff;
	_ =	sdelay $0x3  }
0x1a9: {  	s24 =	sshll.u32 s22, $0xC  }
0x1aa: {  	s24 =	sand.u32 $0x3FFFF000, s24;
	[tilespmem:v3+s23+$0x12000 ss:$0x1] =	vst.idx.msk $0xffff, v0  }
0x1ab: {  	v0 =	vld [tilespmem:s24+$0x8000]  }
0x1ac: {  	v1 =	vld [tilespmem:s24+$0x8010]  }
0x1ad: {  	v4 =	vld [tilespmem:s24+$0x8020]  }
0x1ae: {  	v5 =	vld [tilespmem:s24+$0x8030]  }
0x1af: {  	v6 =	vld [tilespmem:s24+$0x8040]  }
0x1b0: {  	v7 =	vld [tilespmem:s24+$0x8050];
	v0 =	vmul.f32 $1.442695020e+00, v0  }
0x1b1: {  	v8 =	vld [tilespmem:s24+$0x8060];
	v1 =	vmul.f32 $1.442695020e+00, v1  }
0x1b2: {  	(erf) = vpow2.f32 v0;
	v0 =	vmul.f32 $1.442695020e+00, v4;
	v4 =	vld [tilespmem:s24+$0x8070]  }
0x1b3: {  	(erf) = vpow2.f32 v1;
	v1 =	vmul.f32 $1.442695020e+00, v5;
	v5 =	vld [tilespmem:s24+$0x8400]  }
0x1b4: {  	(erf) = vpow2.f32 v0;
	v0 =	vmul.f32 $1.442695020e+00, v6;
	v6 =	vld [tilespmem:s24+$0x8410]  }
0x1b5: {  	(erf) = vpow2.f32 v1;
	v1 =	vmul.f32 $1.442695020e+00, v7;
	v7 =	vld [tilespmem:s24+$0x8420]  }
0x1b6: {  	(erf) = vpow2.f32 v0;
	v0 =	vmul.f32 $1.442695020e+00, v8;
	v8 =	vld [tilespmem:s24+$0x8430]  }
0x1b7: {  	(erf) = vpow2.f32 v1;
	v1 =	vmul.f32 $1.442695020e+00, v4;
	v4 =	vld [tilespmem:s24+$0x8440]  }
0x1b8: {  	(erf) = vpow2.f32 v0;
	v0 =	vmul.f32 $1.442695020e+00, v5;
	v5 =	vld [tilespmem:s24+$0x8450]  }
0x1b9: {  	(erf) = vpow2.f32 v1;
	v1 =	vmul.f32 $1.442695020e+00, v6;
	v6 =	vld [tilespmem:s24+$0x8460]  }
0x1ba: {  	(erf) = vpow2.f32 v0;
	v0 =	vmul.f32 $1.442695020e+00, v7;
	v7 =	vld [tilespmem:s24+$0x8470]  }
0x1bb: {  	v13 =	vld [tilespmem:s24+$0x8080];
	v11 =	vpop (erf);
	(erf) = vpow2.f32 v1;
	v1 =	vmul.f32 $1.442695020e+00, v8  }
0x1bc: {  	v12 =	vpop (erf);
	(erf) = vpow2.f32 v0;
	v0 =	vmul.f32 $1.442695020e+00, v4;
	v4 =	vld [tilespmem:s24+$0x8090]  }
0x1bd: {  	v10 =	vpop (erf);
	(erf) = vpow2.f32 v1;
	v1 =	vmul.f32 $1.442695020e+00, v5;
	v5 =	vld [tilespmem:s24+$0x80A0]  }
0x1be: {  	v9 =	vpop (erf);
	(erf) = vpow2.f32 v0;
	v0 =	vmul.f32 $1.442695020e+00, v6;
	v6 =	vld [tilespmem:s24+$0x80B0]  }
0x1bf: {  	v8 =	vpop (erf);
	(erf) = vpow2.f32 v1;
	v1 =	vmul.f32 $1.442695020e+00, v7;
	v7 =	vld [tilespmem:s24+$0x80C0]  }
0x1c0: {  	v32 =	vld [tilespmem:s24+$0x80D0];
	v28 =	vpop (erf);
	(erf) = vpow2.f32 v0;
	v0 =	vmul.f32 $1.442695020e+00, v13  }
0x1c1: {  	v26 =	vpop (erf);
	(erf) = vpow2.f32 v1;
	v1 =	vmul.f32 $1.442695020e+00, v4;
	v4 =	vld [tilespmem:s24+$0x80E0]  }
0x1c2: {  	v24 =	vpop (erf);
	(erf) = vpow2.f32 v0;
	v0 =	vmul.f32 $1.442695020e+00, v5;
	v5 =	vld [tilespmem:s24+$0x80F0]  }
0x1c3: {  	v14 =	vld [tilespmem:s24+$0x8480];
	v22 =	vpop (erf);
	(erf) = vpow2.f32 v1;
	v1 =	vmul.f32 $1.442695020e+00, v6  }
0x1c4: {  	v16 =	vld [tilespmem:s24+$0x8490];
	v20 =	vpop (erf);
	(erf) = vpow2.f32 v0;
	v0 =	vmul.f32 $1.442695020e+00, v7  }
0x1c5: {  	v33 =	vld [tilespmem:s24+$0x84A0];
	v17 =	vpop (erf);
	(erf) = vpow2.f32 v1;
	v1 =	vmul.f32 $1.442695020e+00, v32  }
0x1c6: {  	v18 =	vld [tilespmem:s24+$0x84B0];
	v15 =	vpop (erf);
	(erf) = vpow2.f32 v0;
	v0 =	vmul.f32 $1.442695020e+00, v4  }
0x1c7: {  	v19 =	vld [tilespmem:s24+$0x84C0];
	v7 =	vpop (erf);
	(erf) = vpow2.f32 v1;
	v1 =	vmul.f32 $1.442695020e+00, v5  }
0x1c8: {  	v34 =	vld [tilespmem:s24+$0x84D0];
	v6 =	vpop (erf);
	(erf) = vpow2.f32 v0;
	v0 =	vmul.f32 $1.442695020e+00, v14  }
0x1c9: {  	v35 =	vld [tilespmem:s24+$0x84E0];
	v5 =	vpop (erf);
	(erf) = vpow2.f32 v1;
	v1 =	vmul.f32 $1.442695020e+00, v16  }
0x1ca: {  	v45 =	vld [tilespmem:s24+$0x84F0];
	v4 =	vpop (erf);
	(erf) = vpow2.f32 v0;
	v0 =	vmul.f32 $1.442695020e+00, v33  }
0x1cb: {  	v46 =	vld [tilespmem:s24+$0x8100];
	v41 =	vpop (erf);
	(erf) = vpow2.f32 v1;
	v1 =	vmul.f32 $1.442695020e+00, v18  }
0x1cc: {  	v47 =	vld [tilespmem:s24+$0x8110];
	v42 =	vpop (erf);
	(erf) = vpow2.f32 v0;
	v0 =	vmul.f32 $1.442695020e+00, v19  }
0x1cd: {  	v48 =	vld [tilespmem:s24+$0x8120];
	v39 =	vpop (erf);
	(erf) = vpow2.f32 v1;
	v1 =	vmul.f32 $1.442695020e+00, v34  }
0x1ce: {  	v49 =	vld [tilespmem:s24+$0x8130];
	v38 =	vpop (erf);
	(erf) = vpow2.f32 v0;
	v0 =	vmul.f32 $1.442695020e+00, v35  }
0x1cf: {  	v50 =	vld [tilespmem:s24+$0x8140];
	v35 =	vpop (erf);
	(erf) = vpow2.f32 v1;
	v1 =	vmul.f32 $1.442695020e+00, v45  }
0x1d0: {  	v51 =	vld [tilespmem:s24+$0x8150];
	v33 =	vpop (erf);
	(erf) = vpow2.f32 v0;
	v0 =	vmul.f32 $1.442695020e+00, v46  }
0x1d1: {  	v29 =	vld [tilespmem:s24+$0x8160];
	v30 =	vpop (erf);
	(erf) = vpow2.f32 v1;
	v1 =	vmul.f32 $1.442695020e+00, v47  }
0x1d2: {  	v52 =	vld [tilespmem:s24+$0x8170];
	v27 =	vpop (erf);
	(erf) = vpow2.f32 v0;
	v0 =	vmul.f32 $1.442695020e+00, v48  }
0x1d3: {  	v31 =	vld [tilespmem:s24+$0x8500];
	v25 =	vpop (erf);
	(erf) = vpow2.f32 v1;
	v1 =	vmul.f32 $1.442695020e+00, v49  }
0x1d4: {  	v53 =	vld [tilespmem:s24+$0x8510];
	v23 =	vpop (erf);
	(erf) = vpow2.f32 v0;
	v0 =	vmul.f32 $1.442695020e+00, v50  }
0x1d5: {  	v32 =	vld [tilespmem:s24+$0x8520];
	v21 =	vpop (erf);
	(erf) = vpow2.f32 v1;
	v1 =	vmul.f32 $1.442695020e+00, v51  }
0x1d6: {  	v54 =	vld [tilespmem:s24+$0x8530];
	v19 =	vpop (erf);
	(erf) = vpow2.f32 v0;
	v0 =	vmul.f32 $1.442695020e+00, v29  }
0x1d7: {  	v34 =	vld [tilespmem:s24+$0x8540];
	v18 =	vpop (erf);
	(erf) = vpow2.f32 v1;
	v1 =	vmul.f32 $1.442695020e+00, v52  }
0x1d8: {  	v55 =	vld [tilespmem:s24+$0x8550];
	v16 =	vpop (erf);
	(erf) = vpow2.f32 v0;
	v0 =	vmul.f32 $1.442695020e+00, v31  }
0x1d9: {  	v36 =	vld [tilespmem:s24+$0x8560];
	v14 =	vpop (erf);
	(erf) = vpow2.f32 v1;
	v1 =	vmul.f32 $1.442695020e+00, v53  }
0x1da: {  	v56 =	vld [tilespmem:s24+$0x8570];
	v13 =	vpop (erf);
	(erf) = vpow2.f32 v0;
	v0 =	vmul.f32 $1.442695020e+00, v32  }
0x1db: {  	v57 =	vld [tilespmem:s24+$0x8180];
	v50 =	vpop (erf);
	(erf) = vpow2.f32 v1;
	v1 =	vmul.f32 $1.442695020e+00, v54  }
0x1dc: {  	v58 =	vld [tilespmem:s24+$0x8190];
	v51 =	vpop (erf);
	(erf) = vpow2.f32 v0;
	v0 =	vmul.f32 $1.442695020e+00, v34  }
0x1dd: {  	v59 =	vld [tilespmem:s24+$0x81A0];
	v49 =	vpop (erf);
	(erf) = vpow2.f32 v1;
	v1 =	vmul.f32 $1.442695020e+00, v55  }
0x1de: {  	v43 =	vld [tilespmem:s24+$0x81B0];
	v44 =	vpop (erf);
	(erf) = vpow2.f32 v0;
	v0 =	vmul.f32 $1.442695020e+00, v36  }
0x1df: {  	v45 =	vld [tilespmem:s24+$0x81C0];
	v40 =	vpop (erf);
	(erf) = vpow2.f32 v1;
	v1 =	vmul.f32 $1.442695020e+00, v56  }
0x1e0: {  	v46 =	vld [tilespmem:s24+$0x81D0];
	v37 =	vpop (erf);
	(erf) = vpow2.f32 v0;
	v0 =	vmul.f32 $1.442695020e+00, v57  }
0x1e1: {  	v11 =	vadd.f32 v12, v11;
	v47 =	vld [tilespmem:s24+$0x81E0];
	v36 =	vpop (erf);
	(erf) = vpow2.f32 v1;
	v1 =	vmul.f32 $1.442695020e+00, v58  }
0x1e2: {  	v48 =	vld [tilespmem:s24+$0x81F0];
	v34 =	vpop (erf);
	(erf) = vpow2.f32 v0;
	v0 =	vmul.f32 $1.442695020e+00, v59  }
0x1e3: {  	v60 =	vld [tilespmem:s24+$0x8580];
	v10 =	vadd.f32 v10, v11;
	v32 =	vpop (erf);
	(erf) = vpow2.f32 v1;
	v1 =	vmul.f32 $1.442695020e+00, v43  }
0x1e4: {  	v61 =	vld [tilespmem:s24+$0x8590];
	v31 =	vpop (erf);
	(erf) = vpow2.f32 v0;
	v0 =	vmul.f32 $1.442695020e+00, v45  }
0x1e5: {  	v62 =	vld [tilespmem:s24+$0x85A0];
	v10 =	vadd.f32 v9, v10;
	v29 =	vpop (erf);
	(erf) = vpow2.f32 v1;
	v1 =	vmul.f32 $1.442695020e+00, v46  }
0x1e6: {  	v63 =	vld [tilespmem:s24+$0x85B0];
	v12 =	vpop (erf);
	(erf) = vpow2.f32 v0;
	v0 =	vmul.f32 $1.442695020e+00, v47  }
0x1e7: {  	v52 =	vld [tilespmem:s24+$0x85C0];
	v58 =	vadd.f32 v8, v10;
	v11 =	vpop (erf);
	(erf) = vpow2.f32 v1;
	v1 =	vmul.f32 $1.442695020e+00, v48  }
0x1e8: {  	v57 =	vld [tilespmem:s24+$0x85D0];
	v9 =	vpop (erf);
	(erf) = vpow2.f32 v0;
	v0 =	vmul.f32 $1.442695020e+00, v60  }
0x1e9: {  	v53 =	vld [tilespmem:s24+$0x85E0];
	v28 =	vadd.f32 v28, v58;
	v10 =	vpop (erf);
	(erf) = vpow2.f32 v1;
	v1 =	vmul.f32 $1.442695020e+00, v61  }
0x1ea: {  	v54 =	vld [tilespmem:s24+$0x85F0];
	v8 =	vpop (erf);
	(erf) = vpow2.f32 v0;
	v0 =	vmul.f32 $1.442695020e+00, v62  }
0x1eb: {  	v55 =	vld [tilespmem:s24+$0x8200];
	v26 =	vadd.f32 v26, v28;
	v45 =	vpop (erf);
	(erf) = vpow2.f32 v1;
	v1 =	vmul.f32 $1.442695020e+00, v63  }
0x1ec: {  	v41 =	vadd.f32 v42, v41;
	v59 =	vld [tilespmem:s24+$0x8210];
	v48 =	vpop (erf);
	(erf) = vpow2.f32 v0;
	v0 =	vmul.f32 $1.442695020e+00, v52  }
0x1ed: {  	v24 =	vadd.f32 v24, v26;
	v60 =	vld [tilespmem:s24+$0x8220];
	v47 =	vpop (erf);
	(erf) = vpow2.f32 v1;
	v1 =	vmul.f32 $1.442695020e+00, v57  }
0x1ee: {  	v39 =	vadd.f32 v39, v41;
	v61 =	vld [tilespmem:s24+$0x8230];
	v46 =	vpop (erf);
	(erf) = vpow2.f32 v0;
	v0 =	vmul.f32 $1.442695020e+00, v53  }
0x1ef: {  	v22 =	vadd.f32 v22, v24;
	v62 =	vld [tilespmem:s24+$0x8240];
	v43 =	vpop (erf);
	(erf) = vpow2.f32 v1;
	v1 =	vmul.f32 $1.442695020e+00, v54  }
0x1f0: {  	v58 =	vadd.f32 v38, v39;
	v63 =	vld [tilespmem:s24+$0x8250];
	v42 =	vpop (erf);
	(erf) = vpow2.f32 v0;
	v0 =	vmul.f32 $1.442695020e+00, v55  }
0x1f1: {  	v20 =	vadd.f32 v20, v22;
	v57 =	vld [tilespmem:s24+$0x8260];
	v41 =	vpop (erf);
	(erf) = vpow2.f32 v1;
	v1 =	vmul.f32 $1.442695020e+00, v59  }
0x1f2: {  	v24 =	vadd.f32 v35, v58;
	v59 =	vld [tilespmem:s24+$0x8270];
	v39 =	vpop (erf);
	(erf) = vpow2.f32 v0;
	v0 =	vmul.f32 $1.442695020e+00, v60  }
0x1f3: {  	v17 =	vadd.f32 v17, v20;
	v38 =	vpop (erf);
	(erf) = vpow2.f32 v1;
	v1 =	vmul.f32 $1.442695020e+00, v61  }
0x1f4: {  	v60 =	vld [tilespmem:s24+$0x8600];
	v28 =	vpop (erf);
	(erf) = vpow2.f32 v0;
	v0 =	vmul.f32 $1.442695020e+00, v62  }
0x1f5: {  	v61 =	vld [tilespmem:s24+$0x8610];
	v26 =	vpop (erf);
	(erf) = vpow2.f32 v1;
	v1 =	vmul.f32 $1.442695020e+00, v63;
	v63 =	vadd.f32 v33, v24  }
0x1f6: {  	v52 =	vadd.f32 v15, v17;
	v62 =	vld [tilespmem:s24+$0x8620];
	v24 =	vpop (erf);
	(erf) = vpow2.f32 v0;
	v0 =	vmul.f32 $1.442695020e+00, v57  }
0x1f7: {  	v57 =	vld [tilespmem:s24+$0x8630];
	v17 =	vpop (erf);
	(erf) = vpow2.f32 v1;
	v1 =	vmul.f32 $1.442695020e+00, v59;
	v59 =	vadd.f32 v30, v63  }
0x1f8: {  	v50 =	vadd.f32 v51, v50;
	v58 =	vld [tilespmem:s24+$0x8640]  }
0x1f9: {  	v20 =	vpop (erf);
	(erf) = vpow2.f32 v0;
	v0 =	vmul.f32 $1.442695020e+00, v60;
	v60 =	vld [tilespmem:s24+$0x8650];
	v27 =	vadd.f32 v27, v59  }
0x1fa: {  	v49 =	vadd.f32 v49, v50;
	v22 =	vpop (erf);
	(erf) = vpow2.f32 v1;
	v1 =	vmul.f32 $1.442695020e+00, v61;
	v61 =	vld [tilespmem:s24+$0x8660]  }
0x1fb: {  	v15 =	vpop (erf);
	(erf) = vpow2.f32 v0;
	v0 =	vmul.f32 $1.442695020e+00, v62;
	v62 =	vld [tilespmem:s24+$0x8670];
	v25 =	vadd.f32 v25, v27  }
0x1fc: {  	v44 =	vadd.f32 v44, v49;
	v63 =	vld [tilespmem:s24+$0x8280];
	v50 =	vpop (erf);
	(erf) = vpow2.f32 v1;
	v1 =	vmul.f32 $1.442695020e+00, v57  }
0x1fd: {  	v57 =	vld [tilespmem:s24+$0x8290];
	v56 =	vpop (erf);
	(erf) = vpow2.f32 v0;
	v0 =	vmul.f32 $1.442695020e+00, v58;
	v23 =	vadd.f32 v23, v25  }
0x1fe: {  	v7 =	vadd.f32 v7, v52;
	v49 =	vpop (erf);
	(erf) = vpow2.f32 v1;
	v1 =	vmul.f32 $1.442695020e+00, v60  }
0x1ff: {  	v58 =	vld [tilespmem:s24+$0x82A0];
	v25 =	vpop (erf);
	(erf) = vpow2.f32 v0;
	v0 =	vmul.f32 $1.442695020e+00, v61;
	v21 =	vadd.f32 v21, v23  }
0x200: {  	v59 =	vadd.f32 v40, v44;
	v40 =	vpop (erf);
	(erf) = vpow2.f32 v1;
	v1 =	vmul.f32 $1.442695020e+00, v62  }
0x201: {  	v60 =	vld [tilespmem:s24+$0x82B0];
	v23 =	vpop (erf);
	(erf) = vpow2.f32 v0;
	v0 =	vmul.f32 $1.442695020e+00, v63;
	v19 =	vadd.f32 v19, v21  }
0x202: {  	v35 =	vadd.f32 v37, v59;
	v37 =	vpop (erf);
	(erf) = vpow2.f32 v1;
	v1 =	vmul.f32 $1.442695020e+00, v57  }
0x203: {  	v6 =	vadd.f32 v6, v7;
	v21 =	vpop (erf);
	(erf) = vpow2.f32 v0;
	v0 =	vld [tilespmem:s24+$0x82C0];
	v7 =	vadd.f32 v18, v19  }
0x204: {  	v35 =	vadd.f32 v36, v35;
	v36 =	vpop (erf);
	(erf) = vpow2.f32 v1;
	v1 =	vmul.f32 $1.442695020e+00, v58  }
0x205: {  	v5 =	vadd.f32 v5, v6;
	v61 =	vld [tilespmem:s24+$0x82D0];
	v18 =	vpop (erf)  }
0x206: {  	v62 =	vadd.f32 v34, v35;
	v34 =	vpop (erf);
	(erf) = vpow2.f32 v1;
	v1 =	vmul.f32 $1.442695020e+00, v60  }
0x207: {  	v56 =	vadd.f32 v56, v50;
	v63 =	vld [tilespmem:s24+$0x82E0];
	v6 =	vadd.f32 v16, v7;
	v7 =	vpop (erf)  }
0x208: {  	v30 =	vadd.f32 v32, v62;
	v32 =	vpop (erf);
	(erf) = vpow2.f32 v1;
	v0 =	vmul.f32 $1.442695020e+00, v0  }
0x209: {  	v1 =	vadd.f32 v4, v5;
	v4 =	vadd.f32 v14, v6;
	v6 =	vld [tilespmem:s24+$0x82F0];
	v5 =	vpop (erf)  }
0x20a: {  	v44 =	vadd.f32 v31, v30;
	v51 =	vpop (erf);
	(erf) = vpow2.f32 v0;
	v0 =	vmul.f32 $1.442695020e+00, v61  }
0x20b: {  	v54 =	vld [tilespmem:s24+$0x8680];
	v52 =	vadd.f32 v48, v45;
	v59 =	vadd.f32 v49, v56;
	v53 =	vpop (erf)  }
0x20c: {  	v14 =	vadd.f32 v29, v44;
	v55 =	vpop (erf);
	(erf) = vpow2.f32 v0;
	v0 =	vmul.f32 $1.442695020e+00, v63  }
0x20d: {  	v58 =	vld [tilespmem:s24+$0x8690];
	v4 =	vadd.f32 v13, v4;
	v13 =	vadd.f32 v47, v52;
	v57 =	vpop (erf)  }
0x20e: {  	v27 =	vadd.f32 v57, v55;
	(erf) = vpow2.f32 v0;
	v0 =	vmul.f32 $1.442695020e+00, v6  }
0x20f: {  	v61 =	vld [tilespmem:s24+$0x86A0];
	v6 =	vadd.f32 v46, v13;
	v13 =	vadd.f32 v25, v59;
	v60 =	vpop (erf)  }
0x210: {  	v16 =	vadd.f32 v60, v27;
	(erf) = vpow2.f32 v0;
	v0 =	vmul.f32 $1.442695020e+00, v54  }
0x211: {  	v63 =	vld [tilespmem:s24+$0x86B0];
	v6 =	vadd.f32 v43, v6;
	v13 =	vadd.f32 v40, v13;
	v62 =	vpop (erf)  }
0x212: {  	v16 =	vadd.f32 v62, v16;
	(erf) = vpow2.f32 v0;
	v0 =	vmul.f32 $1.442695020e+00, v58  }
0x213: {  	v40 =	vld [tilespmem:s24+$0x86C0];
	v6 =	vadd.f32 v42, v6;
	v13 =	vadd.f32 v23, v13;
	v35 =	vpop (erf)  }
0x214: {  	v16 =	vadd.f32 v35, v16;
	(erf) = vpow2.f32 v0;
	v0 =	vmul.f32 $1.442695020e+00, v61  }
0x215: {  	v43 =	vld [tilespmem:s24+$0x86D0];
	v6 =	vadd.f32 v41, v6;
	v13 =	vadd.f32 v37, v13;
	v42 =	vpop (erf)  }
0x216: {  	v16 =	vadd.f32 v42, v16;
	(erf) = vpow2.f32 v0;
	v0 =	vmul.f32 $1.442695020e+00, v63  }
0x217: {  	v45 =	vld [tilespmem:s24+$0x86E0];
	v6 =	vadd.f32 v39, v6;
	v13 =	vadd.f32 v21, v13;
	v44 =	vpop (erf)  }
0x218: {  	v16 =	vadd.f32 v44, v16;
	(erf) = vpow2.f32 v0;
	v0 =	vmul.f32 $1.442695020e+00, v40  }
0x219: {  	v47 =	vld [tilespmem:s24+$0x86F0];
	v6 =	vadd.f32 v38, v6;
	v13 =	vadd.f32 v36, v13;
	v46 =	vpop (erf)  }
0x21a: {  	v16 =	vadd.f32 v46, v16;
	(erf) = vpow2.f32 v0;
	v0 =	vmul.f32 $1.442695020e+00, v43  }
0x21b: {  	v6 =	vadd.f32 v28, v6;
	v13 =	vadd.f32 v18, v13;
	v48 =	vpop (erf)  }
0x21c: {  	v16 =	vadd.f32 v48, v16;
	(erf) = vpow2.f32 v0;
	v0 =	vmul.f32 $1.442695020e+00, v45  }
0x21d: {  	v6 =	vadd.f32 v26, v6;
	v13 =	vadd.f32 v34, v13;
	v49 =	vpop (erf)  }
0x21e: {  	v16 =	vadd.f32 v49, v16;
	(erf) = vpow2.f32 v0;
	v0 =	vmul.f32 $1.442695020e+00, v47  }
0x21f: {  	v12 =	vadd.f32 v12, v14;
	v7 =	vadd.f32 v7, v13;
	v50 =	vpop (erf)  }
0x220: {  	v6 =	vadd.f32 v24, v6;
	v14 =	vadd.f32 v50, v16;
	(erf) = vpow2.f32 v0  }
0x221: {  	v0 =	vadd.f32 v11, v12;
	v7 =	vadd.f32 v32, v7;
	v11 =	vpop (erf)  }
0x222: {  	v6 =	vadd.f32 v17, v6;
	v11 =	vadd.f32 v11, v14  }
0x223: {  	v0 =	vadd.f32 v9, v0;
	v5 =	vadd.f32 v5, v7;
	v9 =	vpop (erf)  }
0x224: {  	v6 =	vadd.f32 v20, v6;
	v9 =	vadd.f32 v9, v11  }
0x225: {  	(xrf2) =	vadd.scan.msk.f32 $0xffff, v1;
	v0 =	vadd.f32 v10, v0;
	v1 =	vadd.f32 v51, v5;
	v7 =	vpop (erf)  }
0x226: {  	v6 =	vadd.f32 v22, v6;
	v7 =	vadd.f32 v7, v9  }
0x227: {  	v0 =	vadd.f32 v8, v0;
	v5 =	vpop (erf)  }
0x228: {  	(xrf2) =	vadd.scan.msk.f32 $0xffff, v4;
	v4 =	vadd.f32 v15, v6;
	v5 =	vadd.f32 v5, v7  }
0x229: {  	(xrf2) =	vadd.scan.msk.f32 $0xffff, v0;
	v0 =	vadd.f32 v53, v1;
	v1 =	vpop (erf)  }
0x22a: {  	(xrf2) =	vadd.scan.msk.f32 $0xffff, v4;
	v1 =	vadd.f32 v1, v5  }
0x22b: {  	(xrf2) =	vadd.scan.msk.f32 $0xffff, v0  }
0x22c: {  	(xrf2) =	vadd.scan.msk.f32 $0xffff, v1;
	_ =	sdelay $0x2  }
0x22d: {  	v0 =	vld [tilespmem:s24+$0x8300];
	_ =	sdelay $0x1  }
0x22e: {  	v8, _, _ =	vpop (xrf2)  }
0x22f: {  	v9, _, _ =	vpop (xrf2)  }
0x230: {  	v7, _, _ =	vpop (xrf2)  }
0x231: {  	v0 =	vmul.f32 $1.442695020e+00, v0;
	v6, _, _ =	vpop (xrf2)  }
0x232: {  	v5, _, _ =	vpop (xrf2)  }
0x233: {  	(erf) = vpow2.f32 v0;
	v4, _, _ =	vpop (xrf2)  }
0x234: {  	v0 =	vld [tilespmem:s24+$0x8310]  }
0x235: {  	v1 =	vld [tilespmem:s24+$0x8320]  }
0x236: {  	v10 =	vld [tilespmem:s24+$0x8330]  }
0x237: {  	v11 =	vld [tilespmem:s24+$0x8340]  }
0x238: {  	v51 =	vld [tilespmem:s24+$0x8350]  }
0x239: {  	v52 =	vld [tilespmem:s24+$0x8360];
	v0 =	vmul.f32 $1.442695020e+00, v0  }
0x23a: {  	v53 =	vld [tilespmem:s24+$0x8370];
	v1 =	vmul.f32 $1.442695020e+00, v1  }
0x23b: {  	(erf) = vpow2.f32 v0;
	v0 =	vmul.f32 $1.442695020e+00, v10;
	v10 =	vld [tilespmem:s24+$0x8700]  }
0x23c: {  	(erf) = vpow2.f32 v1;
	v1 =	vmul.f32 $1.442695020e+00, v11;
	v11 =	vld [tilespmem:s24+$0x8710]  }
0x23d: {  	v54 =	vld [tilespmem:s24+$0x8720];
	(erf) = vpow2.f32 v0;
	v0 =	vmul.f32 $1.442695020e+00, v51  }
0x23e: {  	v55 =	vld [tilespmem:s24+$0x8730];
	(erf) = vpow2.f32 v1;
	v1 =	vmul.f32 $1.442695020e+00, v52  }
0x23f: {  	v56 =	vld [tilespmem:s24+$0x8740];
	(erf) = vpow2.f32 v0;
	v0 =	vmul.f32 $1.442695020e+00, v53  }
0x240: {  	(erf) = vpow2.f32 v1;
	v1 =	vmul.f32 $1.442695020e+00, v10;
	v10 =	vld [tilespmem:s24+$0x8750]  }
0x241: {  	(erf) = vpow2.f32 v0;
	v0 =	vmul.f32 $1.442695020e+00, v11;
	v11 =	vld [tilespmem:s24+$0x8760]  }
0x242: {  	v57 =	vld [tilespmem:s24+$0x8770];
	(erf) = vpow2.f32 v1;
	v1 =	vmul.f32 $1.442695020e+00, v54  }
0x243: {  	v58 =	vld [tilespmem:s24+$0x8380];
	v19 =	vpop (erf);
	(erf) = vpow2.f32 v0;
	v0 =	vmul.f32 $1.442695020e+00, v55  }
0x244: {  	v59 =	vld [tilespmem:s24+$0x8390];
	v21 =	vpop (erf);
	(erf) = vpow2.f32 v1;
	v1 =	vmul.f32 $1.442695020e+00, v56  }
0x245: {  	v17 =	vpop (erf);
	(erf) = vpow2.f32 v0;
	v0 =	vmul.f32 $1.442695020e+00, v10;
	v10 =	vld [tilespmem:s24+$0x83A0]  }
0x246: {  	v16 =	vpop (erf);
	(erf) = vpow2.f32 v1;
	v1 =	vmul.f32 $1.442695020e+00, v11;
	v11 =	vld [tilespmem:s24+$0x83B0]  }
0x247: {  	v60 =	vld [tilespmem:s24+$0x83C0];
	v12 =	vpop (erf);
	(erf) = vpow2.f32 v0;
	v0 =	vmul.f32 $1.442695020e+00, v57  }
0x248: {  	v61 =	vld [tilespmem:s24+$0x83D0];
	v37 =	vpop (erf);
	(erf) = vpow2.f32 v1;
	v1 =	vmul.f32 $1.442695020e+00, v58  }
0x249: {  	v62 =	vld [tilespmem:s24+$0x83E0];
	v34 =	vpop (erf);
	(erf) = vpow2.f32 v0;
	v0 =	vmul.f32 $1.442695020e+00, v59  }
0x24a: {  	v31 =	vpop (erf);
	(erf) = vpow2.f32 v1;
	v1 =	vmul.f32 $1.442695020e+00, v10;
	v10 =	vld [tilespmem:s24+$0x83F0]  }
0x24b: {  	v28 =	vpop (erf);
	(erf) = vpow2.f32 v0;
	v0 =	vmul.f32 $1.442695020e+00, v11;
	v11 =	vld [tilespmem:s24+$0x8780]  }
0x24c: {  	v63 =	vld [tilespmem:s24+$0x8790];
	v25 =	vpop (erf);
	(erf) = vpow2.f32 v1;
	v1 =	vmul.f32 $1.442695020e+00, v60  }
0x24d: {  	v29 =	vld [tilespmem:s24+$0x87A0];
	v22 =	vpop (erf);
	(erf) = vpow2.f32 v0;
	v0 =	vmul.f32 $1.442695020e+00, v61  }
0x24e: {  	v30 =	vld [tilespmem:s24+$0x87B0];
	v20 =	vpop (erf);
	(erf) = vpow2.f32 v1;
	v1 =	vmul.f32 $1.442695020e+00, v62  }
0x24f: {  	v32 =	vld [tilespmem:s24+$0x87C0];
	v18 =	vpop (erf);
	(erf) = vpow2.f32 v0;
	v0 =	vmul.f32 $1.442695020e+00, v10  }
0x250: {  	v23 =	vpop (erf);
	(erf) = vpow2.f32 v1;
	v1 =	vmul.f32 $1.442695020e+00, v11;
	v11 =	vld [tilespmem:s24+$0x87D0]  }
0x251: {  	v33 =	vld [tilespmem:s24+$0x87E0];
	v14 =	vpop (erf);
	(erf) = vpow2.f32 v0;
	v0 =	vmul.f32 $1.442695020e+00, v63  }
0x252: {  	v35 =	vld [tilespmem:s24+$0x87F0];
	v10 =	vpop (erf);
	(erf) = vpow2.f32 v1;
	v1 =	vmul.f32 $1.442695020e+00, v29  }
0x253: {  	v36 =	vld [tilespmem:s24+$0x8800];
	v43 =	vpop (erf);
	(erf) = vpow2.f32 v0;
	v0 =	vmul.f32 $1.442695020e+00, v30  }
0x254: {  	v38 =	vld [tilespmem:s24+$0x8810];
	v46 =	vpop (erf);
	(erf) = vpow2.f32 v1;
	v1 =	vmul.f32 $1.442695020e+00, v32  }
0x255: {  	v40 =	vpop (erf);
	(erf) = vpow2.f32 v0;
	v0 =	vmul.f32 $1.442695020e+00, v11;
	v11 =	vld [tilespmem:s24+$0x8820]  }
0x256: {  	v56 =	vld [tilespmem:s24+$0x8830];
	v52 =	vpop (erf);
	(erf) = vpow2.f32 v1;
	v1 =	vmul.f32 $1.442695020e+00, v33  }
0x257: {  	v57 =	vld [tilespmem:s24+$0x8840];
	v50 =	vpop (erf);
	(erf) = vpow2.f32 v0;
	v0 =	vmul.f32 $1.442695020e+00, v35  }
0x258: {  	v58 =	vld [tilespmem:s24+$0x8850];
	v47 =	vpop (erf);
	(erf) = vpow2.f32 v1;
	v1 =	vmul.f32 $1.442695020e+00, v36  }
0x259: {  	v59 =	vld [tilespmem:s24+$0x8860];
	v44 =	vpop (erf);
	(erf) = vpow2.f32 v0;
	v0 =	vmul.f32 $1.442695020e+00, v38  }
0x25a: {  	v41 =	vpop (erf);
	(erf) = vpow2.f32 v1;
	v1 =	vmul.f32 $1.442695020e+00, v11;
	v11 =	vld [tilespmem:s24+$0x8870]  }
0x25b: {  	v60 =	vld [tilespmem:s24+$0x8C00];
	v38 =	vpop (erf);
	(erf) = vpow2.f32 v0;
	v0 =	vmul.f32 $1.442695020e+00, v56  }
0x25c: {  	v61 =	vld [tilespmem:s24+$0x8C10];
	v35 =	vpop (erf);
	(erf) = vpow2.f32 v1;
	v1 =	vmul.f32 $1.442695020e+00, v57  }
0x25d: {  	v62 =	vld [tilespmem:s24+$0x8C20];
	v32 =	vpop (erf);
	(erf) = vpow2.f32 v0;
	v0 =	vmul.f32 $1.442695020e+00, v58  }
0x25e: {  	v63 =	vld [tilespmem:s24+$0x8C30];
	v29 =	vpop (erf);
	(erf) = vpow2.f32 v1;
	v1 =	vmul.f32 $1.442695020e+00, v59  }
0x25f: {  	v42 =	vld [tilespmem:s24+$0x8C40];
	v26 =	vpop (erf);
	(erf) = vpow2.f32 v0;
	v0 =	vmul.f32 $1.442695020e+00, v11  }
0x260: {  	v45 =	vld [tilespmem:s24+$0x8C50];
	v15 =	vpop (erf);
	(erf) = vpow2.f32 v1;
	v1 =	vmul.f32 $1.442695020e+00, v60  }
0x261: {  	v60 =	vld [tilespmem:s24+$0x8C60];
	v13 =	vpop (erf);
	(erf) = vpow2.f32 v0;
	v0 =	vmul.f32 $1.442695020e+00, v61  }
0x262: {  	v61 =	vld [tilespmem:s24+$0x8C70];
	v11 =	vpop (erf);
	(erf) = vpow2.f32 v1;
	v1 =	vmul.f32 $1.442695020e+00, v62  }
0x263: {  	v62 =	vld [tilespmem:s24+$0x8880];
	v54 =	vpop (erf);
	(erf) = vpow2.f32 v0;
	v0 =	vmul.f32 $1.442695020e+00, v63  }
0x264: {  	v63 =	vld [tilespmem:s24+$0x8890];
	v56 =	vpop (erf);
	(erf) = vpow2.f32 v1;
	v1 =	vmul.f32 $1.442695020e+00, v42  }
0x265: {  	v57 =	vld [tilespmem:s24+$0x88A0];
	v51 =	vpop (erf);
	(erf) = vpow2.f32 v0;
	v0 =	vmul.f32 $1.442695020e+00, v45  }
0x266: {  	v58 =	vld [tilespmem:s24+$0x88B0];
	v45 =	vpop (erf);
	(erf) = vpow2.f32 v1;
	v1 =	vmul.f32 $1.442695020e+00, v60  }
0x267: {  	v59 =	vld [tilespmem:s24+$0x88C0];
	v42 =	vpop (erf);
	(erf) = vpow2.f32 v0;
	v0 =	vmul.f32 $1.442695020e+00, v61  }
0x268: {  	v60 =	vld [tilespmem:s24+$0x88D0];
	v39 =	vpop (erf);
	(erf) = vpow2.f32 v1;
	v1 =	vmul.f32 $1.442695020e+00, v62  }
0x269: {  	v19 =	vadd.f32 v21, v19;
	v61 =	vld [tilespmem:s24+$0x88E0];
	v36 =	vpop (erf);
	(erf) = vpow2.f32 v0;
	v0 =	vmul.f32 $1.442695020e+00, v63  }
0x26a: {  	v62 =	vld [tilespmem:s24+$0x88F0];
	v33 =	vpop (erf);
	(erf) = vpow2.f32 v1;
	v1 =	vmul.f32 $1.442695020e+00, v57  }
0x26b: {  	v17 =	vadd.f32 v17, v19;
	v63 =	vld [tilespmem:s24+$0x8C80];
	v30 =	vpop (erf);
	(erf) = vpow2.f32 v0;
	v0 =	vmul.f32 $1.442695020e+00, v58  }
0x26c: {  	v57 =	vld [tilespmem:s24+$0x8C90];
	v27 =	vpop (erf);
	(erf) = vpow2.f32 v1;
	v1 =	vmul.f32 $1.442695020e+00, v59  }
0x26d: {  	v53 =	vld [tilespmem:s24+$0x8CA0];
	v16 =	vadd.f32 v16, v17;
	v24 =	vpop (erf);
	(erf) = vpow2.f32 v0;
	v0 =	vmul.f32 $1.442695020e+00, v60  }
0x26e: {  	v48 =	vld [tilespmem:s24+$0x8CB0];
	v21 =	vpop (erf);
	(erf) = vpow2.f32 v1;
	v1 =	vmul.f32 $1.442695020e+00, v61  }
0x26f: {  	v55 =	vld [tilespmem:s24+$0x8CC0];
	v58 =	vadd.f32 v12, v16;
	v19 =	vpop (erf);
	(erf) = vpow2.f32 v0;
	v0 =	vmul.f32 $1.442695020e+00, v62  }
0x270: {  	v49 =	vld [tilespmem:s24+$0x8CD0];
	v17 =	vpop (erf);
	(erf) = vpow2.f32 v1;
	v1 =	vmul.f32 $1.442695020e+00, v63  }
0x271: {  	v60 =	vld [tilespmem:s24+$0x8CE0];
	v37 =	vadd.f32 v37, v58;
	v16 =	vpop (erf);
	(erf) = vpow2.f32 v0;
	v0 =	vmul.f32 $1.442695020e+00, v57  }
0x272: {  	v12 =	vpop (erf);
	(erf) = vpow2.f32 v1;
	v1 =	vmul.f32 $1.442695020e+00, v53;
	v53 =	vld [tilespmem:s24+$0x8CF0]  }
0x273: {  	v61 =	vld [tilespmem:s24+$0x8900];
	v34 =	vadd.f32 v34, v37;
	v58 =	vpop (erf);
	(erf) = vpow2.f32 v0;
	v0 =	vmul.f32 $1.442695020e+00, v48  }
0x274: {  	v59 =	vpop (erf);
	(erf) = vpow2.f32 v1;
	v1 =	vmul.f32 $1.442695020e+00, v55;
	v55 =	vld [tilespmem:s24+$0x8910]  }
0x275: {  	v37 =	vld [tilespmem:s24+$0x8920];
	v31 =	vadd.f32 v31, v34;
	v57 =	vpop (erf);
	(erf) = vpow2.f32 v0;
	v0 =	vmul.f32 $1.442695020e+00, v49  }
0x276: {  	v34 =	vadd.f32 v46, v43;
	v48 =	vpop (erf);
	(erf) = vpow2.f32 v1;
	v1 =	vmul.f32 $1.442695020e+00, v60;
	v60 =	vld [tilespmem:s24+$0x8930]  }
0x277: {  	v28 =	vadd.f32 v28, v31;
	v49 =	vpop (erf);
	(erf) = vpow2.f32 v0;
	v0 =	vmul.f32 $1.442695020e+00, v53;
	v53 =	vld [tilespmem:s24+$0x8940]  }
0x278: {  	v34 =	vadd.f32 v40, v34;
	v46 =	vpop (erf);
	(erf) = vpow2.f32 v1;
	v1 =	vmul.f32 $1.442695020e+00, v61;
	v61 =	vld [tilespmem:s24+$0x8950]  }
0x279: {  	v25 =	vadd.f32 v25, v28;
	v43 =	vpop (erf);
	(erf) = vpow2.f32 v0;
	v0 =	vmul.f32 $1.442695020e+00, v55;
	v55 =	vld [tilespmem:s24+$0x8960]  }
0x27a: {  	v62 =	vld [tilespmem:s24+$0x8970];
	v63 =	vadd.f32 v52, v34;
	v40 =	vpop (erf);
	(erf) = vpow2.f32 v1;
	v1 =	vmul.f32 $1.442695020e+00, v37  }
0x27b: {  	v22 =	vadd.f32 v22, v25;
	v37 =	vpop (erf);
	(erf) = vpow2.f32 v0;
	v0 =	vmul.f32 $1.442695020e+00, v60;
	v60 =	vld [tilespmem:s24+$0x8D00]  }
0x27c: {  	v52 =	vld [tilespmem:s24+$0x8D10];
	v50 =	vadd.f32 v50, v63;
	v34 =	vpop (erf);
	(erf) = vpow2.f32 v1;
	v1 =	vmul.f32 $1.442695020e+00, v53  }
0x27d: {  	v20 =	vadd.f32 v20, v22;
	v53 =	vld [tilespmem:s24+$0x8D20];
	v31 =	vpop (erf);
	(erf) = vpow2.f32 v0;
	v0 =	vmul.f32 $1.442695020e+00, v61  }
0x27e: {  	v47 =	vadd.f32 v47, v50;
	v28 =	vpop (erf);
	(erf) = vpow2.f32 v1;
	v1 =	vmul.f32 $1.442695020e+00, v55;
	v55 =	vld [tilespmem:s24+$0x8D30]  }
0x27f: {  	v61 =	vld [tilespmem:s24+$0x8D40];
	v25 =	vpop (erf);
	(erf) = vpow2.f32 v0;
	v0 =	vmul.f32 $1.442695020e+00, v62  }
0x280: {  	v50 =	vld [tilespmem:s24+$0x8D50];
	v44 =	vadd.f32 v44, v47;
	v22 =	vpop (erf);
	(erf) = vpow2.f32 v1;
	v1 =	vmul.f32 $1.442695020e+00, v60  }
0x281: {  	v62 =	vld [tilespmem:s24+$0x8D60];
	v60 =	vadd.f32 v18, v20;
	v20 =	vpop (erf);
	(erf) = vpow2.f32 v0;
	v0 =	vmul.f32 $1.442695020e+00, v52  }
0x282: {  	v63 =	vld [tilespmem:s24+$0x8D70];
	v41 =	vadd.f32 v41, v44;
	v18 =	vpop (erf);
	(erf) = vpow2.f32 v1;
	v1 =	vmul.f32 $1.442695020e+00, v53  }
0x283: {  	v23 =	vadd.f32 v23, v60;
	v60 =	vld [tilespmem:s24+$0x8980];
	v52 =	vpop (erf);
	(erf) = vpow2.f32 v0;
	v0 =	vmul.f32 $1.442695020e+00, v55  }
0x284: {  	v38 =	vadd.f32 v38, v41;
	v55 =	vpop (erf);
	(erf) = vpow2.f32 v1;
	v1 =	vmul.f32 $1.442695020e+00, v61;
	v61 =	vld [tilespmem:s24+$0x8990]  }
0x285: {  	v14 =	vadd.f32 v14, v23;
	v23 =	vld [tilespmem:s24+$0x89A0];
	v53 =	vpop (erf);
	(erf) = vpow2.f32 v0;
	v0 =	vmul.f32 $1.442695020e+00, v50  }
0x286: {  	v54 =	vadd.f32 v56, v54;
	v50 =	vpop (erf);
	(erf) = vpow2.f32 v1;
	v1 =	vmul.f32 $1.442695020e+00, v62  }
0x287: {  	v35 =	vadd.f32 v35, v38;
	v62 =	vld [tilespmem:s24+$0x89B0];
	v47 =	vpop (erf);
	(erf) = vpow2.f32 v0;
	v0 =	vmul.f32 $1.442695020e+00, v63  }
0x288: {  	v10 =	vadd.f32 v10, v14;
	v14 =	vld [tilespmem:s24+$0x89C0];
	v44 =	vpop (erf);
	(erf) = vpow2.f32 v1;
	v1 =	vmul.f32 $1.442695020e+00, v60  }
0x289: {  	v32 =	vadd.f32 v32, v35;
	v60 =	vld [tilespmem:s24+$0x89D0];
	v41 =	vpop (erf);
	(erf) = vpow2.f32 v0;
	v0 =	vmul.f32 $1.442695020e+00, v61  }
0x28a: {  	v56 =	vld [tilespmem:s24+$0x89E0];
	v38 =	vpop (erf);
	(erf) = vpow2.f32 v1;
	v1 =	vmul.f32 $1.442695020e+00, v23;
	v23 =	vadd.f32 v51, v54  }
0x28b: {  	v52 =	vadd.f32 v55, v52;
	v61 =	vld [tilespmem:s24+$0x89F0]  }
0x28c: {  	v51 =	vld [tilespmem:s24+$0x8D80];
	v35 =	vpop (erf);
	(erf) = vpow2.f32 v0;
	v0 =	vmul.f32 $1.442695020e+00, v62;
	v23 =	vadd.f32 v45, v23  }
0x28d: {  	v54 =	vadd.f32 v29, v32;
	v62 =	vld [tilespmem:s24+$0x8D90];
	v32 =	vpop (erf);
	(erf) = vpow2.f32 v1;
	v1 =	vmul.f32 $1.442695020e+00, v14  }
0x28e: {  	v45 =	vld [tilespmem:s24+$0x8DA0];
	v29 =	vpop (erf);
	(erf) = vpow2.f32 v0;
	v0 =	vmul.f32 $1.442695020e+00, v60;
	v14 =	vadd.f32 v42, v23  }
0x28f: {  	v54 =	vadd.f32 v26, v54;
	v26 =	vpop (erf);
	(erf) = vpow2.f32 v1;
	v1 =	vmul.f32 $1.442695020e+00, v56;
	v56 =	vld [tilespmem:s24+$0x8DB0]  }
0x290: {  	v52 =	vadd.f32 v53, v52;
	v42 =	vld [tilespmem:s24+$0x8DC0];
	v23 =	vpop (erf);
	(erf) = vpow2.f32 v0;
	v0 =	vmul.f32 $1.442695020e+00, v61  }
0x291: {  	v54 =	vadd.f32 v15, v54;
	v15 =	vpop (erf);
	(erf) = vpow2.f32 v1;
	v1 =	vmul.f32 $1.442695020e+00, v51;
	v51 =	vld [tilespmem:s24+$0x8DD0]  }
0x292: {  	v63 =	vld [tilespmem:s24+$0x8DE0];
	v39 =	vadd.f32 v39, v14;
	v14 =	vpop (erf);
	(erf) = vpow2.f32 v0;
	v0 =	vmul.f32 $1.442695020e+00, v62  }
0x293: {  	v54 =	vadd.f32 v13, v54;
	v13 =	vpop (erf);
	(erf) = vpow2.f32 v1;
	v1 =	vmul.f32 $1.442695020e+00, v45;
	v45 =	vld [tilespmem:s24+$0x8DF0]  }
0x294: {  	v36 =	vadd.f32 v36, v39;
	v39 =	vld [tilespmem:s24+$0x8A00];
	v60 =	vpop (erf);
	(erf) = vpow2.f32 v0;
	v0 =	vmul.f32 $1.442695020e+00, v56  }
0x295: {  	v11 =	vadd.f32 v11, v54;
	v62 =	vpop (erf);
	(erf) = vpow2.f32 v1;
	v1 =	vmul.f32 $1.442695020e+00, v42;
	v42 =	vld [tilespmem:s24+$0x8A10]  }
0x296: {  	v61 =	vpop (erf);
	(erf) = vpow2.f32 v0;
	v0 =	vmul.f32 $1.442695020e+00, v51;
	v51 =	vadd.f32 v59, v58  }
0x297: {  	v33 =	vadd.f32 v33, v36;
	v36 =	vld [tilespmem:s24+$0x8A20];
	v58 =	vpop (erf);
	(erf) = vpow2.f32 v1;
	v1 =	vmul.f32 $1.442695020e+00, v63  }
0x298: {  	v59 =	vld [tilespmem:s24+$0x8A30];
	v56 =	vpop (erf);
	(erf) = vpow2.f32 v0;
	v0 =	vmul.f32 $1.442695020e+00, v45;
	v63 =	vadd.f32 v57, v51  }
0x299: {  	v30 =	vadd.f32 v30, v33;
	v33 =	vld [tilespmem:s24+$0x8A40];
	v54 =	vpop (erf);
	(erf) = vpow2.f32 v1;
	v1 =	vmul.f32 $1.442695020e+00, v39  }
0x29a: {  	v57 =	vld [tilespmem:s24+$0x8A50];
	v51 =	vpop (erf);
	(erf) = vpow2.f32 v0;
	v0 =	vmul.f32 $1.442695020e+00, v42;
	v42 =	vadd.f32 v48, v63  }
0x29b: {  	v50 =	vadd.f32 v50, v52;
	v27 =	vadd.f32 v27, v30;
	v30 =	vld [tilespmem:s24+$0x8A60]  }
0x29c: {  	v63 =	vld [tilespmem:s24+$0x8A70];
	v48 =	vpop (erf);
	(erf) = vpow2.f32 v1;
	v1 =	vmul.f32 $1.442695020e+00, v36;
	v36 =	vadd.f32 v49, v42  }
0x29d: {  	v24 =	vadd.f32 v24, v27;
	v27 =	vld [tilespmem:s24+$0x8E00];
	v45 =	vpop (erf);
	(erf) = vpow2.f32 v0;
	v0 =	vmul.f32 $1.442695020e+00, v59  }
0x29e: {  	v49 =	vld [tilespmem:s24+$0x8E10];
	v42 =	vpop (erf);
	(erf) = vpow2.f32 v1;
	v1 =	vmul.f32 $1.442695020e+00, v33;
	v59 =	vadd.f32 v46, v36  }
0x29f: {  	v21 =	vadd.f32 v21, v24;
	v39 =	vpop (erf);
	(erf) = vpow2.f32 v0;
	v0 =	vmul.f32 $1.442695020e+00, v57;
	v57 =	vld [tilespmem:s24+$0x8E20]  }
0x2a0: {  	v46 =	vld [tilespmem:s24+$0x8E30];
	v36 =	vpop (erf);
	(erf) = vpow2.f32 v1;
	v1 =	vmul.f32 $1.442695020e+00, v30;
	v24 =	vadd.f32 v43, v59  }
0x2a1: {  	v19 =	vadd.f32 v19, v21;
	v21 =	vld [tilespmem:s24+$0x8E40];
	v33 =	vpop (erf);
	(erf) = vpow2.f32 v0;
	v0 =	vmul.f32 $1.442695020e+00, v63  }
0x2a2: {  	v43 =	vld [tilespmem:s24+$0x8E50];
	v30 =	vpop (erf);
	(erf) = vpow2.f32 v1;
	v1 =	vmul.f32 $1.442695020e+00, v27;
	v40 =	vadd.f32 v40, v24  }
0x2a3: {  	v17 =	vadd.f32 v17, v19;
	v19 =	vld [tilespmem:s24+$0x8E60];
	v27 =	vpop (erf);
	(erf) = vpow2.f32 v0;
	v0 =	vmul.f32 $1.442695020e+00, v49  }
0x2a4: {  	v49 =	vld [tilespmem:s24+$0x8E70];
	v24 =	vpop (erf);
	(erf) = vpow2.f32 v1;
	v1 =	vmul.f32 $1.442695020e+00, v57;
	v37 =	vadd.f32 v37, v40  }
0x2a5: {  	v16 =	vadd.f32 v16, v17;
	v17 =	vld [tilespmem:s24+$0x8A80];
	v57 =	vpop (erf);
	(erf) = vpow2.f32 v0;
	v0 =	vmul.f32 $1.442695020e+00, v46  }
0x2a6: {  	v63 =	vpop (erf);
	(erf) = vpow2.f32 v1;
	v1 =	vmul.f32 $1.442695020e+00, v21;
	v21 =	vld [tilespmem:s24+$0x8A90];
	v34 =	vadd.f32 v34, v37  }
0x2a7: {  	v12 =	vadd.f32 v12, v16;
	v16 =	vld [tilespmem:s24+$0x8AA0];
	v59 =	vpop (erf);
	(erf) = vpow2.f32 v0;
	v0 =	vmul.f32 $1.442695020e+00, v43  }
0x2a8: {  	v46 =	vpop (erf);
	(erf) = vpow2.f32 v1;
	v1 =	vmul.f32 $1.442695020e+00, v19;
	v19 =	vld [tilespmem:s24+$0x8AB0];
	v31 =	vadd.f32 v31, v34  }
0x2a9: {  	v47 =	vadd.f32 v47, v50;
	v43 =	vpop (erf);
	(erf) = vpow2.f32 v0;
	v0 =	vmul.f32 $1.442695020e+00, v49;
	v49 =	vld [tilespmem:s24+$0x8AC0]  }
0x2aa: {  	v40 =	vpop (erf);
	(erf) = vpow2.f32 v1;
	v1 =	vmul.f32 $1.442695020e+00, v17;
	v17 =	vld [tilespmem:s24+$0x8AD0];
	v28 =	vadd.f32 v28, v31  }
0x2ab: {  	v37 =	vpop (erf);
	(erf) = vpow2.f32 v0;
	v0 =	vmul.f32 $1.442695020e+00, v21;
	v21 =	vld [tilespmem:s24+$0x8AE0]  }
0x2ac: {  	v44 =	vadd.f32 v44, v47;
	v34 =	vpop (erf);
	(erf) = vpow2.f32 v1;
	v1 =	vmul.f32 $1.442695020e+00, v16;
	v16 =	vld [tilespmem:s24+$0x8AF0]  }
0x2ad: {  	v52 =	vld [tilespmem:s24+$0x8E80];
	v53 =	vadd.f32 v25, v28;
	v31 =	vpop (erf);
	(erf) = vpow2.f32 v0;
	v0 =	vmul.f32 $1.442695020e+00, v19  }
0x2ae: {  	v41 =	vadd.f32 v41, v44;
	v28 =	vpop (erf);
	(erf) = vpow2.f32 v1;
	v1 =	vmul.f32 $1.442695020e+00, v49;
	v49 =	vld [tilespmem:s24+$0x8E90]  }
0x2af: {  	v50 =	vld [tilespmem:s24+$0x8EA0];
	v25 =	vpop (erf);
	(erf) = vpow2.f32 v0;
	v0 =	vmul.f32 $1.442695020e+00, v17;
	v17 =	vadd.f32 v22, v53  }
0x2b0: {  	v53 =	vld [tilespmem:s24+$0x8EB0];
	v22 =	vpop (erf);
	(erf) = vpow2.f32 v1;
	v1 =	vmul.f32 $1.442695020e+00, v21  }
0x2b1: {  	v47 =	vld [tilespmem:s24+$0x8EC0];
	v38 =	vadd.f32 v38, v41;
	v21 =	vpop (erf);
	(erf) = vpow2.f32 v0;
	v0 =	vmul.f32 $1.442695020e+00, v16  }
0x2b2: {  	v55 =	vadd.f32 v20, v17;
	v20 =	vld [tilespmem:s24+$0x8ED0];
	v19 =	vpop (erf);
	(erf) = vpow2.f32 v1;
	v1 =	vmul.f32 $1.442695020e+00, v52  }
0x2b3: {  	v44 =	vld [tilespmem:s24+$0x8EE0];
	v35 =	vadd.f32 v35, v38;
	v17 =	vpop (erf);
	(erf) = vpow2.f32 v0;
	v0 =	vmul.f32 $1.442695020e+00, v49  }
0x2b4: {  	v49 =	vld [tilespmem:s24+$0x8EF0];
	v16 =	vpop (erf);
	(erf) = vpow2.f32 v1;
	v1 =	vmul.f32 $1.442695020e+00, v50;
	v50 =	vadd.f32 v62, v60  }
0x2b5: {  	v41 =	vld [tilespmem:s24+$0x8B00];
	v32 =	vadd.f32 v32, v35;
	v52 =	vpop (erf);
	(erf) = vpow2.f32 v0;
	v0 =	vmul.f32 $1.442695020e+00, v53  }
0x2b6: {  	v62 =	vld [tilespmem:s24+$0x8B10];
	v60 =	vpop (erf);
	(erf) = vpow2.f32 v1;
	v1 =	vmul.f32 $1.442695020e+00, v47;
	v47 =	vadd.f32 v61, v50  }
0x2b7: {  	v18 =	vadd.f32 v18, v55;
	v55 =	vpop (erf);
	(erf) = vpow2.f32 v0;
	v0 =	vmul.f32 $1.442695020e+00, v20;
	v20 =	vld [tilespmem:s24+$0x8B20]  }
0x2b8: {  	v61 =	vld [tilespmem:s24+$0x8B30];
	v53 =	vpop (erf);
	(erf) = vpow2.f32 v1;
	v1 =	vmul.f32 $1.442695020e+00, v44;
	v38 =	vadd.f32 v58, v47  }
0x2b9: {  	v35 =	vld [tilespmem:s24+$0x8B40];
	v29 =	vadd.f32 v29, v32;
	v50 =	vpop (erf);
	(erf) = vpow2.f32 v0;
	v0 =	vmul.f32 $1.442695020e+00, v49  }
0x2ba: {  	v58 =	vld [tilespmem:s24+$0x8B50];
	v49 =	vpop (erf);
	(erf) = vpow2.f32 v1;
	v1 =	vmul.f32 $1.442695020e+00, v41;
	v38 =	vadd.f32 v56, v38  }
0x2bb: {  	v47 =	vpop (erf);
	(erf) = vpow2.f32 v0;
	v0 =	vmul.f32 $1.442695020e+00, v62;
	v62 =	vld [tilespmem:s24+$0x8B60]  }
0x2bc: {  	v26 =	vadd.f32 v26, v29;
	v44 =	vpop (erf);
	(erf) = vpow2.f32 v1;
	v1 =	vmul.f32 $1.442695020e+00, v20;
	v20 =	vld [tilespmem:s24+$0x8B70]  }
0x2bd: {  	v29 =	vadd.f32 v54, v38;
	v41 =	vpop (erf);
	(erf) = vpow2.f32 v0;
	v0 =	vmul.f32 $1.442695020e+00, v61  }
0x2be: {  	v56 =	vld [tilespmem:s24+$0x8F00];
	v61 =	vadd.f32 v23, v26;
	v38 =	vpop (erf);
	(erf) = vpow2.f32 v1;
	v1 =	vmul.f32 $1.442695020e+00, v35  }
0x2bf: {  	v54 =	vld [tilespmem:s24+$0x8F10];
	v26 =	vadd.f32 v51, v29;
	v35 =	vpop (erf);
	(erf) = vpow2.f32 v0;
	v0 =	vmul.f32 $1.442695020e+00, v58  }
0x2c0: {  	v57 =	vadd.f32 v63, v57;
	v58 =	vld [tilespmem:s24+$0x8F20];
	v32 =	vpop (erf);
	(erf) = vpow2.f32 v1;
	v1 =	vmul.f32 $1.442695020e+00, v62  }
0x2c1: {  	v51 =	vld [tilespmem:s24+$0x8F30];
	v29 =	vpop (erf);
	(erf) = vpow2.f32 v0;
	v0 =	vmul.f32 $1.442695020e+00, v20;
	v20 =	vadd.f32 v48, v26  }
0x2c2: {  	v63 =	vadd.f32 v59, v57;
	v62 =	vld [tilespmem:s24+$0x8F40]  }
0x2c3: {  	v48 =	vld [tilespmem:s24+$0x8F50];
	v26 =	vpop (erf);
	(erf) = vpow2.f32 v1;
	v1 =	vmul.f32 $1.442695020e+00, v56;
	v45 =	vadd.f32 v45, v20  }
0x2c4: {  	v46 =	vadd.f32 v46, v63;
	v23 =	vpop (erf);
	(erf) = vpow2.f32 v0;
	v0 =	vmul.f32 $1.442695020e+00, v54;
	v54 =	vld [tilespmem:s24+$0x8F60]  }
0x2c5: {  	v57 =	vld [tilespmem:s24+$0x8F70];
	v20 =	vpop (erf);
	(erf) = vpow2.f32 v1;
	v1 =	vmul.f32 $1.442695020e+00, v58;
	v42 =	vadd.f32 v42, v45  }
0x2c6: {  	v43 =	vadd.f32 v43, v46;
	v56 =	vpop (erf);
	(erf) = vpow2.f32 v0;
	v0 =	vmul.f32 $1.442695020e+00, v51;
	v51 =	vld [tilespmem:s24+$0x8B80]  }
0x2c7: {  	v63 =	vld [tilespmem:s24+$0x8B90];
	v45 =	vpop (erf);
	(erf) = vpow2.f32 v1;
	v1 =	vmul.f32 $1.442695020e+00, v62;
	v39 =	vadd.f32 v39, v42  }
0x2c8: {  	v40 =	vadd.f32 v40, v43;
	v46 =	vpop (erf);
	(erf) = vpow2.f32 v0;
	v0 =	vmul.f32 $1.442695020e+00, v48  }
0x2c9: {  	v42 =	vpop (erf);
	(erf) = vpow2.f32 v1;
	v1 =	vmul.f32 $1.442695020e+00, v54;
	v54 =	vld [tilespmem:s24+$0x8BA0];
	v36 =	vadd.f32 v36, v39  }
0x2ca: {  	v37 =	vadd.f32 v37, v40;
	v43 =	vpop (erf);
	(erf) = vpow2.f32 v0;
	v0 =	vmul.f32 $1.442695020e+00, v57  }
0x2cb: {  	v57 =	vld [tilespmem:s24+$0x8BB0];
	v39 =	vpop (erf);
	(erf) = vpow2.f32 v1;
	v1 =	vmul.f32 $1.442695020e+00, v51  }
0x2cc: {  	v33 =	vadd.f32 v33, v36;
	v40 =	vpop (erf);
	(erf) = vpow2.f32 v0;
	v0 =	vmul.f32 $1.442695020e+00, v63  }
0x2cd: {  	v34 =	vadd.f32 v34, v37;
	v15 =	vadd.f32 v15, v61;
	v36 =	vpop (erf);
	(erf) = vpow2.f32 v1;
	v1 =	vld [tilespmem:s24+$0x8BC0]  }
0x2ce: {  	v37 =	vpop (erf);
	(erf) = vpow2.f32 v0;
	v0 =	vmul.f32 $1.442695020e+00, v54  }
0x2cf: {  	v31 =	vadd.f32 v31, v34;
	v61 =	vld [tilespmem:s24+$0x8BD0];
	v14 =	vadd.f32 v14, v15;
	v48 =	vpop (erf)  }
0x2d0: {  	v59 =	vadd.f32 v30, v33;
	v33 =	vpop (erf);
	(erf) = vpow2.f32 v0;
	v0 =	vmul.f32 $1.442695020e+00, v57  }
0x2d1: {  	v52 =	vadd.f32 v60, v52;
	v13 =	vadd.f32 v13, v14;
	v63 =	vld [tilespmem:s24+$0x8BE0];
	v34 =	vpop (erf)  }
0x2d2: {  	v51 =	vadd.f32 v28, v31;
	v28 =	vpop (erf);
	(erf) = vpow2.f32 v0;
	v0 =	vmul.f32 $1.442695020e+00, v1  }
0x2d3: {  	v45 =	vadd.f32 v45, v56;
	v54 =	vld [tilespmem:s24+$0x8BF0];
	v62 =	vadd.f32 v27, v59;
	v1 =	vpop (erf)  }
0x2d4: {  	v25 =	vadd.f32 v25, v51;
	v27 =	vpop (erf);
	(erf) = vpow2.f32 v0;
	v0 =	vmul.f32 $1.442695020e+00, v61  }
0x2d5: {  	v14 =	vadd.f32 v24, v62;
	v24 =	vadd.f32 v55, v52;
	v55 =	vld [tilespmem:s24+$0x8F80];
	v30 =	vpop (erf)  }
0x2d6: {  	v58 =	vadd.f32 v46, v45;
	v56 =	vpop (erf);
	(erf) = vpow2.f32 v0;
	v0 =	vmul.f32 $1.442695020e+00, v63  }
0x2d7: {  	v60 =	vld [tilespmem:s24+$0x8F90];
	v22 =	vadd.f32 v22, v25;
	v57 =	vadd.f32 v53, v24  }
0x2d8: {  	v24 =	vadd.f32 v42, v58;
	v59 =	vpop (erf);
	(erf) = vpow2.f32 v0;
	v0 =	vmul.f32 $1.442695020e+00, v54  }
0x2d9: {  	v62 =	vld [tilespmem:s24+$0x8FA0];
	v15 =	vadd.f32 v50, v57;
	v25 =	vadd.f32 v59, v56  }
0x2da: {  	v24 =	vadd.f32 v43, v24;
	v61 =	vpop (erf);
	(erf) = vpow2.f32 v0;
	v0 =	vmul.f32 $1.442695020e+00, v55  }
0x2db: {  	v45 =	vld [tilespmem:s24+$0x8FB0];
	v15 =	vadd.f32 v49, v15;
	v25 =	vadd.f32 v61, v25  }
0x2dc: {  	v24 =	vadd.f32 v39, v24;
	v63 =	vpop (erf);
	(erf) = vpow2.f32 v0;
	v0 =	vmul.f32 $1.442695020e+00, v60  }
0x2dd: {  	v49 =	vld [tilespmem:s24+$0x8FC0];
	v15 =	vadd.f32 v47, v15;
	v25 =	vadd.f32 v63, v25  }
0x2de: {  	v24 =	vadd.f32 v40, v24;
	v47 =	vpop (erf);
	(erf) = vpow2.f32 v0;
	v0 =	vmul.f32 $1.442695020e+00, v62  }
0x2df: {  	v51 =	vld [tilespmem:s24+$0x8FD0];
	v25 =	vadd.f32 v47, v25  }
0x2e0: {  	v24 =	vadd.f32 v36, v24;
	v50 =	vpop (erf);
	(erf) = vpow2.f32 v0;
	v0 =	vmul.f32 $1.442695020e+00, v45  }
0x2e1: {  	v53 =	vld [tilespmem:s24+$0x8FE0];
	v15 =	vadd.f32 v44, v15;
	v25 =	vadd.f32 v50, v25  }
0x2e2: {  	v24 =	vadd.f32 v37, v24;
	v52 =	vpop (erf);
	(erf) = vpow2.f32 v0;
	v0 =	vmul.f32 $1.442695020e+00, v49  }
0x2e3: {  	v55 =	vld [tilespmem:s24+$0x8FF0];
	v15 =	vadd.f32 v41, v15;
	v25 =	vadd.f32 v52, v25  }
0x2e4: {  	v24 =	vadd.f32 v48, v24;
	v54 =	vpop (erf);
	(erf) = vpow2.f32 v0;
	v0 =	vmul.f32 $1.442695020e+00, v51  }
0x2e5: {  	v15 =	vadd.f32 v38, v15;
	v25 =	vadd.f32 v54, v25  }
0x2e6: {  	v24 =	vadd.f32 v33, v24;
	v56 =	vpop (erf);
	(erf) = vpow2.f32 v0;
	v0 =	vmul.f32 $1.442695020e+00, v53  }
0x2e7: {  	v15 =	vadd.f32 v35, v15;
	v25 =	vadd.f32 v56, v25  }
0x2e8: {  	v58 =	vadd.f32 v34, v24;
	v57 =	vpop (erf);
	(erf) = vpow2.f32 v0;
	v0 =	vmul.f32 $1.442695020e+00, v55  }
0x2e9: {  	v15 =	vadd.f32 v32, v15;
	v25 =	vadd.f32 v57, v25  }
0x2ea: {  	v21 =	vadd.f32 v21, v22;
	v60 =	vadd.f32 v28, v58;
	v59 =	vpop (erf)  }
0x2eb: {  	v15 =	vadd.f32 v29, v15;
	v24 =	vadd.f32 v59, v25;
	(erf) = vpow2.f32 v0  }
0x2ec: {  	(xrf2) =	vadd.scan.msk.f32 $0xffff, v10;
	v10 =	vadd.f32 v19, v21;
	v1 =	vadd.f32 v1, v60;
	v0 =	vpop (erf)  }
0x2ed: {  	(xrf2) =	vadd.scan.msk.f32 $0xffff, v11;
	v11 =	vadd.f32 v26, v15;
	v0 =	vadd.f32 v0, v24  }
0x2ee: {  	(xrf2) =	vadd.scan.msk.f32 $0xffff, v12;
	v10 =	vadd.f32 v17, v10;
	v1 =	vadd.f32 v27, v1;
	v61 =	vpop (erf)  }
0x2ef: {  	(xrf2) =	vadd.scan.msk.f32 $0xffff, v18;
	v11 =	vadd.f32 v23, v11;
	v0 =	vadd.f32 v61, v0  }
0x2f0: {  	v8 =	vbroadcast v8, $0xF;
	(xrf2) =	vadd.scan.msk.f32 $0xffff, v13;
	v10 =	vadd.f32 v16, v10;
	v1 =	vadd.f32 v30, v1;
	v62 =	vpop (erf)  }
0x2f1: {  	v9 =	vbroadcast v9, $0xF;
	(xrf2) =	vadd.scan.msk.f32 $0xffff, v14;
	v11 =	vadd.f32 v20, v11;
	v0 =	vadd.f32 v62, v0  }
0x2f2: {  	v7 =	vbroadcast v7, $0xF;
	(xrf2) =	vadd.scan.msk.f32 $0xffff, v10;
	v63 =	vpop (erf)  }
0x2f3: {  	v8 =	vsel vm0, v8, v9;
	v6 =	vbroadcast v6, $0xF;
	(xrf2) =	vadd.scan.msk.f32 $0xffff, v11;
	v0 =	vadd.f32 v63, v0  }
0x2f4: {  	v7 =	vsel vm1, v8, v7;
	(xrf2) =	vadd.scan.msk.f32 $0xffff, v1;
	v1 =	vpop (erf)  }
0x2f5: {  	v5 =	vbroadcast v5, $0xF;
	v6 =	vsel vm2, v7, v6;
	v0 =	vadd.f32 v1, v0  }
0x2f6: {  	v4 =	vbroadcast v4, $0xF  }
0x2f7: {  	v5 =	vsel vm3, v6, v5;
	v1, _, _ =	vpop (xrf2)  }
0x2f8: {  	v4 =	vsel vm4, v5, v4;
	v1 =	vbroadcast v1, $0xF;
	v6, _, _ =	vpop (xrf2)  }
0x2f9: {  	(xrf2) =	vadd.scan.msk.f32 $0xffff, v0;
	v5 =	vbroadcast v6, $0xF;
	v0, _, _ =	vpop (xrf2)  }
0x2fa: {  	v1 =	vsel vm5, v4, v1;
	v6, _, _ =	vpop (xrf2);
	v0 =	vbroadcast v0, $0xF  }
0x2fb: {  	v1 =	vsel vm6, v1, v5;
	v4, _, _ =	vpop (xrf2);
	v5 =	vbroadcast v6, $0xF  }
0x2fc: {  	v6, _, _ =	vpop (xrf2);
	v0 =	vsel vm7, v1, v0;
	v1 =	vbroadcast v4, $0xF  }
0x2fd: {  	v4, _, _ =	vpop (xrf2);
	v0 =	vsel vm8, v0, v5;
	v5 =	vbroadcast v6, $0xF  }
0x2fe: {  	v6, _, _ =	vpop (xrf2);
	v0 =	vsel vm9, v0, v1;
	v1 =	vbroadcast v4, $0xF  }
0x2ff: {  	v4, _, _ =	vpop (xrf2);
	v0 =	vsel vm10, v0, v5  }
0x300: {  	v0 =	vsel vm11, v0, v1;
	v1 =	vbroadcast v4, $0xF  }
0x301: {  	p0 =	sne.s32 s22, $0x7;
	v5 =	vbroadcast v6, $0xF  }
.Ltmp1:
0x302: {  	_ = 	snop;
	(pc) =	sbr.rel @p0 .LBB2_5-.Ltmp1, $4  }
0x303: {  	v0 =	vsel vm12, v0, v5  }
0x304: {  	v0 =	vsel vm13, v0, v1;
	v1, _, _ =	vpop (xrf2)  }
0x305: {  	v0 =	vsel vm14, v0, v1  }
0x306: {  	s22 =	sadd.s32 $0x1, s22;
	v9 =	vmov v2;
	v7 =	vimm.s32 $0x0;
	v8 =	vld [tilespmem:$0x1FFF0];
	[tilespmem:v3+s23+$0x11000 ss:$0x1] =	vst.idx.msk $0xffff, v0  }
0x307: {  	s21 =	sadd.s32 $0x1, s21  }
0x308: {  	p0 =	sne.s32 s21, $0x10  }
.Ltmp2:
0x309: {  	_ = 	snop;
	(pc) =	sbr.rel @p0 .LBB2_2-.Ltmp2, $1  }
0x30a: {  	_ =	sdelay $0x3  }
0x30b: {  	[hbm4b:s8+s11] =	stream.strided.scatter [tilespmem:s18], [sflag:$0x3], $0x1000, s12, s11, $0x38;
	[tilespmem:$0x13000] =	vst v63  }
0x30c: {  	s20 =	sadd.s32 $0x1, s20;
	_ =	swait.ge [sflag:s14], $0x1000  }
0x30d: {  	p0 =	sne.s32 s20, s10;
	[sflag:s14] =	ssyncset.done $0x0  }
.Ltmp3:
0x30e: {  	[sflag:s14] =	ssyncadd.s32 $0xFFFFF000;
	(pc) =	sbr.rel @p0 .LBB2_1-.Ltmp3, $4  }
0x30f: {  	[hbm4b:s9+s11] =	stream.strided.scatter [tilespmem:s19], [sflag:$0x3], $0x1000, s12, s11, $0x38;
	[tilespmem:$0x13000] =	vst v63  }
0x310: {  	_ =	swait.ge [sflag:s14], $0x1000  }
0x311: {  	[sflag:s14] =	ssyncset.done $0x0  }
0x312: {  	[sflag:s14] =	ssyncadd.s32 $0xFFFFF000  }
0x313: {  	_ =	sfence.sel $0x180000  }
0x314: {  	[bflag:$0x0] =	sbarrier.arrive $0xFFFF  }
0x315: {  	p0 =	sne.s32 s0, $0x0;
	_ =	strace $0x90000047  }
0x316: {  	s0 =	sadd.s32 @!p0 $0x100000, s2;
	[bflag:$0x2] =	sbarrier.arrive $0xFFFF  }
0x317: {  	[sflag:s0] =	ssyncadd.tile.s32 @!p0 $0x1;
	_ =	shalt  }
.Lfunc_end2:
_tile_overlayer_lowered:
.L_overlay_start_2:
0x318: {  	(tag) =	ssettag $0x2  }
0x319: {  	s0 =	rddreg [dreg:$0x0];
	s2 =	stileid.u32  }
0x31a: {  	s1 =	rddreg [dreg:$0x1];
	p0 =	sne.s32 s2, $0x0  }
0x31b: {  	s3 =	rddreg [dreg:$0x2];
	[bflag:$0x3] =	sbarrier.arrive $0xFFFF;
	s2 =	simm.s32 @!p0 $0x1C03  }
0x31c: {  	[timem:s3], [sflag:s2] =	dma.local @!p0 [hbm:s0], s1  }
0x31d: {  	s0 =	simm.s32 @!p0 $0x3  }
0x31e: {  	_ =	swait.ge @!p0 [sflag:s0], s1  }
0x31f: {  	s1 =	ssub.s32 @!p0 $0x0, s1;
	[sflag:s0] =	ssyncset.done @!p0 $0x0  }
0x320: {  	[sflag:s0] =	ssyncadd.s32 @!p0 s1  }
0x321: {  	[bflag:$0x3] =	sbarrier.arrive $0xFFFF  }
0x322: {  	_ =	shalt  }

</sc_bundles>
